<compile_context>
chip_gen: v7x
topology: tpu7x:2x2x1
jax: 0.10.2.dev20260603
libtpu: 0.0.44.dev20260713+nightly
codegen_flags: <defaults>
</compile_context>

<pallas_src>
import jax
import jax.numpy as jnp
from jax import lax
from jax.experimental import pallas as pl
from jax.experimental.pallas import tpu as pltpu
from jax.experimental.pallas import tpu_sc as plsc

N_NODES_ = 10000
N_EDGES_ = 320000
D_ = 128
L_ = 16
NC_ = 2
NS_ = 16
NW_ = NC_ * NS_
EDGES_PER_W = N_EDGES_ // NW_
CHUNK = 160
STREAM = 80
NFULL = EDGES_PER_W // CHUNK
TAIL = EDGES_PER_W - NFULL * CHUNK

_GATHER_DN = lax.GatherDimensionNumbers(
    offset_dims=(), collapsed_slice_dims=(0,), start_index_map=(0,))

_BITREV4 = [int(f"{k:04b}"[::-1], 2) for k in range(L_)]


def _perm(x, perm):
    return lax.gather(x, perm[:, None], _GATHER_DN, (1,),
                      mode=lax.GatherScatterMode.PROMISE_IN_BOUNDS)


def _sc_body(src_hbm, dst_hbm, h_hbm, out_hbm,
             u0, v0, u1, v1, acc_v, o_v, idx_s, idx_d,
             sem_u0, sem_v0, sem_u1, sem_v1, sem_o):
    c = lax.axis_index("c")
    s = lax.axis_index("s")
    wid = s * NC_ + c
    base = pl.multiple_of(wid * EDGES_PER_W, EDGES_PER_W)
    lanes = lax.iota(jnp.int32, L_)

    pltpu.sync_copy(src_hbm.at[pl.ds(base, EDGES_PER_W)], idx_s)
    pltpu.sync_copy(dst_hbm.at[pl.ds(base, EDGES_PER_W)], idx_d)

    def issue(off, n, ub, vb, su, sv):
        for t in range(n // STREAM):
            so = pl.multiple_of(off + t * STREAM, STREAM)
            pltpu.async_copy(h_hbm.at[idx_s.at[pl.ds(so, STREAM)]],
                             ub.at[pl.ds(t * STREAM, STREAM)], su)
            pltpu.async_copy(h_hbm.at[idx_d.at[pl.ds(so, STREAM)]],
                             vb.at[pl.ds(t * STREAM, STREAM)], sv)

    def drain(n, ub, vb, su, sv):
        pltpu.make_async_copy(h_hbm.at[pl.ds(0, n)],
                              ub.at[pl.ds(0, n)], su).wait()
        pltpu.make_async_copy(h_hbm.at[pl.ds(0, n)],
                              vb.at[pl.ds(0, n)], sv).wait()

    p_fold = [
        (lanes + 8) % L_,
        (lanes & 8) | ((lanes + 4) & 7),
        (lanes & 12) | ((lanes + 2) & 3),
        (lanes & 14) | ((lanes + 1) & 1),
    ]
    p_align = [None, (lanes + 12) % L_, (lanes + 14) % L_, (lanes + 15) % L_]
    m_keep = [lanes < 8, (lanes & 4) == 0, (lanes & 2) == 0, (lanes & 1) == 0]

    def compute(obase, n, ub, vb):
        @plsc.parallel_loop(0, n, unroll=8)
        def edge_body(e):
            prods = [ub[e, pl.ds(j * L_, L_)] * vb[e, pl.ds(j * L_, L_)]
                     for j in range(D_ // L_)]
            while len(prods) > 1:
                prods = [prods[i] + prods[i + 1]
                         for i in range(0, len(prods), 2)]
            acc = prods[0]
            acc = acc + _perm(acc, p_fold[0])
            eo = pl.multiple_of(e * L_, L_)
            acc_v[pl.ds(eo, L_)] = acc

        def group_body(g, carry2):
            e0 = g * L_
            vs = []
            for k in range(L_):
                ko = pl.multiple_of((e0 + _BITREV4[k]) * L_, L_)
                vs.append(acc_v[pl.ds(ko, L_)])
            vs = [jnp.where(m_keep[0], vs[i], vs[i + 1])
                  for i in range(0, L_, 2)]
            for t in range(1, 4):
                vs = [v + _perm(v, p_fold[t]) for v in vs]
                vs = [jnp.where(m_keep[t], vs[i], _perm(vs[i + 1], p_align[t]))
                      for i in range(0, len(vs), 2)]
            o_v[pl.ds(obase + e0, L_)] = vs[0]
            return carry2

        lax.fori_loop(0, n // L_, group_body, 0)

    def coff(ci):
        return pl.multiple_of(ci * CHUNK, CHUNK)

    issue(coff(0), CHUNK, u0, v0, sem_u0, sem_v0)

    def pair_body(g, carry):
        ci0 = 2 * g
        issue(coff(ci0 + 1), CHUNK, u1, v1, sem_u1, sem_v1)
        drain(CHUNK, u0, v0, sem_u0, sem_v0)
        compute(coff(ci0), CHUNK, u0, v0)
        issue(coff(ci0 + 2), CHUNK, u0, v0, sem_u0, sem_v0)
        drain(CHUNK, u1, v1, sem_u1, sem_v1)
        compute(coff(ci0 + 1), CHUNK, u1, v1)
        return carry

    lax.fori_loop(0, (NFULL - 2) // 2, pair_body, 0)
    issue((NFULL - 1) * CHUNK, CHUNK, u1, v1, sem_u1, sem_v1)
    drain(CHUNK, u0, v0, sem_u0, sem_v0)
    compute((NFULL - 2) * CHUNK, CHUNK, u0, v0)
    issue(NFULL * CHUNK, TAIL, u0, v0, sem_u0, sem_v0)
    drain(CHUNK, u1, v1, sem_u1, sem_v1)
    compute((NFULL - 1) * CHUNK, CHUNK, u1, v1)
    drain(TAIL, u0, v0, sem_u0, sem_v0)
    compute(NFULL * CHUNK, TAIL, u0, v0)

    pltpu.async_copy(o_v, out_hbm.at[pl.ds(base, EDGES_PER_W)], sem_o).wait()


def kernel(h, edge_index):
    src = edge_index[0].astype(jnp.int32)
    dst = edge_index[1].astype(jnp.int32)
    h = h.astype(jnp.float32)

    mesh = plsc.VectorSubcoreMesh(core_axis_name="c", subcore_axis_name="s",
                                  num_cores=NC_, num_subcores=NS_)
    run = pl.kernel(
        _sc_body,
        out_type=jax.ShapeDtypeStruct((N_EDGES_,), jnp.float32),
        mesh=mesh,
        scratch_types=[
            pltpu.VMEM((CHUNK, D_), jnp.float32),
            pltpu.VMEM((CHUNK, D_), jnp.float32),
            pltpu.VMEM((CHUNK, D_), jnp.float32),
            pltpu.VMEM((CHUNK, D_), jnp.float32),
            pltpu.VMEM((CHUNK * L_,), jnp.float32),
            pltpu.VMEM((EDGES_PER_W,), jnp.float32),
            pltpu.VMEM((EDGES_PER_W,), jnp.int32),
            pltpu.VMEM((EDGES_PER_W,), jnp.int32),
            pltpu.SemaphoreType.DMA,
            pltpu.SemaphoreType.DMA,
            pltpu.SemaphoreType.DMA,
            pltpu.SemaphoreType.DMA,
            pltpu.SemaphoreType.DMA,
        ],
    )
    return run(src, dst, h)

# --- scband reference (transcript-rebuilt; emitter-appended) ---
"""Pipeline reference for scband-link-predictor-head-7155415515430 (READ-ONLY COPY).

The authoritative reference and input builder live on the scoring server;
editing this copy changes nothing except your own understanding.
"""

import jax, jax.numpy as jnp
import numpy as np

N_NODES = 10000
N_EDGES = 320000
D_FEAT = 128

def setup_inputs(seed: int = 0) -> dict:
    key = jax.random.key(seed)
    k1, k2 = jax.random.split(key)
    h = jax.random.normal(k1, (N_NODES, D_FEAT), dtype=jnp.float32)
    edge_index = jax.random.randint(k2, (2, N_EDGES), 0, N_NODES, dtype=jnp.int64 if jax.config.jax_enable_x64 else jnp.int32)
    return {"h": h, "edge_index": edge_index}

def reference(h, edge_index):
    # dropout(p=0.0) is identity in eval/train
    src = edge_index[0]
    dst = edge_index[1]
    u = jnp.take(h, src, axis=0)
    v = jnp.take(h, dst, axis=0)
    # score_fn == 'dot': elementwise product + row-sum
    logits = jnp.sum(u * v, axis=-1)
    return logits

if __name__ == "__main__":
    import jax
    _d = setup_inputs()
    print(jax.jit(kernel)(*tuple(_d.values())))

</pallas_src>

<mosaic_0001>
#map = affine_map<(d0, d1) -> (0)>
#map1 = affine_map<(d0, d1) -> (0, 0)>
module attributes {stable_mosaic.version = 14 : i64} {
  func.func @_sc_body(%arg0: i32, %arg1: i32, %arg2: memref<320000xi32, #tpu.memory_space<hbm>>, %arg3: memref<320000xi32, #tpu.memory_space<hbm>>, %arg4: memref<10000x128xf32, #tpu.memory_space<hbm>>, %arg5: memref<320000xf32, #tpu.memory_space<hbm>>, %arg6: memref<160x128xf32, #tpu.memory_space<vmem>>, %arg7: memref<160x128xf32, #tpu.memory_space<vmem>>, %arg8: memref<160x128xf32, #tpu.memory_space<vmem>>, %arg9: memref<160x128xf32, #tpu.memory_space<vmem>>, %arg10: memref<2560xf32, #tpu.memory_space<vmem>>, %arg11: memref<10000xf32, #tpu.memory_space<vmem>>, %arg12: memref<10000xi32, #tpu.memory_space<vmem>>, %arg13: memref<10000xi32, #tpu.memory_space<vmem>>, %arg14: memref<!tpu.dma_semaphore, #tpu.memory_space<semaphore_mem>>, %arg15: memref<!tpu.dma_semaphore, #tpu.memory_space<semaphore_mem>>, %arg16: memref<!tpu.dma_semaphore, #tpu.memory_space<semaphore_mem>>, %arg17: memref<!tpu.dma_semaphore, #tpu.memory_space<semaphore_mem>>, %arg18: memref<!tpu.dma_semaphore, #tpu.memory_space<semaphore_mem>>) attributes {dimension_semantics = [#tpu.dimension_semantics<core_parallel>, #tpu.dimension_semantics<subcore_parallel>], iteration_bounds = array<i64: 2, 16>, scalar_prefetch = 0 : i64, scratch_operands = 13 : i64, tpu.core_type = #tpu.core_type<sc_vector_subcore>, window_params = [{transform_indices = #map}, {transform_indices = #map}, {transform_indices = #map1}, {transform_indices = #map}]} {
    %mul3A = arith.constant 2 : i32
    %mul3A_0 = arith.muli %arg1, %mul3A : i32
    %add3A = arith.addi %mul3A_0, %arg0 : i32
    %mul3A_1 = arith.constant 10000 : i32
    %mul3A_2 = arith.muli %add3A, %mul3A_1 : i32
    %multiple_of3A = tpu.assume_multiple %mul3A_2, 10000 : i32
    %iota3A = tpu.iota {dimensions = array<i32: 0>} : vector<16xi32>
    "tpu.region"() ({
      %run_scoped3A = tpu.sem_alloc : memref<!tpu.dma_semaphore, #tpu.memory_space<semaphore_mem>>
      %dma_start3A_335 = tpu.memref_slice %arg2[%multiple_of3A] : memref<320000xi32, #tpu.memory_space<hbm>> -> memref<10000xi32, #tpu.memory_space<hbm>>
      %dma_start3A_336 = tpu.memref_slice %arg2[%multiple_of3A] : memref<320000xi32, #tpu.memory_space<hbm>> -> memref<10000xi32, #tpu.memory_space<hbm>>
      tpu.enqueue_dma source(%dma_start3A_336 : memref<10000xi32, #tpu.memory_space<hbm>>) target(%arg12 : memref<10000xi32, #tpu.memory_space<vmem>>) target_semaphore(%run_scoped3A : memref<!tpu.dma_semaphore, #tpu.memory_space<semaphore_mem>>)
      %dma_wait3A_337 = tpu.memref_slice %arg2[%multiple_of3A] : memref<320000xi32, #tpu.memory_space<hbm>> -> memref<10000xi32, #tpu.memory_space<hbm>>
      %dma_wait3A_338 = tpu.memref_slice %arg2[%multiple_of3A] : memref<320000xi32, #tpu.memory_space<hbm>> -> memref<10000xi32, #tpu.memory_space<hbm>>
      tpu.wait_dma2 semaphore(%run_scoped3A : memref<!tpu.dma_semaphore, #tpu.memory_space<semaphore_mem>>) src(%dma_wait3A_338 : memref<10000xi32, #tpu.memory_space<hbm>>) dst(%arg12 : memref<10000xi32, #tpu.memory_space<vmem>>)
      tpu.yield
    }) : () -> ()
    "tpu.region"() ({
      %run_scoped3A = tpu.sem_alloc : memref<!tpu.dma_semaphore, #tpu.memory_space<semaphore_mem>>
      %dma_start3A_335 = tpu.memref_slice %arg3[%multiple_of3A] : memref<320000xi32, #tpu.memory_space<hbm>> -> memref<10000xi32, #tpu.memory_space<hbm>>
      %dma_start3A_336 = tpu.memref_slice %arg3[%multiple_of3A] : memref<320000xi32, #tpu.memory_space<hbm>> -> memref<10000xi32, #tpu.memory_space<hbm>>
      tpu.enqueue_dma source(%dma_start3A_336 : memref<10000xi32, #tpu.memory_space<hbm>>) target(%arg13 : memref<10000xi32, #tpu.memory_space<vmem>>) target_semaphore(%run_scoped3A : memref<!tpu.dma_semaphore, #tpu.memory_space<semaphore_mem>>)
      %dma_wait3A_337 = tpu.memref_slice %arg3[%multiple_of3A] : memref<320000xi32, #tpu.memory_space<hbm>> -> memref<10000xi32, #tpu.memory_space<hbm>>
      %dma_wait3A_338 = tpu.memref_slice %arg3[%multiple_of3A] : memref<320000xi32, #tpu.memory_space<hbm>> -> memref<10000xi32, #tpu.memory_space<hbm>>
      tpu.wait_dma2 semaphore(%run_scoped3A : memref<!tpu.dma_semaphore, #tpu.memory_space<semaphore_mem>>) src(%dma_wait3A_338 : memref<10000xi32, #tpu.memory_space<hbm>>) dst(%arg13 : memref<10000xi32, #tpu.memory_space<vmem>>)
      tpu.yield
    }) : () -> ()
    %add3A_3 = arith.constant 8 : i32
    %add3A_4 = vector.broadcast %add3A_3 : i32 to vector<16xi32>
    %add3A_5 = arith.addi %iota3A, %add3A_4 : vector<16xi32>
    %jit3A = arith.constant 16 : i32
    %eq3A = arith.constant 0 : i32
    %eq3A_6 = arith.cmpi eq, %jit3A, %eq3A : i32
    %jit3A_7 = arith.constant 1 : i32
    %select_n3A = arith.select %eq3A_6, %jit3A_7, %jit3A : i32
    %rem3A = vector.broadcast %select_n3A : i32 to vector<16xi32>
    %rem3A_8 = arith.remsi %add3A_5, %rem3A : vector<16xi32>
    %ne3A = arith.constant 0 : i32
    %ne3A_9 = vector.broadcast %ne3A : i32 to vector<16xi32>
    %ne3A_10 = arith.cmpi ne, %rem3A_8, %ne3A_9 : vector<16xi32>
    %lt3A = arith.constant 0 : i32
    %lt3A_11 = vector.broadcast %lt3A : i32 to vector<16xi32>
    %lt3A_12 = arith.cmpi slt, %rem3A_8, %lt3A_11 : vector<16xi32>
    %lt3A_13 = arith.constant 0 : i32
    %lt3A_14 = arith.cmpi slt, %select_n3A, %lt3A_13 : i32
    %ne3A_15 = vector.broadcast %lt3A_14 : i1 to vector<16xi1>
    %ne3A_16 = vector.broadcast %ne3A_15 : vector<16xi1> to vector<16xi1>
    %ne3A_17 = arith.xori %lt3A_12, %ne3A_16 : vector<16xi1>
    %and3A = arith.andi %ne3A_17, %ne3A_10 : vector<16xi1>
    %add3A_18 = vector.broadcast %select_n3A : i32 to vector<16xi32>
    %add3A_19 = arith.addi %rem3A_8, %add3A_18 : vector<16xi32>
    %select_n3A_20 = arith.select %and3A, %add3A_19, %rem3A_8 : vector<16xi1>, vector<16xi32>
    %and3A_21 = arith.constant 8 : i32
    %and3A_22 = vector.broadcast %and3A_21 : i32 to vector<16xi32>
    %and3A_23 = arith.andi %iota3A, %and3A_22 : vector<16xi32>
    %add3A_24 = arith.constant 4 : i32
    %add3A_25 = vector.broadcast %add3A_24 : i32 to vector<16xi32>
    %add3A_26 = arith.addi %iota3A, %add3A_25 : vector<16xi32>
    %and3A_27 = arith.constant 7 : i32
    %and3A_28 = vector.broadcast %and3A_27 : i32 to vector<16xi32>
    %and3A_29 = arith.andi %add3A_26, %and3A_28 : vector<16xi32>
    %or3A = arith.ori %and3A_23, %and3A_29 : vector<16xi32>
    %and3A_30 = arith.constant 12 : i32
    %and3A_31 = vector.broadcast %and3A_30 : i32 to vector<16xi32>
    %and3A_32 = arith.andi %iota3A, %and3A_31 : vector<16xi32>
    %add3A_33 = arith.constant 2 : i32
    %add3A_34 = vector.broadcast %add3A_33 : i32 to vector<16xi32>
    %add3A_35 = arith.addi %iota3A, %add3A_34 : vector<16xi32>
    %and3A_36 = arith.constant 3 : i32
    %and3A_37 = vector.broadcast %and3A_36 : i32 to vector<16xi32>
    %and3A_38 = arith.andi %add3A_35, %and3A_37 : vector<16xi32>
    %or3A_39 = arith.ori %and3A_32, %and3A_38 : vector<16xi32>
    %and3A_40 = arith.constant 14 : i32
    %and3A_41 = vector.broadcast %and3A_40 : i32 to vector<16xi32>
    %and3A_42 = arith.andi %iota3A, %and3A_41 : vector<16xi32>
    %add3A_43 = arith.constant 1 : i32
    %add3A_44 = vector.broadcast %add3A_43 : i32 to vector<16xi32>
    %add3A_45 = arith.addi %iota3A, %add3A_44 : vector<16xi32>
    %and3A_46 = arith.constant 1 : i32
    %and3A_47 = vector.broadcast %and3A_46 : i32 to vector<16xi32>
    %and3A_48 = arith.andi %add3A_45, %and3A_47 : vector<16xi32>
    %or3A_49 = arith.ori %and3A_42, %and3A_48 : vector<16xi32>
    %add3A_50 = arith.constant 12 : i32
    %add3A_51 = vector.broadcast %add3A_50 : i32 to vector<16xi32>
    %add3A_52 = arith.addi %iota3A, %add3A_51 : vector<16xi32>
    %jit3A_53 = arith.constant 16 : i32
    %eq3A_54 = arith.constant 0 : i32
    %eq3A_55 = arith.cmpi eq, %jit3A_53, %eq3A_54 : i32
    %jit3A_56 = arith.constant 1 : i32
    %select_n3A_57 = arith.select %eq3A_55, %jit3A_56, %jit3A_53 : i32
    %rem3A_58 = vector.broadcast %select_n3A_57 : i32 to vector<16xi32>
    %rem3A_59 = arith.remsi %add3A_52, %rem3A_58 : vector<16xi32>
    %ne3A_60 = arith.constant 0 : i32
    %ne3A_61 = vector.broadcast %ne3A_60 : i32 to vector<16xi32>
    %ne3A_62 = arith.cmpi ne, %rem3A_59, %ne3A_61 : vector<16xi32>
    %lt3A_63 = arith.constant 0 : i32
    %lt3A_64 = vector.broadcast %lt3A_63 : i32 to vector<16xi32>
    %lt3A_65 = arith.cmpi slt, %rem3A_59, %lt3A_64 : vector<16xi32>
    %lt3A_66 = arith.constant 0 : i32
    %lt3A_67 = arith.cmpi slt, %select_n3A_57, %lt3A_66 : i32
    %ne3A_68 = vector.broadcast %lt3A_67 : i1 to vector<16xi1>
    %ne3A_69 = vector.broadcast %ne3A_68 : vector<16xi1> to vector<16xi1>
    %ne3A_70 = arith.xori %lt3A_65, %ne3A_69 : vector<16xi1>
    %and3A_71 = arith.andi %ne3A_70, %ne3A_62 : vector<16xi1>
    %add3A_72 = vector.broadcast %select_n3A_57 : i32 to vector<16xi32>
    %add3A_73 = arith.addi %rem3A_59, %add3A_72 : vector<16xi32>
    %select_n3A_74 = arith.select %and3A_71, %add3A_73, %rem3A_59 : vector<16xi1>, vector<16xi32>
    %add3A_75 = arith.constant 14 : i32
    %add3A_76 = vector.broadcast %add3A_75 : i32 to vector<16xi32>
    %add3A_77 = arith.addi %iota3A, %add3A_76 : vector<16xi32>
    %jit3A_78 = arith.constant 16 : i32
    %eq3A_79 = arith.constant 0 : i32
    %eq3A_80 = arith.cmpi eq, %jit3A_78, %eq3A_79 : i32
    %jit3A_81 = arith.constant 1 : i32
    %select_n3A_82 = arith.select %eq3A_80, %jit3A_81, %jit3A_78 : i32
    %rem3A_83 = vector.broadcast %select_n3A_82 : i32 to vector<16xi32>
    %rem3A_84 = arith.remsi %add3A_77, %rem3A_83 : vector<16xi32>
    %ne3A_85 = arith.constant 0 : i32
    %ne3A_86 = vector.broadcast %ne3A_85 : i32 to vector<16xi32>
    %ne3A_87 = arith.cmpi ne, %rem3A_84, %ne3A_86 : vector<16xi32>
    %lt3A_88 = arith.constant 0 : i32
    %lt3A_89 = vector.broadcast %lt3A_88 : i32 to vector<16xi32>
    %lt3A_90 = arith.cmpi slt, %rem3A_84, %lt3A_89 : vector<16xi32>
    %lt3A_91 = arith.constant 0 : i32
    %lt3A_92 = arith.cmpi slt, %select_n3A_82, %lt3A_91 : i32
    %ne3A_93 = vector.broadcast %lt3A_92 : i1 to vector<16xi1>
    %ne3A_94 = vector.broadcast %ne3A_93 : vector<16xi1> to vector<16xi1>
    %ne3A_95 = arith.xori %lt3A_90, %ne3A_94 : vector<16xi1>
    %and3A_96 = arith.andi %ne3A_95, %ne3A_87 : vector<16xi1>
    %add3A_97 = vector.broadcast %select_n3A_82 : i32 to vector<16xi32>
    %add3A_98 = arith.addi %rem3A_84, %add3A_97 : vector<16xi32>
    %select_n3A_99 = arith.select %and3A_96, %add3A_98, %rem3A_84 : vector<16xi1>, vector<16xi32>
    %add3A_100 = arith.constant 15 : i32
    %add3A_101 = vector.broadcast %add3A_100 : i32 to vector<16xi32>
    %add3A_102 = arith.addi %iota3A, %add3A_101 : vector<16xi32>
    %jit3A_103 = arith.constant 16 : i32
    %eq3A_104 = arith.constant 0 : i32
    %eq3A_105 = arith.cmpi eq, %jit3A_103, %eq3A_104 : i32
    %jit3A_106 = arith.constant 1 : i32
    %select_n3A_107 = arith.select %eq3A_105, %jit3A_106, %jit3A_103 : i32
    %rem3A_108 = vector.broadcast %select_n3A_107 : i32 to vector<16xi32>
    %rem3A_109 = arith.remsi %add3A_102, %rem3A_108 : vector<16xi32>
    %ne3A_110 = arith.constant 0 : i32
    %ne3A_111 = vector.broadcast %ne3A_110 : i32 to vector<16xi32>
    %ne3A_112 = arith.cmpi ne, %rem3A_109, %ne3A_111 : vector<16xi32>
    %lt3A_113 = arith.constant 0 : i32
    %lt3A_114 = vector.broadcast %lt3A_113 : i32 to vector<16xi32>
    %lt3A_115 = arith.cmpi slt, %rem3A_109, %lt3A_114 : vector<16xi32>
    %lt3A_116 = arith.constant 0 : i32
    %lt3A_117 = arith.cmpi slt, %select_n3A_107, %lt3A_116 : i32
    %ne3A_118 = vector.broadcast %lt3A_117 : i1 to vector<16xi1>
    %ne3A_119 = vector.broadcast %ne3A_118 : vector<16xi1> to vector<16xi1>
    %ne3A_120 = arith.xori %lt3A_115, %ne3A_119 : vector<16xi1>
    %and3A_121 = arith.andi %ne3A_120, %ne3A_112 : vector<16xi1>
    %add3A_122 = vector.broadcast %select_n3A_107 : i32 to vector<16xi32>
    %add3A_123 = arith.addi %rem3A_109, %add3A_122 : vector<16xi32>
    %select_n3A_124 = arith.select %and3A_121, %add3A_123, %rem3A_109 : vector<16xi1>, vector<16xi32>
    %lt3A_125 = arith.constant 8 : i32
    %lt3A_126 = vector.broadcast %lt3A_125 : i32 to vector<16xi32>
    %lt3A_127 = arith.cmpi slt, %iota3A, %lt3A_126 : vector<16xi32>
    %and3A_128 = arith.constant 4 : i32
    %and3A_129 = vector.broadcast %and3A_128 : i32 to vector<16xi32>
    %and3A_130 = arith.andi %iota3A, %and3A_129 : vector<16xi32>
    %eq3A_131 = arith.constant 0 : i32
    %eq3A_132 = vector.broadcast %eq3A_131 : i32 to vector<16xi32>
    %eq3A_133 = arith.cmpi eq, %and3A_130, %eq3A_132 : vector<16xi32>
    %and3A_134 = arith.constant 2 : i32
    %and3A_135 = vector.broadcast %and3A_134 : i32 to vector<16xi32>
    %and3A_136 = arith.andi %iota3A, %and3A_135 : vector<16xi32>
    %eq3A_137 = arith.constant 0 : i32
    %eq3A_138 = vector.broadcast %eq3A_137 : i32 to vector<16xi32>
    %eq3A_139 = arith.cmpi eq, %and3A_136, %eq3A_138 : vector<16xi32>
    %and3A_140 = arith.constant 1 : i32
    %and3A_141 = vector.broadcast %and3A_140 : i32 to vector<16xi32>
    %and3A_142 = arith.andi %iota3A, %and3A_141 : vector<16xi32>
    %eq3A_143 = arith.constant 0 : i32
    %eq3A_144 = vector.broadcast %eq3A_143 : i32 to vector<16xi32>
    %eq3A_145 = arith.cmpi eq, %and3A_142, %eq3A_144 : vector<16xi32>
    %multiple_of3A_146 = arith.constant 0 : i32
    %multiple_of3A_147 = tpu.assume_multiple %multiple_of3A_146, 160 : i32
    %add3A_148 = arith.constant 0 : i32
    %add3A_149 = arith.addi %multiple_of3A_147, %add3A_148 : i32
    %multiple_of3A_150 = tpu.assume_multiple %add3A_149, 80 : i32
    %dma_start3A = arith.constant 0 : i32
    %dma_start3A_151 = arith.constant 0 : i32
    %dma_start3A_152 = tpu.memref_slice %arg6[%dma_start3A, %dma_start3A_151] : memref<160x128xf32, #tpu.memory_space<vmem>> -> memref<80x128xf32, #tpu.memory_space<vmem>>
    %dma_start3A_153 = tpu.memref_slice %arg12[%multiple_of3A_150] : memref<10000xi32, #tpu.memory_space<vmem>> -> memref<80xi32, #tpu.memory_space<vmem>>
    %dma_start3A_154 = arith.constant 0 : i32
    %dma_start3A_155 = arith.constant 0 : i32
    %dma_start3A_156 = tpu.memref_slice %arg4[%dma_start3A_154, %dma_start3A_155] : memref<10000x128xf32, #tpu.memory_space<hbm>> -> memref<10000x128xf32, #tpu.memory_space<hbm>>
    tpu.enqueue_indirect_dma source(%dma_start3A_156 : memref<10000x128xf32, #tpu.memory_space<hbm>>) target(%dma_start3A_152 : memref<80x128xf32, #tpu.memory_space<vmem>>) offsets(%dma_start3A_153 : memref<80xi32, #tpu.memory_space<vmem>>) semaphore(%arg14 : memref<!tpu.dma_semaphore, #tpu.memory_space<semaphore_mem>>)
    %dma_start3A_157 = arith.constant 0 : i32
    %dma_start3A_158 = arith.constant 0 : i32
    %dma_start3A_159 = tpu.memref_slice %arg7[%dma_start3A_157, %dma_start3A_158] : memref<160x128xf32, #tpu.memory_space<vmem>> -> memref<80x128xf32, #tpu.memory_space<vmem>>
    %dma_start3A_160 = tpu.memref_slice %arg13[%multiple_of3A_150] : memref<10000xi32, #tpu.memory_space<vmem>> -> memref<80xi32, #tpu.memory_space<vmem>>
    %dma_start3A_161 = arith.constant 0 : i32
    %dma_start3A_162 = arith.constant 0 : i32
    %dma_start3A_163 = tpu.memref_slice %arg4[%dma_start3A_161, %dma_start3A_162] : memref<10000x128xf32, #tpu.memory_space<hbm>> -> memref<10000x128xf32, #tpu.memory_space<hbm>>
    tpu.enqueue_indirect_dma source(%dma_start3A_163 : memref<10000x128xf32, #tpu.memory_space<hbm>>) target(%dma_start3A_159 : memref<80x128xf32, #tpu.memory_space<vmem>>) offsets(%dma_start3A_160 : memref<80xi32, #tpu.memory_space<vmem>>) semaphore(%arg15 : memref<!tpu.dma_semaphore, #tpu.memory_space<semaphore_mem>>)
    %add3A_164 = arith.constant 80 : i32
    %add3A_165 = arith.addi %multiple_of3A_147, %add3A_164 : i32
    %multiple_of3A_166 = tpu.assume_multiple %add3A_165, 80 : i32
    %dma_start3A_167 = arith.constant 80 : i32
    %dma_start3A_168 = arith.constant 0 : i32
    %dma_start3A_169 = tpu.memref_slice %arg6[%dma_start3A_167, %dma_start3A_168] : memref<160x128xf32, #tpu.memory_space<vmem>> -> memref<80x128xf32, #tpu.memory_space<vmem>>
    %dma_start3A_170 = tpu.memref_slice %arg12[%multiple_of3A_166] : memref<10000xi32, #tpu.memory_space<vmem>> -> memref<80xi32, #tpu.memory_space<vmem>>
    %dma_start3A_171 = arith.constant 0 : i32
    %dma_start3A_172 = arith.constant 0 : i32
    %dma_start3A_173 = tpu.memref_slice %arg4[%dma_start3A_171, %dma_start3A_172] : memref<10000x128xf32, #tpu.memory_space<hbm>> -> memref<10000x128xf32, #tpu.memory_space<hbm>>
    tpu.enqueue_indirect_dma source(%dma_start3A_173 : memref<10000x128xf32, #tpu.memory_space<hbm>>) target(%dma_start3A_169 : memref<80x128xf32, #tpu.memory_space<vmem>>) offsets(%dma_start3A_170 : memref<80xi32, #tpu.memory_space<vmem>>) semaphore(%arg14 : memref<!tpu.dma_semaphore, #tpu.memory_space<semaphore_mem>>)
    %dma_start3A_174 = arith.constant 80 : i32
    %dma_start3A_175 = arith.constant 0 : i32
    %dma_start3A_176 = tpu.memref_slice %arg7[%dma_start3A_174, %dma_start3A_175] : memref<160x128xf32, #tpu.memory_space<vmem>> -> memref<80x128xf32, #tpu.memory_space<vmem>>
    %dma_start3A_177 = tpu.memref_slice %arg13[%multiple_of3A_166] : memref<10000xi32, #tpu.memory_space<vmem>> -> memref<80xi32, #tpu.memory_space<vmem>>
    %dma_start3A_178 = arith.constant 0 : i32
    %dma_start3A_179 = arith.constant 0 : i32
    %dma_start3A_180 = tpu.memref_slice %arg4[%dma_start3A_178, %dma_start3A_179] : memref<10000x128xf32, #tpu.memory_space<hbm>> -> memref<10000x128xf32, #tpu.memory_space<hbm>>
    tpu.enqueue_indirect_dma source(%dma_start3A_180 : memref<10000x128xf32, #tpu.memory_space<hbm>>) target(%dma_start3A_176 : memref<80x128xf32, #tpu.memory_space<vmem>>) offsets(%dma_start3A_177 : memref<80xi32, #tpu.memory_space<vmem>>) semaphore(%arg15 : memref<!tpu.dma_semaphore, #tpu.memory_space<semaphore_mem>>)
    %scan3A = arith.constant 0 : i32
    %scan3A_181 = arith.constant 0 : i32
    %scan3A_182 = arith.constant 30 : i32
    %scan3A_183 = arith.addi %scan3A_181, %scan3A_182 : i32
    %scan3A_184 = arith.constant 1 : i32
    scf.for %scan3A_335 = %scan3A_181 to %scan3A_183 step %scan3A_184  : i32 {
      %mul3A_336 = arith.constant 2 : i32
      %mul3A_337 = arith.muli %mul3A_336, %scan3A_335 : i32
      %add3A_338 = arith.constant 1 : i32
      %add3A_339 = arith.addi %mul3A_337, %add3A_338 : i32
      %mul3A_340 = arith.constant 160 : i32
      %mul3A_341 = arith.muli %add3A_339, %mul3A_340 : i32
      %multiple_of3A_342 = tpu.assume_multiple %mul3A_341, 160 : i32
      %add3A_343 = arith.constant 0 : i32
      %add3A_344 = arith.addi %multiple_of3A_342, %add3A_343 : i32
      %multiple_of3A_345 = tpu.assume_multiple %add3A_344, 80 : i32
      %dma_start3A_346 = arith.constant 0 : i32
      %dma_start3A_347 = arith.constant 0 : i32
      %dma_start3A_348 = tpu.memref_slice %arg8[%dma_start3A_346, %dma_start3A_347] : memref<160x128xf32, #tpu.memory_space<vmem>> -> memref<80x128xf32, #tpu.memory_space<vmem>>
      %dma_start3A_349 = tpu.memref_slice %arg12[%multiple_of3A_345] : memref<10000xi32, #tpu.memory_space<vmem>> -> memref<80xi32, #tpu.memory_space<vmem>>
      %dma_start3A_350 = arith.constant 0 : i32
      %dma_start3A_351 = arith.constant 0 : i32
      %dma_start3A_352 = tpu.memref_slice %arg4[%dma_start3A_350, %dma_start3A_351] : memref<10000x128xf32, #tpu.memory_space<hbm>> -> memref<10000x128xf32, #tpu.memory_space<hbm>>
      tpu.enqueue_indirect_dma source(%dma_start3A_352 : memref<10000x128xf32, #tpu.memory_space<hbm>>) target(%dma_start3A_348 : memref<80x128xf32, #tpu.memory_space<vmem>>) offsets(%dma_start3A_349 : memref<80xi32, #tpu.memory_space<vmem>>) semaphore(%arg16 : memref<!tpu.dma_semaphore, #tpu.memory_space<semaphore_mem>>)
      %dma_start3A_353 = arith.constant 0 : i32
      %dma_start3A_354 = arith.constant 0 : i32
      %dma_start3A_355 = tpu.memref_slice %arg9[%dma_start3A_353, %dma_start3A_354] : memref<160x128xf32, #tpu.memory_space<vmem>> -> memref<80x128xf32, #tpu.memory_space<vmem>>
      %dma_start3A_356 = tpu.memref_slice %arg13[%multiple_of3A_345] : memref<10000xi32, #tpu.memory_space<vmem>> -> memref<80xi32, #tpu.memory_space<vmem>>
      %dma_start3A_357 = arith.constant 0 : i32
      %dma_start3A_358 = arith.constant 0 : i32
      %dma_start3A_359 = tpu.memref_slice %arg4[%dma_start3A_357, %dma_start3A_358] : memref<10000x128xf32, #tpu.memory_space<hbm>> -> memref<10000x128xf32, #tpu.memory_space<hbm>>
      tpu.enqueue_indirect_dma source(%dma_start3A_359 : memref<10000x128xf32, #tpu.memory_space<hbm>>) target(%dma_start3A_355 : memref<80x128xf32, #tpu.memory_space<vmem>>) offsets(%dma_start3A_356 : memref<80xi32, #tpu.memory_space<vmem>>) semaphore(%arg17 : memref<!tpu.dma_semaphore, #tpu.memory_space<semaphore_mem>>)
      %add3A_360 = arith.constant 80 : i32
      %add3A_361 = arith.addi %multiple_of3A_342, %add3A_360 : i32
      %multiple_of3A_362 = tpu.assume_multiple %add3A_361, 80 : i32
      %dma_start3A_363 = arith.constant 80 : i32
      %dma_start3A_364 = arith.constant 0 : i32
      %dma_start3A_365 = tpu.memref_slice %arg8[%dma_start3A_363, %dma_start3A_364] : memref<160x128xf32, #tpu.memory_space<vmem>> -> memref<80x128xf32, #tpu.memory_space<vmem>>
      %dma_start3A_366 = tpu.memref_slice %arg12[%multiple_of3A_362] : memref<10000xi32, #tpu.memory_space<vmem>> -> memref<80xi32, #tpu.memory_space<vmem>>
      %dma_start3A_367 = arith.constant 0 : i32
      %dma_start3A_368 = arith.constant 0 : i32
      %dma_start3A_369 = tpu.memref_slice %arg4[%dma_start3A_367, %dma_start3A_368] : memref<10000x128xf32, #tpu.memory_space<hbm>> -> memref<10000x128xf32, #tpu.memory_space<hbm>>
      tpu.enqueue_indirect_dma source(%dma_start3A_369 : memref<10000x128xf32, #tpu.memory_space<hbm>>) target(%dma_start3A_365 : memref<80x128xf32, #tpu.memory_space<vmem>>) offsets(%dma_start3A_366 : memref<80xi32, #tpu.memory_space<vmem>>) semaphore(%arg16 : memref<!tpu.dma_semaphore, #tpu.memory_space<semaphore_mem>>)
      %dma_start3A_370 = arith.constant 80 : i32
      %dma_start3A_371 = arith.constant 0 : i32
      %dma_start3A_372 = tpu.memref_slice %arg9[%dma_start3A_370, %dma_start3A_371] : memref<160x128xf32, #tpu.memory_space<vmem>> -> memref<80x128xf32, #tpu.memory_space<vmem>>
      %dma_start3A_373 = tpu.memref_slice %arg13[%multiple_of3A_362] : memref<10000xi32, #tpu.memory_space<vmem>> -> memref<80xi32, #tpu.memory_space<vmem>>
      %dma_start3A_374 = arith.constant 0 : i32
      %dma_start3A_375 = arith.constant 0 : i32
      %dma_start3A_376 = tpu.memref_slice %arg4[%dma_start3A_374, %dma_start3A_375] : memref<10000x128xf32, #tpu.memory_space<hbm>> -> memref<10000x128xf32, #tpu.memory_space<hbm>>
      tpu.enqueue_indirect_dma source(%dma_start3A_376 : memref<10000x128xf32, #tpu.memory_space<hbm>>) target(%dma_start3A_372 : memref<80x128xf32, #tpu.memory_space<vmem>>) offsets(%dma_start3A_373 : memref<80xi32, #tpu.memory_space<vmem>>) semaphore(%arg17 : memref<!tpu.dma_semaphore, #tpu.memory_space<semaphore_mem>>)
      %dma_wait3A_377 = arith.constant 0 : i32
      %dma_wait3A_378 = arith.constant 0 : i32
      %dma_wait3A_379 = tpu.memref_slice %arg6[%dma_wait3A_377, %dma_wait3A_378] : memref<160x128xf32, #tpu.memory_space<vmem>> -> memref<160x128xf32, #tpu.memory_space<vmem>>
      %dma_wait3A_380 = arith.constant 0 : i32
      %dma_wait3A_381 = arith.constant 0 : i32
      %dma_wait3A_382 = tpu.memref_slice %arg4[%dma_wait3A_380, %dma_wait3A_381] : memref<10000x128xf32, #tpu.memory_space<hbm>> -> memref<160x128xf32, #tpu.memory_space<hbm>>
      %dma_wait3A_383 = arith.constant 0 : i32
      %dma_wait3A_384 = arith.constant 0 : i32
      %dma_wait3A_385 = tpu.memref_slice %arg6[%dma_wait3A_383, %dma_wait3A_384] : memref<160x128xf32, #tpu.memory_space<vmem>> -> memref<160x128xf32, #tpu.memory_space<vmem>>
      %dma_wait3A_386 = arith.constant 0 : i32
      %dma_wait3A_387 = arith.constant 0 : i32
      %dma_wait3A_388 = tpu.memref_slice %arg4[%dma_wait3A_386, %dma_wait3A_387] : memref<10000x128xf32, #tpu.memory_space<hbm>> -> memref<160x128xf32, #tpu.memory_space<hbm>>
      tpu.wait_dma2 semaphore(%arg14 : memref<!tpu.dma_semaphore, #tpu.memory_space<semaphore_mem>>) src(%dma_wait3A_388 : memref<160x128xf32, #tpu.memory_space<hbm>>) dst(%dma_wait3A_385 : memref<160x128xf32, #tpu.memory_space<vmem>>)
      %dma_wait3A_389 = arith.constant 0 : i32
      %dma_wait3A_390 = arith.constant 0 : i32
      %dma_wait3A_391 = tpu.memref_slice %arg7[%dma_wait3A_389, %dma_wait3A_390] : memref<160x128xf32, #tpu.memory_space<vmem>> -> memref<160x128xf32, #tpu.memory_space<vmem>>
      %dma_wait3A_392 = arith.constant 0 : i32
      %dma_wait3A_393 = arith.constant 0 : i32
      %dma_wait3A_394 = tpu.memref_slice %arg4[%dma_wait3A_392, %dma_wait3A_393] : memref<10000x128xf32, #tpu.memory_space<hbm>> -> memref<160x128xf32, #tpu.memory_space<hbm>>
      %dma_wait3A_395 = arith.constant 0 : i32
      %dma_wait3A_396 = arith.constant 0 : i32
      %dma_wait3A_397 = tpu.memref_slice %arg7[%dma_wait3A_395, %dma_wait3A_396] : memref<160x128xf32, #tpu.memory_space<vmem>> -> memref<160x128xf32, #tpu.memory_space<vmem>>
      %dma_wait3A_398 = arith.constant 0 : i32
      %dma_wait3A_399 = arith.constant 0 : i32
      %dma_wait3A_400 = tpu.memref_slice %arg4[%dma_wait3A_398, %dma_wait3A_399] : memref<10000x128xf32, #tpu.memory_space<hbm>> -> memref<160x128xf32, #tpu.memory_space<hbm>>
      tpu.wait_dma2 semaphore(%arg15 : memref<!tpu.dma_semaphore, #tpu.memory_space<semaphore_mem>>) src(%dma_wait3A_400 : memref<160x128xf32, #tpu.memory_space<hbm>>) dst(%dma_wait3A_397 : memref<160x128xf32, #tpu.memory_space<vmem>>)
      %mul3A_401 = arith.constant 160 : i32
      %mul3A_402 = arith.muli %mul3A_337, %mul3A_401 : i32
      %multiple_of3A_403 = tpu.assume_multiple %mul3A_402, 160 : i32
      %parallel_loop3A_404 = arith.constant 0 : i32
      %parallel_loop3A_405 = arith.constant 160 : i32
      %parallel_loop3A_406 = arith.constant 1 : i32
      scf.for %parallel_loop3A_490 = %parallel_loop3A_404 to %parallel_loop3A_405 step %parallel_loop3A_406  : i32 {
        %parallel_loop3A_491 = arith.index_cast %parallel_loop3A_490 : i32 to index
        %parallel_loop3A_492 = arith.constant 0 : index
        %parallel_loop3A_493 = tpu.vector_load %arg6[%parallel_loop3A_491, %parallel_loop3A_492] {strides = array<i32>} : memref<160x128xf32, #tpu.memory_space<vmem>>, vector<1x16xf32>,
        %parallel_loop3A_494 = vector.shape_cast %parallel_loop3A_493 : vector<1x16xf32> to vector<16xf32>
        %parallel_loop3A_495 = arith.index_cast %parallel_loop3A_490 : i32 to index
        %parallel_loop3A_496 = arith.constant 0 : index
        %parallel_loop3A_497 = tpu.vector_load %arg7[%parallel_loop3A_495, %parallel_loop3A_496] {strides = array<i32>} : memref<160x128xf32, #tpu.memory_space<vmem>>, vector<1x16xf32>,
        %parallel_loop3A_498 = vector.shape_cast %parallel_loop3A_497 : vector<1x16xf32> to vector<16xf32>
        %parallel_loop3A_499 = arith.mulf %parallel_loop3A_494, %parallel_loop3A_498 : vector<16xf32>
        %parallel_loop3A_500 = arith.index_cast %parallel_loop3A_490 : i32 to index
        %parallel_loop3A_501 = arith.constant 16 : index
        %parallel_loop3A_502 = tpu.vector_load %arg6[%parallel_loop3A_500, %parallel_loop3A_501] {strides = array<i32>} : memref<160x128xf32, #tpu.memory_space<vmem>>, vector<1x16xf32>,
        %parallel_loop3A_503 = vector.shape_cast %parallel_loop3A_502 : vector<1x16xf32> to vector<16xf32>
        %parallel_loop3A_504 = arith.index_cast %parallel_loop3A_490 : i32 to index
        %parallel_loop3A_505 = arith.constant 16 : index
        %parallel_loop3A_506 = tpu.vector_load %arg7[%parallel_loop3A_504, %parallel_loop3A_505] {strides = array<i32>} : memref<160x128xf32, #tpu.memory_space<vmem>>, vector<1x16xf32>,
        %parallel_loop3A_507 = vector.shape_cast %parallel_loop3A_506 : vector<1x16xf32> to vector<16xf32>
        %parallel_loop3A_508 = arith.mulf %parallel_loop3A_503, %parallel_loop3A_507 : vector<16xf32>
        %parallel_loop3A_509 = arith.index_cast %parallel_loop3A_490 : i32 to index
        %parallel_loop3A_510 = arith.constant 32 : index
        %parallel_loop3A_511 = tpu.vector_load %arg6[%parallel_loop3A_509, %parallel_loop3A_510] {strides = array<i32>} : memref<160x128xf32, #tpu.memory_space<vmem>>, vector<1x16xf32>,
        %parallel_loop3A_512 = vector.shape_cast %parallel_loop3A_511 : vector<1x16xf32> to vector<16xf32>
        %parallel_loop3A_513 = arith.index_cast %parallel_loop3A_490 : i32 to index
        %parallel_loop3A_514 = arith.constant 32 : index
        %parallel_loop3A_515 = tpu.vector_load %arg7[%parallel_loop3A_513, %parallel_loop3A_514] {strides = array<i32>} : memref<160x128xf32, #tpu.memory_space<vmem>>, vector<1x16xf32>,
        %parallel_loop3A_516 = vector.shape_cast %parallel_loop3A_515 : vector<1x16xf32> to vector<16xf32>
        %parallel_loop3A_517 = arith.mulf %parallel_loop3A_512, %parallel_loop3A_516 : vector<16xf32>
        %parallel_loop3A_518 = arith.index_cast %parallel_loop3A_490 : i32 to index
        %parallel_loop3A_519 = arith.constant 48 : index
        %parallel_loop3A_520 = tpu.vector_load %arg6[%parallel_loop3A_518, %parallel_loop3A_519] {strides = array<i32>} : memref<160x128xf32, #tpu.memory_space<vmem>>, vector<1x16xf32>,
        %parallel_loop3A_521 = vector.shape_cast %parallel_loop3A_520 : vector<1x16xf32> to vector<16xf32>
        %parallel_loop3A_522 = arith.index_cast %parallel_loop3A_490 : i32 to index
        %parallel_loop3A_523 = arith.constant 48 : index
        %parallel_loop3A_524 = tpu.vector_load %arg7[%parallel_loop3A_522, %parallel_loop3A_523] {strides = array<i32>} : memref<160x128xf32, #tpu.memory_space<vmem>>, vector<1x16xf32>,
        %parallel_loop3A_525 = vector.shape_cast %parallel_loop3A_524 : vector<1x16xf32> to vector<16xf32>
        %parallel_loop3A_526 = arith.mulf %parallel_loop3A_521, %parallel_loop3A_525 : vector<16xf32>
        %parallel_loop3A_527 = arith.index_cast %parallel_loop3A_490 : i32 to index
        %parallel_loop3A_528 = arith.constant 64 : index
        %parallel_loop3A_529 = tpu.vector_load %arg6[%parallel_loop3A_527, %parallel_loop3A_528] {strides = array<i32>} : memref<160x128xf32, #tpu.memory_space<vmem>>, vector<1x16xf32>,
        %parallel_loop3A_530 = vector.shape_cast %parallel_loop3A_529 : vector<1x16xf32> to vector<16xf32>
        %parallel_loop3A_531 = arith.index_cast %parallel_loop3A_490 : i32 to index
        %parallel_loop3A_532 = arith.constant 64 : index
        %parallel_loop3A_533 = tpu.vector_load %arg7[%parallel_loop3A_531, %parallel_loop3A_532] {strides = array<i32>} : memref<160x128xf32, #tpu.memory_space<vmem>>, vector<1x16xf32>,
        %parallel_loop3A_534 = vector.shape_cast %parallel_loop3A_533 : vector<1x16xf32> to vector<16xf32>
        %parallel_loop3A_535 = arith.mulf %parallel_loop3A_530, %parallel_loop3A_534 : vector<16xf32>
        %parallel_loop3A_536 = arith.index_cast %parallel_loop3A_490 : i32 to index
        %parallel_loop3A_537 = arith.constant 80 : index
        %parallel_loop3A_538 = tpu.vector_load %arg6[%parallel_loop3A_536, %parallel_loop3A_537] {strides = array<i32>} : memref<160x128xf32, #tpu.memory_space<vmem>>, vector<1x16xf32>,
        %parallel_loop3A_539 = vector.shape_cast %parallel_loop3A_538 : vector<1x16xf32> to vector<16xf32>
        %parallel_loop3A_540 = arith.index_cast %parallel_loop3A_490 : i32 to index
        %parallel_loop3A_541 = arith.constant 80 : index
        %parallel_loop3A_542 = tpu.vector_load %arg7[%parallel_loop3A_540, %parallel_loop3A_541] {strides = array<i32>} : memref<160x128xf32, #tpu.memory_space<vmem>>, vector<1x16xf32>,
        %parallel_loop3A_543 = vector.shape_cast %parallel_loop3A_542 : vector<1x16xf32> to vector<16xf32>
        %parallel_loop3A_544 = arith.mulf %parallel_loop3A_539, %parallel_loop3A_543 : vector<16xf32>
        %parallel_loop3A_545 = arith.index_cast %parallel_loop3A_490 : i32 to index
        %parallel_loop3A_546 = arith.constant 96 : index
        %parallel_loop3A_547 = tpu.vector_load %arg6[%parallel_loop3A_545, %parallel_loop3A_546] {strides = array<i32>} : memref<160x128xf32, #tpu.memory_space<vmem>>, vector<1x16xf32>,
        %parallel_loop3A_548 = vector.shape_cast %parallel_loop3A_547 : vector<1x16xf32> to vector<16xf32>
        %parallel_loop3A_549 = arith.index_cast %parallel_loop3A_490 : i32 to index
        %parallel_loop3A_550 = arith.constant 96 : index
        %parallel_loop3A_551 = tpu.vector_load %arg7[%parallel_loop3A_549, %parallel_loop3A_550] {strides = array<i32>} : memref<160x128xf32, #tpu.memory_space<vmem>>, vector<1x16xf32>,
        %parallel_loop3A_552 = vector.shape_cast %parallel_loop3A_551 : vector<1x16xf32> to vector<16xf32>
        %parallel_loop3A_553 = arith.mulf %parallel_loop3A_548, %parallel_loop3A_552 : vector<16xf32>
        %parallel_loop3A_554 = arith.index_cast %parallel_loop3A_490 : i32 to index
        %parallel_loop3A_555 = arith.constant 112 : index
        %parallel_loop3A_556 = tpu.vector_load %arg6[%parallel_loop3A_554, %parallel_loop3A_555] {strides = array<i32>} : memref<160x128xf32, #tpu.memory_space<vmem>>, vector<1x16xf32>,
        %parallel_loop3A_557 = vector.shape_cast %parallel_loop3A_556 : vector<1x16xf32> to vector<16xf32>
        %parallel_loop3A_558 = arith.index_cast %parallel_loop3A_490 : i32 to index
        %parallel_loop3A_559 = arith.constant 112 : index
        %parallel_loop3A_560 = tpu.vector_load %arg7[%parallel_loop3A_558, %parallel_loop3A_559] {strides = array<i32>} : memref<160x128xf32, #tpu.memory_space<vmem>>, vector<1x16xf32>,
        %parallel_loop3A_561 = vector.shape_cast %parallel_loop3A_560 : vector<1x16xf32> to vector<16xf32>
        %parallel_loop3A_562 = arith.mulf %parallel_loop3A_557, %parallel_loop3A_561 : vector<16xf32>
        %parallel_loop3A_563 = arith.addf %parallel_loop3A_499, %parallel_loop3A_508 : vector<16xf32>
        %parallel_loop3A_564 = arith.addf %parallel_loop3A_517, %parallel_loop3A_526 : vector<16xf32>
        %parallel_loop3A_565 = arith.addf %parallel_loop3A_535, %parallel_loop3A_544 : vector<16xf32>
        %parallel_loop3A_566 = arith.addf %parallel_loop3A_553, %parallel_loop3A_562 : vector<16xf32>
        %parallel_loop3A_567 = arith.addf %parallel_loop3A_563, %parallel_loop3A_564 : vector<16xf32>
        %parallel_loop3A_568 = arith.addf %parallel_loop3A_565, %parallel_loop3A_566 : vector<16xf32>
        %parallel_loop3A_569 = arith.addf %parallel_loop3A_567, %parallel_loop3A_568 : vector<16xf32>
        %parallel_loop3A_570 = vector.shape_cast %select_n3A_20 : vector<16xi32> to vector<16x1xi32>
        %parallel_loop3A_571 = vector.shape_cast %parallel_loop3A_570 : vector<16x1xi32> to vector<16xi32>
        %parallel_loop3A_572 = tpu.dynamic_gather %parallel_loop3A_569[%parallel_loop3A_571] in [0] : vector<16xf32>, vector<16xi32> -> vector<16xf32>
        %parallel_loop3A_573 = arith.addf %parallel_loop3A_569, %parallel_loop3A_572 : vector<16xf32>
        %parallel_loop3A_574 = arith.constant 16 : i32
        %parallel_loop3A_575 = arith.muli %parallel_loop3A_490, %parallel_loop3A_574 : i32
        %parallel_loop3A_576 = tpu.assume_multiple %parallel_loop3A_575, 16 : i32
        %parallel_loop3A_577 = arith.index_cast %parallel_loop3A_576 : i32 to index
        %parallel_loop3A_578 = tpu.vector_load %arg10[%parallel_loop3A_577] {strides = array<i32>} : memref<2560xf32, #tpu.memory_space<vmem>>, vector<16xf32>,
        %parallel_loop3A_579 = vector.shape_cast %parallel_loop3A_578 : vector<16xf32> to vector<16xf32>
        %parallel_loop3A_580 = vector.shape_cast %parallel_loop3A_573 : vector<16xf32> to vector<16xf32>
        tpu.vector_store %arg10[%parallel_loop3A_577], %parallel_loop3A_580 {strides = array<i32>} : memref<2560xf32, #tpu.memory_space<vmem>>, vector<16xf32>,
      } {sc.loop_unroll_factor = 8 : i64, sc.parallel_access}
      %scan3A_407 = arith.constant 0 : i32
      %scan3A_408 = arith.constant 0 : i32
      %scan3A_409 = arith.constant 10 : i32
      %scan3A_410 = arith.addi %scan3A_408, %scan3A_409 : i32
      %scan3A_411 = arith.constant 1 : i32
      scf.for %scan3A_490 = %scan3A_408 to %scan3A_410 step %scan3A_411  : i32 {
        %mul3A_491 = arith.constant 16 : i32
        %mul3A_492 = arith.muli %scan3A_490, %mul3A_491 : i32
        %add3A_493 = arith.constant 0 : i32
        %add3A_494 = arith.addi %mul3A_492, %add3A_493 : i32
        %mul3A_495 = arith.constant 16 : i32
        %mul3A_496 = arith.muli %add3A_494, %mul3A_495 : i32
        %multiple_of3A_497 = tpu.assume_multiple %mul3A_496, 16 : i32
        %get3A = arith.index_cast %multiple_of3A_497 : i32 to index
        %get3A_498 = tpu.vector_load %arg10[%get3A] {strides = array<i32>} : memref<2560xf32, #tpu.memory_space<vmem>>, vector<16xf32>,
        %get3A_499 = vector.shape_cast %get3A_498 : vector<16xf32> to vector<16xf32>
        %add3A_500 = arith.constant 8 : i32
        %add3A_501 = arith.addi %mul3A_492, %add3A_500 : i32
        %mul3A_502 = arith.constant 16 : i32
        %mul3A_503 = arith.muli %add3A_501, %mul3A_502 : i32
        %multiple_of3A_504 = tpu.assume_multiple %mul3A_503, 16 : i32
        %get3A_505 = arith.index_cast %multiple_of3A_504 : i32 to index
        %get3A_506 = tpu.vector_load %arg10[%get3A_505] {strides = array<i32>} : memref<2560xf32, #tpu.memory_space<vmem>>, vector<16xf32>,
        %get3A_507 = vector.shape_cast %get3A_506 : vector<16xf32> to vector<16xf32>
        %add3A_508 = arith.constant 4 : i32
        %add3A_509 = arith.addi %mul3A_492, %add3A_508 : i32
        %mul3A_510 = arith.constant 16 : i32
        %mul3A_511 = arith.muli %add3A_509, %mul3A_510 : i32
        %multiple_of3A_512 = tpu.assume_multiple %mul3A_511, 16 : i32
        %get3A_513 = arith.index_cast %multiple_of3A_512 : i32 to index
        %get3A_514 = tpu.vector_load %arg10[%get3A_513] {strides = array<i32>} : memref<2560xf32, #tpu.memory_space<vmem>>, vector<16xf32>,
        %get3A_515 = vector.shape_cast %get3A_514 : vector<16xf32> to vector<16xf32>
        %add3A_516 = arith.constant 12 : i32
        %add3A_517 = arith.addi %mul3A_492, %add3A_516 : i32
        %mul3A_518 = arith.constant 16 : i32
        %mul3A_519 = arith.muli %add3A_517, %mul3A_518 : i32
        %multiple_of3A_520 = tpu.assume_multiple %mul3A_519, 16 : i32
        %get3A_521 = arith.index_cast %multiple_of3A_520 : i32 to index
        %get3A_522 = tpu.vector_load %arg10[%get3A_521] {strides = array<i32>} : memref<2560xf32, #tpu.memory_space<vmem>>, vector<16xf32>,
        %get3A_523 = vector.shape_cast %get3A_522 : vector<16xf32> to vector<16xf32>
        %add3A_524 = arith.constant 2 : i32
        %add3A_525 = arith.addi %mul3A_492, %add3A_524 : i32
        %mul3A_526 = arith.constant 16 : i32
        %mul3A_527 = arith.muli %add3A_525, %mul3A_526 : i32
        %multiple_of3A_528 = tpu.assume_multiple %mul3A_527, 16 : i32
        %get3A_529 = arith.index_cast %multiple_of3A_528 : i32 to index
        %get3A_530 = tpu.vector_load %arg10[%get3A_529] {strides = array<i32>} : memref<2560xf32, #tpu.memory_space<vmem>>, vector<16xf32>,
        %get3A_531 = vector.shape_cast %get3A_530 : vector<16xf32> to vector<16xf32>
        %add3A_532 = arith.constant 10 : i32
        %add3A_533 = arith.addi %mul3A_492, %add3A_532 : i32
        %mul3A_534 = arith.constant 16 : i32
        %mul3A_535 = arith.muli %add3A_533, %mul3A_534 : i32
        %multiple_of3A_536 = tpu.assume_multiple %mul3A_535, 16 : i32
        %get3A_537 = arith.index_cast %multiple_of3A_536 : i32 to index
        %get3A_538 = tpu.vector_load %arg10[%get3A_537] {strides = array<i32>} : memref<2560xf32, #tpu.memory_space<vmem>>, vector<16xf32>,
        %get3A_539 = vector.shape_cast %get3A_538 : vector<16xf32> to vector<16xf32>
        %add3A_540 = arith.constant 6 : i32
        %add3A_541 = arith.addi %mul3A_492, %add3A_540 : i32
        %mul3A_542 = arith.constant 16 : i32
        %mul3A_543 = arith.muli %add3A_541, %mul3A_542 : i32
        %multiple_of3A_544 = tpu.assume_multiple %mul3A_543, 16 : i32
        %get3A_545 = arith.index_cast %multiple_of3A_544 : i32 to index
        %get3A_546 = tpu.vector_load %arg10[%get3A_545] {strides = array<i32>} : memref<2560xf32, #tpu.memory_space<vmem>>, vector<16xf32>,
        %get3A_547 = vector.shape_cast %get3A_546 : vector<16xf32> to vector<16xf32>
        %add3A_548 = arith.constant 14 : i32
        %add3A_549 = arith.addi %mul3A_492, %add3A_548 : i32
        %mul3A_550 = arith.constant 16 : i32
        %mul3A_551 = arith.muli %add3A_549, %mul3A_550 : i32
        %multiple_of3A_552 = tpu.assume_multiple %mul3A_551, 16 : i32
        %get3A_553 = arith.index_cast %multiple_of3A_552 : i32 to index
        %get3A_554 = tpu.vector_load %arg10[%get3A_553] {strides = array<i32>} : memref<2560xf32, #tpu.memory_space<vmem>>, vector<16xf32>,
        %get3A_555 = vector.shape_cast %get3A_554 : vector<16xf32> to vector<16xf32>
        %add3A_556 = arith.constant 1 : i32
        %add3A_557 = arith.addi %mul3A_492, %add3A_556 : i32
        %mul3A_558 = arith.constant 16 : i32
        %mul3A_559 = arith.muli %add3A_557, %mul3A_558 : i32
        %multiple_of3A_560 = tpu.assume_multiple %mul3A_559, 16 : i32
        %get3A_561 = arith.index_cast %multiple_of3A_560 : i32 to index
        %get3A_562 = tpu.vector_load %arg10[%get3A_561] {strides = array<i32>} : memref<2560xf32, #tpu.memory_space<vmem>>, vector<16xf32>,
        %get3A_563 = vector.shape_cast %get3A_562 : vector<16xf32> to vector<16xf32>
        %add3A_564 = arith.constant 9 : i32
        %add3A_565 = arith.addi %mul3A_492, %add3A_564 : i32
        %mul3A_566 = arith.constant 16 : i32
        %mul3A_567 = arith.muli %add3A_565, %mul3A_566 : i32
        %multiple_of3A_568 = tpu.assume_multiple %mul3A_567, 16 : i32
        %get3A_569 = arith.index_cast %multiple_of3A_568 : i32 to index
        %get3A_570 = tpu.vector_load %arg10[%get3A_569] {strides = array<i32>} : memref<2560xf32, #tpu.memory_space<vmem>>, vector<16xf32>,
        %get3A_571 = vector.shape_cast %get3A_570 : vector<16xf32> to vector<16xf32>
        %add3A_572 = arith.constant 5 : i32
        %add3A_573 = arith.addi %mul3A_492, %add3A_572 : i32
        %mul3A_574 = arith.constant 16 : i32
        %mul3A_575 = arith.muli %add3A_573, %mul3A_574 : i32
        %multiple_of3A_576 = tpu.assume_multiple %mul3A_575, 16 : i32
        %get3A_577 = arith.index_cast %multiple_of3A_576 : i32 to index
        %get3A_578 = tpu.vector_load %arg10[%get3A_577] {strides = array<i32>} : memref<2560xf32, #tpu.memory_space<vmem>>, vector<16xf32>,
        %get3A_579 = vector.shape_cast %get3A_578 : vector<16xf32> to vector<16xf32>
        %add3A_580 = arith.constant 13 : i32
        %add3A_581 = arith.addi %mul3A_492, %add3A_580 : i32
        %mul3A_582 = arith.constant 16 : i32
        %mul3A_583 = arith.muli %add3A_581, %mul3A_582 : i32
        %multiple_of3A_584 = tpu.assume_multiple %mul3A_583, 16 : i32
        %get3A_585 = arith.index_cast %multiple_of3A_584 : i32 to index
        %get3A_586 = tpu.vector_load %arg10[%get3A_585] {strides = array<i32>} : memref<2560xf32, #tpu.memory_space<vmem>>, vector<16xf32>,
        %get3A_587 = vector.shape_cast %get3A_586 : vector<16xf32> to vector<16xf32>
        %add3A_588 = arith.constant 3 : i32
        %add3A_589 = arith.addi %mul3A_492, %add3A_588 : i32
        %mul3A_590 = arith.constant 16 : i32
        %mul3A_591 = arith.muli %add3A_589, %mul3A_590 : i32
        %multiple_of3A_592 = tpu.assume_multiple %mul3A_591, 16 : i32
        %get3A_593 = arith.index_cast %multiple_of3A_592 : i32 to index
        %get3A_594 = tpu.vector_load %arg10[%get3A_593] {strides = array<i32>} : memref<2560xf32, #tpu.memory_space<vmem>>, vector<16xf32>,
        %get3A_595 = vector.shape_cast %get3A_594 : vector<16xf32> to vector<16xf32>
        %add3A_596 = arith.constant 11 : i32
        %add3A_597 = arith.addi %mul3A_492, %add3A_596 : i32
        %mul3A_598 = arith.constant 16 : i32
        %mul3A_599 = arith.muli %add3A_597, %mul3A_598 : i32
        %multiple_of3A_600 = tpu.assume_multiple %mul3A_599, 16 : i32
        %get3A_601 = arith.index_cast %multiple_of3A_600 : i32 to index
        %get3A_602 = tpu.vector_load %arg10[%get3A_601] {strides = array<i32>} : memref<2560xf32, #tpu.memory_space<vmem>>, vector<16xf32>,
        %get3A_603 = vector.shape_cast %get3A_602 : vector<16xf32> to vector<16xf32>
        %add3A_604 = arith.constant 7 : i32
        %add3A_605 = arith.addi %mul3A_492, %add3A_604 : i32
        %mul3A_606 = arith.constant 16 : i32
        %mul3A_607 = arith.muli %add3A_605, %mul3A_606 : i32
        %multiple_of3A_608 = tpu.assume_multiple %mul3A_607, 16 : i32
        %get3A_609 = arith.index_cast %multiple_of3A_608 : i32 to index
        %get3A_610 = tpu.vector_load %arg10[%get3A_609] {strides = array<i32>} : memref<2560xf32, #tpu.memory_space<vmem>>, vector<16xf32>,
        %get3A_611 = vector.shape_cast %get3A_610 : vector<16xf32> to vector<16xf32>
        %add3A_612 = arith.constant 15 : i32
        %add3A_613 = arith.addi %mul3A_492, %add3A_612 : i32
        %mul3A_614 = arith.constant 16 : i32
        %mul3A_615 = arith.muli %add3A_613, %mul3A_614 : i32
        %multiple_of3A_616 = tpu.assume_multiple %mul3A_615, 16 : i32
        %get3A_617 = arith.index_cast %multiple_of3A_616 : i32 to index
        %get3A_618 = tpu.vector_load %arg10[%get3A_617] {strides = array<i32>} : memref<2560xf32, #tpu.memory_space<vmem>>, vector<16xf32>,
        %get3A_619 = vector.shape_cast %get3A_618 : vector<16xf32> to vector<16xf32>
        %select_n3A_620 = arith.select %lt3A_127, %get3A_499, %get3A_507 : vector<16xi1>, vector<16xf32>
        %select_n3A_621 = arith.select %lt3A_127, %get3A_515, %get3A_523 : vector<16xi1>, vector<16xf32>
        %select_n3A_622 = arith.select %lt3A_127, %get3A_531, %get3A_539 : vector<16xi1>, vector<16xf32>
        %select_n3A_623 = arith.select %lt3A_127, %get3A_547, %get3A_555 : vector<16xi1>, vector<16xf32>
        %select_n3A_624 = arith.select %lt3A_127, %get3A_563, %get3A_571 : vector<16xi1>, vector<16xf32>
        %select_n3A_625 = arith.select %lt3A_127, %get3A_579, %get3A_587 : vector<16xi1>, vector<16xf32>
        %select_n3A_626 = arith.select %lt3A_127, %get3A_595, %get3A_603 : vector<16xi1>, vector<16xf32>
        %select_n3A_627 = arith.select %lt3A_127, %get3A_611, %get3A_619 : vector<16xi1>, vector<16xf32>
        %broadcast_in_dim3A = vector.shape_cast %or3A : vector<16xi32> to vector<16x1xi32>
        %gather3A = vector.shape_cast %broadcast_in_dim3A : vector<16x1xi32> to vector<16xi32>
        %gather3A_628 = tpu.dynamic_gather %select_n3A_620[%gather3A] in [0] : vector<16xf32>, vector<16xi32> -> vector<16xf32>
        %add3A_629 = arith.addf %select_n3A_620, %gather3A_628 : vector<16xf32>
        %broadcast_in_dim3A_630 = vector.shape_cast %or3A : vector<16xi32> to vector<16x1xi32>
        %gather3A_631 = vector.shape_cast %broadcast_in_dim3A_630 : vector<16x1xi32> to vector<16xi32>
        %gather3A_632 = tpu.dynamic_gather %select_n3A_621[%gather3A_631] in [0] : vector<16xf32>, vector<16xi32> -> vector<16xf32>
        %add3A_633 = arith.addf %select_n3A_621, %gather3A_632 : vector<16xf32>
        %broadcast_in_dim3A_634 = vector.shape_cast %or3A : vector<16xi32> to vector<16x1xi32>
        %gather3A_635 = vector.shape_cast %broadcast_in_dim3A_634 : vector<16x1xi32> to vector<16xi32>
        %gather3A_636 = tpu.dynamic_gather %select_n3A_622[%gather3A_635] in [0] : vector<16xf32>, vector<16xi32> -> vector<16xf32>
        %add3A_637 = arith.addf %select_n3A_622, %gather3A_636 : vector<16xf32>
        %broadcast_in_dim3A_638 = vector.shape_cast %or3A : vector<16xi32> to vector<16x1xi32>
        %gather3A_639 = vector.shape_cast %broadcast_in_dim3A_638 : vector<16x1xi32> to vector<16xi32>
        %gather3A_640 = tpu.dynamic_gather %select_n3A_623[%gather3A_639] in [0] : vector<16xf32>, vector<16xi32> -> vector<16xf32>
        %add3A_641 = arith.addf %select_n3A_623, %gather3A_640 : vector<16xf32>
        %broadcast_in_dim3A_642 = vector.shape_cast %or3A : vector<16xi32> to vector<16x1xi32>
        %gather3A_643 = vector.shape_cast %broadcast_in_dim3A_642 : vector<16x1xi32> to vector<16xi32>
        %gather3A_644 = tpu.dynamic_gather %select_n3A_624[%gather3A_643] in [0] : vector<16xf32>, vector<16xi32> -> vector<16xf32>
        %add3A_645 = arith.addf %select_n3A_624, %gather3A_644 : vector<16xf32>
        %broadcast_in_dim3A_646 = vector.shape_cast %or3A : vector<16xi32> to vector<16x1xi32>
        %gather3A_647 = vector.shape_cast %broadcast_in_dim3A_646 : vector<16x1xi32> to vector<16xi32>
        %gather3A_648 = tpu.dynamic_gather %select_n3A_625[%gather3A_647] in [0] : vector<16xf32>, vector<16xi32> -> vector<16xf32>
        %add3A_649 = arith.addf %select_n3A_625, %gather3A_648 : vector<16xf32>
        %broadcast_in_dim3A_650 = vector.shape_cast %or3A : vector<16xi32> to vector<16x1xi32>
        %gather3A_651 = vector.shape_cast %broadcast_in_dim3A_650 : vector<16x1xi32> to vector<16xi32>
        %gather3A_652 = tpu.dynamic_gather %select_n3A_626[%gather3A_651] in [0] : vector<16xf32>, vector<16xi32> -> vector<16xf32>
        %add3A_653 = arith.addf %select_n3A_626, %gather3A_652 : vector<16xf32>
        %broadcast_in_dim3A_654 = vector.shape_cast %or3A : vector<16xi32> to vector<16x1xi32>
        %gather3A_655 = vector.shape_cast %broadcast_in_dim3A_654 : vector<16x1xi32> to vector<16xi32>
        %gather3A_656 = tpu.dynamic_gather %select_n3A_627[%gather3A_655] in [0] : vector<16xf32>, vector<16xi32> -> vector<16xf32>
        %add3A_657 = arith.addf %select_n3A_627, %gather3A_656 : vector<16xf32>
        %broadcast_in_dim3A_658 = vector.shape_cast %select_n3A_74 : vector<16xi32> to vector<16x1xi32>
        %gather3A_659 = vector.shape_cast %broadcast_in_dim3A_658 : vector<16x1xi32> to vector<16xi32>
        %gather3A_660 = tpu.dynamic_gather %add3A_633[%gather3A_659] in [0] : vector<16xf32>, vector<16xi32> -> vector<16xf32>
        %select_n3A_661 = arith.select %eq3A_133, %add3A_629, %gather3A_660 : vector<16xi1>, vector<16xf32>
        %broadcast_in_dim3A_662 = vector.shape_cast %select_n3A_74 : vector<16xi32> to vector<16x1xi32>
        %gather3A_663 = vector.shape_cast %broadcast_in_dim3A_662 : vector<16x1xi32> to vector<16xi32>
        %gather3A_664 = tpu.dynamic_gather %add3A_641[%gather3A_663] in [0] : vector<16xf32>, vector<16xi32> -> vector<16xf32>
        %select_n3A_665 = arith.select %eq3A_133, %add3A_637, %gather3A_664 : vector<16xi1>, vector<16xf32>
        %broadcast_in_dim3A_666 = vector.shape_cast %select_n3A_74 : vector<16xi32> to vector<16x1xi32>
        %gather3A_667 = vector.shape_cast %broadcast_in_dim3A_666 : vector<16x1xi32> to vector<16xi32>
        %gather3A_668 = tpu.dynamic_gather %add3A_649[%gather3A_667] in [0] : vector<16xf32>, vector<16xi32> -> vector<16xf32>
        %select_n3A_669 = arith.select %eq3A_133, %add3A_645, %gather3A_668 : vector<16xi1>, vector<16xf32>
        %broadcast_in_dim3A_670 = vector.shape_cast %select_n3A_74 : vector<16xi32> to vector<16x1xi32>
        %gather3A_671 = vector.shape_cast %broadcast_in_dim3A_670 : vector<16x1xi32> to vector<16xi32>
        %gather3A_672 = tpu.dynamic_gather %add3A_657[%gather3A_671] in [0] : vector<16xf32>, vector<16xi32> -> vector<16xf32>
        %select_n3A_673 = arith.select %eq3A_133, %add3A_653, %gather3A_672 : vector<16xi1>, vector<16xf32>
        %broadcast_in_dim3A_674 = vector.shape_cast %or3A_39 : vector<16xi32> to vector<16x1xi32>
        %gather3A_675 = vector.shape_cast %broadcast_in_dim3A_674 : vector<16x1xi32> to vector<16xi32>
        %gather3A_676 = tpu.dynamic_gather %select_n3A_661[%gather3A_675] in [0] : vector<16xf32>, vector<16xi32> -> vector<16xf32>
        %add3A_677 = arith.addf %select_n3A_661, %gather3A_676 : vector<16xf32>
        %broadcast_in_dim3A_678 = vector.shape_cast %or3A_39 : vector<16xi32> to vector<16x1xi32>
        %gather3A_679 = vector.shape_cast %broadcast_in_dim3A_678 : vector<16x1xi32> to vector<16xi32>
        %gather3A_680 = tpu.dynamic_gather %select_n3A_665[%gather3A_679] in [0] : vector<16xf32>, vector<16xi32> -> vector<16xf32>
        %add3A_681 = arith.addf %select_n3A_665, %gather3A_680 : vector<16xf32>
        %broadcast_in_dim3A_682 = vector.shape_cast %or3A_39 : vector<16xi32> to vector<16x1xi32>
        %gather3A_683 = vector.shape_cast %broadcast_in_dim3A_682 : vector<16x1xi32> to vector<16xi32>
        %gather3A_684 = tpu.dynamic_gather %select_n3A_669[%gather3A_683] in [0] : vector<16xf32>, vector<16xi32> -> vector<16xf32>
        %add3A_685 = arith.addf %select_n3A_669, %gather3A_684 : vector<16xf32>
        %broadcast_in_dim3A_686 = vector.shape_cast %or3A_39 : vector<16xi32> to vector<16x1xi32>
        %gather3A_687 = vector.shape_cast %broadcast_in_dim3A_686 : vector<16x1xi32> to vector<16xi32>
        %gather3A_688 = tpu.dynamic_gather %select_n3A_673[%gather3A_687] in [0] : vector<16xf32>, vector<16xi32> -> vector<16xf32>
        %add3A_689 = arith.addf %select_n3A_673, %gather3A_688 : vector<16xf32>
        %broadcast_in_dim3A_690 = vector.shape_cast %select_n3A_99 : vector<16xi32> to vector<16x1xi32>
        %gather3A_691 = vector.shape_cast %broadcast_in_dim3A_690 : vector<16x1xi32> to vector<16xi32>
        %gather3A_692 = tpu.dynamic_gather %add3A_681[%gather3A_691] in [0] : vector<16xf32>, vector<16xi32> -> vector<16xf32>
        %select_n3A_693 = arith.select %eq3A_139, %add3A_677, %gather3A_692 : vector<16xi1>, vector<16xf32>
        %broadcast_in_dim3A_694 = vector.shape_cast %select_n3A_99 : vector<16xi32> to vector<16x1xi32>
        %gather3A_695 = vector.shape_cast %broadcast_in_dim3A_694 : vector<16x1xi32> to vector<16xi32>
        %gather3A_696 = tpu.dynamic_gather %add3A_689[%gather3A_695] in [0] : vector<16xf32>, vector<16xi32> -> vector<16xf32>
        %select_n3A_697 = arith.select %eq3A_139, %add3A_685, %gather3A_696 : vector<16xi1>, vector<16xf32>
        %broadcast_in_dim3A_698 = vector.shape_cast %or3A_49 : vector<16xi32> to vector<16x1xi32>
        %gather3A_699 = vector.shape_cast %broadcast_in_dim3A_698 : vector<16x1xi32> to vector<16xi32>
        %gather3A_700 = tpu.dynamic_gather %select_n3A_693[%gather3A_699] in [0] : vector<16xf32>, vector<16xi32> -> vector<16xf32>
        %add3A_701 = arith.addf %select_n3A_693, %gather3A_700 : vector<16xf32>
        %broadcast_in_dim3A_702 = vector.shape_cast %or3A_49 : vector<16xi32> to vector<16x1xi32>
        %gather3A_703 = vector.shape_cast %broadcast_in_dim3A_702 : vector<16x1xi32> to vector<16xi32>
        %gather3A_704 = tpu.dynamic_gather %select_n3A_697[%gather3A_703] in [0] : vector<16xf32>, vector<16xi32> -> vector<16xf32>
        %add3A_705 = arith.addf %select_n3A_697, %gather3A_704 : vector<16xf32>
        %broadcast_in_dim3A_706 = vector.shape_cast %select_n3A_124 : vector<16xi32> to vector<16x1xi32>
        %gather3A_707 = vector.shape_cast %broadcast_in_dim3A_706 : vector<16x1xi32> to vector<16xi32>
        %gather3A_708 = tpu.dynamic_gather %add3A_705[%gather3A_707] in [0] : vector<16xf32>, vector<16xi32> -> vector<16xf32>
        %select_n3A_709 = arith.select %eq3A_145, %add3A_701, %gather3A_708 : vector<16xi1>, vector<16xf32>
        %add3A_710 = arith.addi %multiple_of3A_403, %mul3A_492 : i32
        %swap3A = arith.index_cast %add3A_710 : i32 to index
        %swap3A_711 = tpu.vector_load %arg11[%swap3A] {strides = array<i32>} : memref<10000xf32, #tpu.memory_space<vmem>>, vector<16xf32>,
        %swap3A_712 = vector.shape_cast %swap3A_711 : vector<16xf32> to vector<16xf32>
        %swap3A_713 = vector.shape_cast %select_n3A_709 : vector<16xf32> to vector<16xf32>
        tpu.vector_store %arg11[%swap3A], %swap3A_713 {strides = array<i32>} : memref<10000xf32, #tpu.memory_space<vmem>>, vector<16xf32>,
      }
      %scan3A_412 = arith.constant 10 : i32
      %add3A_413 = arith.constant 2 : i32
      %add3A_414 = arith.addi %mul3A_337, %add3A_413 : i32
      %mul3A_415 = arith.constant 160 : i32
      %mul3A_416 = arith.muli %add3A_414, %mul3A_415 : i32
      %multiple_of3A_417 = tpu.assume_multiple %mul3A_416, 160 : i32
      %add3A_418 = arith.constant 0 : i32
      %add3A_419 = arith.addi %multiple_of3A_417, %add3A_418 : i32
      %multiple_of3A_420 = tpu.assume_multiple %add3A_419, 80 : i32
      %dma_start3A_421 = arith.constant 0 : i32
      %dma_start3A_422 = arith.constant 0 : i32
      %dma_start3A_423 = tpu.memref_slice %arg6[%dma_start3A_421, %dma_start3A_422] : memref<160x128xf32, #tpu.memory_space<vmem>> -> memref<80x128xf32, #tpu.memory_space<vmem>>
      %dma_start3A_424 = tpu.memref_slice %arg12[%multiple_of3A_420] : memref<10000xi32, #tpu.memory_space<vmem>> -> memref<80xi32, #tpu.memory_space<vmem>>
      %dma_start3A_425 = arith.constant 0 : i32
      %dma_start3A_426 = arith.constant 0 : i32
      %dma_start3A_427 = tpu.memref_slice %arg4[%dma_start3A_425, %dma_start3A_426] : memref<10000x128xf32, #tpu.memory_space<hbm>> -> memref<10000x128xf32, #tpu.memory_space<hbm>>
      tpu.enqueue_indirect_dma source(%dma_start3A_427 : memref<10000x128xf32, #tpu.memory_space<hbm>>) target(%dma_start3A_423 : memref<80x128xf32, #tpu.memory_space<vmem>>) offsets(%dma_start3A_424 : memref<80xi32, #tpu.memory_space<vmem>>) semaphore(%arg14 : memref<!tpu.dma_semaphore, #tpu.memory_space<semaphore_mem>>)
      %dma_start3A_428 = arith.constant 0 : i32
      %dma_start3A_429 = arith.constant 0 : i32
      %dma_start3A_430 = tpu.memref_slice %arg7[%dma_start3A_428, %dma_start3A_429] : memref<160x128xf32, #tpu.memory_space<vmem>> -> memref<80x128xf32, #tpu.memory_space<vmem>>
      %dma_start3A_431 = tpu.memref_slice %arg13[%multiple_of3A_420] : memref<10000xi32, #tpu.memory_space<vmem>> -> memref<80xi32, #tpu.memory_space<vmem>>
      %dma_start3A_432 = arith.constant 0 : i32
      %dma_start3A_433 = arith.constant 0 : i32
      %dma_start3A_434 = tpu.memref_slice %arg4[%dma_start3A_432, %dma_start3A_433] : memref<10000x128xf32, #tpu.memory_space<hbm>> -> memref<10000x128xf32, #tpu.memory_space<hbm>>
      tpu.enqueue_indirect_dma source(%dma_start3A_434 : memref<10000x128xf32, #tpu.memory_space<hbm>>) target(%dma_start3A_430 : memref<80x128xf32, #tpu.memory_space<vmem>>) offsets(%dma_start3A_431 : memref<80xi32, #tpu.memory_space<vmem>>) semaphore(%arg15 : memref<!tpu.dma_semaphore, #tpu.memory_space<semaphore_mem>>)
      %add3A_435 = arith.constant 80 : i32
      %add3A_436 = arith.addi %multiple_of3A_417, %add3A_435 : i32
      %multiple_of3A_437 = tpu.assume_multiple %add3A_436, 80 : i32
      %dma_start3A_438 = arith.constant 80 : i32
      %dma_start3A_439 = arith.constant 0 : i32
      %dma_start3A_440 = tpu.memref_slice %arg6[%dma_start3A_438, %dma_start3A_439] : memref<160x128xf32, #tpu.memory_space<vmem>> -> memref<80x128xf32, #tpu.memory_space<vmem>>
      %dma_start3A_441 = tpu.memref_slice %arg12[%multiple_of3A_437] : memref<10000xi32, #tpu.memory_space<vmem>> -> memref<80xi32, #tpu.memory_space<vmem>>
      %dma_start3A_442 = arith.constant 0 : i32
      %dma_start3A_443 = arith.constant 0 : i32
      %dma_start3A_444 = tpu.memref_slice %arg4[%dma_start3A_442, %dma_start3A_443] : memref<10000x128xf32, #tpu.memory_space<hbm>> -> memref<10000x128xf32, #tpu.memory_space<hbm>>
      tpu.enqueue_indirect_dma source(%dma_start3A_444 : memref<10000x128xf32, #tpu.memory_space<hbm>>) target(%dma_start3A_440 : memref<80x128xf32, #tpu.memory_space<vmem>>) offsets(%dma_start3A_441 : memref<80xi32, #tpu.memory_space<vmem>>) semaphore(%arg14 : memref<!tpu.dma_semaphore, #tpu.memory_space<semaphore_mem>>)
      %dma_start3A_445 = arith.constant 80 : i32
      %dma_start3A_446 = arith.constant 0 : i32
      %dma_start3A_447 = tpu.memref_slice %arg7[%dma_start3A_445, %dma_start3A_446] : memref<160x128xf32, #tpu.memory_space<vmem>> -> memref<80x128xf32, #tpu.memory_space<vmem>>
      %dma_start3A_448 = tpu.memref_slice %arg13[%multiple_of3A_437] : memref<10000xi32, #tpu.memory_space<vmem>> -> memref<80xi32, #tpu.memory_space<vmem>>
      %dma_start3A_449 = arith.constant 0 : i32
      %dma_start3A_450 = arith.constant 0 : i32
      %dma_start3A_451 = tpu.memref_slice %arg4[%dma_start3A_449, %dma_start3A_450] : memref<10000x128xf32, #tpu.memory_space<hbm>> -> memref<10000x128xf32, #tpu.memory_space<hbm>>
      tpu.enqueue_indirect_dma source(%dma_start3A_451 : memref<10000x128xf32, #tpu.memory_space<hbm>>) target(%dma_start3A_447 : memref<80x128xf32, #tpu.memory_space<vmem>>) offsets(%dma_start3A_448 : memref<80xi32, #tpu.memory_space<vmem>>) semaphore(%arg15 : memref<!tpu.dma_semaphore, #tpu.memory_space<semaphore_mem>>)
      %dma_wait3A_452 = arith.constant 0 : i32
      %dma_wait3A_453 = arith.constant 0 : i32
      %dma_wait3A_454 = tpu.memref_slice %arg8[%dma_wait3A_452, %dma_wait3A_453] : memref<160x128xf32, #tpu.memory_space<vmem>> -> memref<160x128xf32, #tpu.memory_space<vmem>>
      %dma_wait3A_455 = arith.constant 0 : i32
      %dma_wait3A_456 = arith.constant 0 : i32
      %dma_wait3A_457 = tpu.memref_slice %arg4[%dma_wait3A_455, %dma_wait3A_456] : memref<10000x128xf32, #tpu.memory_space<hbm>> -> memref<160x128xf32, #tpu.memory_space<hbm>>
      %dma_wait3A_458 = arith.constant 0 : i32
      %dma_wait3A_459 = arith.constant 0 : i32
      %dma_wait3A_460 = tpu.memref_slice %arg8[%dma_wait3A_458, %dma_wait3A_459] : memref<160x128xf32, #tpu.memory_space<vmem>> -> memref<160x128xf32, #tpu.memory_space<vmem>>
      %dma_wait3A_461 = arith.constant 0 : i32
      %dma_wait3A_462 = arith.constant 0 : i32
      %dma_wait3A_463 = tpu.memref_slice %arg4[%dma_wait3A_461, %dma_wait3A_462] : memref<10000x128xf32, #tpu.memory_space<hbm>> -> memref<160x128xf32, #tpu.memory_space<hbm>>
      tpu.wait_dma2 semaphore(%arg16 : memref<!tpu.dma_semaphore, #tpu.memory_space<semaphore_mem>>) src(%dma_wait3A_463 : memref<160x128xf32, #tpu.memory_space<hbm>>) dst(%dma_wait3A_460 : memref<160x128xf32, #tpu.memory_space<vmem>>)
      %dma_wait3A_464 = arith.constant 0 : i32
      %dma_wait3A_465 = arith.constant 0 : i32
      %dma_wait3A_466 = tpu.memref_slice %arg9[%dma_wait3A_464, %dma_wait3A_465] : memref<160x128xf32, #tpu.memory_space<vmem>> -> memref<160x128xf32, #tpu.memory_space<vmem>>
      %dma_wait3A_467 = arith.constant 0 : i32
      %dma_wait3A_468 = arith.constant 0 : i32
      %dma_wait3A_469 = tpu.memref_slice %arg4[%dma_wait3A_467, %dma_wait3A_468] : memref<10000x128xf32, #tpu.memory_space<hbm>> -> memref<160x128xf32, #tpu.memory_space<hbm>>
      %dma_wait3A_470 = arith.constant 0 : i32
      %dma_wait3A_471 = arith.constant 0 : i32
      %dma_wait3A_472 = tpu.memref_slice %arg9[%dma_wait3A_470, %dma_wait3A_471] : memref<160x128xf32, #tpu.memory_space<vmem>> -> memref<160x128xf32, #tpu.memory_space<vmem>>
      %dma_wait3A_473 = arith.constant 0 : i32
      %dma_wait3A_474 = arith.constant 0 : i32
      %dma_wait3A_475 = tpu.memref_slice %arg4[%dma_wait3A_473, %dma_wait3A_474] : memref<10000x128xf32, #tpu.memory_space<hbm>> -> memref<160x128xf32, #tpu.memory_space<hbm>>
      tpu.wait_dma2 semaphore(%arg17 : memref<!tpu.dma_semaphore, #tpu.memory_space<semaphore_mem>>) src(%dma_wait3A_475 : memref<160x128xf32, #tpu.memory_space<hbm>>) dst(%dma_wait3A_472 : memref<160x128xf32, #tpu.memory_space<vmem>>)
      %add3A_476 = arith.constant 1 : i32
      %add3A_477 = arith.addi %mul3A_337, %add3A_476 : i32
      %mul3A_478 = arith.constant 160 : i32
      %mul3A_479 = arith.muli %add3A_477, %mul3A_478 : i32
      %multiple_of3A_480 = tpu.assume_multiple %mul3A_479, 160 : i32
      %parallel_loop3A_481 = arith.constant 0 : i32
      %parallel_loop3A_482 = arith.constant 160 : i32
      %parallel_loop3A_483 = arith.constant 1 : i32
      scf.for %parallel_loop3A_490 = %parallel_loop3A_481 to %parallel_loop3A_482 step %parallel_loop3A_483  : i32 {
        %parallel_loop3A_491 = arith.index_cast %parallel_loop3A_490 : i32 to index
        %parallel_loop3A_492 = arith.constant 0 : index
        %parallel_loop3A_493 = tpu.vector_load %arg8[%parallel_loop3A_491, %parallel_loop3A_492] {strides = array<i32>} : memref<160x128xf32, #tpu.memory_space<vmem>>, vector<1x16xf32>,
        %parallel_loop3A_494 = vector.shape_cast %parallel_loop3A_493 : vector<1x16xf32> to vector<16xf32>
        %parallel_loop3A_495 = arith.index_cast %parallel_loop3A_490 : i32 to index
        %parallel_loop3A_496 = arith.constant 0 : index
        %parallel_loop3A_497 = tpu.vector_load %arg9[%parallel_loop3A_495, %parallel_loop3A_496] {strides = array<i32>} : memref<160x128xf32, #tpu.memory_space<vmem>>, vector<1x16xf32>,
        %parallel_loop3A_498 = vector.shape_cast %parallel_loop3A_497 : vector<1x16xf32> to vector<16xf32>
        %parallel_loop3A_499 = arith.mulf %parallel_loop3A_494, %parallel_loop3A_498 : vector<16xf32>
        %parallel_loop3A_500 = arith.index_cast %parallel_loop3A_490 : i32 to index
        %parallel_loop3A_501 = arith.constant 16 : index
        %parallel_loop3A_502 = tpu.vector_load %arg8[%parallel_loop3A_500, %parallel_loop3A_501] {strides = array<i32>} : memref<160x128xf32, #tpu.memory_space<vmem>>, vector<1x16xf32>,
        %parallel_loop3A_503 = vector.shape_cast %parallel_loop3A_502 : vector<1x16xf32> to vector<16xf32>
        %parallel_loop3A_504 = arith.index_cast %parallel_loop3A_490 : i32 to index
        %parallel_loop3A_505 = arith.constant 16 : index
        %parallel_loop3A_506 = tpu.vector_load %arg9[%parallel_loop3A_504, %parallel_loop3A_505] {strides = array<i32>} : memref<160x128xf32, #tpu.memory_space<vmem>>, vector<1x16xf32>,
        %parallel_loop3A_507 = vector.shape_cast %parallel_loop3A_506 : vector<1x16xf32> to vector<16xf32>
        %parallel_loop3A_508 = arith.mulf %parallel_loop3A_503, %parallel_loop3A_507 : vector<16xf32>
        %parallel_loop3A_509 = arith.index_cast %parallel_loop3A_490 : i32 to index
        %parallel_loop3A_510 = arith.constant 32 : index
        %parallel_loop3A_511 = tpu.vector_load %arg8[%parallel_loop3A_509, %parallel_loop3A_510] {strides = array<i32>} : memref<160x128xf32, #tpu.memory_space<vmem>>, vector<1x16xf32>,
        %parallel_loop3A_512 = vector.shape_cast %parallel_loop3A_511 : vector<1x16xf32> to vector<16xf32>
        %parallel_loop3A_513 = arith.index_cast %parallel_loop3A_490 : i32 to index
        %parallel_loop3A_514 = arith.constant 32 : index
        %parallel_loop3A_515 = tpu.vector_load %arg9[%parallel_loop3A_513, %parallel_loop3A_514] {strides = array<i32>} : memref<160x128xf32, #tpu.memory_space<vmem>>, vector<1x16xf32>,
        %parallel_loop3A_516 = vector.shape_cast %parallel_loop3A_515 : vector<1x16xf32> to vector<16xf32>
        %parallel_loop3A_517 = arith.mulf %parallel_loop3A_512, %parallel_loop3A_516 : vector<16xf32>
        %parallel_loop3A_518 = arith.index_cast %parallel_loop3A_490 : i32 to index
        %parallel_loop3A_519 = arith.constant 48 : index
        %parallel_loop3A_520 = tpu.vector_load %arg8[%parallel_loop3A_518, %parallel_loop3A_519] {strides = array<i32>} : memref<160x128xf32, #tpu.memory_space<vmem>>, vector<1x16xf32>,
        %parallel_loop3A_521 = vector.shape_cast %parallel_loop3A_520 : vector<1x16xf32> to vector<16xf32>
        %parallel_loop3A_522 = arith.index_cast %parallel_loop3A_490 : i32 to index
        %parallel_loop3A_523 = arith.constant 48 : index
        %parallel_loop3A_524 = tpu.vector_load %arg9[%parallel_loop3A_522, %parallel_loop3A_523] {strides = array<i32>} : memref<160x128xf32, #tpu.memory_space<vmem>>, vector<1x16xf32>,
        %parallel_loop3A_525 = vector.shape_cast %parallel_loop3A_524 : vector<1x16xf32> to vector<16xf32>
        %parallel_loop3A_526 = arith.mulf %parallel_loop3A_521, %parallel_loop3A_525 : vector<16xf32>
        %parallel_loop3A_527 = arith.index_cast %parallel_loop3A_490 : i32 to index
        %parallel_loop3A_528 = arith.constant 64 : index
        %parallel_loop3A_529 = tpu.vector_load %arg8[%parallel_loop3A_527, %parallel_loop3A_528] {strides = array<i32>} : memref<160x128xf32, #tpu.memory_space<vmem>>, vector<1x16xf32>,
        %parallel_loop3A_530 = vector.shape_cast %parallel_loop3A_529 : vector<1x16xf32> to vector<16xf32>
        %parallel_loop3A_531 = arith.index_cast %parallel_loop3A_490 : i32 to index
        %parallel_loop3A_532 = arith.constant 64 : index
        %parallel_loop3A_533 = tpu.vector_load %arg9[%parallel_loop3A_531, %parallel_loop3A_532] {strides = array<i32>} : memref<160x128xf32, #tpu.memory_space<vmem>>, vector<1x16xf32>,
        %parallel_loop3A_534 = vector.shape_cast %parallel_loop3A_533 : vector<1x16xf32> to vector<16xf32>
        %parallel_loop3A_535 = arith.mulf %parallel_loop3A_530, %parallel_loop3A_534 : vector<16xf32>
        %parallel_loop3A_536 = arith.index_cast %parallel_loop3A_490 : i32 to index
        %parallel_loop3A_537 = arith.constant 80 : index
        %parallel_loop3A_538 = tpu.vector_load %arg8[%parallel_loop3A_536, %parallel_loop3A_537] {strides = array<i32>} : memref<160x128xf32, #tpu.memory_space<vmem>>, vector<1x16xf32>,
        %parallel_loop3A_539 = vector.shape_cast %parallel_loop3A_538 : vector<1x16xf32> to vector<16xf32>
        %parallel_loop3A_540 = arith.index_cast %parallel_loop3A_490 : i32 to index
        %parallel_loop3A_541 = arith.constant 80 : index
        %parallel_loop3A_542 = tpu.vector_load %arg9[%parallel_loop3A_540, %parallel_loop3A_541] {strides = array<i32>} : memref<160x128xf32, #tpu.memory_space<vmem>>, vector<1x16xf32>,
        %parallel_loop3A_543 = vector.shape_cast %parallel_loop3A_542 : vector<1x16xf32> to vector<16xf32>
        %parallel_loop3A_544 = arith.mulf %parallel_loop3A_539, %parallel_loop3A_543 : vector<16xf32>
        %parallel_loop3A_545 = arith.index_cast %parallel_loop3A_490 : i32 to index
        %parallel_loop3A_546 = arith.constant 96 : index
        %parallel_loop3A_547 = tpu.vector_load %arg8[%parallel_loop3A_545, %parallel_loop3A_546] {strides = array<i32>} : memref<160x128xf32, #tpu.memory_space<vmem>>, vector<1x16xf32>,
        %parallel_loop3A_548 = vector.shape_cast %parallel_loop3A_547 : vector<1x16xf32> to vector<16xf32>
        %parallel_loop3A_549 = arith.index_cast %parallel_loop3A_490 : i32 to index
        %parallel_loop3A_550 = arith.constant 96 : index
        %parallel_loop3A_551 = tpu.vector_load %arg9[%parallel_loop3A_549, %parallel_loop3A_550] {strides = array<i32>} : memref<160x128xf32, #tpu.memory_space<vmem>>, vector<1x16xf32>,
        %parallel_loop3A_552 = vector.shape_cast %parallel_loop3A_551 : vector<1x16xf32> to vector<16xf32>
        %parallel_loop3A_553 = arith.mulf %parallel_loop3A_548, %parallel_loop3A_552 : vector<16xf32>
        %parallel_loop3A_554 = arith.index_cast %parallel_loop3A_490 : i32 to index
        %parallel_loop3A_555 = arith.constant 112 : index
        %parallel_loop3A_556 = tpu.vector_load %arg8[%parallel_loop3A_554, %parallel_loop3A_555] {strides = array<i32>} : memref<160x128xf32, #tpu.memory_space<vmem>>, vector<1x16xf32>,
        %parallel_loop3A_557 = vector.shape_cast %parallel_loop3A_556 : vector<1x16xf32> to vector<16xf32>
        %parallel_loop3A_558 = arith.index_cast %parallel_loop3A_490 : i32 to index
        %parallel_loop3A_559 = arith.constant 112 : index
        %parallel_loop3A_560 = tpu.vector_load %arg9[%parallel_loop3A_558, %parallel_loop3A_559] {strides = array<i32>} : memref<160x128xf32, #tpu.memory_space<vmem>>, vector<1x16xf32>,
        %parallel_loop3A_561 = vector.shape_cast %parallel_loop3A_560 : vector<1x16xf32> to vector<16xf32>
        %parallel_loop3A_562 = arith.mulf %parallel_loop3A_557, %parallel_loop3A_561 : vector<16xf32>
        %parallel_loop3A_563 = arith.addf %parallel_loop3A_499, %parallel_loop3A_508 : vector<16xf32>
        %parallel_loop3A_564 = arith.addf %parallel_loop3A_517, %parallel_loop3A_526 : vector<16xf32>
        %parallel_loop3A_565 = arith.addf %parallel_loop3A_535, %parallel_loop3A_544 : vector<16xf32>
        %parallel_loop3A_566 = arith.addf %parallel_loop3A_553, %parallel_loop3A_562 : vector<16xf32>
        %parallel_loop3A_567 = arith.addf %parallel_loop3A_563, %parallel_loop3A_564 : vector<16xf32>
        %parallel_loop3A_568 = arith.addf %parallel_loop3A_565, %parallel_loop3A_566 : vector<16xf32>
        %parallel_loop3A_569 = arith.addf %parallel_loop3A_567, %parallel_loop3A_568 : vector<16xf32>
        %parallel_loop3A_570 = vector.shape_cast %select_n3A_20 : vector<16xi32> to vector<16x1xi32>
        %parallel_loop3A_571 = vector.shape_cast %parallel_loop3A_570 : vector<16x1xi32> to vector<16xi32>
        %parallel_loop3A_572 = tpu.dynamic_gather %parallel_loop3A_569[%parallel_loop3A_571] in [0] : vector<16xf32>, vector<16xi32> -> vector<16xf32>
        %parallel_loop3A_573 = arith.addf %parallel_loop3A_569, %parallel_loop3A_572 : vector<16xf32>
        %parallel_loop3A_574 = arith.constant 16 : i32
        %parallel_loop3A_575 = arith.muli %parallel_loop3A_490, %parallel_loop3A_574 : i32
        %parallel_loop3A_576 = tpu.assume_multiple %parallel_loop3A_575, 16 : i32
        %parallel_loop3A_577 = arith.index_cast %parallel_loop3A_576 : i32 to index
        %parallel_loop3A_578 = tpu.vector_load %arg10[%parallel_loop3A_577] {strides = array<i32>} : memref<2560xf32, #tpu.memory_space<vmem>>, vector<16xf32>,
        %parallel_loop3A_579 = vector.shape_cast %parallel_loop3A_578 : vector<16xf32> to vector<16xf32>
        %parallel_loop3A_580 = vector.shape_cast %parallel_loop3A_573 : vector<16xf32> to vector<16xf32>
        tpu.vector_store %arg10[%parallel_loop3A_577], %parallel_loop3A_580 {strides = array<i32>} : memref<2560xf32, #tpu.memory_space<vmem>>, vector<16xf32>,
      } {sc.loop_unroll_factor = 8 : i64, sc.parallel_access}
      %scan3A_484 = arith.constant 0 : i32
      %scan3A_485 = arith.constant 0 : i32
      %scan3A_486 = arith.constant 10 : i32
      %scan3A_487 = arith.addi %scan3A_485, %scan3A_486 : i32
      %scan3A_488 = arith.constant 1 : i32
      scf.for %scan3A_490 = %scan3A_485 to %scan3A_487 step %scan3A_488  : i32 {
        %mul3A_491 = arith.constant 16 : i32
        %mul3A_492 = arith.muli %scan3A_490, %mul3A_491 : i32
        %add3A_493 = arith.constant 0 : i32
        %add3A_494 = arith.addi %mul3A_492, %add3A_493 : i32
        %mul3A_495 = arith.constant 16 : i32
        %mul3A_496 = arith.muli %add3A_494, %mul3A_495 : i32
        %multiple_of3A_497 = tpu.assume_multiple %mul3A_496, 16 : i32
        %get3A = arith.index_cast %multiple_of3A_497 : i32 to index
        %get3A_498 = tpu.vector_load %arg10[%get3A] {strides = array<i32>} : memref<2560xf32, #tpu.memory_space<vmem>>, vector<16xf32>,
        %get3A_499 = vector.shape_cast %get3A_498 : vector<16xf32> to vector<16xf32>
        %add3A_500 = arith.constant 8 : i32
        %add3A_501 = arith.addi %mul3A_492, %add3A_500 : i32
        %mul3A_502 = arith.constant 16 : i32
        %mul3A_503 = arith.muli %add3A_501, %mul3A_502 : i32
        %multiple_of3A_504 = tpu.assume_multiple %mul3A_503, 16 : i32
        %get3A_505 = arith.index_cast %multiple_of3A_504 : i32 to index
        %get3A_506 = tpu.vector_load %arg10[%get3A_505] {strides = array<i32>} : memref<2560xf32, #tpu.memory_space<vmem>>, vector<16xf32>,
        %get3A_507 = vector.shape_cast %get3A_506 : vector<16xf32> to vector<16xf32>
        %add3A_508 = arith.constant 4 : i32
        %add3A_509 = arith.addi %mul3A_492, %add3A_508 : i32
        %mul3A_510 = arith.constant 16 : i32
        %mul3A_511 = arith.muli %add3A_509, %mul3A_510 : i32
        %multiple_of3A_512 = tpu.assume_multiple %mul3A_511, 16 : i32
        %get3A_513 = arith.index_cast %multiple_of3A_512 : i32 to index
        %get3A_514 = tpu.vector_load %arg10[%get3A_513] {strides = array<i32>} : memref<2560xf32, #tpu.memory_space<vmem>>, vector<16xf32>,
        %get3A_515 = vector.shape_cast %get3A_514 : vector<16xf32> to vector<16xf32>
        %add3A_516 = arith.constant 12 : i32
        %add3A_517 = arith.addi %mul3A_492, %add3A_516 : i32
        %mul3A_518 = arith.constant 16 : i32
        %mul3A_519 = arith.muli %add3A_517, %mul3A_518 : i32
        %multiple_of3A_520 = tpu.assume_multiple %mul3A_519, 16 : i32
        %get3A_521 = arith.index_cast %multiple_of3A_520 : i32 to index
        %get3A_522 = tpu.vector_load %arg10[%get3A_521] {strides = array<i32>} : memref<2560xf32, #tpu.memory_space<vmem>>, vector<16xf32>,
        %get3A_523 = vector.shape_cast %get3A_522 : vector<16xf32> to vector<16xf32>
        %add3A_524 = arith.constant 2 : i32
        %add3A_525 = arith.addi %mul3A_492, %add3A_524 : i32
        %mul3A_526 = arith.constant 16 : i32
        %mul3A_527 = arith.muli %add3A_525, %mul3A_526 : i32
        %multiple_of3A_528 = tpu.assume_multiple %mul3A_527, 16 : i32
        %get3A_529 = arith.index_cast %multiple_of3A_528 : i32 to index
        %get3A_530 = tpu.vector_load %arg10[%get3A_529] {strides = array<i32>} : memref<2560xf32, #tpu.memory_space<vmem>>, vector<16xf32>,
        %get3A_531 = vector.shape_cast %get3A_530 : vector<16xf32> to vector<16xf32>
        %add3A_532 = arith.constant 10 : i32
        %add3A_533 = arith.addi %mul3A_492, %add3A_532 : i32
        %mul3A_534 = arith.constant 16 : i32
        %mul3A_535 = arith.muli %add3A_533, %mul3A_534 : i32
        %multiple_of3A_536 = tpu.assume_multiple %mul3A_535, 16 : i32
        %get3A_537 = arith.index_cast %multiple_of3A_536 : i32 to index
        %get3A_538 = tpu.vector_load %arg10[%get3A_537] {strides = array<i32>} : memref<2560xf32, #tpu.memory_space<vmem>>, vector<16xf32>,
        %get3A_539 = vector.shape_cast %get3A_538 : vector<16xf32> to vector<16xf32>
        %add3A_540 = arith.constant 6 : i32
        %add3A_541 = arith.addi %mul3A_492, %add3A_540 : i32
        %mul3A_542 = arith.constant 16 : i32
        %mul3A_543 = arith.muli %add3A_541, %mul3A_542 : i32
        %multiple_of3A_544 = tpu.assume_multiple %mul3A_543, 16 : i32
        %get3A_545 = arith.index_cast %multiple_of3A_544 : i32 to index
        %get3A_546 = tpu.vector_load %arg10[%get3A_545] {strides = array<i32>} : memref<2560xf32, #tpu.memory_space<vmem>>, vector<16xf32>,
        %get3A_547 = vector.shape_cast %get3A_546 : vector<16xf32> to vector<16xf32>
        %add3A_548 = arith.constant 14 : i32
        %add3A_549 = arith.addi %mul3A_492, %add3A_548 : i32
        %mul3A_550 = arith.constant 16 : i32
        %mul3A_551 = arith.muli %add3A_549, %mul3A_550 : i32
        %multiple_of3A_552 = tpu.assume_multiple %mul3A_551, 16 : i32
        %get3A_553 = arith.index_cast %multiple_of3A_552 : i32 to index
        %get3A_554 = tpu.vector_load %arg10[%get3A_553] {strides = array<i32>} : memref<2560xf32, #tpu.memory_space<vmem>>, vector<16xf32>,
        %get3A_555 = vector.shape_cast %get3A_554 : vector<16xf32> to vector<16xf32>
        %add3A_556 = arith.constant 1 : i32
        %add3A_557 = arith.addi %mul3A_492, %add3A_556 : i32
        %mul3A_558 = arith.constant 16 : i32
        %mul3A_559 = arith.muli %add3A_557, %mul3A_558 : i32
        %multiple_of3A_560 = tpu.assume_multiple %mul3A_559, 16 : i32
        %get3A_561 = arith.index_cast %multiple_of3A_560 : i32 to index
        %get3A_562 = tpu.vector_load %arg10[%get3A_561] {strides = array<i32>} : memref<2560xf32, #tpu.memory_space<vmem>>, vector<16xf32>,
        %get3A_563 = vector.shape_cast %get3A_562 : vector<16xf32> to vector<16xf32>
        %add3A_564 = arith.constant 9 : i32
        %add3A_565 = arith.addi %mul3A_492, %add3A_564 : i32
        %mul3A_566 = arith.constant 16 : i32
        %mul3A_567 = arith.muli %add3A_565, %mul3A_566 : i32
        %multiple_of3A_568 = tpu.assume_multiple %mul3A_567, 16 : i32
        %get3A_569 = arith.index_cast %multiple_of3A_568 : i32 to index
        %get3A_570 = tpu.vector_load %arg10[%get3A_569] {strides = array<i32>} : memref<2560xf32, #tpu.memory_space<vmem>>, vector<16xf32>,
        %get3A_571 = vector.shape_cast %get3A_570 : vector<16xf32> to vector<16xf32>
        %add3A_572 = arith.constant 5 : i32
        %add3A_573 = arith.addi %mul3A_492, %add3A_572 : i32
        %mul3A_574 = arith.constant 16 : i32
        %mul3A_575 = arith.muli %add3A_573, %mul3A_574 : i32
        %multiple_of3A_576 = tpu.assume_multiple %mul3A_575, 16 : i32
        %get3A_577 = arith.index_cast %multiple_of3A_576 : i32 to index
        %get3A_578 = tpu.vector_load %arg10[%get3A_577] {strides = array<i32>} : memref<2560xf32, #tpu.memory_space<vmem>>, vector<16xf32>,
        %get3A_579 = vector.shape_cast %get3A_578 : vector<16xf32> to vector<16xf32>
        %add3A_580 = arith.constant 13 : i32
        %add3A_581 = arith.addi %mul3A_492, %add3A_580 : i32
        %mul3A_582 = arith.constant 16 : i32
        %mul3A_583 = arith.muli %add3A_581, %mul3A_582 : i32
        %multiple_of3A_584 = tpu.assume_multiple %mul3A_583, 16 : i32
        %get3A_585 = arith.index_cast %multiple_of3A_584 : i32 to index
        %get3A_586 = tpu.vector_load %arg10[%get3A_585] {strides = array<i32>} : memref<2560xf32, #tpu.memory_space<vmem>>, vector<16xf32>,
        %get3A_587 = vector.shape_cast %get3A_586 : vector<16xf32> to vector<16xf32>
        %add3A_588 = arith.constant 3 : i32
        %add3A_589 = arith.addi %mul3A_492, %add3A_588 : i32
        %mul3A_590 = arith.constant 16 : i32
        %mul3A_591 = arith.muli %add3A_589, %mul3A_590 : i32
        %multiple_of3A_592 = tpu.assume_multiple %mul3A_591, 16 : i32
        %get3A_593 = arith.index_cast %multiple_of3A_592 : i32 to index
        %get3A_594 = tpu.vector_load %arg10[%get3A_593] {strides = array<i32>} : memref<2560xf32, #tpu.memory_space<vmem>>, vector<16xf32>,
        %get3A_595 = vector.shape_cast %get3A_594 : vector<16xf32> to vector<16xf32>
        %add3A_596 = arith.constant 11 : i32
        %add3A_597 = arith.addi %mul3A_492, %add3A_596 : i32
        %mul3A_598 = arith.constant 16 : i32
        %mul3A_599 = arith.muli %add3A_597, %mul3A_598 : i32
        %multiple_of3A_600 = tpu.assume_multiple %mul3A_599, 16 : i32
        %get3A_601 = arith.index_cast %multiple_of3A_600 : i32 to index
        %get3A_602 = tpu.vector_load %arg10[%get3A_601] {strides = array<i32>} : memref<2560xf32, #tpu.memory_space<vmem>>, vector<16xf32>,
        %get3A_603 = vector.shape_cast %get3A_602 : vector<16xf32> to vector<16xf32>
        %add3A_604 = arith.constant 7 : i32
        %add3A_605 = arith.addi %mul3A_492, %add3A_604 : i32
        %mul3A_606 = arith.constant 16 : i32
        %mul3A_607 = arith.muli %add3A_605, %mul3A_606 : i32
        %multiple_of3A_608 = tpu.assume_multiple %mul3A_607, 16 : i32
        %get3A_609 = arith.index_cast %multiple_of3A_608 : i32 to index
        %get3A_610 = tpu.vector_load %arg10[%get3A_609] {strides = array<i32>} : memref<2560xf32, #tpu.memory_space<vmem>>, vector<16xf32>,
        %get3A_611 = vector.shape_cast %get3A_610 : vector<16xf32> to vector<16xf32>
        %add3A_612 = arith.constant 15 : i32
        %add3A_613 = arith.addi %mul3A_492, %add3A_612 : i32
        %mul3A_614 = arith.constant 16 : i32
        %mul3A_615 = arith.muli %add3A_613, %mul3A_614 : i32
        %multiple_of3A_616 = tpu.assume_multiple %mul3A_615, 16 : i32
        %get3A_617 = arith.index_cast %multiple_of3A_616 : i32 to index
        %get3A_618 = tpu.vector_load %arg10[%get3A_617] {strides = array<i32>} : memref<2560xf32, #tpu.memory_space<vmem>>, vector<16xf32>,
        %get3A_619 = vector.shape_cast %get3A_618 : vector<16xf32> to vector<16xf32>
        %select_n3A_620 = arith.select %lt3A_127, %get3A_499, %get3A_507 : vector<16xi1>, vector<16xf32>
        %select_n3A_621 = arith.select %lt3A_127, %get3A_515, %get3A_523 : vector<16xi1>, vector<16xf32>
        %select_n3A_622 = arith.select %lt3A_127, %get3A_531, %get3A_539 : vector<16xi1>, vector<16xf32>
        %select_n3A_623 = arith.select %lt3A_127, %get3A_547, %get3A_555 : vector<16xi1>, vector<16xf32>
        %select_n3A_624 = arith.select %lt3A_127, %get3A_563, %get3A_571 : vector<16xi1>, vector<16xf32>
        %select_n3A_625 = arith.select %lt3A_127, %get3A_579, %get3A_587 : vector<16xi1>, vector<16xf32>
        %select_n3A_626 = arith.select %lt3A_127, %get3A_595, %get3A_603 : vector<16xi1>, vector<16xf32>
        %select_n3A_627 = arith.select %lt3A_127, %get3A_611, %get3A_619 : vector<16xi1>, vector<16xf32>
        %broadcast_in_dim3A = vector.shape_cast %or3A : vector<16xi32> to vector<16x1xi32>
        %gather3A = vector.shape_cast %broadcast_in_dim3A : vector<16x1xi32> to vector<16xi32>
        %gather3A_628 = tpu.dynamic_gather %select_n3A_620[%gather3A] in [0] : vector<16xf32>, vector<16xi32> -> vector<16xf32>
        %add3A_629 = arith.addf %select_n3A_620, %gather3A_628 : vector<16xf32>
        %broadcast_in_dim3A_630 = vector.shape_cast %or3A : vector<16xi32> to vector<16x1xi32>
        %gather3A_631 = vector.shape_cast %broadcast_in_dim3A_630 : vector<16x1xi32> to vector<16xi32>
        %gather3A_632 = tpu.dynamic_gather %select_n3A_621[%gather3A_631] in [0] : vector<16xf32>, vector<16xi32> -> vector<16xf32>
        %add3A_633 = arith.addf %select_n3A_621, %gather3A_632 : vector<16xf32>
        %broadcast_in_dim3A_634 = vector.shape_cast %or3A : vector<16xi32> to vector<16x1xi32>
        %gather3A_635 = vector.shape_cast %broadcast_in_dim3A_634 : vector<16x1xi32> to vector<16xi32>
        %gather3A_636 = tpu.dynamic_gather %select_n3A_622[%gather3A_635] in [0] : vector<16xf32>, vector<16xi32> -> vector<16xf32>
        %add3A_637 = arith.addf %select_n3A_622, %gather3A_636 : vector<16xf32>
        %broadcast_in_dim3A_638 = vector.shape_cast %or3A : vector<16xi32> to vector<16x1xi32>
        %gather3A_639 = vector.shape_cast %broadcast_in_dim3A_638 : vector<16x1xi32> to vector<16xi32>
        %gather3A_640 = tpu.dynamic_gather %select_n3A_623[%gather3A_639] in [0] : vector<16xf32>, vector<16xi32> -> vector<16xf32>
        %add3A_641 = arith.addf %select_n3A_623, %gather3A_640 : vector<16xf32>
        %broadcast_in_dim3A_642 = vector.shape_cast %or3A : vector<16xi32> to vector<16x1xi32>
        %gather3A_643 = vector.shape_cast %broadcast_in_dim3A_642 : vector<16x1xi32> to vector<16xi32>
        %gather3A_644 = tpu.dynamic_gather %select_n3A_624[%gather3A_643] in [0] : vector<16xf32>, vector<16xi32> -> vector<16xf32>
        %add3A_645 = arith.addf %select_n3A_624, %gather3A_644 : vector<16xf32>
        %broadcast_in_dim3A_646 = vector.shape_cast %or3A : vector<16xi32> to vector<16x1xi32>
        %gather3A_647 = vector.shape_cast %broadcast_in_dim3A_646 : vector<16x1xi32> to vector<16xi32>
        %gather3A_648 = tpu.dynamic_gather %select_n3A_625[%gather3A_647] in [0] : vector<16xf32>, vector<16xi32> -> vector<16xf32>
        %add3A_649 = arith.addf %select_n3A_625, %gather3A_648 : vector<16xf32>
        %broadcast_in_dim3A_650 = vector.shape_cast %or3A : vector<16xi32> to vector<16x1xi32>
        %gather3A_651 = vector.shape_cast %broadcast_in_dim3A_650 : vector<16x1xi32> to vector<16xi32>
        %gather3A_652 = tpu.dynamic_gather %select_n3A_626[%gather3A_651] in [0] : vector<16xf32>, vector<16xi32> -> vector<16xf32>
        %add3A_653 = arith.addf %select_n3A_626, %gather3A_652 : vector<16xf32>
        %broadcast_in_dim3A_654 = vector.shape_cast %or3A : vector<16xi32> to vector<16x1xi32>
        %gather3A_655 = vector.shape_cast %broadcast_in_dim3A_654 : vector<16x1xi32> to vector<16xi32>
        %gather3A_656 = tpu.dynamic_gather %select_n3A_627[%gather3A_655] in [0] : vector<16xf32>, vector<16xi32> -> vector<16xf32>
        %add3A_657 = arith.addf %select_n3A_627, %gather3A_656 : vector<16xf32>
        %broadcast_in_dim3A_658 = vector.shape_cast %select_n3A_74 : vector<16xi32> to vector<16x1xi32>
        %gather3A_659 = vector.shape_cast %broadcast_in_dim3A_658 : vector<16x1xi32> to vector<16xi32>
        %gather3A_660 = tpu.dynamic_gather %add3A_633[%gather3A_659] in [0] : vector<16xf32>, vector<16xi32> -> vector<16xf32>
        %select_n3A_661 = arith.select %eq3A_133, %add3A_629, %gather3A_660 : vector<16xi1>, vector<16xf32>
        %broadcast_in_dim3A_662 = vector.shape_cast %select_n3A_74 : vector<16xi32> to vector<16x1xi32>
        %gather3A_663 = vector.shape_cast %broadcast_in_dim3A_662 : vector<16x1xi32> to vector<16xi32>
        %gather3A_664 = tpu.dynamic_gather %add3A_641[%gather3A_663] in [0] : vector<16xf32>, vector<16xi32> -> vector<16xf32>
        %select_n3A_665 = arith.select %eq3A_133, %add3A_637, %gather3A_664 : vector<16xi1>, vector<16xf32>
        %broadcast_in_dim3A_666 = vector.shape_cast %select_n3A_74 : vector<16xi32> to vector<16x1xi32>
        %gather3A_667 = vector.shape_cast %broadcast_in_dim3A_666 : vector<16x1xi32> to vector<16xi32>
        %gather3A_668 = tpu.dynamic_gather %add3A_649[%gather3A_667] in [0] : vector<16xf32>, vector<16xi32> -> vector<16xf32>
        %select_n3A_669 = arith.select %eq3A_133, %add3A_645, %gather3A_668 : vector<16xi1>, vector<16xf32>
        %broadcast_in_dim3A_670 = vector.shape_cast %select_n3A_74 : vector<16xi32> to vector<16x1xi32>
        %gather3A_671 = vector.shape_cast %broadcast_in_dim3A_670 : vector<16x1xi32> to vector<16xi32>
        %gather3A_672 = tpu.dynamic_gather %add3A_657[%gather3A_671] in [0] : vector<16xf32>, vector<16xi32> -> vector<16xf32>
        %select_n3A_673 = arith.select %eq3A_133, %add3A_653, %gather3A_672 : vector<16xi1>, vector<16xf32>
        %broadcast_in_dim3A_674 = vector.shape_cast %or3A_39 : vector<16xi32> to vector<16x1xi32>
        %gather3A_675 = vector.shape_cast %broadcast_in_dim3A_674 : vector<16x1xi32> to vector<16xi32>
        %gather3A_676 = tpu.dynamic_gather %select_n3A_661[%gather3A_675] in [0] : vector<16xf32>, vector<16xi32> -> vector<16xf32>
        %add3A_677 = arith.addf %select_n3A_661, %gather3A_676 : vector<16xf32>
        %broadcast_in_dim3A_678 = vector.shape_cast %or3A_39 : vector<16xi32> to vector<16x1xi32>
        %gather3A_679 = vector.shape_cast %broadcast_in_dim3A_678 : vector<16x1xi32> to vector<16xi32>
        %gather3A_680 = tpu.dynamic_gather %select_n3A_665[%gather3A_679] in [0] : vector<16xf32>, vector<16xi32> -> vector<16xf32>
        %add3A_681 = arith.addf %select_n3A_665, %gather3A_680 : vector<16xf32>
        %broadcast_in_dim3A_682 = vector.shape_cast %or3A_39 : vector<16xi32> to vector<16x1xi32>
        %gather3A_683 = vector.shape_cast %broadcast_in_dim3A_682 : vector<16x1xi32> to vector<16xi32>
        %gather3A_684 = tpu.dynamic_gather %select_n3A_669[%gather3A_683] in [0] : vector<16xf32>, vector<16xi32> -> vector<16xf32>
        %add3A_685 = arith.addf %select_n3A_669, %gather3A_684 : vector<16xf32>
        %broadcast_in_dim3A_686 = vector.shape_cast %or3A_39 : vector<16xi32> to vector<16x1xi32>
        %gather3A_687 = vector.shape_cast %broadcast_in_dim3A_686 : vector<16x1xi32> to vector<16xi32>
        %gather3A_688 = tpu.dynamic_gather %select_n3A_673[%gather3A_687] in [0] : vector<16xf32>, vector<16xi32> -> vector<16xf32>
        %add3A_689 = arith.addf %select_n3A_673, %gather3A_688 : vector<16xf32>
        %broadcast_in_dim3A_690 = vector.shape_cast %select_n3A_99 : vector<16xi32> to vector<16x1xi32>
        %gather3A_691 = vector.shape_cast %broadcast_in_dim3A_690 : vector<16x1xi32> to vector<16xi32>
        %gather3A_692 = tpu.dynamic_gather %add3A_681[%gather3A_691] in [0] : vector<16xf32>, vector<16xi32> -> vector<16xf32>
        %select_n3A_693 = arith.select %eq3A_139, %add3A_677, %gather3A_692 : vector<16xi1>, vector<16xf32>
        %broadcast_in_dim3A_694 = vector.shape_cast %select_n3A_99 : vector<16xi32> to vector<16x1xi32>
        %gather3A_695 = vector.shape_cast %broadcast_in_dim3A_694 : vector<16x1xi32> to vector<16xi32>
        %gather3A_696 = tpu.dynamic_gather %add3A_689[%gather3A_695] in [0] : vector<16xf32>, vector<16xi32> -> vector<16xf32>
        %select_n3A_697 = arith.select %eq3A_139, %add3A_685, %gather3A_696 : vector<16xi1>, vector<16xf32>
        %broadcast_in_dim3A_698 = vector.shape_cast %or3A_49 : vector<16xi32> to vector<16x1xi32>
        %gather3A_699 = vector.shape_cast %broadcast_in_dim3A_698 : vector<16x1xi32> to vector<16xi32>
        %gather3A_700 = tpu.dynamic_gather %select_n3A_693[%gather3A_699] in [0] : vector<16xf32>, vector<16xi32> -> vector<16xf32>
        %add3A_701 = arith.addf %select_n3A_693, %gather3A_700 : vector<16xf32>
        %broadcast_in_dim3A_702 = vector.shape_cast %or3A_49 : vector<16xi32> to vector<16x1xi32>
        %gather3A_703 = vector.shape_cast %broadcast_in_dim3A_702 : vector<16x1xi32> to vector<16xi32>
        %gather3A_704 = tpu.dynamic_gather %select_n3A_697[%gather3A_703] in [0] : vector<16xf32>, vector<16xi32> -> vector<16xf32>
        %add3A_705 = arith.addf %select_n3A_697, %gather3A_704 : vector<16xf32>
        %broadcast_in_dim3A_706 = vector.shape_cast %select_n3A_124 : vector<16xi32> to vector<16x1xi32>
        %gather3A_707 = vector.shape_cast %broadcast_in_dim3A_706 : vector<16x1xi32> to vector<16xi32>
        %gather3A_708 = tpu.dynamic_gather %add3A_705[%gather3A_707] in [0] : vector<16xf32>, vector<16xi32> -> vector<16xf32>
        %select_n3A_709 = arith.select %eq3A_145, %add3A_701, %gather3A_708 : vector<16xi1>, vector<16xf32>
        %add3A_710 = arith.addi %multiple_of3A_480, %mul3A_492 : i32
        %swap3A = arith.index_cast %add3A_710 : i32 to index
        %swap3A_711 = tpu.vector_load %arg11[%swap3A] {strides = array<i32>} : memref<10000xf32, #tpu.memory_space<vmem>>, vector<16xf32>,
        %swap3A_712 = vector.shape_cast %swap3A_711 : vector<16xf32> to vector<16xf32>
        %swap3A_713 = vector.shape_cast %select_n3A_709 : vector<16xf32> to vector<16xf32>
        tpu.vector_store %arg11[%swap3A], %swap3A_713 {strides = array<i32>} : memref<10000xf32, #tpu.memory_space<vmem>>, vector<16xf32>,
      }
      %scan3A_489 = arith.constant 10 : i32
    }
    %scan3A_185 = arith.constant 30 : i32
    %multiple_of3A_186 = arith.constant 9760 : i32
    %multiple_of3A_187 = tpu.assume_multiple %multiple_of3A_186, 80 : i32
    %dma_start3A_188 = arith.constant 0 : i32
    %dma_start3A_189 = arith.constant 0 : i32
    %dma_start3A_190 = tpu.memref_slice %arg8[%dma_start3A_188, %dma_start3A_189] : memref<160x128xf32, #tpu.memory_space<vmem>> -> memref<80x128xf32, #tpu.memory_space<vmem>>
    %dma_start3A_191 = tpu.memref_slice %arg12[%multiple_of3A_187] : memref<10000xi32, #tpu.memory_space<vmem>> -> memref<80xi32, #tpu.memory_space<vmem>>
    %dma_start3A_192 = arith.constant 0 : i32
    %dma_start3A_193 = arith.constant 0 : i32
    %dma_start3A_194 = tpu.memref_slice %arg4[%dma_start3A_192, %dma_start3A_193] : memref<10000x128xf32, #tpu.memory_space<hbm>> -> memref<10000x128xf32, #tpu.memory_space<hbm>>
    tpu.enqueue_indirect_dma source(%dma_start3A_194 : memref<10000x128xf32, #tpu.memory_space<hbm>>) target(%dma_start3A_190 : memref<80x128xf32, #tpu.memory_space<vmem>>) offsets(%dma_start3A_191 : memref<80xi32, #tpu.memory_space<vmem>>) semaphore(%arg16 : memref<!tpu.dma_semaphore, #tpu.memory_space<semaphore_mem>>)
    %dma_start3A_195 = arith.constant 0 : i32
    %dma_start3A_196 = arith.constant 0 : i32
    %dma_start3A_197 = tpu.memref_slice %arg9[%dma_start3A_195, %dma_start3A_196] : memref<160x128xf32, #tpu.memory_space<vmem>> -> memref<80x128xf32, #tpu.memory_space<vmem>>
    %dma_start3A_198 = tpu.memref_slice %arg13[%multiple_of3A_187] : memref<10000xi32, #tpu.memory_space<vmem>> -> memref<80xi32, #tpu.memory_space<vmem>>
    %dma_start3A_199 = arith.constant 0 : i32
    %dma_start3A_200 = arith.constant 0 : i32
    %dma_start3A_201 = tpu.memref_slice %arg4[%dma_start3A_199, %dma_start3A_200] : memref<10000x128xf32, #tpu.memory_space<hbm>> -> memref<10000x128xf32, #tpu.memory_space<hbm>>
    tpu.enqueue_indirect_dma source(%dma_start3A_201 : memref<10000x128xf32, #tpu.memory_space<hbm>>) target(%dma_start3A_197 : memref<80x128xf32, #tpu.memory_space<vmem>>) offsets(%dma_start3A_198 : memref<80xi32, #tpu.memory_space<vmem>>) semaphore(%arg17 : memref<!tpu.dma_semaphore, #tpu.memory_space<semaphore_mem>>)
    %multiple_of3A_202 = arith.constant 9840 : i32
    %multiple_of3A_203 = tpu.assume_multiple %multiple_of3A_202, 80 : i32
    %dma_start3A_204 = arith.constant 80 : i32
    %dma_start3A_205 = arith.constant 0 : i32
    %dma_start3A_206 = tpu.memref_slice %arg8[%dma_start3A_204, %dma_start3A_205] : memref<160x128xf32, #tpu.memory_space<vmem>> -> memref<80x128xf32, #tpu.memory_space<vmem>>
    %dma_start3A_207 = tpu.memref_slice %arg12[%multiple_of3A_203] : memref<10000xi32, #tpu.memory_space<vmem>> -> memref<80xi32, #tpu.memory_space<vmem>>
    %dma_start3A_208 = arith.constant 0 : i32
    %dma_start3A_209 = arith.constant 0 : i32
    %dma_start3A_210 = tpu.memref_slice %arg4[%dma_start3A_208, %dma_start3A_209] : memref<10000x128xf32, #tpu.memory_space<hbm>> -> memref<10000x128xf32, #tpu.memory_space<hbm>>
    tpu.enqueue_indirect_dma source(%dma_start3A_210 : memref<10000x128xf32, #tpu.memory_space<hbm>>) target(%dma_start3A_206 : memref<80x128xf32, #tpu.memory_space<vmem>>) offsets(%dma_start3A_207 : memref<80xi32, #tpu.memory_space<vmem>>) semaphore(%arg16 : memref<!tpu.dma_semaphore, #tpu.memory_space<semaphore_mem>>)
    %dma_start3A_211 = arith.constant 80 : i32
    %dma_start3A_212 = arith.constant 0 : i32
    %dma_start3A_213 = tpu.memref_slice %arg9[%dma_start3A_211, %dma_start3A_212] : memref<160x128xf32, #tpu.memory_space<vmem>> -> memref<80x128xf32, #tpu.memory_space<vmem>>
    %dma_start3A_214 = tpu.memref_slice %arg13[%multiple_of3A_203] : memref<10000xi32, #tpu.memory_space<vmem>> -> memref<80xi32, #tpu.memory_space<vmem>>
    %dma_start3A_215 = arith.constant 0 : i32
    %dma_start3A_216 = arith.constant 0 : i32
    %dma_start3A_217 = tpu.memref_slice %arg4[%dma_start3A_215, %dma_start3A_216] : memref<10000x128xf32, #tpu.memory_space<hbm>> -> memref<10000x128xf32, #tpu.memory_space<hbm>>
    tpu.enqueue_indirect_dma source(%dma_start3A_217 : memref<10000x128xf32, #tpu.memory_space<hbm>>) target(%dma_start3A_213 : memref<80x128xf32, #tpu.memory_space<vmem>>) offsets(%dma_start3A_214 : memref<80xi32, #tpu.memory_space<vmem>>) semaphore(%arg17 : memref<!tpu.dma_semaphore, #tpu.memory_space<semaphore_mem>>)
    %dma_wait3A = arith.constant 0 : i32
    %dma_wait3A_218 = arith.constant 0 : i32
    %dma_wait3A_219 = tpu.memref_slice %arg6[%dma_wait3A, %dma_wait3A_218] : memref<160x128xf32, #tpu.memory_space<vmem>> -> memref<160x128xf32, #tpu.memory_space<vmem>>
    %dma_wait3A_220 = arith.constant 0 : i32
    %dma_wait3A_221 = arith.constant 0 : i32
    %dma_wait3A_222 = tpu.memref_slice %arg4[%dma_wait3A_220, %dma_wait3A_221] : memref<10000x128xf32, #tpu.memory_space<hbm>> -> memref<160x128xf32, #tpu.memory_space<hbm>>
    %dma_wait3A_223 = arith.constant 0 : i32
    %dma_wait3A_224 = arith.constant 0 : i32
    %dma_wait3A_225 = tpu.memref_slice %arg6[%dma_wait3A_223, %dma_wait3A_224] : memref<160x128xf32, #tpu.memory_space<vmem>> -> memref<160x128xf32, #tpu.memory_space<vmem>>
    %dma_wait3A_226 = arith.constant 0 : i32
    %dma_wait3A_227 = arith.constant 0 : i32
    %dma_wait3A_228 = tpu.memref_slice %arg4[%dma_wait3A_226, %dma_wait3A_227] : memref<10000x128xf32, #tpu.memory_space<hbm>> -> memref<160x128xf32, #tpu.memory_space<hbm>>
    tpu.wait_dma2 semaphore(%arg14 : memref<!tpu.dma_semaphore, #tpu.memory_space<semaphore_mem>>) src(%dma_wait3A_228 : memref<160x128xf32, #tpu.memory_space<hbm>>) dst(%dma_wait3A_225 : memref<160x128xf32, #tpu.memory_space<vmem>>)
    %dma_wait3A_229 = arith.constant 0 : i32
    %dma_wait3A_230 = arith.constant 0 : i32
    %dma_wait3A_231 = tpu.memref_slice %arg7[%dma_wait3A_229, %dma_wait3A_230] : memref<160x128xf32, #tpu.memory_space<vmem>> -> memref<160x128xf32, #tpu.memory_space<vmem>>
    %dma_wait3A_232 = arith.constant 0 : i32
    %dma_wait3A_233 = arith.constant 0 : i32
    %dma_wait3A_234 = tpu.memref_slice %arg4[%dma_wait3A_232, %dma_wait3A_233] : memref<10000x128xf32, #tpu.memory_space<hbm>> -> memref<160x128xf32, #tpu.memory_space<hbm>>
    %dma_wait3A_235 = arith.constant 0 : i32
    %dma_wait3A_236 = arith.constant 0 : i32
    %dma_wait3A_237 = tpu.memref_slice %arg7[%dma_wait3A_235, %dma_wait3A_236] : memref<160x128xf32, #tpu.memory_space<vmem>> -> memref<160x128xf32, #tpu.memory_space<vmem>>
    %dma_wait3A_238 = arith.constant 0 : i32
    %dma_wait3A_239 = arith.constant 0 : i32
    %dma_wait3A_240 = tpu.memref_slice %arg4[%dma_wait3A_238, %dma_wait3A_239] : memref<10000x128xf32, #tpu.memory_space<hbm>> -> memref<160x128xf32, #tpu.memory_space<hbm>>
    tpu.wait_dma2 semaphore(%arg15 : memref<!tpu.dma_semaphore, #tpu.memory_space<semaphore_mem>>) src(%dma_wait3A_240 : memref<160x128xf32, #tpu.memory_space<hbm>>) dst(%dma_wait3A_237 : memref<160x128xf32, #tpu.memory_space<vmem>>)
    %parallel_loop3A = arith.constant 0 : i32
    %parallel_loop3A_241 = arith.constant 160 : i32
    %parallel_loop3A_242 = arith.constant 1 : i32
    scf.for %parallel_loop3A_335 = %parallel_loop3A to %parallel_loop3A_241 step %parallel_loop3A_242  : i32 {
      %parallel_loop3A_336 = arith.index_cast %parallel_loop3A_335 : i32 to index
      %parallel_loop3A_337 = arith.constant 0 : index
      %parallel_loop3A_338 = tpu.vector_load %arg6[%parallel_loop3A_336, %parallel_loop3A_337] {strides = array<i32>} : memref<160x128xf32, #tpu.memory_space<vmem>>, vector<1x16xf32>,
      %parallel_loop3A_339 = vector.shape_cast %parallel_loop3A_338 : vector<1x16xf32> to vector<16xf32>
      %parallel_loop3A_340 = arith.index_cast %parallel_loop3A_335 : i32 to index
      %parallel_loop3A_341 = arith.constant 0 : index
      %parallel_loop3A_342 = tpu.vector_load %arg7[%parallel_loop3A_340, %parallel_loop3A_341] {strides = array<i32>} : memref<160x128xf32, #tpu.memory_space<vmem>>, vector<1x16xf32>,
      %parallel_loop3A_343 = vector.shape_cast %parallel_loop3A_342 : vector<1x16xf32> to vector<16xf32>
      %parallel_loop3A_344 = arith.mulf %parallel_loop3A_339, %parallel_loop3A_343 : vector<16xf32>
      %parallel_loop3A_345 = arith.index_cast %parallel_loop3A_335 : i32 to index
      %parallel_loop3A_346 = arith.constant 16 : index
      %parallel_loop3A_347 = tpu.vector_load %arg6[%parallel_loop3A_345, %parallel_loop3A_346] {strides = array<i32>} : memref<160x128xf32, #tpu.memory_space<vmem>>, vector<1x16xf32>,
      %parallel_loop3A_348 = vector.shape_cast %parallel_loop3A_347 : vector<1x16xf32> to vector<16xf32>
      %parallel_loop3A_349 = arith.index_cast %parallel_loop3A_335 : i32 to index
      %parallel_loop3A_350 = arith.constant 16 : index
      %parallel_loop3A_351 = tpu.vector_load %arg7[%parallel_loop3A_349, %parallel_loop3A_350] {strides = array<i32>} : memref<160x128xf32, #tpu.memory_space<vmem>>, vector<1x16xf32>,
      %parallel_loop3A_352 = vector.shape_cast %parallel_loop3A_351 : vector<1x16xf32> to vector<16xf32>
      %parallel_loop3A_353 = arith.mulf %parallel_loop3A_348, %parallel_loop3A_352 : vector<16xf32>
      %parallel_loop3A_354 = arith.index_cast %parallel_loop3A_335 : i32 to index
      %parallel_loop3A_355 = arith.constant 32 : index
      %parallel_loop3A_356 = tpu.vector_load %arg6[%parallel_loop3A_354, %parallel_loop3A_355] {strides = array<i32>} : memref<160x128xf32, #tpu.memory_space<vmem>>, vector<1x16xf32>,
      %parallel_loop3A_357 = vector.shape_cast %parallel_loop3A_356 : vector<1x16xf32> to vector<16xf32>
      %parallel_loop3A_358 = arith.index_cast %parallel_loop3A_335 : i32 to index
      %parallel_loop3A_359 = arith.constant 32 : index
      %parallel_loop3A_360 = tpu.vector_load %arg7[%parallel_loop3A_358, %parallel_loop3A_359] {strides = array<i32>} : memref<160x128xf32, #tpu.memory_space<vmem>>, vector<1x16xf32>,
      %parallel_loop3A_361 = vector.shape_cast %parallel_loop3A_360 : vector<1x16xf32> to vector<16xf32>
      %parallel_loop3A_362 = arith.mulf %parallel_loop3A_357, %parallel_loop3A_361 : vector<16xf32>
      %parallel_loop3A_363 = arith.index_cast %parallel_loop3A_335 : i32 to index
      %parallel_loop3A_364 = arith.constant 48 : index
      %parallel_loop3A_365 = tpu.vector_load %arg6[%parallel_loop3A_363, %parallel_loop3A_364] {strides = array<i32>} : memref<160x128xf32, #tpu.memory_space<vmem>>, vector<1x16xf32>,
      %parallel_loop3A_366 = vector.shape_cast %parallel_loop3A_365 : vector<1x16xf32> to vector<16xf32>
      %parallel_loop3A_367 = arith.index_cast %parallel_loop3A_335 : i32 to index
      %parallel_loop3A_368 = arith.constant 48 : index
      %parallel_loop3A_369 = tpu.vector_load %arg7[%parallel_loop3A_367, %parallel_loop3A_368] {strides = array<i32>} : memref<160x128xf32, #tpu.memory_space<vmem>>, vector<1x16xf32>,
      %parallel_loop3A_370 = vector.shape_cast %parallel_loop3A_369 : vector<1x16xf32> to vector<16xf32>
      %parallel_loop3A_371 = arith.mulf %parallel_loop3A_366, %parallel_loop3A_370 : vector<16xf32>
      %parallel_loop3A_372 = arith.index_cast %parallel_loop3A_335 : i32 to index
      %parallel_loop3A_373 = arith.constant 64 : index
      %parallel_loop3A_374 = tpu.vector_load %arg6[%parallel_loop3A_372, %parallel_loop3A_373] {strides = array<i32>} : memref<160x128xf32, #tpu.memory_space<vmem>>, vector<1x16xf32>,
      %parallel_loop3A_375 = vector.shape_cast %parallel_loop3A_374 : vector<1x16xf32> to vector<16xf32>
      %parallel_loop3A_376 = arith.index_cast %parallel_loop3A_335 : i32 to index
      %parallel_loop3A_377 = arith.constant 64 : index
      %parallel_loop3A_378 = tpu.vector_load %arg7[%parallel_loop3A_376, %parallel_loop3A_377] {strides = array<i32>} : memref<160x128xf32, #tpu.memory_space<vmem>>, vector<1x16xf32>,
      %parallel_loop3A_379 = vector.shape_cast %parallel_loop3A_378 : vector<1x16xf32> to vector<16xf32>
      %parallel_loop3A_380 = arith.mulf %parallel_loop3A_375, %parallel_loop3A_379 : vector<16xf32>
      %parallel_loop3A_381 = arith.index_cast %parallel_loop3A_335 : i32 to index
      %parallel_loop3A_382 = arith.constant 80 : index
      %parallel_loop3A_383 = tpu.vector_load %arg6[%parallel_loop3A_381, %parallel_loop3A_382] {strides = array<i32>} : memref<160x128xf32, #tpu.memory_space<vmem>>, vector<1x16xf32>,
      %parallel_loop3A_384 = vector.shape_cast %parallel_loop3A_383 : vector<1x16xf32> to vector<16xf32>
      %parallel_loop3A_385 = arith.index_cast %parallel_loop3A_335 : i32 to index
      %parallel_loop3A_386 = arith.constant 80 : index
      %parallel_loop3A_387 = tpu.vector_load %arg7[%parallel_loop3A_385, %parallel_loop3A_386] {strides = array<i32>} : memref<160x128xf32, #tpu.memory_space<vmem>>, vector<1x16xf32>,
      %parallel_loop3A_388 = vector.shape_cast %parallel_loop3A_387 : vector<1x16xf32> to vector<16xf32>
      %parallel_loop3A_389 = arith.mulf %parallel_loop3A_384, %parallel_loop3A_388 : vector<16xf32>
      %parallel_loop3A_390 = arith.index_cast %parallel_loop3A_335 : i32 to index
      %parallel_loop3A_391 = arith.constant 96 : index
      %parallel_loop3A_392 = tpu.vector_load %arg6[%parallel_loop3A_390, %parallel_loop3A_391] {strides = array<i32>} : memref<160x128xf32, #tpu.memory_space<vmem>>, vector<1x16xf32>,
      %parallel_loop3A_393 = vector.shape_cast %parallel_loop3A_392 : vector<1x16xf32> to vector<16xf32>
      %parallel_loop3A_394 = arith.index_cast %parallel_loop3A_335 : i32 to index
      %parallel_loop3A_395 = arith.constant 96 : index
      %parallel_loop3A_396 = tpu.vector_load %arg7[%parallel_loop3A_394, %parallel_loop3A_395] {strides = array<i32>} : memref<160x128xf32, #tpu.memory_space<vmem>>, vector<1x16xf32>,
      %parallel_loop3A_397 = vector.shape_cast %parallel_loop3A_396 : vector<1x16xf32> to vector<16xf32>
      %parallel_loop3A_398 = arith.mulf %parallel_loop3A_393, %parallel_loop3A_397 : vector<16xf32>
      %parallel_loop3A_399 = arith.index_cast %parallel_loop3A_335 : i32 to index
      %parallel_loop3A_400 = arith.constant 112 : index
      %parallel_loop3A_401 = tpu.vector_load %arg6[%parallel_loop3A_399, %parallel_loop3A_400] {strides = array<i32>} : memref<160x128xf32, #tpu.memory_space<vmem>>, vector<1x16xf32>,
      %parallel_loop3A_402 = vector.shape_cast %parallel_loop3A_401 : vector<1x16xf32> to vector<16xf32>
      %parallel_loop3A_403 = arith.index_cast %parallel_loop3A_335 : i32 to index
      %parallel_loop3A_404 = arith.constant 112 : index
      %parallel_loop3A_405 = tpu.vector_load %arg7[%parallel_loop3A_403, %parallel_loop3A_404] {strides = array<i32>} : memref<160x128xf32, #tpu.memory_space<vmem>>, vector<1x16xf32>,
      %parallel_loop3A_406 = vector.shape_cast %parallel_loop3A_405 : vector<1x16xf32> to vector<16xf32>
      %parallel_loop3A_407 = arith.mulf %parallel_loop3A_402, %parallel_loop3A_406 : vector<16xf32>
      %parallel_loop3A_408 = arith.addf %parallel_loop3A_344, %parallel_loop3A_353 : vector<16xf32>
      %parallel_loop3A_409 = arith.addf %parallel_loop3A_362, %parallel_loop3A_371 : vector<16xf32>
      %parallel_loop3A_410 = arith.addf %parallel_loop3A_380, %parallel_loop3A_389 : vector<16xf32>
      %parallel_loop3A_411 = arith.addf %parallel_loop3A_398, %parallel_loop3A_407 : vector<16xf32>
      %parallel_loop3A_412 = arith.addf %parallel_loop3A_408, %parallel_loop3A_409 : vector<16xf32>
      %parallel_loop3A_413 = arith.addf %parallel_loop3A_410, %parallel_loop3A_411 : vector<16xf32>
      %parallel_loop3A_414 = arith.addf %parallel_loop3A_412, %parallel_loop3A_413 : vector<16xf32>
      %parallel_loop3A_415 = vector.shape_cast %select_n3A_20 : vector<16xi32> to vector<16x1xi32>
      %parallel_loop3A_416 = vector.shape_cast %parallel_loop3A_415 : vector<16x1xi32> to vector<16xi32>
      %parallel_loop3A_417 = tpu.dynamic_gather %parallel_loop3A_414[%parallel_loop3A_416] in [0] : vector<16xf32>, vector<16xi32> -> vector<16xf32>
      %parallel_loop3A_418 = arith.addf %parallel_loop3A_414, %parallel_loop3A_417 : vector<16xf32>
      %parallel_loop3A_419 = arith.constant 16 : i32
      %parallel_loop3A_420 = arith.muli %parallel_loop3A_335, %parallel_loop3A_419 : i32
      %parallel_loop3A_421 = tpu.assume_multiple %parallel_loop3A_420, 16 : i32
      %parallel_loop3A_422 = arith.index_cast %parallel_loop3A_421 : i32 to index
      %parallel_loop3A_423 = tpu.vector_load %arg10[%parallel_loop3A_422] {strides = array<i32>} : memref<2560xf32, #tpu.memory_space<vmem>>, vector<16xf32>,
      %parallel_loop3A_424 = vector.shape_cast %parallel_loop3A_423 : vector<16xf32> to vector<16xf32>
      %parallel_loop3A_425 = vector.shape_cast %parallel_loop3A_418 : vector<16xf32> to vector<16xf32>
      tpu.vector_store %arg10[%parallel_loop3A_422], %parallel_loop3A_425 {strides = array<i32>} : memref<2560xf32, #tpu.memory_space<vmem>>, vector<16xf32>,
    } {sc.loop_unroll_factor = 8 : i64, sc.parallel_access}
    %scan3A_243 = arith.constant 0 : i32
    %scan3A_244 = arith.constant 0 : i32
    %scan3A_245 = arith.constant 10 : i32
    %scan3A_246 = arith.addi %scan3A_244, %scan3A_245 : i32
    %scan3A_247 = arith.constant 1 : i32
    scf.for %scan3A_335 = %scan3A_244 to %scan3A_246 step %scan3A_247  : i32 {
      %mul3A_336 = arith.constant 16 : i32
      %mul3A_337 = arith.muli %scan3A_335, %mul3A_336 : i32
      %add3A_338 = arith.constant 0 : i32
      %add3A_339 = arith.addi %mul3A_337, %add3A_338 : i32
      %mul3A_340 = arith.constant 16 : i32
      %mul3A_341 = arith.muli %add3A_339, %mul3A_340 : i32
      %multiple_of3A_342 = tpu.assume_multiple %mul3A_341, 16 : i32
      %get3A = arith.index_cast %multiple_of3A_342 : i32 to index
      %get3A_343 = tpu.vector_load %arg10[%get3A] {strides = array<i32>} : memref<2560xf32, #tpu.memory_space<vmem>>, vector<16xf32>,
      %get3A_344 = vector.shape_cast %get3A_343 : vector<16xf32> to vector<16xf32>
      %add3A_345 = arith.constant 8 : i32
      %add3A_346 = arith.addi %mul3A_337, %add3A_345 : i32
      %mul3A_347 = arith.constant 16 : i32
      %mul3A_348 = arith.muli %add3A_346, %mul3A_347 : i32
      %multiple_of3A_349 = tpu.assume_multiple %mul3A_348, 16 : i32
      %get3A_350 = arith.index_cast %multiple_of3A_349 : i32 to index
      %get3A_351 = tpu.vector_load %arg10[%get3A_350] {strides = array<i32>} : memref<2560xf32, #tpu.memory_space<vmem>>, vector<16xf32>,
      %get3A_352 = vector.shape_cast %get3A_351 : vector<16xf32> to vector<16xf32>
      %add3A_353 = arith.constant 4 : i32
      %add3A_354 = arith.addi %mul3A_337, %add3A_353 : i32
      %mul3A_355 = arith.constant 16 : i32
      %mul3A_356 = arith.muli %add3A_354, %mul3A_355 : i32
      %multiple_of3A_357 = tpu.assume_multiple %mul3A_356, 16 : i32
      %get3A_358 = arith.index_cast %multiple_of3A_357 : i32 to index
      %get3A_359 = tpu.vector_load %arg10[%get3A_358] {strides = array<i32>} : memref<2560xf32, #tpu.memory_space<vmem>>, vector<16xf32>,
      %get3A_360 = vector.shape_cast %get3A_359 : vector<16xf32> to vector<16xf32>
      %add3A_361 = arith.constant 12 : i32
      %add3A_362 = arith.addi %mul3A_337, %add3A_361 : i32
      %mul3A_363 = arith.constant 16 : i32
      %mul3A_364 = arith.muli %add3A_362, %mul3A_363 : i32
      %multiple_of3A_365 = tpu.assume_multiple %mul3A_364, 16 : i32
      %get3A_366 = arith.index_cast %multiple_of3A_365 : i32 to index
      %get3A_367 = tpu.vector_load %arg10[%get3A_366] {strides = array<i32>} : memref<2560xf32, #tpu.memory_space<vmem>>, vector<16xf32>,
      %get3A_368 = vector.shape_cast %get3A_367 : vector<16xf32> to vector<16xf32>
      %add3A_369 = arith.constant 2 : i32
      %add3A_370 = arith.addi %mul3A_337, %add3A_369 : i32
      %mul3A_371 = arith.constant 16 : i32
      %mul3A_372 = arith.muli %add3A_370, %mul3A_371 : i32
      %multiple_of3A_373 = tpu.assume_multiple %mul3A_372, 16 : i32
      %get3A_374 = arith.index_cast %multiple_of3A_373 : i32 to index
      %get3A_375 = tpu.vector_load %arg10[%get3A_374] {strides = array<i32>} : memref<2560xf32, #tpu.memory_space<vmem>>, vector<16xf32>,
      %get3A_376 = vector.shape_cast %get3A_375 : vector<16xf32> to vector<16xf32>
      %add3A_377 = arith.constant 10 : i32
      %add3A_378 = arith.addi %mul3A_337, %add3A_377 : i32
      %mul3A_379 = arith.constant 16 : i32
      %mul3A_380 = arith.muli %add3A_378, %mul3A_379 : i32
      %multiple_of3A_381 = tpu.assume_multiple %mul3A_380, 16 : i32
      %get3A_382 = arith.index_cast %multiple_of3A_381 : i32 to index
      %get3A_383 = tpu.vector_load %arg10[%get3A_382] {strides = array<i32>} : memref<2560xf32, #tpu.memory_space<vmem>>, vector<16xf32>,
      %get3A_384 = vector.shape_cast %get3A_383 : vector<16xf32> to vector<16xf32>
      %add3A_385 = arith.constant 6 : i32
      %add3A_386 = arith.addi %mul3A_337, %add3A_385 : i32
      %mul3A_387 = arith.constant 16 : i32
      %mul3A_388 = arith.muli %add3A_386, %mul3A_387 : i32
      %multiple_of3A_389 = tpu.assume_multiple %mul3A_388, 16 : i32
      %get3A_390 = arith.index_cast %multiple_of3A_389 : i32 to index
      %get3A_391 = tpu.vector_load %arg10[%get3A_390] {strides = array<i32>} : memref<2560xf32, #tpu.memory_space<vmem>>, vector<16xf32>,
      %get3A_392 = vector.shape_cast %get3A_391 : vector<16xf32> to vector<16xf32>
      %add3A_393 = arith.constant 14 : i32
      %add3A_394 = arith.addi %mul3A_337, %add3A_393 : i32
      %mul3A_395 = arith.constant 16 : i32
      %mul3A_396 = arith.muli %add3A_394, %mul3A_395 : i32
      %multiple_of3A_397 = tpu.assume_multiple %mul3A_396, 16 : i32
      %get3A_398 = arith.index_cast %multiple_of3A_397 : i32 to index
      %get3A_399 = tpu.vector_load %arg10[%get3A_398] {strides = array<i32>} : memref<2560xf32, #tpu.memory_space<vmem>>, vector<16xf32>,
      %get3A_400 = vector.shape_cast %get3A_399 : vector<16xf32> to vector<16xf32>
      %add3A_401 = arith.constant 1 : i32
      %add3A_402 = arith.addi %mul3A_337, %add3A_401 : i32
      %mul3A_403 = arith.constant 16 : i32
      %mul3A_404 = arith.muli %add3A_402, %mul3A_403 : i32
      %multiple_of3A_405 = tpu.assume_multiple %mul3A_404, 16 : i32
      %get3A_406 = arith.index_cast %multiple_of3A_405 : i32 to index
      %get3A_407 = tpu.vector_load %arg10[%get3A_406] {strides = array<i32>} : memref<2560xf32, #tpu.memory_space<vmem>>, vector<16xf32>,
      %get3A_408 = vector.shape_cast %get3A_407 : vector<16xf32> to vector<16xf32>
      %add3A_409 = arith.constant 9 : i32
      %add3A_410 = arith.addi %mul3A_337, %add3A_409 : i32
      %mul3A_411 = arith.constant 16 : i32
      %mul3A_412 = arith.muli %add3A_410, %mul3A_411 : i32
      %multiple_of3A_413 = tpu.assume_multiple %mul3A_412, 16 : i32
      %get3A_414 = arith.index_cast %multiple_of3A_413 : i32 to index
      %get3A_415 = tpu.vector_load %arg10[%get3A_414] {strides = array<i32>} : memref<2560xf32, #tpu.memory_space<vmem>>, vector<16xf32>,
      %get3A_416 = vector.shape_cast %get3A_415 : vector<16xf32> to vector<16xf32>
      %add3A_417 = arith.constant 5 : i32
      %add3A_418 = arith.addi %mul3A_337, %add3A_417 : i32
      %mul3A_419 = arith.constant 16 : i32
      %mul3A_420 = arith.muli %add3A_418, %mul3A_419 : i32
      %multiple_of3A_421 = tpu.assume_multiple %mul3A_420, 16 : i32
      %get3A_422 = arith.index_cast %multiple_of3A_421 : i32 to index
      %get3A_423 = tpu.vector_load %arg10[%get3A_422] {strides = array<i32>} : memref<2560xf32, #tpu.memory_space<vmem>>, vector<16xf32>,
      %get3A_424 = vector.shape_cast %get3A_423 : vector<16xf32> to vector<16xf32>
      %add3A_425 = arith.constant 13 : i32
      %add3A_426 = arith.addi %mul3A_337, %add3A_425 : i32
      %mul3A_427 = arith.constant 16 : i32
      %mul3A_428 = arith.muli %add3A_426, %mul3A_427 : i32
      %multiple_of3A_429 = tpu.assume_multiple %mul3A_428, 16 : i32
      %get3A_430 = arith.index_cast %multiple_of3A_429 : i32 to index
      %get3A_431 = tpu.vector_load %arg10[%get3A_430] {strides = array<i32>} : memref<2560xf32, #tpu.memory_space<vmem>>, vector<16xf32>,
      %get3A_432 = vector.shape_cast %get3A_431 : vector<16xf32> to vector<16xf32>
      %add3A_433 = arith.constant 3 : i32
      %add3A_434 = arith.addi %mul3A_337, %add3A_433 : i32
      %mul3A_435 = arith.constant 16 : i32
      %mul3A_436 = arith.muli %add3A_434, %mul3A_435 : i32
      %multiple_of3A_437 = tpu.assume_multiple %mul3A_436, 16 : i32
      %get3A_438 = arith.index_cast %multiple_of3A_437 : i32 to index
      %get3A_439 = tpu.vector_load %arg10[%get3A_438] {strides = array<i32>} : memref<2560xf32, #tpu.memory_space<vmem>>, vector<16xf32>,
      %get3A_440 = vector.shape_cast %get3A_439 : vector<16xf32> to vector<16xf32>
      %add3A_441 = arith.constant 11 : i32
      %add3A_442 = arith.addi %mul3A_337, %add3A_441 : i32
      %mul3A_443 = arith.constant 16 : i32
      %mul3A_444 = arith.muli %add3A_442, %mul3A_443 : i32
      %multiple_of3A_445 = tpu.assume_multiple %mul3A_444, 16 : i32
      %get3A_446 = arith.index_cast %multiple_of3A_445 : i32 to index
      %get3A_447 = tpu.vector_load %arg10[%get3A_446] {strides = array<i32>} : memref<2560xf32, #tpu.memory_space<vmem>>, vector<16xf32>,
      %get3A_448 = vector.shape_cast %get3A_447 : vector<16xf32> to vector<16xf32>
      %add3A_449 = arith.constant 7 : i32
      %add3A_450 = arith.addi %mul3A_337, %add3A_449 : i32
      %mul3A_451 = arith.constant 16 : i32
      %mul3A_452 = arith.muli %add3A_450, %mul3A_451 : i32
      %multiple_of3A_453 = tpu.assume_multiple %mul3A_452, 16 : i32
      %get3A_454 = arith.index_cast %multiple_of3A_453 : i32 to index
      %get3A_455 = tpu.vector_load %arg10[%get3A_454] {strides = array<i32>} : memref<2560xf32, #tpu.memory_space<vmem>>, vector<16xf32>,
      %get3A_456 = vector.shape_cast %get3A_455 : vector<16xf32> to vector<16xf32>
      %add3A_457 = arith.constant 15 : i32
      %add3A_458 = arith.addi %mul3A_337, %add3A_457 : i32
      %mul3A_459 = arith.constant 16 : i32
      %mul3A_460 = arith.muli %add3A_458, %mul3A_459 : i32
      %multiple_of3A_461 = tpu.assume_multiple %mul3A_460, 16 : i32
      %get3A_462 = arith.index_cast %multiple_of3A_461 : i32 to index
      %get3A_463 = tpu.vector_load %arg10[%get3A_462] {strides = array<i32>} : memref<2560xf32, #tpu.memory_space<vmem>>, vector<16xf32>,
      %get3A_464 = vector.shape_cast %get3A_463 : vector<16xf32> to vector<16xf32>
      %select_n3A_465 = arith.select %lt3A_127, %get3A_344, %get3A_352 : vector<16xi1>, vector<16xf32>
      %select_n3A_466 = arith.select %lt3A_127, %get3A_360, %get3A_368 : vector<16xi1>, vector<16xf32>
      %select_n3A_467 = arith.select %lt3A_127, %get3A_376, %get3A_384 : vector<16xi1>, vector<16xf32>
      %select_n3A_468 = arith.select %lt3A_127, %get3A_392, %get3A_400 : vector<16xi1>, vector<16xf32>
      %select_n3A_469 = arith.select %lt3A_127, %get3A_408, %get3A_416 : vector<16xi1>, vector<16xf32>
      %select_n3A_470 = arith.select %lt3A_127, %get3A_424, %get3A_432 : vector<16xi1>, vector<16xf32>
      %select_n3A_471 = arith.select %lt3A_127, %get3A_440, %get3A_448 : vector<16xi1>, vector<16xf32>
      %select_n3A_472 = arith.select %lt3A_127, %get3A_456, %get3A_464 : vector<16xi1>, vector<16xf32>
      %broadcast_in_dim3A = vector.shape_cast %or3A : vector<16xi32> to vector<16x1xi32>
      %gather3A = vector.shape_cast %broadcast_in_dim3A : vector<16x1xi32> to vector<16xi32>
      %gather3A_473 = tpu.dynamic_gather %select_n3A_465[%gather3A] in [0] : vector<16xf32>, vector<16xi32> -> vector<16xf32>
      %add3A_474 = arith.addf %select_n3A_465, %gather3A_473 : vector<16xf32>
      %broadcast_in_dim3A_475 = vector.shape_cast %or3A : vector<16xi32> to vector<16x1xi32>
      %gather3A_476 = vector.shape_cast %broadcast_in_dim3A_475 : vector<16x1xi32> to vector<16xi32>
      %gather3A_477 = tpu.dynamic_gather %select_n3A_466[%gather3A_476] in [0] : vector<16xf32>, vector<16xi32> -> vector<16xf32>
      %add3A_478 = arith.addf %select_n3A_466, %gather3A_477 : vector<16xf32>
      %broadcast_in_dim3A_479 = vector.shape_cast %or3A : vector<16xi32> to vector<16x1xi32>
      %gather3A_480 = vector.shape_cast %broadcast_in_dim3A_479 : vector<16x1xi32> to vector<16xi32>
      %gather3A_481 = tpu.dynamic_gather %select_n3A_467[%gather3A_480] in [0] : vector<16xf32>, vector<16xi32> -> vector<16xf32>
      %add3A_482 = arith.addf %select_n3A_467, %gather3A_481 : vector<16xf32>
      %broadcast_in_dim3A_483 = vector.shape_cast %or3A : vector<16xi32> to vector<16x1xi32>
      %gather3A_484 = vector.shape_cast %broadcast_in_dim3A_483 : vector<16x1xi32> to vector<16xi32>
      %gather3A_485 = tpu.dynamic_gather %select_n3A_468[%gather3A_484] in [0] : vector<16xf32>, vector<16xi32> -> vector<16xf32>
      %add3A_486 = arith.addf %select_n3A_468, %gather3A_485 : vector<16xf32>
      %broadcast_in_dim3A_487 = vector.shape_cast %or3A : vector<16xi32> to vector<16x1xi32>
      %gather3A_488 = vector.shape_cast %broadcast_in_dim3A_487 : vector<16x1xi32> to vector<16xi32>
      %gather3A_489 = tpu.dynamic_gather %select_n3A_469[%gather3A_488] in [0] : vector<16xf32>, vector<16xi32> -> vector<16xf32>
      %add3A_490 = arith.addf %select_n3A_469, %gather3A_489 : vector<16xf32>
      %broadcast_in_dim3A_491 = vector.shape_cast %or3A : vector<16xi32> to vector<16x1xi32>
      %gather3A_492 = vector.shape_cast %broadcast_in_dim3A_491 : vector<16x1xi32> to vector<16xi32>
      %gather3A_493 = tpu.dynamic_gather %select_n3A_470[%gather3A_492] in [0] : vector<16xf32>, vector<16xi32> -> vector<16xf32>
      %add3A_494 = arith.addf %select_n3A_470, %gather3A_493 : vector<16xf32>
      %broadcast_in_dim3A_495 = vector.shape_cast %or3A : vector<16xi32> to vector<16x1xi32>
      %gather3A_496 = vector.shape_cast %broadcast_in_dim3A_495 : vector<16x1xi32> to vector<16xi32>
      %gather3A_497 = tpu.dynamic_gather %select_n3A_471[%gather3A_496] in [0] : vector<16xf32>, vector<16xi32> -> vector<16xf32>
      %add3A_498 = arith.addf %select_n3A_471, %gather3A_497 : vector<16xf32>
      %broadcast_in_dim3A_499 = vector.shape_cast %or3A : vector<16xi32> to vector<16x1xi32>
      %gather3A_500 = vector.shape_cast %broadcast_in_dim3A_499 : vector<16x1xi32> to vector<16xi32>
      %gather3A_501 = tpu.dynamic_gather %select_n3A_472[%gather3A_500] in [0] : vector<16xf32>, vector<16xi32> -> vector<16xf32>
      %add3A_502 = arith.addf %select_n3A_472, %gather3A_501 : vector<16xf32>
      %broadcast_in_dim3A_503 = vector.shape_cast %select_n3A_74 : vector<16xi32> to vector<16x1xi32>
      %gather3A_504 = vector.shape_cast %broadcast_in_dim3A_503 : vector<16x1xi32> to vector<16xi32>
      %gather3A_505 = tpu.dynamic_gather %add3A_478[%gather3A_504] in [0] : vector<16xf32>, vector<16xi32> -> vector<16xf32>
      %select_n3A_506 = arith.select %eq3A_133, %add3A_474, %gather3A_505 : vector<16xi1>, vector<16xf32>
      %broadcast_in_dim3A_507 = vector.shape_cast %select_n3A_74 : vector<16xi32> to vector<16x1xi32>
      %gather3A_508 = vector.shape_cast %broadcast_in_dim3A_507 : vector<16x1xi32> to vector<16xi32>
      %gather3A_509 = tpu.dynamic_gather %add3A_486[%gather3A_508] in [0] : vector<16xf32>, vector<16xi32> -> vector<16xf32>
      %select_n3A_510 = arith.select %eq3A_133, %add3A_482, %gather3A_509 : vector<16xi1>, vector<16xf32>
      %broadcast_in_dim3A_511 = vector.shape_cast %select_n3A_74 : vector<16xi32> to vector<16x1xi32>
      %gather3A_512 = vector.shape_cast %broadcast_in_dim3A_511 : vector<16x1xi32> to vector<16xi32>
      %gather3A_513 = tpu.dynamic_gather %add3A_494[%gather3A_512] in [0] : vector<16xf32>, vector<16xi32> -> vector<16xf32>
      %select_n3A_514 = arith.select %eq3A_133, %add3A_490, %gather3A_513 : vector<16xi1>, vector<16xf32>
      %broadcast_in_dim3A_515 = vector.shape_cast %select_n3A_74 : vector<16xi32> to vector<16x1xi32>
      %gather3A_516 = vector.shape_cast %broadcast_in_dim3A_515 : vector<16x1xi32> to vector<16xi32>
      %gather3A_517 = tpu.dynamic_gather %add3A_502[%gather3A_516] in [0] : vector<16xf32>, vector<16xi32> -> vector<16xf32>
      %select_n3A_518 = arith.select %eq3A_133, %add3A_498, %gather3A_517 : vector<16xi1>, vector<16xf32>
      %broadcast_in_dim3A_519 = vector.shape_cast %or3A_39 : vector<16xi32> to vector<16x1xi32>
      %gather3A_520 = vector.shape_cast %broadcast_in_dim3A_519 : vector<16x1xi32> to vector<16xi32>
      %gather3A_521 = tpu.dynamic_gather %select_n3A_506[%gather3A_520] in [0] : vector<16xf32>, vector<16xi32> -> vector<16xf32>
      %add3A_522 = arith.addf %select_n3A_506, %gather3A_521 : vector<16xf32>
      %broadcast_in_dim3A_523 = vector.shape_cast %or3A_39 : vector<16xi32> to vector<16x1xi32>
      %gather3A_524 = vector.shape_cast %broadcast_in_dim3A_523 : vector<16x1xi32> to vector<16xi32>
      %gather3A_525 = tpu.dynamic_gather %select_n3A_510[%gather3A_524] in [0] : vector<16xf32>, vector<16xi32> -> vector<16xf32>
      %add3A_526 = arith.addf %select_n3A_510, %gather3A_525 : vector<16xf32>
      %broadcast_in_dim3A_527 = vector.shape_cast %or3A_39 : vector<16xi32> to vector<16x1xi32>
      %gather3A_528 = vector.shape_cast %broadcast_in_dim3A_527 : vector<16x1xi32> to vector<16xi32>
      %gather3A_529 = tpu.dynamic_gather %select_n3A_514[%gather3A_528] in [0] : vector<16xf32>, vector<16xi32> -> vector<16xf32>
      %add3A_530 = arith.addf %select_n3A_514, %gather3A_529 : vector<16xf32>
      %broadcast_in_dim3A_531 = vector.shape_cast %or3A_39 : vector<16xi32> to vector<16x1xi32>
      %gather3A_532 = vector.shape_cast %broadcast_in_dim3A_531 : vector<16x1xi32> to vector<16xi32>
      %gather3A_533 = tpu.dynamic_gather %select_n3A_518[%gather3A_532] in [0] : vector<16xf32>, vector<16xi32> -> vector<16xf32>
      %add3A_534 = arith.addf %select_n3A_518, %gather3A_533 : vector<16xf32>
      %broadcast_in_dim3A_535 = vector.shape_cast %select_n3A_99 : vector<16xi32> to vector<16x1xi32>
      %gather3A_536 = vector.shape_cast %broadcast_in_dim3A_535 : vector<16x1xi32> to vector<16xi32>
      %gather3A_537 = tpu.dynamic_gather %add3A_526[%gather3A_536] in [0] : vector<16xf32>, vector<16xi32> -> vector<16xf32>
      %select_n3A_538 = arith.select %eq3A_139, %add3A_522, %gather3A_537 : vector<16xi1>, vector<16xf32>
      %broadcast_in_dim3A_539 = vector.shape_cast %select_n3A_99 : vector<16xi32> to vector<16x1xi32>
      %gather3A_540 = vector.shape_cast %broadcast_in_dim3A_539 : vector<16x1xi32> to vector<16xi32>
      %gather3A_541 = tpu.dynamic_gather %add3A_534[%gather3A_540] in [0] : vector<16xf32>, vector<16xi32> -> vector<16xf32>
      %select_n3A_542 = arith.select %eq3A_139, %add3A_530, %gather3A_541 : vector<16xi1>, vector<16xf32>
      %broadcast_in_dim3A_543 = vector.shape_cast %or3A_49 : vector<16xi32> to vector<16x1xi32>
      %gather3A_544 = vector.shape_cast %broadcast_in_dim3A_543 : vector<16x1xi32> to vector<16xi32>
      %gather3A_545 = tpu.dynamic_gather %select_n3A_538[%gather3A_544] in [0] : vector<16xf32>, vector<16xi32> -> vector<16xf32>
      %add3A_546 = arith.addf %select_n3A_538, %gather3A_545 : vector<16xf32>
      %broadcast_in_dim3A_547 = vector.shape_cast %or3A_49 : vector<16xi32> to vector<16x1xi32>
      %gather3A_548 = vector.shape_cast %broadcast_in_dim3A_547 : vector<16x1xi32> to vector<16xi32>
      %gather3A_549 = tpu.dynamic_gather %select_n3A_542[%gather3A_548] in [0] : vector<16xf32>, vector<16xi32> -> vector<16xf32>
      %add3A_550 = arith.addf %select_n3A_542, %gather3A_549 : vector<16xf32>
      %broadcast_in_dim3A_551 = vector.shape_cast %select_n3A_124 : vector<16xi32> to vector<16x1xi32>
      %gather3A_552 = vector.shape_cast %broadcast_in_dim3A_551 : vector<16x1xi32> to vector<16xi32>
      %gather3A_553 = tpu.dynamic_gather %add3A_550[%gather3A_552] in [0] : vector<16xf32>, vector<16xi32> -> vector<16xf32>
      %select_n3A_554 = arith.select %eq3A_145, %add3A_546, %gather3A_553 : vector<16xi1>, vector<16xf32>
      %add3A_555 = arith.constant 9600 : i32
      %add3A_556 = arith.addi %add3A_555, %mul3A_337 : i32
      %swap3A = arith.index_cast %add3A_556 : i32 to index
      %swap3A_557 = tpu.vector_load %arg11[%swap3A] {strides = array<i32>} : memref<10000xf32, #tpu.memory_space<vmem>>, vector<16xf32>,
      %swap3A_558 = vector.shape_cast %swap3A_557 : vector<16xf32> to vector<16xf32>
      %swap3A_559 = vector.shape_cast %select_n3A_554 : vector<16xf32> to vector<16xf32>
      tpu.vector_store %arg11[%swap3A], %swap3A_559 {strides = array<i32>} : memref<10000xf32, #tpu.memory_space<vmem>>, vector<16xf32>,
    }
    %scan3A_248 = arith.constant 10 : i32
    %multiple_of3A_249 = arith.constant 9920 : i32
    %multiple_of3A_250 = tpu.assume_multiple %multiple_of3A_249, 80 : i32
    %dma_start3A_251 = arith.constant 0 : i32
    %dma_start3A_252 = arith.constant 0 : i32
    %dma_start3A_253 = tpu.memref_slice %arg6[%dma_start3A_251, %dma_start3A_252] : memref<160x128xf32, #tpu.memory_space<vmem>> -> memref<80x128xf32, #tpu.memory_space<vmem>>
    %dma_start3A_254 = tpu.memref_slice %arg12[%multiple_of3A_250] : memref<10000xi32, #tpu.memory_space<vmem>> -> memref<80xi32, #tpu.memory_space<vmem>>
    %dma_start3A_255 = arith.constant 0 : i32
    %dma_start3A_256 = arith.constant 0 : i32
    %dma_start3A_257 = tpu.memref_slice %arg4[%dma_start3A_255, %dma_start3A_256] : memref<10000x128xf32, #tpu.memory_space<hbm>> -> memref<10000x128xf32, #tpu.memory_space<hbm>>
    tpu.enqueue_indirect_dma source(%dma_start3A_257 : memref<10000x128xf32, #tpu.memory_space<hbm>>) target(%dma_start3A_253 : memref<80x128xf32, #tpu.memory_space<vmem>>) offsets(%dma_start3A_254 : memref<80xi32, #tpu.memory_space<vmem>>) semaphore(%arg14 : memref<!tpu.dma_semaphore, #tpu.memory_space<semaphore_mem>>)
    %dma_start3A_258 = arith.constant 0 : i32
    %dma_start3A_259 = arith.constant 0 : i32
    %dma_start3A_260 = tpu.memref_slice %arg7[%dma_start3A_258, %dma_start3A_259] : memref<160x128xf32, #tpu.memory_space<vmem>> -> memref<80x128xf32, #tpu.memory_space<vmem>>
    %dma_start3A_261 = tpu.memref_slice %arg13[%multiple_of3A_250] : memref<10000xi32, #tpu.memory_space<vmem>> -> memref<80xi32, #tpu.memory_space<vmem>>
    %dma_start3A_262 = arith.constant 0 : i32
    %dma_start3A_263 = arith.constant 0 : i32
    %dma_start3A_264 = tpu.memref_slice %arg4[%dma_start3A_262, %dma_start3A_263] : memref<10000x128xf32, #tpu.memory_space<hbm>> -> memref<10000x128xf32, #tpu.memory_space<hbm>>
    tpu.enqueue_indirect_dma source(%dma_start3A_264 : memref<10000x128xf32, #tpu.memory_space<hbm>>) target(%dma_start3A_260 : memref<80x128xf32, #tpu.memory_space<vmem>>) offsets(%dma_start3A_261 : memref<80xi32, #tpu.memory_space<vmem>>) semaphore(%arg15 : memref<!tpu.dma_semaphore, #tpu.memory_space<semaphore_mem>>)
    %dma_wait3A_265 = arith.constant 0 : i32
    %dma_wait3A_266 = arith.constant 0 : i32
    %dma_wait3A_267 = tpu.memref_slice %arg8[%dma_wait3A_265, %dma_wait3A_266] : memref<160x128xf32, #tpu.memory_space<vmem>> -> memref<160x128xf32, #tpu.memory_space<vmem>>
    %dma_wait3A_268 = arith.constant 0 : i32
    %dma_wait3A_269 = arith.constant 0 : i32
    %dma_wait3A_270 = tpu.memref_slice %arg4[%dma_wait3A_268, %dma_wait3A_269] : memref<10000x128xf32, #tpu.memory_space<hbm>> -> memref<160x128xf32, #tpu.memory_space<hbm>>
    %dma_wait3A_271 = arith.constant 0 : i32
    %dma_wait3A_272 = arith.constant 0 : i32
    %dma_wait3A_273 = tpu.memref_slice %arg8[%dma_wait3A_271, %dma_wait3A_272] : memref<160x128xf32, #tpu.memory_space<vmem>> -> memref<160x128xf32, #tpu.memory_space<vmem>>
    %dma_wait3A_274 = arith.constant 0 : i32
    %dma_wait3A_275 = arith.constant 0 : i32
    %dma_wait3A_276 = tpu.memref_slice %arg4[%dma_wait3A_274, %dma_wait3A_275] : memref<10000x128xf32, #tpu.memory_space<hbm>> -> memref<160x128xf32, #tpu.memory_space<hbm>>
    tpu.wait_dma2 semaphore(%arg16 : memref<!tpu.dma_semaphore, #tpu.memory_space<semaphore_mem>>) src(%dma_wait3A_276 : memref<160x128xf32, #tpu.memory_space<hbm>>) dst(%dma_wait3A_273 : memref<160x128xf32, #tpu.memory_space<vmem>>)
    %dma_wait3A_277 = arith.constant 0 : i32
    %dma_wait3A_278 = arith.constant 0 : i32
    %dma_wait3A_279 = tpu.memref_slice %arg9[%dma_wait3A_277, %dma_wait3A_278] : memref<160x128xf32, #tpu.memory_space<vmem>> -> memref<160x128xf32, #tpu.memory_space<vmem>>
    %dma_wait3A_280 = arith.constant 0 : i32
    %dma_wait3A_281 = arith.constant 0 : i32
    %dma_wait3A_282 = tpu.memref_slice %arg4[%dma_wait3A_280, %dma_wait3A_281] : memref<10000x128xf32, #tpu.memory_space<hbm>> -> memref<160x128xf32, #tpu.memory_space<hbm>>
    %dma_wait3A_283 = arith.constant 0 : i32
    %dma_wait3A_284 = arith.constant 0 : i32
    %dma_wait3A_285 = tpu.memref_slice %arg9[%dma_wait3A_283, %dma_wait3A_284] : memref<160x128xf32, #tpu.memory_space<vmem>> -> memref<160x128xf32, #tpu.memory_space<vmem>>
    %dma_wait3A_286 = arith.constant 0 : i32
    %dma_wait3A_287 = arith.constant 0 : i32
    %dma_wait3A_288 = tpu.memref_slice %arg4[%dma_wait3A_286, %dma_wait3A_287] : memref<10000x128xf32, #tpu.memory_space<hbm>> -> memref<160x128xf32, #tpu.memory_space<hbm>>
    tpu.wait_dma2 semaphore(%arg17 : memref<!tpu.dma_semaphore, #tpu.memory_space<semaphore_mem>>) src(%dma_wait3A_288 : memref<160x128xf32, #tpu.memory_space<hbm>>) dst(%dma_wait3A_285 : memref<160x128xf32, #tpu.memory_space<vmem>>)
    %parallel_loop3A_289 = arith.constant 0 : i32
    %parallel_loop3A_290 = arith.constant 160 : i32
    %parallel_loop3A_291 = arith.constant 1 : i32
    scf.for %parallel_loop3A_335 = %parallel_loop3A_289 to %parallel_loop3A_290 step %parallel_loop3A_291  : i32 {
      %parallel_loop3A_336 = arith.index_cast %parallel_loop3A_335 : i32 to index
      %parallel_loop3A_337 = arith.constant 0 : index
      %parallel_loop3A_338 = tpu.vector_load %arg8[%parallel_loop3A_336, %parallel_loop3A_337] {strides = array<i32>} : memref<160x128xf32, #tpu.memory_space<vmem>>, vector<1x16xf32>,
      %parallel_loop3A_339 = vector.shape_cast %parallel_loop3A_338 : vector<1x16xf32> to vector<16xf32>
      %parallel_loop3A_340 = arith.index_cast %parallel_loop3A_335 : i32 to index
      %parallel_loop3A_341 = arith.constant 0 : index
      %parallel_loop3A_342 = tpu.vector_load %arg9[%parallel_loop3A_340, %parallel_loop3A_341] {strides = array<i32>} : memref<160x128xf32, #tpu.memory_space<vmem>>, vector<1x16xf32>,
      %parallel_loop3A_343 = vector.shape_cast %parallel_loop3A_342 : vector<1x16xf32> to vector<16xf32>
      %parallel_loop3A_344 = arith.mulf %parallel_loop3A_339, %parallel_loop3A_343 : vector<16xf32>
      %parallel_loop3A_345 = arith.index_cast %parallel_loop3A_335 : i32 to index
      %parallel_loop3A_346 = arith.constant 16 : index
      %parallel_loop3A_347 = tpu.vector_load %arg8[%parallel_loop3A_345, %parallel_loop3A_346] {strides = array<i32>} : memref<160x128xf32, #tpu.memory_space<vmem>>, vector<1x16xf32>,
      %parallel_loop3A_348 = vector.shape_cast %parallel_loop3A_347 : vector<1x16xf32> to vector<16xf32>
      %parallel_loop3A_349 = arith.index_cast %parallel_loop3A_335 : i32 to index
      %parallel_loop3A_350 = arith.constant 16 : index
      %parallel_loop3A_351 = tpu.vector_load %arg9[%parallel_loop3A_349, %parallel_loop3A_350] {strides = array<i32>} : memref<160x128xf32, #tpu.memory_space<vmem>>, vector<1x16xf32>,
      %parallel_loop3A_352 = vector.shape_cast %parallel_loop3A_351 : vector<1x16xf32> to vector<16xf32>
      %parallel_loop3A_353 = arith.mulf %parallel_loop3A_348, %parallel_loop3A_352 : vector<16xf32>
      %parallel_loop3A_354 = arith.index_cast %parallel_loop3A_335 : i32 to index
      %parallel_loop3A_355 = arith.constant 32 : index
      %parallel_loop3A_356 = tpu.vector_load %arg8[%parallel_loop3A_354, %parallel_loop3A_355] {strides = array<i32>} : memref<160x128xf32, #tpu.memory_space<vmem>>, vector<1x16xf32>,
      %parallel_loop3A_357 = vector.shape_cast %parallel_loop3A_356 : vector<1x16xf32> to vector<16xf32>
      %parallel_loop3A_358 = arith.index_cast %parallel_loop3A_335 : i32 to index
      %parallel_loop3A_359 = arith.constant 32 : index
      %parallel_loop3A_360 = tpu.vector_load %arg9[%parallel_loop3A_358, %parallel_loop3A_359] {strides = array<i32>} : memref<160x128xf32, #tpu.memory_space<vmem>>, vector<1x16xf32>,
      %parallel_loop3A_361 = vector.shape_cast %parallel_loop3A_360 : vector<1x16xf32> to vector<16xf32>
      %parallel_loop3A_362 = arith.mulf %parallel_loop3A_357, %parallel_loop3A_361 : vector<16xf32>
      %parallel_loop3A_363 = arith.index_cast %parallel_loop3A_335 : i32 to index
      %parallel_loop3A_364 = arith.constant 48 : index
      %parallel_loop3A_365 = tpu.vector_load %arg8[%parallel_loop3A_363, %parallel_loop3A_364] {strides = array<i32>} : memref<160x128xf32, #tpu.memory_space<vmem>>, vector<1x16xf32>,
      %parallel_loop3A_366 = vector.shape_cast %parallel_loop3A_365 : vector<1x16xf32> to vector<16xf32>
      %parallel_loop3A_367 = arith.index_cast %parallel_loop3A_335 : i32 to index
      %parallel_loop3A_368 = arith.constant 48 : index
      %parallel_loop3A_369 = tpu.vector_load %arg9[%parallel_loop3A_367, %parallel_loop3A_368] {strides = array<i32>} : memref<160x128xf32, #tpu.memory_space<vmem>>, vector<1x16xf32>,
      %parallel_loop3A_370 = vector.shape_cast %parallel_loop3A_369 : vector<1x16xf32> to vector<16xf32>
      %parallel_loop3A_371 = arith.mulf %parallel_loop3A_366, %parallel_loop3A_370 : vector<16xf32>
      %parallel_loop3A_372 = arith.index_cast %parallel_loop3A_335 : i32 to index
      %parallel_loop3A_373 = arith.constant 64 : index
      %parallel_loop3A_374 = tpu.vector_load %arg8[%parallel_loop3A_372, %parallel_loop3A_373] {strides = array<i32>} : memref<160x128xf32, #tpu.memory_space<vmem>>, vector<1x16xf32>,
      %parallel_loop3A_375 = vector.shape_cast %parallel_loop3A_374 : vector<1x16xf32> to vector<16xf32>
      %parallel_loop3A_376 = arith.index_cast %parallel_loop3A_335 : i32 to index
      %parallel_loop3A_377 = arith.constant 64 : index
      %parallel_loop3A_378 = tpu.vector_load %arg9[%parallel_loop3A_376, %parallel_loop3A_377] {strides = array<i32>} : memref<160x128xf32, #tpu.memory_space<vmem>>, vector<1x16xf32>,
      %parallel_loop3A_379 = vector.shape_cast %parallel_loop3A_378 : vector<1x16xf32> to vector<16xf32>
      %parallel_loop3A_380 = arith.mulf %parallel_loop3A_375, %parallel_loop3A_379 : vector<16xf32>
      %parallel_loop3A_381 = arith.index_cast %parallel_loop3A_335 : i32 to index
      %parallel_loop3A_382 = arith.constant 80 : index
      %parallel_loop3A_383 = tpu.vector_load %arg8[%parallel_loop3A_381, %parallel_loop3A_382] {strides = array<i32>} : memref<160x128xf32, #tpu.memory_space<vmem>>, vector<1x16xf32>,
      %parallel_loop3A_384 = vector.shape_cast %parallel_loop3A_383 : vector<1x16xf32> to vector<16xf32>
      %parallel_loop3A_385 = arith.index_cast %parallel_loop3A_335 : i32 to index
      %parallel_loop3A_386 = arith.constant 80 : index
      %parallel_loop3A_387 = tpu.vector_load %arg9[%parallel_loop3A_385, %parallel_loop3A_386] {strides = array<i32>} : memref<160x128xf32, #tpu.memory_space<vmem>>, vector<1x16xf32>,
      %parallel_loop3A_388 = vector.shape_cast %parallel_loop3A_387 : vector<1x16xf32> to vector<16xf32>
      %parallel_loop3A_389 = arith.mulf %parallel_loop3A_384, %parallel_loop3A_388 : vector<16xf32>
      %parallel_loop3A_390 = arith.index_cast %parallel_loop3A_335 : i32 to index
      %parallel_loop3A_391 = arith.constant 96 : index
      %parallel_loop3A_392 = tpu.vector_load %arg8[%parallel_loop3A_390, %parallel_loop3A_391] {strides = array<i32>} : memref<160x128xf32, #tpu.memory_space<vmem>>, vector<1x16xf32>,
      %parallel_loop3A_393 = vector.shape_cast %parallel_loop3A_392 : vector<1x16xf32> to vector<16xf32>
      %parallel_loop3A_394 = arith.index_cast %parallel_loop3A_335 : i32 to index
      %parallel_loop3A_395 = arith.constant 96 : index
      %parallel_loop3A_396 = tpu.vector_load %arg9[%parallel_loop3A_394, %parallel_loop3A_395] {strides = array<i32>} : memref<160x128xf32, #tpu.memory_space<vmem>>, vector<1x16xf32>,
      %parallel_loop3A_397 = vector.shape_cast %parallel_loop3A_396 : vector<1x16xf32> to vector<16xf32>
      %parallel_loop3A_398 = arith.mulf %parallel_loop3A_393, %parallel_loop3A_397 : vector<16xf32>
      %parallel_loop3A_399 = arith.index_cast %parallel_loop3A_335 : i32 to index
      %parallel_loop3A_400 = arith.constant 112 : index
      %parallel_loop3A_401 = tpu.vector_load %arg8[%parallel_loop3A_399, %parallel_loop3A_400] {strides = array<i32>} : memref<160x128xf32, #tpu.memory_space<vmem>>, vector<1x16xf32>,
      %parallel_loop3A_402 = vector.shape_cast %parallel_loop3A_401 : vector<1x16xf32> to vector<16xf32>
      %parallel_loop3A_403 = arith.index_cast %parallel_loop3A_335 : i32 to index
      %parallel_loop3A_404 = arith.constant 112 : index
      %parallel_loop3A_405 = tpu.vector_load %arg9[%parallel_loop3A_403, %parallel_loop3A_404] {strides = array<i32>} : memref<160x128xf32, #tpu.memory_space<vmem>>, vector<1x16xf32>,
      %parallel_loop3A_406 = vector.shape_cast %parallel_loop3A_405 : vector<1x16xf32> to vector<16xf32>
      %parallel_loop3A_407 = arith.mulf %parallel_loop3A_402, %parallel_loop3A_406 : vector<16xf32>
      %parallel_loop3A_408 = arith.addf %parallel_loop3A_344, %parallel_loop3A_353 : vector<16xf32>
      %parallel_loop3A_409 = arith.addf %parallel_loop3A_362, %parallel_loop3A_371 : vector<16xf32>
      %parallel_loop3A_410 = arith.addf %parallel_loop3A_380, %parallel_loop3A_389 : vector<16xf32>
      %parallel_loop3A_411 = arith.addf %parallel_loop3A_398, %parallel_loop3A_407 : vector<16xf32>
      %parallel_loop3A_412 = arith.addf %parallel_loop3A_408, %parallel_loop3A_409 : vector<16xf32>
      %parallel_loop3A_413 = arith.addf %parallel_loop3A_410, %parallel_loop3A_411 : vector<16xf32>
      %parallel_loop3A_414 = arith.addf %parallel_loop3A_412, %parallel_loop3A_413 : vector<16xf32>
      %parallel_loop3A_415 = vector.shape_cast %select_n3A_20 : vector<16xi32> to vector<16x1xi32>
      %parallel_loop3A_416 = vector.shape_cast %parallel_loop3A_415 : vector<16x1xi32> to vector<16xi32>
      %parallel_loop3A_417 = tpu.dynamic_gather %parallel_loop3A_414[%parallel_loop3A_416] in [0] : vector<16xf32>, vector<16xi32> -> vector<16xf32>
      %parallel_loop3A_418 = arith.addf %parallel_loop3A_414, %parallel_loop3A_417 : vector<16xf32>
      %parallel_loop3A_419 = arith.constant 16 : i32
      %parallel_loop3A_420 = arith.muli %parallel_loop3A_335, %parallel_loop3A_419 : i32
      %parallel_loop3A_421 = tpu.assume_multiple %parallel_loop3A_420, 16 : i32
      %parallel_loop3A_422 = arith.index_cast %parallel_loop3A_421 : i32 to index
      %parallel_loop3A_423 = tpu.vector_load %arg10[%parallel_loop3A_422] {strides = array<i32>} : memref<2560xf32, #tpu.memory_space<vmem>>, vector<16xf32>,
      %parallel_loop3A_424 = vector.shape_cast %parallel_loop3A_423 : vector<16xf32> to vector<16xf32>
      %parallel_loop3A_425 = vector.shape_cast %parallel_loop3A_418 : vector<16xf32> to vector<16xf32>
      tpu.vector_store %arg10[%parallel_loop3A_422], %parallel_loop3A_425 {strides = array<i32>} : memref<2560xf32, #tpu.memory_space<vmem>>, vector<16xf32>,
    } {sc.loop_unroll_factor = 8 : i64, sc.parallel_access}
    %scan3A_292 = arith.constant 0 : i32
    %scan3A_293 = arith.constant 0 : i32
    %scan3A_294 = arith.constant 10 : i32
    %scan3A_295 = arith.addi %scan3A_293, %scan3A_294 : i32
    %scan3A_296 = arith.constant 1 : i32
    scf.for %scan3A_335 = %scan3A_293 to %scan3A_295 step %scan3A_296  : i32 {
      %mul3A_336 = arith.constant 16 : i32
      %mul3A_337 = arith.muli %scan3A_335, %mul3A_336 : i32
      %add3A_338 = arith.constant 0 : i32
      %add3A_339 = arith.addi %mul3A_337, %add3A_338 : i32
      %mul3A_340 = arith.constant 16 : i32
      %mul3A_341 = arith.muli %add3A_339, %mul3A_340 : i32
      %multiple_of3A_342 = tpu.assume_multiple %mul3A_341, 16 : i32
      %get3A = arith.index_cast %multiple_of3A_342 : i32 to index
      %get3A_343 = tpu.vector_load %arg10[%get3A] {strides = array<i32>} : memref<2560xf32, #tpu.memory_space<vmem>>, vector<16xf32>,
      %get3A_344 = vector.shape_cast %get3A_343 : vector<16xf32> to vector<16xf32>
      %add3A_345 = arith.constant 8 : i32
      %add3A_346 = arith.addi %mul3A_337, %add3A_345 : i32
      %mul3A_347 = arith.constant 16 : i32
      %mul3A_348 = arith.muli %add3A_346, %mul3A_347 : i32
      %multiple_of3A_349 = tpu.assume_multiple %mul3A_348, 16 : i32
      %get3A_350 = arith.index_cast %multiple_of3A_349 : i32 to index
      %get3A_351 = tpu.vector_load %arg10[%get3A_350] {strides = array<i32>} : memref<2560xf32, #tpu.memory_space<vmem>>, vector<16xf32>,
      %get3A_352 = vector.shape_cast %get3A_351 : vector<16xf32> to vector<16xf32>
      %add3A_353 = arith.constant 4 : i32
      %add3A_354 = arith.addi %mul3A_337, %add3A_353 : i32
      %mul3A_355 = arith.constant 16 : i32
      %mul3A_356 = arith.muli %add3A_354, %mul3A_355 : i32
      %multiple_of3A_357 = tpu.assume_multiple %mul3A_356, 16 : i32
      %get3A_358 = arith.index_cast %multiple_of3A_357 : i32 to index
      %get3A_359 = tpu.vector_load %arg10[%get3A_358] {strides = array<i32>} : memref<2560xf32, #tpu.memory_space<vmem>>, vector<16xf32>,
      %get3A_360 = vector.shape_cast %get3A_359 : vector<16xf32> to vector<16xf32>
      %add3A_361 = arith.constant 12 : i32
      %add3A_362 = arith.addi %mul3A_337, %add3A_361 : i32
      %mul3A_363 = arith.constant 16 : i32
      %mul3A_364 = arith.muli %add3A_362, %mul3A_363 : i32
      %multiple_of3A_365 = tpu.assume_multiple %mul3A_364, 16 : i32
      %get3A_366 = arith.index_cast %multiple_of3A_365 : i32 to index
      %get3A_367 = tpu.vector_load %arg10[%get3A_366] {strides = array<i32>} : memref<2560xf32, #tpu.memory_space<vmem>>, vector<16xf32>,
      %get3A_368 = vector.shape_cast %get3A_367 : vector<16xf32> to vector<16xf32>
      %add3A_369 = arith.constant 2 : i32
      %add3A_370 = arith.addi %mul3A_337, %add3A_369 : i32
      %mul3A_371 = arith.constant 16 : i32
      %mul3A_372 = arith.muli %add3A_370, %mul3A_371 : i32
      %multiple_of3A_373 = tpu.assume_multiple %mul3A_372, 16 : i32
      %get3A_374 = arith.index_cast %multiple_of3A_373 : i32 to index
      %get3A_375 = tpu.vector_load %arg10[%get3A_374] {strides = array<i32>} : memref<2560xf32, #tpu.memory_space<vmem>>, vector<16xf32>,
      %get3A_376 = vector.shape_cast %get3A_375 : vector<16xf32> to vector<16xf32>
      %add3A_377 = arith.constant 10 : i32
      %add3A_378 = arith.addi %mul3A_337, %add3A_377 : i32
      %mul3A_379 = arith.constant 16 : i32
      %mul3A_380 = arith.muli %add3A_378, %mul3A_379 : i32
      %multiple_of3A_381 = tpu.assume_multiple %mul3A_380, 16 : i32
      %get3A_382 = arith.index_cast %multiple_of3A_381 : i32 to index
      %get3A_383 = tpu.vector_load %arg10[%get3A_382] {strides = array<i32>} : memref<2560xf32, #tpu.memory_space<vmem>>, vector<16xf32>,
      %get3A_384 = vector.shape_cast %get3A_383 : vector<16xf32> to vector<16xf32>
      %add3A_385 = arith.constant 6 : i32
      %add3A_386 = arith.addi %mul3A_337, %add3A_385 : i32
      %mul3A_387 = arith.constant 16 : i32
      %mul3A_388 = arith.muli %add3A_386, %mul3A_387 : i32
      %multiple_of3A_389 = tpu.assume_multiple %mul3A_388, 16 : i32
      %get3A_390 = arith.index_cast %multiple_of3A_389 : i32 to index
      %get3A_391 = tpu.vector_load %arg10[%get3A_390] {strides = array<i32>} : memref<2560xf32, #tpu.memory_space<vmem>>, vector<16xf32>,
      %get3A_392 = vector.shape_cast %get3A_391 : vector<16xf32> to vector<16xf32>
      %add3A_393 = arith.constant 14 : i32
      %add3A_394 = arith.addi %mul3A_337, %add3A_393 : i32
      %mul3A_395 = arith.constant 16 : i32
      %mul3A_396 = arith.muli %add3A_394, %mul3A_395 : i32
      %multiple_of3A_397 = tpu.assume_multiple %mul3A_396, 16 : i32
      %get3A_398 = arith.index_cast %multiple_of3A_397 : i32 to index
      %get3A_399 = tpu.vector_load %arg10[%get3A_398] {strides = array<i32>} : memref<2560xf32, #tpu.memory_space<vmem>>, vector<16xf32>,
      %get3A_400 = vector.shape_cast %get3A_399 : vector<16xf32> to vector<16xf32>
      %add3A_401 = arith.constant 1 : i32
      %add3A_402 = arith.addi %mul3A_337, %add3A_401 : i32
      %mul3A_403 = arith.constant 16 : i32
      %mul3A_404 = arith.muli %add3A_402, %mul3A_403 : i32
      %multiple_of3A_405 = tpu.assume_multiple %mul3A_404, 16 : i32
      %get3A_406 = arith.index_cast %multiple_of3A_405 : i32 to index
      %get3A_407 = tpu.vector_load %arg10[%get3A_406] {strides = array<i32>} : memref<2560xf32, #tpu.memory_space<vmem>>, vector<16xf32>,
      %get3A_408 = vector.shape_cast %get3A_407 : vector<16xf32> to vector<16xf32>
      %add3A_409 = arith.constant 9 : i32
      %add3A_410 = arith.addi %mul3A_337, %add3A_409 : i32
      %mul3A_411 = arith.constant 16 : i32
      %mul3A_412 = arith.muli %add3A_410, %mul3A_411 : i32
      %multiple_of3A_413 = tpu.assume_multiple %mul3A_412, 16 : i32
      %get3A_414 = arith.index_cast %multiple_of3A_413 : i32 to index
      %get3A_415 = tpu.vector_load %arg10[%get3A_414] {strides = array<i32>} : memref<2560xf32, #tpu.memory_space<vmem>>, vector<16xf32>,
      %get3A_416 = vector.shape_cast %get3A_415 : vector<16xf32> to vector<16xf32>
      %add3A_417 = arith.constant 5 : i32
      %add3A_418 = arith.addi %mul3A_337, %add3A_417 : i32
      %mul3A_419 = arith.constant 16 : i32
      %mul3A_420 = arith.muli %add3A_418, %mul3A_419 : i32
      %multiple_of3A_421 = tpu.assume_multiple %mul3A_420, 16 : i32
      %get3A_422 = arith.index_cast %multiple_of3A_421 : i32 to index
      %get3A_423 = tpu.vector_load %arg10[%get3A_422] {strides = array<i32>} : memref<2560xf32, #tpu.memory_space<vmem>>, vector<16xf32>,
      %get3A_424 = vector.shape_cast %get3A_423 : vector<16xf32> to vector<16xf32>
      %add3A_425 = arith.constant 13 : i32
      %add3A_426 = arith.addi %mul3A_337, %add3A_425 : i32
      %mul3A_427 = arith.constant 16 : i32
      %mul3A_428 = arith.muli %add3A_426, %mul3A_427 : i32
      %multiple_of3A_429 = tpu.assume_multiple %mul3A_428, 16 : i32
      %get3A_430 = arith.index_cast %multiple_of3A_429 : i32 to index
      %get3A_431 = tpu.vector_load %arg10[%get3A_430] {strides = array<i32>} : memref<2560xf32, #tpu.memory_space<vmem>>, vector<16xf32>,
      %get3A_432 = vector.shape_cast %get3A_431 : vector<16xf32> to vector<16xf32>
      %add3A_433 = arith.constant 3 : i32
      %add3A_434 = arith.addi %mul3A_337, %add3A_433 : i32
      %mul3A_435 = arith.constant 16 : i32
      %mul3A_436 = arith.muli %add3A_434, %mul3A_435 : i32
      %multiple_of3A_437 = tpu.assume_multiple %mul3A_436, 16 : i32
      %get3A_438 = arith.index_cast %multiple_of3A_437 : i32 to index
      %get3A_439 = tpu.vector_load %arg10[%get3A_438] {strides = array<i32>} : memref<2560xf32, #tpu.memory_space<vmem>>, vector<16xf32>,
      %get3A_440 = vector.shape_cast %get3A_439 : vector<16xf32> to vector<16xf32>
      %add3A_441 = arith.constant 11 : i32
      %add3A_442 = arith.addi %mul3A_337, %add3A_441 : i32
      %mul3A_443 = arith.constant 16 : i32
      %mul3A_444 = arith.muli %add3A_442, %mul3A_443 : i32
      %multiple_of3A_445 = tpu.assume_multiple %mul3A_444, 16 : i32
      %get3A_446 = arith.index_cast %multiple_of3A_445 : i32 to index
      %get3A_447 = tpu.vector_load %arg10[%get3A_446] {strides = array<i32>} : memref<2560xf32, #tpu.memory_space<vmem>>, vector<16xf32>,
      %get3A_448 = vector.shape_cast %get3A_447 : vector<16xf32> to vector<16xf32>
      %add3A_449 = arith.constant 7 : i32
      %add3A_450 = arith.addi %mul3A_337, %add3A_449 : i32
      %mul3A_451 = arith.constant 16 : i32
      %mul3A_452 = arith.muli %add3A_450, %mul3A_451 : i32
      %multiple_of3A_453 = tpu.assume_multiple %mul3A_452, 16 : i32
      %get3A_454 = arith.index_cast %multiple_of3A_453 : i32 to index
      %get3A_455 = tpu.vector_load %arg10[%get3A_454] {strides = array<i32>} : memref<2560xf32, #tpu.memory_space<vmem>>, vector<16xf32>,
      %get3A_456 = vector.shape_cast %get3A_455 : vector<16xf32> to vector<16xf32>
      %add3A_457 = arith.constant 15 : i32
      %add3A_458 = arith.addi %mul3A_337, %add3A_457 : i32
      %mul3A_459 = arith.constant 16 : i32
      %mul3A_460 = arith.muli %add3A_458, %mul3A_459 : i32
      %multiple_of3A_461 = tpu.assume_multiple %mul3A_460, 16 : i32
      %get3A_462 = arith.index_cast %multiple_of3A_461 : i32 to index
      %get3A_463 = tpu.vector_load %arg10[%get3A_462] {strides = array<i32>} : memref<2560xf32, #tpu.memory_space<vmem>>, vector<16xf32>,
      %get3A_464 = vector.shape_cast %get3A_463 : vector<16xf32> to vector<16xf32>
      %select_n3A_465 = arith.select %lt3A_127, %get3A_344, %get3A_352 : vector<16xi1>, vector<16xf32>
      %select_n3A_466 = arith.select %lt3A_127, %get3A_360, %get3A_368 : vector<16xi1>, vector<16xf32>
      %select_n3A_467 = arith.select %lt3A_127, %get3A_376, %get3A_384 : vector<16xi1>, vector<16xf32>
      %select_n3A_468 = arith.select %lt3A_127, %get3A_392, %get3A_400 : vector<16xi1>, vector<16xf32>
      %select_n3A_469 = arith.select %lt3A_127, %get3A_408, %get3A_416 : vector<16xi1>, vector<16xf32>
      %select_n3A_470 = arith.select %lt3A_127, %get3A_424, %get3A_432 : vector<16xi1>, vector<16xf32>
      %select_n3A_471 = arith.select %lt3A_127, %get3A_440, %get3A_448 : vector<16xi1>, vector<16xf32>
      %select_n3A_472 = arith.select %lt3A_127, %get3A_456, %get3A_464 : vector<16xi1>, vector<16xf32>
      %broadcast_in_dim3A = vector.shape_cast %or3A : vector<16xi32> to vector<16x1xi32>
      %gather3A = vector.shape_cast %broadcast_in_dim3A : vector<16x1xi32> to vector<16xi32>
      %gather3A_473 = tpu.dynamic_gather %select_n3A_465[%gather3A] in [0] : vector<16xf32>, vector<16xi32> -> vector<16xf32>
      %add3A_474 = arith.addf %select_n3A_465, %gather3A_473 : vector<16xf32>
      %broadcast_in_dim3A_475 = vector.shape_cast %or3A : vector<16xi32> to vector<16x1xi32>
      %gather3A_476 = vector.shape_cast %broadcast_in_dim3A_475 : vector<16x1xi32> to vector<16xi32>
      %gather3A_477 = tpu.dynamic_gather %select_n3A_466[%gather3A_476] in [0] : vector<16xf32>, vector<16xi32> -> vector<16xf32>
      %add3A_478 = arith.addf %select_n3A_466, %gather3A_477 : vector<16xf32>
      %broadcast_in_dim3A_479 = vector.shape_cast %or3A : vector<16xi32> to vector<16x1xi32>
      %gather3A_480 = vector.shape_cast %broadcast_in_dim3A_479 : vector<16x1xi32> to vector<16xi32>
      %gather3A_481 = tpu.dynamic_gather %select_n3A_467[%gather3A_480] in [0] : vector<16xf32>, vector<16xi32> -> vector<16xf32>
      %add3A_482 = arith.addf %select_n3A_467, %gather3A_481 : vector<16xf32>
      %broadcast_in_dim3A_483 = vector.shape_cast %or3A : vector<16xi32> to vector<16x1xi32>
      %gather3A_484 = vector.shape_cast %broadcast_in_dim3A_483 : vector<16x1xi32> to vector<16xi32>
      %gather3A_485 = tpu.dynamic_gather %select_n3A_468[%gather3A_484] in [0] : vector<16xf32>, vector<16xi32> -> vector<16xf32>
      %add3A_486 = arith.addf %select_n3A_468, %gather3A_485 : vector<16xf32>
      %broadcast_in_dim3A_487 = vector.shape_cast %or3A : vector<16xi32> to vector<16x1xi32>
      %gather3A_488 = vector.shape_cast %broadcast_in_dim3A_487 : vector<16x1xi32> to vector<16xi32>
      %gather3A_489 = tpu.dynamic_gather %select_n3A_469[%gather3A_488] in [0] : vector<16xf32>, vector<16xi32> -> vector<16xf32>
      %add3A_490 = arith.addf %select_n3A_469, %gather3A_489 : vector<16xf32>
      %broadcast_in_dim3A_491 = vector.shape_cast %or3A : vector<16xi32> to vector<16x1xi32>
      %gather3A_492 = vector.shape_cast %broadcast_in_dim3A_491 : vector<16x1xi32> to vector<16xi32>
      %gather3A_493 = tpu.dynamic_gather %select_n3A_470[%gather3A_492] in [0] : vector<16xf32>, vector<16xi32> -> vector<16xf32>
      %add3A_494 = arith.addf %select_n3A_470, %gather3A_493 : vector<16xf32>
      %broadcast_in_dim3A_495 = vector.shape_cast %or3A : vector<16xi32> to vector<16x1xi32>
      %gather3A_496 = vector.shape_cast %broadcast_in_dim3A_495 : vector<16x1xi32> to vector<16xi32>
      %gather3A_497 = tpu.dynamic_gather %select_n3A_471[%gather3A_496] in [0] : vector<16xf32>, vector<16xi32> -> vector<16xf32>
      %add3A_498 = arith.addf %select_n3A_471, %gather3A_497 : vector<16xf32>
      %broadcast_in_dim3A_499 = vector.shape_cast %or3A : vector<16xi32> to vector<16x1xi32>
      %gather3A_500 = vector.shape_cast %broadcast_in_dim3A_499 : vector<16x1xi32> to vector<16xi32>
      %gather3A_501 = tpu.dynamic_gather %select_n3A_472[%gather3A_500] in [0] : vector<16xf32>, vector<16xi32> -> vector<16xf32>
      %add3A_502 = arith.addf %select_n3A_472, %gather3A_501 : vector<16xf32>
      %broadcast_in_dim3A_503 = vector.shape_cast %select_n3A_74 : vector<16xi32> to vector<16x1xi32>
      %gather3A_504 = vector.shape_cast %broadcast_in_dim3A_503 : vector<16x1xi32> to vector<16xi32>
      %gather3A_505 = tpu.dynamic_gather %add3A_478[%gather3A_504] in [0] : vector<16xf32>, vector<16xi32> -> vector<16xf32>
      %select_n3A_506 = arith.select %eq3A_133, %add3A_474, %gather3A_505 : vector<16xi1>, vector<16xf32>
      %broadcast_in_dim3A_507 = vector.shape_cast %select_n3A_74 : vector<16xi32> to vector<16x1xi32>
      %gather3A_508 = vector.shape_cast %broadcast_in_dim3A_507 : vector<16x1xi32> to vector<16xi32>
      %gather3A_509 = tpu.dynamic_gather %add3A_486[%gather3A_508] in [0] : vector<16xf32>, vector<16xi32> -> vector<16xf32>
      %select_n3A_510 = arith.select %eq3A_133, %add3A_482, %gather3A_509 : vector<16xi1>, vector<16xf32>
      %broadcast_in_dim3A_511 = vector.shape_cast %select_n3A_74 : vector<16xi32> to vector<16x1xi32>
      %gather3A_512 = vector.shape_cast %broadcast_in_dim3A_511 : vector<16x1xi32> to vector<16xi32>
      %gather3A_513 = tpu.dynamic_gather %add3A_494[%gather3A_512] in [0] : vector<16xf32>, vector<16xi32> -> vector<16xf32>
      %select_n3A_514 = arith.select %eq3A_133, %add3A_490, %gather3A_513 : vector<16xi1>, vector<16xf32>
      %broadcast_in_dim3A_515 = vector.shape_cast %select_n3A_74 : vector<16xi32> to vector<16x1xi32>
      %gather3A_516 = vector.shape_cast %broadcast_in_dim3A_515 : vector<16x1xi32> to vector<16xi32>
      %gather3A_517 = tpu.dynamic_gather %add3A_502[%gather3A_516] in [0] : vector<16xf32>, vector<16xi32> -> vector<16xf32>
      %select_n3A_518 = arith.select %eq3A_133, %add3A_498, %gather3A_517 : vector<16xi1>, vector<16xf32>
      %broadcast_in_dim3A_519 = vector.shape_cast %or3A_39 : vector<16xi32> to vector<16x1xi32>
      %gather3A_520 = vector.shape_cast %broadcast_in_dim3A_519 : vector<16x1xi32> to vector<16xi32>
      %gather3A_521 = tpu.dynamic_gather %select_n3A_506[%gather3A_520] in [0] : vector<16xf32>, vector<16xi32> -> vector<16xf32>
      %add3A_522 = arith.addf %select_n3A_506, %gather3A_521 : vector<16xf32>
      %broadcast_in_dim3A_523 = vector.shape_cast %or3A_39 : vector<16xi32> to vector<16x1xi32>
      %gather3A_524 = vector.shape_cast %broadcast_in_dim3A_523 : vector<16x1xi32> to vector<16xi32>
      %gather3A_525 = tpu.dynamic_gather %select_n3A_510[%gather3A_524] in [0] : vector<16xf32>, vector<16xi32> -> vector<16xf32>
      %add3A_526 = arith.addf %select_n3A_510, %gather3A_525 : vector<16xf32>
      %broadcast_in_dim3A_527 = vector.shape_cast %or3A_39 : vector<16xi32> to vector<16x1xi32>
      %gather3A_528 = vector.shape_cast %broadcast_in_dim3A_527 : vector<16x1xi32> to vector<16xi32>
      %gather3A_529 = tpu.dynamic_gather %select_n3A_514[%gather3A_528] in [0] : vector<16xf32>, vector<16xi32> -> vector<16xf32>
      %add3A_530 = arith.addf %select_n3A_514, %gather3A_529 : vector<16xf32>
      %broadcast_in_dim3A_531 = vector.shape_cast %or3A_39 : vector<16xi32> to vector<16x1xi32>
      %gather3A_532 = vector.shape_cast %broadcast_in_dim3A_531 : vector<16x1xi32> to vector<16xi32>
      %gather3A_533 = tpu.dynamic_gather %select_n3A_518[%gather3A_532] in [0] : vector<16xf32>, vector<16xi32> -> vector<16xf32>
      %add3A_534 = arith.addf %select_n3A_518, %gather3A_533 : vector<16xf32>
      %broadcast_in_dim3A_535 = vector.shape_cast %select_n3A_99 : vector<16xi32> to vector<16x1xi32>
      %gather3A_536 = vector.shape_cast %broadcast_in_dim3A_535 : vector<16x1xi32> to vector<16xi32>
      %gather3A_537 = tpu.dynamic_gather %add3A_526[%gather3A_536] in [0] : vector<16xf32>, vector<16xi32> -> vector<16xf32>
      %select_n3A_538 = arith.select %eq3A_139, %add3A_522, %gather3A_537 : vector<16xi1>, vector<16xf32>
      %broadcast_in_dim3A_539 = vector.shape_cast %select_n3A_99 : vector<16xi32> to vector<16x1xi32>
      %gather3A_540 = vector.shape_cast %broadcast_in_dim3A_539 : vector<16x1xi32> to vector<16xi32>
      %gather3A_541 = tpu.dynamic_gather %add3A_534[%gather3A_540] in [0] : vector<16xf32>, vector<16xi32> -> vector<16xf32>
      %select_n3A_542 = arith.select %eq3A_139, %add3A_530, %gather3A_541 : vector<16xi1>, vector<16xf32>
      %broadcast_in_dim3A_543 = vector.shape_cast %or3A_49 : vector<16xi32> to vector<16x1xi32>
      %gather3A_544 = vector.shape_cast %broadcast_in_dim3A_543 : vector<16x1xi32> to vector<16xi32>
      %gather3A_545 = tpu.dynamic_gather %select_n3A_538[%gather3A_544] in [0] : vector<16xf32>, vector<16xi32> -> vector<16xf32>
      %add3A_546 = arith.addf %select_n3A_538, %gather3A_545 : vector<16xf32>
      %broadcast_in_dim3A_547 = vector.shape_cast %or3A_49 : vector<16xi32> to vector<16x1xi32>
      %gather3A_548 = vector.shape_cast %broadcast_in_dim3A_547 : vector<16x1xi32> to vector<16xi32>
      %gather3A_549 = tpu.dynamic_gather %select_n3A_542[%gather3A_548] in [0] : vector<16xf32>, vector<16xi32> -> vector<16xf32>
      %add3A_550 = arith.addf %select_n3A_542, %gather3A_549 : vector<16xf32>
      %broadcast_in_dim3A_551 = vector.shape_cast %select_n3A_124 : vector<16xi32> to vector<16x1xi32>
      %gather3A_552 = vector.shape_cast %broadcast_in_dim3A_551 : vector<16x1xi32> to vector<16xi32>
      %gather3A_553 = tpu.dynamic_gather %add3A_550[%gather3A_552] in [0] : vector<16xf32>, vector<16xi32> -> vector<16xf32>
      %select_n3A_554 = arith.select %eq3A_145, %add3A_546, %gather3A_553 : vector<16xi1>, vector<16xf32>
      %add3A_555 = arith.constant 9760 : i32
      %add3A_556 = arith.addi %add3A_555, %mul3A_337 : i32
      %swap3A = arith.index_cast %add3A_556 : i32 to index
      %swap3A_557 = tpu.vector_load %arg11[%swap3A] {strides = array<i32>} : memref<10000xf32, #tpu.memory_space<vmem>>, vector<16xf32>,
      %swap3A_558 = vector.shape_cast %swap3A_557 : vector<16xf32> to vector<16xf32>
      %swap3A_559 = vector.shape_cast %select_n3A_554 : vector<16xf32> to vector<16xf32>
      tpu.vector_store %arg11[%swap3A], %swap3A_559 {strides = array<i32>} : memref<10000xf32, #tpu.memory_space<vmem>>, vector<16xf32>,
    }
    %scan3A_297 = arith.constant 10 : i32
    %dma_wait3A_298 = arith.constant 0 : i32
    %dma_wait3A_299 = arith.constant 0 : i32
    %dma_wait3A_300 = tpu.memref_slice %arg6[%dma_wait3A_298, %dma_wait3A_299] : memref<160x128xf32, #tpu.memory_space<vmem>> -> memref<80x128xf32, #tpu.memory_space<vmem>>
    %dma_wait3A_301 = arith.constant 0 : i32
    %dma_wait3A_302 = arith.constant 0 : i32
    %dma_wait3A_303 = tpu.memref_slice %arg4[%dma_wait3A_301, %dma_wait3A_302] : memref<10000x128xf32, #tpu.memory_space<hbm>> -> memref<80x128xf32, #tpu.memory_space<hbm>>
    %dma_wait3A_304 = arith.constant 0 : i32
    %dma_wait3A_305 = arith.constant 0 : i32
    %dma_wait3A_306 = tpu.memref_slice %arg6[%dma_wait3A_304, %dma_wait3A_305] : memref<160x128xf32, #tpu.memory_space<vmem>> -> memref<80x128xf32, #tpu.memory_space<vmem>>
    %dma_wait3A_307 = arith.constant 0 : i32
    %dma_wait3A_308 = arith.constant 0 : i32
    %dma_wait3A_309 = tpu.memref_slice %arg4[%dma_wait3A_307, %dma_wait3A_308] : memref<10000x128xf32, #tpu.memory_space<hbm>> -> memref<80x128xf32, #tpu.memory_space<hbm>>
    tpu.wait_dma2 semaphore(%arg14 : memref<!tpu.dma_semaphore, #tpu.memory_space<semaphore_mem>>) src(%dma_wait3A_309 : memref<80x128xf32, #tpu.memory_space<hbm>>) dst(%dma_wait3A_306 : memref<80x128xf32, #tpu.memory_space<vmem>>)
    %dma_wait3A_310 = arith.constant 0 : i32
    %dma_wait3A_311 = arith.constant 0 : i32
    %dma_wait3A_312 = tpu.memref_slice %arg7[%dma_wait3A_310, %dma_wait3A_311] : memref<160x128xf32, #tpu.memory_space<vmem>> -> memref<80x128xf32, #tpu.memory_space<vmem>>
    %dma_wait3A_313 = arith.constant 0 : i32
    %dma_wait3A_314 = arith.constant 0 : i32
    %dma_wait3A_315 = tpu.memref_slice %arg4[%dma_wait3A_313, %dma_wait3A_314] : memref<10000x128xf32, #tpu.memory_space<hbm>> -> memref<80x128xf32, #tpu.memory_space<hbm>>
    %dma_wait3A_316 = arith.constant 0 : i32
    %dma_wait3A_317 = arith.constant 0 : i32
    %dma_wait3A_318 = tpu.memref_slice %arg7[%dma_wait3A_316, %dma_wait3A_317] : memref<160x128xf32, #tpu.memory_space<vmem>> -> memref<80x128xf32, #tpu.memory_space<vmem>>
    %dma_wait3A_319 = arith.constant 0 : i32
    %dma_wait3A_320 = arith.constant 0 : i32
    %dma_wait3A_321 = tpu.memref_slice %arg4[%dma_wait3A_319, %dma_wait3A_320] : memref<10000x128xf32, #tpu.memory_space<hbm>> -> memref<80x128xf32, #tpu.memory_space<hbm>>
    tpu.wait_dma2 semaphore(%arg15 : memref<!tpu.dma_semaphore, #tpu.memory_space<semaphore_mem>>) src(%dma_wait3A_321 : memref<80x128xf32, #tpu.memory_space<hbm>>) dst(%dma_wait3A_318 : memref<80x128xf32, #tpu.memory_space<vmem>>)
    %parallel_loop3A_322 = arith.constant 0 : i32
    %parallel_loop3A_323 = arith.constant 80 : i32
    %parallel_loop3A_324 = arith.constant 1 : i32
    scf.for %parallel_loop3A_335 = %parallel_loop3A_322 to %parallel_loop3A_323 step %parallel_loop3A_324  : i32 {
      %parallel_loop3A_336 = arith.index_cast %parallel_loop3A_335 : i32 to index
      %parallel_loop3A_337 = arith.constant 0 : index
      %parallel_loop3A_338 = tpu.vector_load %arg6[%parallel_loop3A_336, %parallel_loop3A_337] {strides = array<i32>} : memref<160x128xf32, #tpu.memory_space<vmem>>, vector<1x16xf32>,
      %parallel_loop3A_339 = vector.shape_cast %parallel_loop3A_338 : vector<1x16xf32> to vector<16xf32>
      %parallel_loop3A_340 = arith.index_cast %parallel_loop3A_335 : i32 to index
      %parallel_loop3A_341 = arith.constant 0 : index
      %parallel_loop3A_342 = tpu.vector_load %arg7[%parallel_loop3A_340, %parallel_loop3A_341] {strides = array<i32>} : memref<160x128xf32, #tpu.memory_space<vmem>>, vector<1x16xf32>,
      %parallel_loop3A_343 = vector.shape_cast %parallel_loop3A_342 : vector<1x16xf32> to vector<16xf32>
      %parallel_loop3A_344 = arith.mulf %parallel_loop3A_339, %parallel_loop3A_343 : vector<16xf32>
      %parallel_loop3A_345 = arith.index_cast %parallel_loop3A_335 : i32 to index
      %parallel_loop3A_346 = arith.constant 16 : index
      %parallel_loop3A_347 = tpu.vector_load %arg6[%parallel_loop3A_345, %parallel_loop3A_346] {strides = array<i32>} : memref<160x128xf32, #tpu.memory_space<vmem>>, vector<1x16xf32>,
      %parallel_loop3A_348 = vector.shape_cast %parallel_loop3A_347 : vector<1x16xf32> to vector<16xf32>
      %parallel_loop3A_349 = arith.index_cast %parallel_loop3A_335 : i32 to index
      %parallel_loop3A_350 = arith.constant 16 : index
      %parallel_loop3A_351 = tpu.vector_load %arg7[%parallel_loop3A_349, %parallel_loop3A_350] {strides = array<i32>} : memref<160x128xf32, #tpu.memory_space<vmem>>, vector<1x16xf32>,
      %parallel_loop3A_352 = vector.shape_cast %parallel_loop3A_351 : vector<1x16xf32> to vector<16xf32>
      %parallel_loop3A_353 = arith.mulf %parallel_loop3A_348, %parallel_loop3A_352 : vector<16xf32>
      %parallel_loop3A_354 = arith.index_cast %parallel_loop3A_335 : i32 to index
      %parallel_loop3A_355 = arith.constant 32 : index
      %parallel_loop3A_356 = tpu.vector_load %arg6[%parallel_loop3A_354, %parallel_loop3A_355] {strides = array<i32>} : memref<160x128xf32, #tpu.memory_space<vmem>>, vector<1x16xf32>,
      %parallel_loop3A_357 = vector.shape_cast %parallel_loop3A_356 : vector<1x16xf32> to vector<16xf32>
      %parallel_loop3A_358 = arith.index_cast %parallel_loop3A_335 : i32 to index
      %parallel_loop3A_359 = arith.constant 32 : index
      %parallel_loop3A_360 = tpu.vector_load %arg7[%parallel_loop3A_358, %parallel_loop3A_359] {strides = array<i32>} : memref<160x128xf32, #tpu.memory_space<vmem>>, vector<1x16xf32>,
      %parallel_loop3A_361 = vector.shape_cast %parallel_loop3A_360 : vector<1x16xf32> to vector<16xf32>
      %parallel_loop3A_362 = arith.mulf %parallel_loop3A_357, %parallel_loop3A_361 : vector<16xf32>
      %parallel_loop3A_363 = arith.index_cast %parallel_loop3A_335 : i32 to index
      %parallel_loop3A_364 = arith.constant 48 : index
      %parallel_loop3A_365 = tpu.vector_load %arg6[%parallel_loop3A_363, %parallel_loop3A_364] {strides = array<i32>} : memref<160x128xf32, #tpu.memory_space<vmem>>, vector<1x16xf32>,
      %parallel_loop3A_366 = vector.shape_cast %parallel_loop3A_365 : vector<1x16xf32> to vector<16xf32>
      %parallel_loop3A_367 = arith.index_cast %parallel_loop3A_335 : i32 to index
      %parallel_loop3A_368 = arith.constant 48 : index
      %parallel_loop3A_369 = tpu.vector_load %arg7[%parallel_loop3A_367, %parallel_loop3A_368] {strides = array<i32>} : memref<160x128xf32, #tpu.memory_space<vmem>>, vector<1x16xf32>,
      %parallel_loop3A_370 = vector.shape_cast %parallel_loop3A_369 : vector<1x16xf32> to vector<16xf32>
      %parallel_loop3A_371 = arith.mulf %parallel_loop3A_366, %parallel_loop3A_370 : vector<16xf32>
      %parallel_loop3A_372 = arith.index_cast %parallel_loop3A_335 : i32 to index
      %parallel_loop3A_373 = arith.constant 64 : index
      %parallel_loop3A_374 = tpu.vector_load %arg6[%parallel_loop3A_372, %parallel_loop3A_373] {strides = array<i32>} : memref<160x128xf32, #tpu.memory_space<vmem>>, vector<1x16xf32>,
      %parallel_loop3A_375 = vector.shape_cast %parallel_loop3A_374 : vector<1x16xf32> to vector<16xf32>
      %parallel_loop3A_376 = arith.index_cast %parallel_loop3A_335 : i32 to index
      %parallel_loop3A_377 = arith.constant 64 : index
      %parallel_loop3A_378 = tpu.vector_load %arg7[%parallel_loop3A_376, %parallel_loop3A_377] {strides = array<i32>} : memref<160x128xf32, #tpu.memory_space<vmem>>, vector<1x16xf32>,
      %parallel_loop3A_379 = vector.shape_cast %parallel_loop3A_378 : vector<1x16xf32> to vector<16xf32>
      %parallel_loop3A_380 = arith.mulf %parallel_loop3A_375, %parallel_loop3A_379 : vector<16xf32>
      %parallel_loop3A_381 = arith.index_cast %parallel_loop3A_335 : i32 to index
      %parallel_loop3A_382 = arith.constant 80 : index
      %parallel_loop3A_383 = tpu.vector_load %arg6[%parallel_loop3A_381, %parallel_loop3A_382] {strides = array<i32>} : memref<160x128xf32, #tpu.memory_space<vmem>>, vector<1x16xf32>,
      %parallel_loop3A_384 = vector.shape_cast %parallel_loop3A_383 : vector<1x16xf32> to vector<16xf32>
      %parallel_loop3A_385 = arith.index_cast %parallel_loop3A_335 : i32 to index
      %parallel_loop3A_386 = arith.constant 80 : index
      %parallel_loop3A_387 = tpu.vector_load %arg7[%parallel_loop3A_385, %parallel_loop3A_386] {strides = array<i32>} : memref<160x128xf32, #tpu.memory_space<vmem>>, vector<1x16xf32>,
      %parallel_loop3A_388 = vector.shape_cast %parallel_loop3A_387 : vector<1x16xf32> to vector<16xf32>
      %parallel_loop3A_389 = arith.mulf %parallel_loop3A_384, %parallel_loop3A_388 : vector<16xf32>
      %parallel_loop3A_390 = arith.index_cast %parallel_loop3A_335 : i32 to index
      %parallel_loop3A_391 = arith.constant 96 : index
      %parallel_loop3A_392 = tpu.vector_load %arg6[%parallel_loop3A_390, %parallel_loop3A_391] {strides = array<i32>} : memref<160x128xf32, #tpu.memory_space<vmem>>, vector<1x16xf32>,
      %parallel_loop3A_393 = vector.shape_cast %parallel_loop3A_392 : vector<1x16xf32> to vector<16xf32>
      %parallel_loop3A_394 = arith.index_cast %parallel_loop3A_335 : i32 to index
      %parallel_loop3A_395 = arith.constant 96 : index
      %parallel_loop3A_396 = tpu.vector_load %arg7[%parallel_loop3A_394, %parallel_loop3A_395] {strides = array<i32>} : memref<160x128xf32, #tpu.memory_space<vmem>>, vector<1x16xf32>,
      %parallel_loop3A_397 = vector.shape_cast %parallel_loop3A_396 : vector<1x16xf32> to vector<16xf32>
      %parallel_loop3A_398 = arith.mulf %parallel_loop3A_393, %parallel_loop3A_397 : vector<16xf32>
      %parallel_loop3A_399 = arith.index_cast %parallel_loop3A_335 : i32 to index
      %parallel_loop3A_400 = arith.constant 112 : index
      %parallel_loop3A_401 = tpu.vector_load %arg6[%parallel_loop3A_399, %parallel_loop3A_400] {strides = array<i32>} : memref<160x128xf32, #tpu.memory_space<vmem>>, vector<1x16xf32>,
      %parallel_loop3A_402 = vector.shape_cast %parallel_loop3A_401 : vector<1x16xf32> to vector<16xf32>
      %parallel_loop3A_403 = arith.index_cast %parallel_loop3A_335 : i32 to index
      %parallel_loop3A_404 = arith.constant 112 : index
      %parallel_loop3A_405 = tpu.vector_load %arg7[%parallel_loop3A_403, %parallel_loop3A_404] {strides = array<i32>} : memref<160x128xf32, #tpu.memory_space<vmem>>, vector<1x16xf32>,
      %parallel_loop3A_406 = vector.shape_cast %parallel_loop3A_405 : vector<1x16xf32> to vector<16xf32>
      %parallel_loop3A_407 = arith.mulf %parallel_loop3A_402, %parallel_loop3A_406 : vector<16xf32>
      %parallel_loop3A_408 = arith.addf %parallel_loop3A_344, %parallel_loop3A_353 : vector<16xf32>
      %parallel_loop3A_409 = arith.addf %parallel_loop3A_362, %parallel_loop3A_371 : vector<16xf32>
      %parallel_loop3A_410 = arith.addf %parallel_loop3A_380, %parallel_loop3A_389 : vector<16xf32>
      %parallel_loop3A_411 = arith.addf %parallel_loop3A_398, %parallel_loop3A_407 : vector<16xf32>
      %parallel_loop3A_412 = arith.addf %parallel_loop3A_408, %parallel_loop3A_409 : vector<16xf32>
      %parallel_loop3A_413 = arith.addf %parallel_loop3A_410, %parallel_loop3A_411 : vector<16xf32>
      %parallel_loop3A_414 = arith.addf %parallel_loop3A_412, %parallel_loop3A_413 : vector<16xf32>
      %parallel_loop3A_415 = vector.shape_cast %select_n3A_20 : vector<16xi32> to vector<16x1xi32>
      %parallel_loop3A_416 = vector.shape_cast %parallel_loop3A_415 : vector<16x1xi32> to vector<16xi32>
      %parallel_loop3A_417 = tpu.dynamic_gather %parallel_loop3A_414[%parallel_loop3A_416] in [0] : vector<16xf32>, vector<16xi32> -> vector<16xf32>
      %parallel_loop3A_418 = arith.addf %parallel_loop3A_414, %parallel_loop3A_417 : vector<16xf32>
      %parallel_loop3A_419 = arith.constant 16 : i32
      %parallel_loop3A_420 = arith.muli %parallel_loop3A_335, %parallel_loop3A_419 : i32
      %parallel_loop3A_421 = tpu.assume_multiple %parallel_loop3A_420, 16 : i32
      %parallel_loop3A_422 = arith.index_cast %parallel_loop3A_421 : i32 to index
      %parallel_loop3A_423 = tpu.vector_load %arg10[%parallel_loop3A_422] {strides = array<i32>} : memref<2560xf32, #tpu.memory_space<vmem>>, vector<16xf32>,
      %parallel_loop3A_424 = vector.shape_cast %parallel_loop3A_423 : vector<16xf32> to vector<16xf32>
      %parallel_loop3A_425 = vector.shape_cast %parallel_loop3A_418 : vector<16xf32> to vector<16xf32>
      tpu.vector_store %arg10[%parallel_loop3A_422], %parallel_loop3A_425 {strides = array<i32>} : memref<2560xf32, #tpu.memory_space<vmem>>, vector<16xf32>,
    } {sc.loop_unroll_factor = 8 : i64, sc.parallel_access}
    %scan3A_325 = arith.constant 0 : i32
    %scan3A_326 = arith.constant 0 : i32
    %scan3A_327 = arith.constant 5 : i32
    %scan3A_328 = arith.addi %scan3A_326, %scan3A_327 : i32
    %scan3A_329 = arith.constant 1 : i32
    scf.for %scan3A_335 = %scan3A_326 to %scan3A_328 step %scan3A_329  : i32 {
      %mul3A_336 = arith.constant 16 : i32
      %mul3A_337 = arith.muli %scan3A_335, %mul3A_336 : i32
      %add3A_338 = arith.constant 0 : i32
      %add3A_339 = arith.addi %mul3A_337, %add3A_338 : i32
      %mul3A_340 = arith.constant 16 : i32
      %mul3A_341 = arith.muli %add3A_339, %mul3A_340 : i32
      %multiple_of3A_342 = tpu.assume_multiple %mul3A_341, 16 : i32
      %get3A = arith.index_cast %multiple_of3A_342 : i32 to index
      %get3A_343 = tpu.vector_load %arg10[%get3A] {strides = array<i32>} : memref<2560xf32, #tpu.memory_space<vmem>>, vector<16xf32>,
      %get3A_344 = vector.shape_cast %get3A_343 : vector<16xf32> to vector<16xf32>
      %add3A_345 = arith.constant 8 : i32
      %add3A_346 = arith.addi %mul3A_337, %add3A_345 : i32
      %mul3A_347 = arith.constant 16 : i32
      %mul3A_348 = arith.muli %add3A_346, %mul3A_347 : i32
      %multiple_of3A_349 = tpu.assume_multiple %mul3A_348, 16 : i32
      %get3A_350 = arith.index_cast %multiple_of3A_349 : i32 to index
      %get3A_351 = tpu.vector_load %arg10[%get3A_350] {strides = array<i32>} : memref<2560xf32, #tpu.memory_space<vmem>>, vector<16xf32>,
      %get3A_352 = vector.shape_cast %get3A_351 : vector<16xf32> to vector<16xf32>
      %add3A_353 = arith.constant 4 : i32
      %add3A_354 = arith.addi %mul3A_337, %add3A_353 : i32
      %mul3A_355 = arith.constant 16 : i32
      %mul3A_356 = arith.muli %add3A_354, %mul3A_355 : i32
      %multiple_of3A_357 = tpu.assume_multiple %mul3A_356, 16 : i32
      %get3A_358 = arith.index_cast %multiple_of3A_357 : i32 to index
      %get3A_359 = tpu.vector_load %arg10[%get3A_358] {strides = array<i32>} : memref<2560xf32, #tpu.memory_space<vmem>>, vector<16xf32>,
      %get3A_360 = vector.shape_cast %get3A_359 : vector<16xf32> to vector<16xf32>
      %add3A_361 = arith.constant 12 : i32
      %add3A_362 = arith.addi %mul3A_337, %add3A_361 : i32
      %mul3A_363 = arith.constant 16 : i32
      %mul3A_364 = arith.muli %add3A_362, %mul3A_363 : i32
      %multiple_of3A_365 = tpu.assume_multiple %mul3A_364, 16 : i32
      %get3A_366 = arith.index_cast %multiple_of3A_365 : i32 to index
      %get3A_367 = tpu.vector_load %arg10[%get3A_366] {strides = array<i32>} : memref<2560xf32, #tpu.memory_space<vmem>>, vector<16xf32>,
      %get3A_368 = vector.shape_cast %get3A_367 : vector<16xf32> to vector<16xf32>
      %add3A_369 = arith.constant 2 : i32
      %add3A_370 = arith.addi %mul3A_337, %add3A_369 : i32
      %mul3A_371 = arith.constant 16 : i32
      %mul3A_372 = arith.muli %add3A_370, %mul3A_371 : i32
      %multiple_of3A_373 = tpu.assume_multiple %mul3A_372, 16 : i32
      %get3A_374 = arith.index_cast %multiple_of3A_373 : i32 to index
      %get3A_375 = tpu.vector_load %arg10[%get3A_374] {strides = array<i32>} : memref<2560xf32, #tpu.memory_space<vmem>>, vector<16xf32>,
      %get3A_376 = vector.shape_cast %get3A_375 : vector<16xf32> to vector<16xf32>
      %add3A_377 = arith.constant 10 : i32
      %add3A_378 = arith.addi %mul3A_337, %add3A_377 : i32
      %mul3A_379 = arith.constant 16 : i32
      %mul3A_380 = arith.muli %add3A_378, %mul3A_379 : i32
      %multiple_of3A_381 = tpu.assume_multiple %mul3A_380, 16 : i32
      %get3A_382 = arith.index_cast %multiple_of3A_381 : i32 to index
      %get3A_383 = tpu.vector_load %arg10[%get3A_382] {strides = array<i32>} : memref<2560xf32, #tpu.memory_space<vmem>>, vector<16xf32>,
      %get3A_384 = vector.shape_cast %get3A_383 : vector<16xf32> to vector<16xf32>
      %add3A_385 = arith.constant 6 : i32
      %add3A_386 = arith.addi %mul3A_337, %add3A_385 : i32
      %mul3A_387 = arith.constant 16 : i32
      %mul3A_388 = arith.muli %add3A_386, %mul3A_387 : i32
      %multiple_of3A_389 = tpu.assume_multiple %mul3A_388, 16 : i32
      %get3A_390 = arith.index_cast %multiple_of3A_389 : i32 to index
      %get3A_391 = tpu.vector_load %arg10[%get3A_390] {strides = array<i32>} : memref<2560xf32, #tpu.memory_space<vmem>>, vector<16xf32>,
      %get3A_392 = vector.shape_cast %get3A_391 : vector<16xf32> to vector<16xf32>
      %add3A_393 = arith.constant 14 : i32
      %add3A_394 = arith.addi %mul3A_337, %add3A_393 : i32
      %mul3A_395 = arith.constant 16 : i32
      %mul3A_396 = arith.muli %add3A_394, %mul3A_395 : i32
      %multiple_of3A_397 = tpu.assume_multiple %mul3A_396, 16 : i32
      %get3A_398 = arith.index_cast %multiple_of3A_397 : i32 to index
      %get3A_399 = tpu.vector_load %arg10[%get3A_398] {strides = array<i32>} : memref<2560xf32, #tpu.memory_space<vmem>>, vector<16xf32>,
      %get3A_400 = vector.shape_cast %get3A_399 : vector<16xf32> to vector<16xf32>
      %add3A_401 = arith.constant 1 : i32
      %add3A_402 = arith.addi %mul3A_337, %add3A_401 : i32
      %mul3A_403 = arith.constant 16 : i32
      %mul3A_404 = arith.muli %add3A_402, %mul3A_403 : i32
      %multiple_of3A_405 = tpu.assume_multiple %mul3A_404, 16 : i32
      %get3A_406 = arith.index_cast %multiple_of3A_405 : i32 to index
      %get3A_407 = tpu.vector_load %arg10[%get3A_406] {strides = array<i32>} : memref<2560xf32, #tpu.memory_space<vmem>>, vector<16xf32>,
      %get3A_408 = vector.shape_cast %get3A_407 : vector<16xf32> to vector<16xf32>
      %add3A_409 = arith.constant 9 : i32
      %add3A_410 = arith.addi %mul3A_337, %add3A_409 : i32
      %mul3A_411 = arith.constant 16 : i32
      %mul3A_412 = arith.muli %add3A_410, %mul3A_411 : i32
      %multiple_of3A_413 = tpu.assume_multiple %mul3A_412, 16 : i32
      %get3A_414 = arith.index_cast %multiple_of3A_413 : i32 to index
      %get3A_415 = tpu.vector_load %arg10[%get3A_414] {strides = array<i32>} : memref<2560xf32, #tpu.memory_space<vmem>>, vector<16xf32>,
      %get3A_416 = vector.shape_cast %get3A_415 : vector<16xf32> to vector<16xf32>
      %add3A_417 = arith.constant 5 : i32
      %add3A_418 = arith.addi %mul3A_337, %add3A_417 : i32
      %mul3A_419 = arith.constant 16 : i32
      %mul3A_420 = arith.muli %add3A_418, %mul3A_419 : i32
      %multiple_of3A_421 = tpu.assume_multiple %mul3A_420, 16 : i32
      %get3A_422 = arith.index_cast %multiple_of3A_421 : i32 to index
      %get3A_423 = tpu.vector_load %arg10[%get3A_422] {strides = array<i32>} : memref<2560xf32, #tpu.memory_space<vmem>>, vector<16xf32>,
      %get3A_424 = vector.shape_cast %get3A_423 : vector<16xf32> to vector<16xf32>
      %add3A_425 = arith.constant 13 : i32
      %add3A_426 = arith.addi %mul3A_337, %add3A_425 : i32
      %mul3A_427 = arith.constant 16 : i32
      %mul3A_428 = arith.muli %add3A_426, %mul3A_427 : i32
      %multiple_of3A_429 = tpu.assume_multiple %mul3A_428, 16 : i32
      %get3A_430 = arith.index_cast %multiple_of3A_429 : i32 to index
      %get3A_431 = tpu.vector_load %arg10[%get3A_430] {strides = array<i32>} : memref<2560xf32, #tpu.memory_space<vmem>>, vector<16xf32>,
      %get3A_432 = vector.shape_cast %get3A_431 : vector<16xf32> to vector<16xf32>
      %add3A_433 = arith.constant 3 : i32
      %add3A_434 = arith.addi %mul3A_337, %add3A_433 : i32
      %mul3A_435 = arith.constant 16 : i32
      %mul3A_436 = arith.muli %add3A_434, %mul3A_435 : i32
      %multiple_of3A_437 = tpu.assume_multiple %mul3A_436, 16 : i32
      %get3A_438 = arith.index_cast %multiple_of3A_437 : i32 to index
      %get3A_439 = tpu.vector_load %arg10[%get3A_438] {strides = array<i32>} : memref<2560xf32, #tpu.memory_space<vmem>>, vector<16xf32>,
      %get3A_440 = vector.shape_cast %get3A_439 : vector<16xf32> to vector<16xf32>
      %add3A_441 = arith.constant 11 : i32
      %add3A_442 = arith.addi %mul3A_337, %add3A_441 : i32
      %mul3A_443 = arith.constant 16 : i32
      %mul3A_444 = arith.muli %add3A_442, %mul3A_443 : i32
      %multiple_of3A_445 = tpu.assume_multiple %mul3A_444, 16 : i32
      %get3A_446 = arith.index_cast %multiple_of3A_445 : i32 to index
      %get3A_447 = tpu.vector_load %arg10[%get3A_446] {strides = array<i32>} : memref<2560xf32, #tpu.memory_space<vmem>>, vector<16xf32>,
      %get3A_448 = vector.shape_cast %get3A_447 : vector<16xf32> to vector<16xf32>
      %add3A_449 = arith.constant 7 : i32
      %add3A_450 = arith.addi %mul3A_337, %add3A_449 : i32
      %mul3A_451 = arith.constant 16 : i32
      %mul3A_452 = arith.muli %add3A_450, %mul3A_451 : i32
      %multiple_of3A_453 = tpu.assume_multiple %mul3A_452, 16 : i32
      %get3A_454 = arith.index_cast %multiple_of3A_453 : i32 to index
      %get3A_455 = tpu.vector_load %arg10[%get3A_454] {strides = array<i32>} : memref<2560xf32, #tpu.memory_space<vmem>>, vector<16xf32>,
      %get3A_456 = vector.shape_cast %get3A_455 : vector<16xf32> to vector<16xf32>
      %add3A_457 = arith.constant 15 : i32
      %add3A_458 = arith.addi %mul3A_337, %add3A_457 : i32
      %mul3A_459 = arith.constant 16 : i32
      %mul3A_460 = arith.muli %add3A_458, %mul3A_459 : i32
      %multiple_of3A_461 = tpu.assume_multiple %mul3A_460, 16 : i32
      %get3A_462 = arith.index_cast %multiple_of3A_461 : i32 to index
      %get3A_463 = tpu.vector_load %arg10[%get3A_462] {strides = array<i32>} : memref<2560xf32, #tpu.memory_space<vmem>>, vector<16xf32>,
      %get3A_464 = vector.shape_cast %get3A_463 : vector<16xf32> to vector<16xf32>
      %select_n3A_465 = arith.select %lt3A_127, %get3A_344, %get3A_352 : vector<16xi1>, vector<16xf32>
      %select_n3A_466 = arith.select %lt3A_127, %get3A_360, %get3A_368 : vector<16xi1>, vector<16xf32>
      %select_n3A_467 = arith.select %lt3A_127, %get3A_376, %get3A_384 : vector<16xi1>, vector<16xf32>
      %select_n3A_468 = arith.select %lt3A_127, %get3A_392, %get3A_400 : vector<16xi1>, vector<16xf32>
      %select_n3A_469 = arith.select %lt3A_127, %get3A_408, %get3A_416 : vector<16xi1>, vector<16xf32>
      %select_n3A_470 = arith.select %lt3A_127, %get3A_424, %get3A_432 : vector<16xi1>, vector<16xf32>
      %select_n3A_471 = arith.select %lt3A_127, %get3A_440, %get3A_448 : vector<16xi1>, vector<16xf32>
      %select_n3A_472 = arith.select %lt3A_127, %get3A_456, %get3A_464 : vector<16xi1>, vector<16xf32>
      %broadcast_in_dim3A = vector.shape_cast %or3A : vector<16xi32> to vector<16x1xi32>
      %gather3A = vector.shape_cast %broadcast_in_dim3A : vector<16x1xi32> to vector<16xi32>
      %gather3A_473 = tpu.dynamic_gather %select_n3A_465[%gather3A] in [0] : vector<16xf32>, vector<16xi32> -> vector<16xf32>
      %add3A_474 = arith.addf %select_n3A_465, %gather3A_473 : vector<16xf32>
      %broadcast_in_dim3A_475 = vector.shape_cast %or3A : vector<16xi32> to vector<16x1xi32>
      %gather3A_476 = vector.shape_cast %broadcast_in_dim3A_475 : vector<16x1xi32> to vector<16xi32>
      %gather3A_477 = tpu.dynamic_gather %select_n3A_466[%gather3A_476] in [0] : vector<16xf32>, vector<16xi32> -> vector<16xf32>
      %add3A_478 = arith.addf %select_n3A_466, %gather3A_477 : vector<16xf32>
      %broadcast_in_dim3A_479 = vector.shape_cast %or3A : vector<16xi32> to vector<16x1xi32>
      %gather3A_480 = vector.shape_cast %broadcast_in_dim3A_479 : vector<16x1xi32> to vector<16xi32>
      %gather3A_481 = tpu.dynamic_gather %select_n3A_467[%gather3A_480] in [0] : vector<16xf32>, vector<16xi32> -> vector<16xf32>
      %add3A_482 = arith.addf %select_n3A_467, %gather3A_481 : vector<16xf32>
      %broadcast_in_dim3A_483 = vector.shape_cast %or3A : vector<16xi32> to vector<16x1xi32>
      %gather3A_484 = vector.shape_cast %broadcast_in_dim3A_483 : vector<16x1xi32> to vector<16xi32>
      %gather3A_485 = tpu.dynamic_gather %select_n3A_468[%gather3A_484] in [0] : vector<16xf32>, vector<16xi32> -> vector<16xf32>
      %add3A_486 = arith.addf %select_n3A_468, %gather3A_485 : vector<16xf32>
      %broadcast_in_dim3A_487 = vector.shape_cast %or3A : vector<16xi32> to vector<16x1xi32>
      %gather3A_488 = vector.shape_cast %broadcast_in_dim3A_487 : vector<16x1xi32> to vector<16xi32>
      %gather3A_489 = tpu.dynamic_gather %select_n3A_469[%gather3A_488] in [0] : vector<16xf32>, vector<16xi32> -> vector<16xf32>
      %add3A_490 = arith.addf %select_n3A_469, %gather3A_489 : vector<16xf32>
      %broadcast_in_dim3A_491 = vector.shape_cast %or3A : vector<16xi32> to vector<16x1xi32>
      %gather3A_492 = vector.shape_cast %broadcast_in_dim3A_491 : vector<16x1xi32> to vector<16xi32>
      %gather3A_493 = tpu.dynamic_gather %select_n3A_470[%gather3A_492] in [0] : vector<16xf32>, vector<16xi32> -> vector<16xf32>
      %add3A_494 = arith.addf %select_n3A_470, %gather3A_493 : vector<16xf32>
      %broadcast_in_dim3A_495 = vector.shape_cast %or3A : vector<16xi32> to vector<16x1xi32>
      %gather3A_496 = vector.shape_cast %broadcast_in_dim3A_495 : vector<16x1xi32> to vector<16xi32>
      %gather3A_497 = tpu.dynamic_gather %select_n3A_471[%gather3A_496] in [0] : vector<16xf32>, vector<16xi32> -> vector<16xf32>
      %add3A_498 = arith.addf %select_n3A_471, %gather3A_497 : vector<16xf32>
      %broadcast_in_dim3A_499 = vector.shape_cast %or3A : vector<16xi32> to vector<16x1xi32>
      %gather3A_500 = vector.shape_cast %broadcast_in_dim3A_499 : vector<16x1xi32> to vector<16xi32>
      %gather3A_501 = tpu.dynamic_gather %select_n3A_472[%gather3A_500] in [0] : vector<16xf32>, vector<16xi32> -> vector<16xf32>
      %add3A_502 = arith.addf %select_n3A_472, %gather3A_501 : vector<16xf32>
      %broadcast_in_dim3A_503 = vector.shape_cast %select_n3A_74 : vector<16xi32> to vector<16x1xi32>
      %gather3A_504 = vector.shape_cast %broadcast_in_dim3A_503 : vector<16x1xi32> to vector<16xi32>
      %gather3A_505 = tpu.dynamic_gather %add3A_478[%gather3A_504] in [0] : vector<16xf32>, vector<16xi32> -> vector<16xf32>
      %select_n3A_506 = arith.select %eq3A_133, %add3A_474, %gather3A_505 : vector<16xi1>, vector<16xf32>
      %broadcast_in_dim3A_507 = vector.shape_cast %select_n3A_74 : vector<16xi32> to vector<16x1xi32>
      %gather3A_508 = vector.shape_cast %broadcast_in_dim3A_507 : vector<16x1xi32> to vector<16xi32>
      %gather3A_509 = tpu.dynamic_gather %add3A_486[%gather3A_508] in [0] : vector<16xf32>, vector<16xi32> -> vector<16xf32>
      %select_n3A_510 = arith.select %eq3A_133, %add3A_482, %gather3A_509 : vector<16xi1>, vector<16xf32>
      %broadcast_in_dim3A_511 = vector.shape_cast %select_n3A_74 : vector<16xi32> to vector<16x1xi32>
      %gather3A_512 = vector.shape_cast %broadcast_in_dim3A_511 : vector<16x1xi32> to vector<16xi32>
      %gather3A_513 = tpu.dynamic_gather %add3A_494[%gather3A_512] in [0] : vector<16xf32>, vector<16xi32> -> vector<16xf32>
      %select_n3A_514 = arith.select %eq3A_133, %add3A_490, %gather3A_513 : vector<16xi1>, vector<16xf32>
      %broadcast_in_dim3A_515 = vector.shape_cast %select_n3A_74 : vector<16xi32> to vector<16x1xi32>
      %gather3A_516 = vector.shape_cast %broadcast_in_dim3A_515 : vector<16x1xi32> to vector<16xi32>
      %gather3A_517 = tpu.dynamic_gather %add3A_502[%gather3A_516] in [0] : vector<16xf32>, vector<16xi32> -> vector<16xf32>
      %select_n3A_518 = arith.select %eq3A_133, %add3A_498, %gather3A_517 : vector<16xi1>, vector<16xf32>
      %broadcast_in_dim3A_519 = vector.shape_cast %or3A_39 : vector<16xi32> to vector<16x1xi32>
      %gather3A_520 = vector.shape_cast %broadcast_in_dim3A_519 : vector<16x1xi32> to vector<16xi32>
      %gather3A_521 = tpu.dynamic_gather %select_n3A_506[%gather3A_520] in [0] : vector<16xf32>, vector<16xi32> -> vector<16xf32>
      %add3A_522 = arith.addf %select_n3A_506, %gather3A_521 : vector<16xf32>
      %broadcast_in_dim3A_523 = vector.shape_cast %or3A_39 : vector<16xi32> to vector<16x1xi32>
      %gather3A_524 = vector.shape_cast %broadcast_in_dim3A_523 : vector<16x1xi32> to vector<16xi32>
      %gather3A_525 = tpu.dynamic_gather %select_n3A_510[%gather3A_524] in [0] : vector<16xf32>, vector<16xi32> -> vector<16xf32>
      %add3A_526 = arith.addf %select_n3A_510, %gather3A_525 : vector<16xf32>
      %broadcast_in_dim3A_527 = vector.shape_cast %or3A_39 : vector<16xi32> to vector<16x1xi32>
      %gather3A_528 = vector.shape_cast %broadcast_in_dim3A_527 : vector<16x1xi32> to vector<16xi32>
      %gather3A_529 = tpu.dynamic_gather %select_n3A_514[%gather3A_528] in [0] : vector<16xf32>, vector<16xi32> -> vector<16xf32>
      %add3A_530 = arith.addf %select_n3A_514, %gather3A_529 : vector<16xf32>
      %broadcast_in_dim3A_531 = vector.shape_cast %or3A_39 : vector<16xi32> to vector<16x1xi32>
      %gather3A_532 = vector.shape_cast %broadcast_in_dim3A_531 : vector<16x1xi32> to vector<16xi32>
      %gather3A_533 = tpu.dynamic_gather %select_n3A_518[%gather3A_532] in [0] : vector<16xf32>, vector<16xi32> -> vector<16xf32>
      %add3A_534 = arith.addf %select_n3A_518, %gather3A_533 : vector<16xf32>
      %broadcast_in_dim3A_535 = vector.shape_cast %select_n3A_99 : vector<16xi32> to vector<16x1xi32>
      %gather3A_536 = vector.shape_cast %broadcast_in_dim3A_535 : vector<16x1xi32> to vector<16xi32>
      %gather3A_537 = tpu.dynamic_gather %add3A_526[%gather3A_536] in [0] : vector<16xf32>, vector<16xi32> -> vector<16xf32>
      %select_n3A_538 = arith.select %eq3A_139, %add3A_522, %gather3A_537 : vector<16xi1>, vector<16xf32>
      %broadcast_in_dim3A_539 = vector.shape_cast %select_n3A_99 : vector<16xi32> to vector<16x1xi32>
      %gather3A_540 = vector.shape_cast %broadcast_in_dim3A_539 : vector<16x1xi32> to vector<16xi32>
      %gather3A_541 = tpu.dynamic_gather %add3A_534[%gather3A_540] in [0] : vector<16xf32>, vector<16xi32> -> vector<16xf32>
      %select_n3A_542 = arith.select %eq3A_139, %add3A_530, %gather3A_541 : vector<16xi1>, vector<16xf32>
      %broadcast_in_dim3A_543 = vector.shape_cast %or3A_49 : vector<16xi32> to vector<16x1xi32>
      %gather3A_544 = vector.shape_cast %broadcast_in_dim3A_543 : vector<16x1xi32> to vector<16xi32>
      %gather3A_545 = tpu.dynamic_gather %select_n3A_538[%gather3A_544] in [0] : vector<16xf32>, vector<16xi32> -> vector<16xf32>
      %add3A_546 = arith.addf %select_n3A_538, %gather3A_545 : vector<16xf32>
      %broadcast_in_dim3A_547 = vector.shape_cast %or3A_49 : vector<16xi32> to vector<16x1xi32>
      %gather3A_548 = vector.shape_cast %broadcast_in_dim3A_547 : vector<16x1xi32> to vector<16xi32>
      %gather3A_549 = tpu.dynamic_gather %select_n3A_542[%gather3A_548] in [0] : vector<16xf32>, vector<16xi32> -> vector<16xf32>
      %add3A_550 = arith.addf %select_n3A_542, %gather3A_549 : vector<16xf32>
      %broadcast_in_dim3A_551 = vector.shape_cast %select_n3A_124 : vector<16xi32> to vector<16x1xi32>
      %gather3A_552 = vector.shape_cast %broadcast_in_dim3A_551 : vector<16x1xi32> to vector<16xi32>
      %gather3A_553 = tpu.dynamic_gather %add3A_550[%gather3A_552] in [0] : vector<16xf32>, vector<16xi32> -> vector<16xf32>
      %select_n3A_554 = arith.select %eq3A_145, %add3A_546, %gather3A_553 : vector<16xi1>, vector<16xf32>
      %add3A_555 = arith.constant 9920 : i32
      %add3A_556 = arith.addi %add3A_555, %mul3A_337 : i32
      %swap3A = arith.index_cast %add3A_556 : i32 to index
      %swap3A_557 = tpu.vector_load %arg11[%swap3A] {strides = array<i32>} : memref<10000xf32, #tpu.memory_space<vmem>>, vector<16xf32>,
      %swap3A_558 = vector.shape_cast %swap3A_557 : vector<16xf32> to vector<16xf32>
      %swap3A_559 = vector.shape_cast %select_n3A_554 : vector<16xf32> to vector<16xf32>
      tpu.vector_store %arg11[%swap3A], %swap3A_559 {strides = array<i32>} : memref<10000xf32, #tpu.memory_space<vmem>>, vector<16xf32>,
    }
    %scan3A_330 = arith.constant 5 : i32
    %dma_start3A_331 = tpu.memref_slice %arg5[%multiple_of3A] : memref<320000xf32, #tpu.memory_space<hbm>> -> memref<10000xf32, #tpu.memory_space<hbm>>
    %dma_start3A_332 = tpu.memref_slice %arg5[%multiple_of3A] : memref<320000xf32, #tpu.memory_space<hbm>> -> memref<10000xf32, #tpu.memory_space<hbm>>
    tpu.enqueue_dma source(%arg11 : memref<10000xf32, #tpu.memory_space<vmem>>) target(%dma_start3A_332 : memref<10000xf32, #tpu.memory_space<hbm>>) target_semaphore(%arg18 : memref<!tpu.dma_semaphore, #tpu.memory_space<semaphore_mem>>)
    %dma_wait3A_333 = tpu.memref_slice %arg5[%multiple_of3A] : memref<320000xf32, #tpu.memory_space<hbm>> -> memref<10000xf32, #tpu.memory_space<hbm>>
    %dma_wait3A_334 = tpu.memref_slice %arg5[%multiple_of3A] : memref<320000xf32, #tpu.memory_space<hbm>> -> memref<10000xf32, #tpu.memory_space<hbm>>
    tpu.wait_dma2 semaphore(%arg18 : memref<!tpu.dma_semaphore, #tpu.memory_space<semaphore_mem>>) src(%arg11 : memref<10000xf32, #tpu.memory_space<vmem>>) dst(%dma_wait3A_334 : memref<10000xf32, #tpu.memory_space<hbm>>)
    return
  }
}

</mosaic_0001>

<sc_bundles>
// kernel: kernel.3.cloned.1.call-start
scs
__scs_entry_jumppad:
0x0: {  	(pc) =	sbr.rel $0x88, $3  }
0x1: {  	(tag) =	ssettag $0x0;
	lr =	simm.s32 $0x1  }
0x2: {  	[smem:$0x3F9F] =	sst lr;
	_ =	strace $0xD0000000  }
0x3: {  	_ = 	snop  }
0x4: {  	_ = 	snop  }
0x5: {  	_ = 	snop  }
0x6: {  	_ = 	snop  }
0x7: {  	_ = 	snop  }
__scs_overlays_trampoline_lowered:
0x8: {  	[smem:$0x3FAE] =	sst s0  }
0x9: {  	[smem:$0x3FAF] =	sst s1  }
0xa: {  	[smem:$0x3FB0] =	sst s2  }
0xb: {  	[smem:$0x3FB1] =	sst s3  }
0xc: {  	[smem:$0x3FB2] =	sst s4  }
0xd: {  	[smem:$0x3FB3] =	sst s5  }
0xe: {  	[smem:$0x3FB4] =	sst s6  }
0xf: {  	[smem:$0x3FB5] =	sst s7  }
0x10: {  	[smem:$0x3FB6] =	sst s8  }
0x11: {  	[smem:$0x3FB7] =	sst s9;
	s0 =	simm.s32 @!p0 $0x0  }
0x12: {  	s1 =	sld [smem:$0x3F9D];
	s0 =	simm.s32 @p0 $0x1  }
0x13: {  	[smem:$0x3FB8] =	sst s0;
	s0 =	simm.s32 @!p1 $0x0  }
0x14: {  	s2 =	sld [smem:$0x3F9C];
	s0 =	simm.s32 @p1 $0x1  }
0x15: {  	[smem:$0x3FB9] =	sst s0;
	s0 =	simm.s32 @!p2 $0x0  }
0x16: {  	s3 =	sld [smem:$0x3FDB];
	s0 =	simm.s32 @p2 $0x1  }
0x17: {  	s4 =	simm.s32 $0x1BF5;
	[smem:$0x3FBB] =	sst s0  }
0x18: {  	s0 =	sld [smem:$0x3F9E];
	_ =	swait.ge [sflag:s4], $0x0  }
0x19: {  	s7 =	sld [smem:$0x3F9F]  }
0x1a: {  	s8 =	sadd.s32 $0xFFFFE003, lr  }
0x1b: {  	s9 =	sadd.s32 $0xFFFFFEF7, lr;
	s5 =	simm.s32 $0xFFFFFFFF;
	p2 =	slt.u32 s8, $0xFFFFF086  }
0x1c: {  	p1 =	slt.u32 s9, $0xF7A;
	s5 =	simm.s32 @!p2 $0x0  }
0x1d: {  	s5 =	simm.s32 @p1 $0x1;
	p0 =	seq.s32 s7, s2  }
0x1e: {  	s7 =	smul.u32 @!p0 $0xF7A, s2;
	p2 =	seq.s32 @!p0 s5, $0x0  }
0x1f: {  	s9 =	smul.u32 $0xF7A, s1;
	s8 =	simm.s32 @!p0 $0x1BF5;
	p2 =	por !p2, p0  }
0x20: {  	[sflag:s8] =	ssyncset.s32 @!p0 $0xFFFFF086;
	s6 =	sadd.s32 @!p0 s3, s7;
	s7 =	simm.s32 @!p0 $0x108  }
0x21: {  	s3 =	sadd.s32 s3, s9;
	s6 =	sadd.s32 @!p0 $0x88, s6;
	s7 =	simm.s32 @p2 $0x1082  }
0x22: {  	[simem:s7], [sflag:s8] =	dma.local @!p0 [hbm:s6], $0xF7A  }
0x23: {  	s9 =	sor.u32 $0xD0000000, s2;
	s6 =	simm.s32 $0x108;
	_ =	swait.ge @!p0 [sflag:s8], $0x0  }
0x24: {  	s3 =	sadd.s32 $0x88, s3;
	s6 =	simm.s32 @!p1 $0x1082;
	[sflag:s4] =	ssyncset.s32 $0xFFFFF086  }
0x25: {  	[simem:s6], [sflag:s4] =	dma.local [hbm:s3], $0xF7A  }
0x26: {  	[smem:$0x3F9F] =	sst s1;
	(tag) =	ssettag s2;
	_ =	strace s9  }
0x27: {  	s1 =	sld [smem:$0x3FAF]  }
0x28: {  	s2 =	sld [smem:$0x3FB0]  }
0x29: {  	s4 =	sld [smem:$0x3FB2]  }
0x2a: {  	p0 =	seq.s32 s5, $0x0;
	s5 =	sld [smem:$0x3FB3]  }
0x2b: {  	s6 =	sld [smem:$0x3FB4]  }
0x2c: {  	s7 =	sld [smem:$0x3FB5]  }
0x2d: {  	s3 =	simm.s32 $0x108;
	s8 =	sld [smem:$0x3FB6]  }
0x2e: {  	s3 =	simm.s32 @!p0 $0x1082;
	s9 =	sld [smem:$0x3FB7]  }
0x2f: {  	lr =	sadd.s32 s0, s3;
	s0 =	sld [smem:$0x3FAE]  }
0x30: {  	s3 =	sld [smem:$0x3FB1]  }
0x31: {  	[smem:$0x3FBA] =	sst s10  }
0x32: {  	s10 =	sld [smem:$0x3FB8];
	_ =	sdelay $0x3  }
0x33: {  	p0 =	seq.s32 s10, $0x1;
	s10 =	sld [smem:$0x3FBA];
	_ =	sdelay $0x3  }
0x34: {  	[smem:$0x3FBA] =	sst s10  }
0x35: {  	s10 =	sld [smem:$0x3FB9];
	_ =	sdelay $0x3  }
0x36: {  	p1 =	seq.s32 s10, $0x1;
	s10 =	sld [smem:$0x3FBA];
	_ =	sdelay $0x3  }
0x37: {  	[smem:$0x3FBA] =	sst s10  }
0x38: {  	s10 =	sld [smem:$0x3FBB]  }
0x39: {  	_ = 	snop;
	(pc) =	sbr.ind lr, $3  }
0x3a: {  	_ = 	snop  }
0x3b: {  	_ = 	snop  }
0x3c: {  	p2 =	seq.s32 s10, $0x1;
	s10 =	sld [smem:$0x3FBA]  }
0x3d: {  	_ =	shalt  }
0x3e: {  	_ =	shalt  }
0x3f: {  	_ =	shalt  }
0x40: {  	_ =	shalt  }
0x41: {  	_ =	shalt  }
0x42: {  	_ =	shalt  }
0x43: {  	_ =	shalt  }
0x44: {  	_ =	shalt  }
0x45: {  	_ =	shalt  }
0x46: {  	_ =	shalt  }
0x47: {  	_ =	shalt  }
0x48: {  	_ =	shalt  }
0x49: {  	_ =	shalt  }
0x4a: {  	_ =	shalt  }
0x4b: {  	_ =	shalt  }
0x4c: {  	_ =	shalt  }
0x4d: {  	_ =	shalt  }
0x4e: {  	_ =	shalt  }
0x4f: {  	_ =	shalt  }
0x50: {  	_ =	shalt  }
0x51: {  	_ =	shalt  }
0x52: {  	_ =	shalt  }
0x53: {  	_ =	shalt  }
0x54: {  	_ =	shalt  }
0x55: {  	_ =	shalt  }
0x56: {  	_ =	shalt  }
0x57: {  	_ =	shalt  }
0x58: {  	_ =	shalt  }
0x59: {  	_ =	shalt  }
0x5a: {  	_ =	shalt  }
0x5b: {  	_ =	shalt  }
0x5c: {  	_ =	shalt  }
0x5d: {  	_ =	shalt  }
0x5e: {  	_ =	shalt  }
0x5f: {  	_ =	shalt  }
0x60: {  	_ =	shalt  }
0x61: {  	_ =	shalt  }
0x62: {  	_ =	shalt  }
0x63: {  	_ =	shalt  }
0x64: {  	_ =	shalt  }
0x65: {  	_ =	shalt  }
0x66: {  	_ =	shalt  }
0x67: {  	_ =	shalt  }
0x68: {  	_ =	shalt  }
0x69: {  	_ =	shalt  }
0x6a: {  	_ =	shalt  }
0x6b: {  	_ =	shalt  }
0x6c: {  	_ =	shalt  }
0x6d: {  	_ =	shalt  }
0x6e: {  	_ =	shalt  }
0x6f: {  	_ =	shalt  }
0x70: {  	_ =	shalt  }
0x71: {  	_ =	shalt  }
0x72: {  	_ =	shalt  }
0x73: {  	_ =	shalt  }
0x74: {  	_ =	shalt  }
0x75: {  	_ =	shalt  }
0x76: {  	_ =	shalt  }
0x77: {  	_ =	shalt  }
0x78: {  	_ =	shalt  }
0x79: {  	_ =	shalt  }
0x7a: {  	_ =	shalt  }
0x7b: {  	_ =	shalt  }
0x7c: {  	_ =	shalt  }
0x7d: {  	_ =	shalt  }
0x7e: {  	_ =	shalt  }
0x7f: {  	_ =	shalt  }
0x80: {  	_ =	shalt  }
0x81: {  	_ =	shalt  }
0x82: {  	_ =	shalt  }
0x83: {  	_ =	shalt  }
0x84: {  	_ =	shalt  }
0x85: {  	_ =	shalt  }
0x86: {  	_ =	shalt  }
0x87: {  	_ =	shalt  }
.Lfunc_end0:
.L_simem_size_0:
called_computation_lowered:
.L_overlay_start_0:
0x88: {  	s2 =	sld [smem:$0x3FD9]  }
0x89: {  	s3 =	sld [smem:$0x3FFE];
	_ =	sdelay $0x1  }
0x8a: {  	s1 =	srdreg.scid  }
0x8b: {  	s0 =	sand.u32 $0x1, s1  }
0x8c: {  	s17 =	sshll.u32 s0, $0xA;
	s2 =	sadd.s32 s3, s2  }
0x8d: {  	s2 =	sadd.s32 s2, s17  }
0x8e: {  	[smem:$0x3FC6] =	sst s2  }
0x8f: {  	_ = 	snop  }
0x90: {  	s2 =	sld [smem:$0x3FC9]  }
0x91: {  	s18 =	sld [smem:$0x3FD0];
	(tm) =	ssettm $0x1  }
0x92: {  	s4 =	sld [smem:$0x3FFB];
	_ =	sdelay $0x3  }
0x93: {  	_ =	strace s4  }
0x94: {  	s4 =	sld [smem:$0x3FFC];
	_ =	sdelay $0x3  }
0x95: {  	_ =	strace s4  }
0x96: {  	s4 =	sld [smem:$0x3FFD];
	_ =	sdelay $0x3  }
0x97: {  	_ =	strace s4  }
0x98: {  	_ =	strace $0x8FFFFFFF  }
0x99: {  	s19 =	sld [smem:$0x3FDB];
	_ =	sdelay $0x1  }
0x9a: {  	s5 =	simm.s32 $_scs_section_size  }
0x9b: {  	s6 =	simm.s32 $_size__tile_overlayer_lowered;
	s7 =	simm.s32 $_tile_overlayer_lowered  }
0x9c: {  	s22 =	simm.s32 $0x1BFF;
	s21 =	sshll.u32 s7, $0x1;
	s4 =	sadd.s32 s5, s19  }
0x9d: {  	s8 =	simm.s32 $0x0;
	s20 =	sshll.u32 s6, $0x1;
	s6 =	sadd.s32 s21, s4  }
0x9e: {  	[timem:s8], [sflag:s22] =	dma.local [hbm:s6], s20  }
0x9f: {  	_ =	swait.ge [sflag:s22], s20  }
0xa0: {  	s5 =	ssub.s32 $0x0, s20;
	[sflag:s22] =	ssyncset.done $0x0  }
0xa1: {  	[sflag:s22] =	ssyncadd.s32 s5;
	_ =	sdelay $0x1  }
0xa2: {  	s23 =	simm.s32 $0x1B8B  }
0xa3: {  	_ =	swait.ge [sflag:s23], $0x1  }
0xa4: {  	[sflag:s23] =	ssyncset.done $0x0  }
0xa5: {  	s25 =	simm.s32 $0x1B8E;
	s24 =	sld [smem:$0x3FFE];
	[sflag:s23] =	ssyncadd.s32 $0xFFFFFFFF  }
0xa6: {  	s26 =	simm.s32 $execute0_lowered;
	[smem:$0x3FD2] =	sst s25  }
0xa7: {  	s6 =	sshll.u32 s26, $0x1;
	_ =	strace $0x80000046;
	[dreg:$0x1] =	wrdreg $0xFFFFFFFF  }
0xa8: {  	s28 =	simm.s32 $_size_execute0_lowered;
	s4 =	sadd.s32 s4, s6;
	[dreg:$0x0] =	wrdreg $0x0  }
0xa9: {  	s6 =	sshll.u32 s28, $0x1;
	[dreg:$0x2] =	wrdreg s4  }
0xaa: {  	[dreg:$0x3] =	wrdreg s6  }
0xab: {  	[dreg:$0x4] =	wrdreg $0xC0  }
0xac: {  	_ =	task [dreg:s8], $0x5FFFF  }
0xad: {  	[dreg:$0x1] =	wrdreg $0xFFFFFFFF  }
0xae: {  	[dreg:$0x0] =	wrdreg $0x60  }
0xaf: {  	[dreg:$0x2] =	wrdreg s24  }
0xb0: {  	[dreg:$0x3] =	wrdreg s2  }
0xb1: {  	[dreg:$0x4] =	wrdreg s18  }
0xb2: {  	[dreg:$0x5] =	wrdreg $0x9  }
0xb3: {  	_ =	task.clear_ibuf [dreg:s8], $0x6FFFF;
	_ =	strace $0x90000046  }
0xb4: {  	s29 =	simm.s32 $0x9;
	_ =	strace $0x80000048  }
0xb5: {  	_ =	swait.ge [sflag:s29], $0x1  }
0xb6: {  	[sflag:s29] =	ssyncadd.s32 $0xFFFFFFFF  }
0xb7: {  	_ =	strace $0x90000048  }
0xb8: {  	_ =	sfence  }
0xb9: {  	s30 =	sld [smem:$0x0];
	_ =	sdelay $0x2  }
0xba: {  	s31 =	sshll.u32 s1, $0xD;
	s1 =	sshrl.u32 s1, $0x2  }
0xbb: {  	s3 =	sand.u32 $0x4000, s31;
	s1 =	sadd.s32 s1, s30  }
0xbc: {  	s0 =	sor.u32 s3, s0;
	s1 =	sshll.u32 s1, $0x11  }
0xbd: {  	s0 =	sor.u32 s1, s0  }
0xbe: {  	s0 =	sadd.s32 $0x8F2B, s0  }
0xbf: {  	[sflag:s0] =	ssyncadd.remote.s32 $0x1  }
0xc0: {  	_ =	sfence.sel $0xFFFF  }
0xc1: {  	[dreg:$0x0] =	wrdreg $0xFFFFFFFF;
	(pc) =	sbr.abs _section_cstart, $3  }
0xc2: {  	[dreg:$0x1] =	wrdreg $0xFFFFFFFF  }
0xc3: {  	_ =	task.clear_ibuf [dreg:s8], $0x2FFFF;
	_ =	strace $0x9FFFFFFF  }
0xc4: {  	(tm) =	ssettm $0x7FFFFFFF  }
0xc5: {  	_ =	shalt  }
tec
execute0_lowered:
.L_overlay_start_1:
0x0: {  	(tag) =	ssettag $0x1  }
0x1: {  	v0 =	vimm.s32 $0xFEDCBA98;
	v1 =	vimm.s32 $0x76543210;
	v2 =	vimm.s32 $0xBA98FEDC  }
0x2: {  	v3 =	vimm.s32 $0x32107654;
	v4 =	vimm.s32 $0xBA987654;
	v5 =	vimm.s32 $0x3210FEDC  }
0x3: {  	vm0 =	vcmask $0x2F20;
	v6 =	vimm.s32 $0xDCBA9876;
	vm1 =	vcmask $0xF00  }
0x4: {  	v7 =	vimm.s32 $0x543210FE;
	v8 =	vimm.s32 $0xEFCDAB89;
	v9 =	vimm.s32 $0x67452301  }
0x5: {  	vm2 =	vcmask $0x700;
	vm3 =	vcmask $0xB08;
	vm4 =	vcmask $0x300  }
0x6: {  	v0 =	vunpack.c.l.s4.s8 v0;
	v1 =	vunpack.c.l.s4.s8 v1;
	v2 =	vunpack.c.l.s4.s8 v2  }
0x7: {  	v3 =	vunpack.c.l.s4.s8 v3;
	v4 =	vunpack.c.l.s4.s8 v4;
	v5 =	vunpack.c.l.s4.s8 v5  }
0x8: {  	v6 =	vunpack.c.l.s4.s8 v6;
	v7 =	vunpack.c.l.s4.s8 v7;
	v8 =	vunpack.c.l.s4.s8 v8  }
0x9: {  	v9 =	vunpack.c.l.s4.s8 v9;
	vm0 =	vmor vm1, vm0;
	vm1 =	vcmask $0x1710  }
0xa: {  	vm1 =	vmor vm2, vm1;
	vm2 =	vcmask $0x2720;
	v0 =	vunpack.c.0.s8.s32 v0  }
0xb: {  	v1 =	vunpack.c.0.s8.s32 v1;
	v2 =	vunpack.c.0.s8.s32 v2;
	v3 =	vunpack.c.0.s8.s32 v3  }
0xc: {  	v6 =	vunpack.c.0.s8.s32 v6;
	vm1 =	vmor vm1, vm2;
	vm2 =	vcmask $0x3730  }
0xd: {  	vm1 =	vmor vm1, vm2;
	vm2 =	vmor vm4, vm3;
	v0 =	vand.u32 $0xF, v0  }
0xe: {  	v2 =	vcombine.low v3, v2;
	v3 =	vunpack.c.0.s8.s32 v5;
	v5 =	vimm.s32 $0x54761032  }
0xf: {  	s0 =	rddreg [dreg:$0x0];
	v0 =	vcombine.low v0, v1;
	v1 =	vunpack.c.0.s8.s32 v4;
	v4 =	vimm.s32 $0xDCFE98BA  }
0x10: {  	s2 =	srdreg.scid;
	s1 =	rddreg [dreg:$0x1];
	vm3 =	vcmask $0x1310;
	v5 =	vunpack.c.l.s4.s8 v5;
	v4 =	vunpack.c.l.s4.s8 v4  }
0x11: {  	s3 =	stileid.u32;
	s6 =	rddreg [dreg:$0x2];
	v7 =	vunpack.c.0.s8.s32 v7;
	vm4 =	vcmask $0x1B18;
	vm3 =	vmor vm2, vm3  }
0x12: {  	s9 =	simm.s32 $0x6;
	s10 =	simm.s32 $0x19900;
	s11 =	simm.s32 $0x50;
	vm3 =	vmor vm3, vm4;
	v5 =	vunpack.c.0.s8.s32 v5;
	v4 =	vunpack.c.0.s8.s32 v4  }
0x13: {  	s12 =	simm.s32 $0x5000;
	s14 =	simm.s32 $0x2800;
	s16 =	simm.s32 $0x7800;
	vm4 =	vcmask $0x2320;
	v3 =	vcombine.low v3, v1;
	v1 =	vunpack.c.0.s8.s32 v8  }
0x14: {  	s17 =	simm.s32 $0xA000;
	s18 =	simm.s32 $0xF000;
	s19 =	simm.s32 $0xC800;
	v4 =	vcombine.low v5, v4;
	v5 =	vcombine.low v7, v6;
	v6 =	vunpack.c.0.s8.s32 v9  }
0x15: {  	s20 =	simm.s32 $0x11800;
	s21 =	simm.s32 $0x1;
	s22 =	simm.s32 $0x2;
	vm3 =	vmor vm3, vm4;
	vm4 =	vcmask $0x2B28;
	v7 =	vimm.s32 $0xEDCBA987  }
0x16: {  	s23 =	simm.s32 $0x3;
	s2 =	sand.u32 $0x1, s2;
	s3 =	sshll.u32 s3, $0x1;
	v6 =	vcombine.low v6, v1;
	v1 =	vunpack.c.l.s4.s8 v7;
	v7 =	vimm.s32 $0x6543210F  }
0x17: {  	s24 =	simm.s32 $0x4;
	s4 =	sor.u32 s2, s3;
	s3 =	simm.s32 $0x0;
	vm3 =	vmor vm3, vm4;
	vm4 =	vcmask $0x3330;
	v7 =	vunpack.c.l.s4.s8 v7  }
0x18: {  	s2 =	ssub.s32 $0x2, s2;
	s7 =	smul.u32 $0x4E2, s4;
	[smem:$0x7FF] =	sst s3;
	vm2 =	vmmov $0xff;
	v2 =	vand.u32 $0xF, v2;
	vm3 =	vmor vm3, vm4  }
0x19: {  	s13 =	simm.s32 $0x0;
	s5 =	sshrl.u32 s2, $0x1;
	_ =	strace $0x80000047;
	vm4 =	vcmask $0x3B38;
	v1 =	vunpack.c.0.s8.s32 v1;
	v7 =	vunpack.c.0.s8.s32 v7  }
0x1a: {  	s31 =	ssub.s32 s2, s5;
	s4 =	sadd.s32 s0, s7;
	s6 =	sadd.s32 s6, s7;
	v3 =	vand.u32 $0xF, v3;
	vm3 =	vmor vm3, vm4;
	v4 =	vand.u32 $0xF, v4  }
0x1b: {  	s7 =	smax.u32 s31, $0x1;
	s0 =	simm.s32 $0x5;
	s5 =	sadd.s32 $0x9E00, s4;
	v5 =	vand.u32 $0xF, v5;
	v6 =	vand.u32 $0xF, v6;
	v1 =	vcombine.low v7, v1  }
.LBB2_1:
0x1c: {  	s2 =	simm.s32 $0x17180  }
0x1d: {  	[tilespmem:s2], [sflag:$0x6] =	stream.linear.gather [hbm4b:s5+s3], $0x2710, $0x38;
	[tilespmem:$0x1C080] =	vst v63  }
0x1e: {  	_ =	swait.ge [sflag:s9], $0x2710  }
0x1f: {  	[sflag:s9] =	ssyncset.done $0x0  }
0x20: {  	[sflag:s9] =	ssyncadd.s32 $0xFFFFD8F0  }
0x21: {  	[tilespmem:s10], [sflag:$0x6] =	stream.linear.gather [hbm4b:s4+s3], $0x2710, $0x38;
	[tilespmem:$0x1C080] =	vst v63  }
0x22: {  	_ =	swait.ge [sflag:s9], $0x2710  }
0x23: {  	[sflag:s9] =	ssyncset.done $0x0  }
0x24: {  	[sflag:s9] =	ssyncadd.s32 $0xFFFFD8F0  }
0x25: {  	[tilespmem:s3], [sflag:$0x1] =	stream.indirect.gather [hbm4b:s1+s11], $0x80, s2, s11, $0xb8;
	[tilespmem:$0x1C080] =	vst v63  }
0x26: {  	_ = 	snop  }
0x27: {  	[tilespmem:s12], [sflag:$0x2] =	stream.indirect.gather [hbm4b:s1+s11], $0x80, s10, s11, $0xb8;
	[tilespmem:$0x1C080] =	vst v63  }
0x28: {  	s30 =	simm.s32 $0x171D0;
	s31 =	simm.s32 $0x19950  }
0x29: {  	[tilespmem:s14], [sflag:$0x1] =	stream.indirect.gather [hbm4b:s1+s11], $0x80, s30, s11, $0xb8;
	[tilespmem:$0x1C080] =	vst v63  }
0x2a: {  	s15 =	simm.s32 $0x14AA0;
	s25 =	simm.s32 $0x14A00;
	s26 =	simm.s32 $0x0  }
0x2b: {  	[tilespmem:s16], [sflag:$0x2] =	stream.indirect.gather [hbm4b:s1+s11], $0x80, s31, s11, $0xb8;
	[tilespmem:$0x1C080] =	vst v63  }
.LBB2_2:
0x2c: {  	s28 =	smul.u32 $0x140, s26;
	_ =	sdelay $0x1  }
0x2d: {  	s2 =	sadd.s32 $0x17220, s28  }
0x2e: {  	[tilespmem:s17], [sflag:$0x3] =	stream.indirect.gather [hbm4b:s1+s11], $0x80, s2, s11, $0xb8;
	[tilespmem:$0x1C080] =	vst v63  }
0x2f: {  	s8 =	sadd.s32 $0x199A0, s28  }
0x30: {  	[tilespmem:s18], [sflag:$0x4] =	stream.indirect.gather [hbm4b:s1+s11], $0x80, s8, s11, $0xb8;
	[tilespmem:$0x1C080] =	vst v63  }
0x31: {  	s8 =	sadd.s32 $0x17270, s28  }
0x32: {  	[tilespmem:s19], [sflag:$0x3] =	stream.indirect.gather [hbm4b:s1+s11], $0x80, s8, s11, $0xb8;
	[tilespmem:$0x1C080] =	vst v63  }
0x33: {  	s8 =	sadd.s32 $0x199F0, s28  }
0x34: {  	[tilespmem:s20], [sflag:$0x4] =	stream.indirect.gather [hbm4b:s1+s11], $0x80, s8, s11, $0xb8;
	[tilespmem:$0x1C080] =	vst v63  }
0x35: {  	_ =	swait.ge [sflag:s21], $0x5000  }
0x36: {  	[sflag:s21] =	ssyncset.done $0x0  }
0x37: {  	[sflag:s21] =	ssyncadd.s32 $0xFFFFB000  }
0x38: {  	_ =	swait.ge [sflag:s22], $0x5000  }
0x39: {  	[sflag:s22] =	ssyncset.done $0x0  }
0x3a: {  	s8 =	simm.s32 $0x200;
	[sflag:s22] =	ssyncadd.s32 $0xFFFFB000  }
0x3b: {  	s29 =	simm.s32 $0x5200;
	v14 =	vld [tilespmem:s8+$0x180]  }
0x3c: {  	v15 =	vld [tilespmem:s29+$0x180]  }
0x3d: {  	v16 =	vld [tilespmem:s8+$0x190]  }
0x3e: {  	v17 =	vld [tilespmem:s29+$0x190]  }
0x3f: {  	v18 =	vld [tilespmem:s8+$0x1A0]  }
0x40: {  	v19 =	vld [tilespmem:s29+$0x1A0]  }
0x41: {  	v20 =	vld [tilespmem:s8+$0x1B0]  }
0x42: {  	v21 =	vld [tilespmem:s29+$0x1B0]  }
0x43: {  	v22 =	vld [tilespmem:s8+$0x1C0]  }
0x44: {  	v23 =	vld [tilespmem:s29+$0x1C0]  }
0x45: {  	v24 =	vld [tilespmem:s8+$0x1D0]  }
0x46: {  	v25 =	vld [tilespmem:s29+$0x1D0]  }
0x47: {  	v8 =	vld [tilespmem:s8+$0xFFFFFE10]  }
0x48: {  	v26 =	vld [tilespmem:s8+$0x1E0]  }
0x49: {  	v27 =	vld [tilespmem:s29+$0x1E0]  }
0x4a: {  	v28 =	vld [tilespmem:s8+$0x1F0]  }
0x4b: {  	v29 =	vld [tilespmem:s29+$0x1F0]  }
0x4c: {  	v7 =	vld [tilespmem:s29+$0xFFFFFE00];
	[tilespmem:$0x1FFE0] =	vst v8  }
0x4d: {  	v8 =	vld [tilespmem:s29+$0xFFFFFE10];
	_ =	sdelay $0x4  }
0x4e: {  	[tilespmem:$0x1FFF0] =	vst v8  }
0x4f: {  	v8 =	vld [tilespmem:s8+$0xFFFFFE20];
	_ =	sdelay $0x4  }
0x50: {  	[tilespmem:$0x1FFA0] =	vst v8  }
0x51: {  	v8 =	vld [tilespmem:s29+$0xFFFFFE20];
	_ =	sdelay $0x4  }
0x52: {  	[tilespmem:$0x1FFB0] =	vst v8  }
0x53: {  	v8 =	vld [tilespmem:s8+$0xFFFFFE30];
	_ =	sdelay $0x4  }
0x54: {  	[tilespmem:$0x1FFC0] =	vst v8  }
0x55: {  	v8 =	vld [tilespmem:s29+$0xFFFFFE30];
	_ =	sdelay $0x4  }
0x56: {  	[tilespmem:$0x1FFD0] =	vst v8  }
0x57: {  	v8 =	vld [tilespmem:s8+$0xFFFFFE40];
	_ =	sdelay $0x4  }
0x58: {  	[tilespmem:$0x1FE60] =	vst v8  }
0x59: {  	v8 =	vld [tilespmem:s29+$0xFFFFFE40];
	_ =	sdelay $0x4  }
0x5a: {  	[tilespmem:$0x1FE70] =	vst v8  }
0x5b: {  	v8 =	vld [tilespmem:s8+$0xFFFFFE50];
	_ =	sdelay $0x4  }
0x5c: {  	[tilespmem:$0x1FE80] =	vst v8  }
0x5d: {  	v8 =	vld [tilespmem:s29+$0xFFFFFE50];
	_ =	sdelay $0x4  }
0x5e: {  	[tilespmem:$0x1FE90] =	vst v8  }
0x5f: {  	v8 =	vld [tilespmem:s8+$0xFFFFFE60];
	_ =	sdelay $0x4  }
0x60: {  	[tilespmem:$0x1FEA0] =	vst v8  }
0x61: {  	v8 =	vld [tilespmem:s29+$0xFFFFFE60];
	_ =	sdelay $0x4  }
0x62: {  	[tilespmem:$0x1FEB0] =	vst v8  }
0x63: {  	v8 =	vld [tilespmem:s8+$0xFFFFFE70];
	_ =	sdelay $0x4  }
0x64: {  	[tilespmem:$0x1FEC0] =	vst v8  }
0x65: {  	v8 =	vld [tilespmem:s29+$0xFFFFFE70];
	_ =	sdelay $0x4  }
0x66: {  	[tilespmem:$0x1FED0] =	vst v8  }
0x67: {  	v38 =	vld [tilespmem:s8+$0xFFFFFE80]  }
0x68: {  	v39 =	vld [tilespmem:s29+$0xFFFFFE80]  }
0x69: {  	v40 =	vld [tilespmem:s8+$0xFFFFFE90]  }
0x6a: {  	v41 =	vld [tilespmem:s29+$0xFFFFFE90]  }
0x6b: {  	v42 =	vld [tilespmem:s8+$0xFFFFFEA0]  }
0x6c: {  	v43 =	vld [tilespmem:s29+$0xFFFFFEA0]  }
0x6d: {  	v44 =	vld [tilespmem:s8+$0xFFFFFEB0]  }
0x6e: {  	v45 =	vld [tilespmem:s29+$0xFFFFFEB0]  }
0x6f: {  	v46 =	vld [tilespmem:s8+$0xFFFFFEC0]  }
0x70: {  	v47 =	vld [tilespmem:s29+$0xFFFFFEC0]  }
0x71: {  	v48 =	vld [tilespmem:s8+$0xFFFFFED0]  }
0x72: {  	v49 =	vld [tilespmem:s29+$0xFFFFFED0]  }
0x73: {  	v50 =	vld [tilespmem:s8+$0xFFFFFEE0]  }
0x74: {  	v51 =	vld [tilespmem:s29+$0xFFFFFEE0]  }
0x75: {  	v52 =	vld [tilespmem:s8+$0xFFFFFEF0]  }
0x76: {  	v53 =	vld [tilespmem:s29+$0xFFFFFEF0]  }
0x77: {  	v54 =	vld [tilespmem:s8+$0xFFFFFF00]  }
0x78: {  	v55 =	vld [tilespmem:s29+$0xFFFFFF00]  }
0x79: {  	v56 =	vld [tilespmem:s8+$0xFFFFFF10]  }
0x7a: {  	v8 =	vld [tilespmem:s8+$0xFFFFFF40]  }
0x7b: {  	v57 =	vld [tilespmem:s29+$0xFFFFFF10]  }
0x7c: {  	v58 =	vld [tilespmem:s8+$0xFFFFFF20]  }
0x7d: {  	v59 =	vld [tilespmem:s29+$0xFFFFFF20]  }
0x7e: {  	v60 =	vld [tilespmem:s8+$0xFFFFFF30]  }
0x7f: {  	v61 =	vld [tilespmem:s29+$0xFFFFFF30];
	[tilespmem:$0x1FEE0] =	vst v8  }
0x80: {  	v9 =	vld [tilespmem:s8+$0xFFFFFF60];
	_ =	sdelay $0x2  }
0x81: {  	v63 =	vld [tilespmem:s29+$0xFFFFFF40]  }
0x82: {  	v37 =	vld [tilespmem:s8+$0xFFFFFF50]  }
0x83: {  	v8 =	vld [tilespmem:s29+$0xFFFFFF50];
	[tilespmem:$0x1FEF0] =	vst v9  }
0x84: {  	v10 =	vld [tilespmem:s8+$0xFFFFFF80];
	_ =	sdelay $0x2  }
0x85: {  	v31 =	vld [tilespmem:s29+$0xFFFFFF60]  }
0x86: {  	v34 =	vld [tilespmem:s8+$0xFFFFFF70]  }
0x87: {  	v9 =	vld [tilespmem:s29+$0xFFFFFF70];
	[tilespmem:$0x1FF00] =	vst v10  }
0x88: {  	v10 =	vld [tilespmem:s29+$0xFFFFFF80];
	_ =	sdelay $0x4  }
0x89: {  	[tilespmem:$0x1FF10] =	vst v10  }
0x8a: {  	v10 =	vld [tilespmem:s8+$0xFFFFFF90];
	_ =	sdelay $0x4  }
0x8b: {  	[tilespmem:$0x1FF20] =	vst v10  }
0x8c: {  	v11 =	vld [tilespmem:s8+$0xFFFFFFA0];
	_ =	sdelay $0x4  }
0x8d: {  	v10 =	vld [tilespmem:s29+$0xFFFFFF90];
	[tilespmem:$0x1FF30] =	vst v11  }
0x8e: {  	v12 =	vld [tilespmem:s8+$0xFFFFFFC0];
	_ =	sdelay $0x2  }
0x8f: {  	v32 =	vld [tilespmem:s29+$0xFFFFFFA0]  }
0x90: {  	v33 =	vld [tilespmem:s8+$0xFFFFFFB0]  }
0x91: {  	v11 =	vld [tilespmem:s29+$0xFFFFFFB0];
	[tilespmem:$0x1FF40] =	vst v12  }
0x92: {  	v13 =	vld [tilespmem:s8+$0xFFFFFFE0];
	_ =	sdelay $0x2  }
0x93: {  	v35 =	vld [tilespmem:s29+$0xFFFFFFC0]  }
0x94: {  	v36 =	vld [tilespmem:s8+$0xFFFFFFD0]  }
0x95: {  	v12 =	vld [tilespmem:s29+$0xFFFFFFD0];
	[tilespmem:$0x1FF50] =	vst v13  }
0x96: {  	v13 =	vld [tilespmem:s8+$0xFFFFFFF0];
	_ =	sdelay $0x4  }
0x97: {  	v62 =	vld [tilespmem:s29+$0xFFFFFFE0];
	[tilespmem:$0x1FF60] =	vst v13  }
0x98: {  	v30 =	vld [tilespmem:s8+$0x0];
	_ =	sdelay $0x4  }
0x99: {  	v14 =	vmul.f32 v15, v14;
	v16 =	vmul.f32 v17, v16;
	v13 =	vld [tilespmem:s29+$0xFFFFFFF0];
	[tilespmem:$0x1FF70] =	vst v30  }
0x9a: {  	v17 =	vmul.f32 v19, v18;
	v19 =	vmul.f32 v21, v20;
	v30 =	vld [tilespmem:s29+$0x0];
	_ =	sdelay $0x1  }
0x9b: {  	v14 =	vadd.f32 v16, v14;
	v16 =	vadd.f32 v19, v17  }
0x9c: {  	v20 =	vmul.f32 v23, v22;
	v22 =	vmul.f32 v25, v24  }
0x9d: {  	v14 =	vadd.f32 v16, v14;
	v16 =	vmul.f32 v47, v46;
	v46 =	vld [tilespmem:$0x1FE70]  }
0x9e: {  	v19 =	vadd.f32 v22, v20;
	v20 =	vmul.f32 v39, v38;
	v47 =	vld [tilespmem:$0x1FE80];
	[tilespmem:$0x1FF80] =	vst v30  }
0x9f: {  	v22 =	vmul.f32 v41, v40;
	v25 =	vmul.f32 v43, v42;
	v30 =	vld [tilespmem:s8+$0x10]  }
0xa0: {  	v45 =	vmul.f32 v45, v44;
	v49 =	vmul.f32 v49, v48;
	v48 =	vld [tilespmem:$0x1FE90]  }
0xa1: {  	v51 =	vmul.f32 v51, v50;
	v50 =	vld [tilespmem:$0x1FEA0];
	v59 =	vmul.f32 v59, v58  }
0xa2: {  	v61 =	vmul.f32 v61, v60;
	v20 =	vadd.f32 v22, v20;
	v44 =	vadd.f32 v45, v25;
	v45 =	vld [tilespmem:$0x1FE60]  }
0xa3: {  	v55 =	vmul.f32 v55, v54;
	v54 =	vld [tilespmem:$0x1FF30]  }
0xa4: {  	v20 =	vadd.f32 v44, v20;
	v44 =	vadd.f32 v61, v59;
	v59 =	vld [tilespmem:$0x1FF60];
	[tilespmem:$0x1FF90] =	vst v30  }
0xa5: {  	v15 =	vld [tilespmem:s29+$0x10]  }
0xa6: {  	v18 =	vld [tilespmem:s8+$0x20]  }
0xa7: {  	v21 =	vld [tilespmem:s29+$0x20]  }
0xa8: {  	v24 =	vld [tilespmem:s8+$0x30]  }
0xa9: {  	v17 =	vld [tilespmem:s29+$0x30]  }
0xaa: {  	v23 =	vmul.f32 v27, v26;
	v26 =	vld [tilespmem:s8+$0x40]  }
0xab: {  	v30 =	vmul.f32 v29, v28;
	v28 =	vld [tilespmem:s29+$0x40]  }
0xac: {  	v38 =	vld [tilespmem:s8+$0x50]  }
0xad: {  	v40 =	vld [tilespmem:s29+$0x50]  }
0xae: {  	v25 =	vld [tilespmem:s8+$0x60]  }
0xaf: {  	v27 =	vld [tilespmem:s29+$0x60]  }
0xb0: {  	v22 =	vld [tilespmem:s29+$0x70]  }
0xb1: {  	v41 =	vld [tilespmem:s8+$0x80]  }
0xb2: {  	v29 =	vmul.f32 v46, v45;
	v45 =	vld [tilespmem:s8+$0x90]  }
0xb3: {  	v56 =	vmul.f32 v57, v56;
	v8 =	vmul.f32 v8, v37;
	v37 =	vld [tilespmem:s29+$0xA0]  }
0xb4: {  	v9 =	vmul.f32 v9, v34;
	v34 =	vld [tilespmem:s8+$0xB0]  }
0xb5: {  	v39 =	vadd.f32 v56, v55;
	v55 =	vld [tilespmem:s8+$0xC0]  }
0xb6: {  	v58 =	vld [tilespmem:s29+$0xC0]  }
0xb7: {  	v23 =	vadd.f32 v30, v23;
	v30 =	vmul.f32 v53, v52;
	v52 =	vld [tilespmem:$0x1FEC0]  }
0xb8: {  	v53 =	vld [tilespmem:$0x1FED0]  }
0xb9: {  	v19 =	vadd.f32 v23, v19;
	v23 =	vadd.f32 v30, v51;
	v51 =	vld [tilespmem:$0x1FEB0]  }
0xba: {  	v60 =	vld [tilespmem:s8+$0xD0]  }
0xbb: {  	v16 =	vadd.f32 v49, v16;
	v61 =	vld [tilespmem:s29+$0xD0];
	v14 =	vadd.f32 v19, v14  }
0xbc: {  	v19 =	vld [tilespmem:s8+$0x70]  }
0xbd: {  	v16 =	vadd.f32 v23, v16;
	v23 =	vmul.f32 v48, v47;
	v47 =	vld [tilespmem:s8+$0xA0];
	v49 =	vperm.xlane v14, v0  }
0xbe: {  	v43 =	vmul.f32 v53, v52;
	v52 =	vld [tilespmem:$0x1FF20];
	v42 =	vmul.f32 v51, v50  }
0xbf: {  	v14 =	vadd.f32 v14, v49;
	v49 =	vld [tilespmem:$0x1FEF0]  }
0xc0: {  	v23 =	vadd.f32 v23, v29;
	v29 =	vadd.f32 v43, v42;
	v42 =	vld [tilespmem:$0x1FEE0]  }
0xc1: {  	v53 =	vld [tilespmem:s29+$0xB0]  }
0xc2: {  	v16 =	vadd.f32 v16, v20;
	v20 =	vld [tilespmem:s29+$0x80]  }
0xc3: {  	v50 =	vld [tilespmem:$0x1FF00]  }
0xc4: {  	v51 =	vld [tilespmem:$0x1FF10];
	v57 =	vperm.xlane v16, v0  }
0xc5: {  	v43 =	vld [tilespmem:s29+$0x90];
	v31 =	vmul.f32 v31, v49;
	v48 =	vmul.f32 v63, v42  }
0xc6: {  	v16 =	vadd.f32 v16, v57;
	v57 =	vld [tilespmem:$0x1FF40]  }
0xc7: {  	v10 =	vmul.f32 v10, v52;
	v52 =	vld [tilespmem:s8+$0x110];
	v9 =	vadd.f32 v9, v31;
	v8 =	vadd.f32 v8, v48  }
0xc8: {  	v11 =	vmul.f32 v11, v33;
	v49 =	vld [tilespmem:s8+$0x100]  }
0xc9: {  	v42 =	vmul.f32 v51, v50;
	v31 =	vmul.f32 v32, v54;
	v8 =	vadd.f32 v9, v8;
	v9 =	vld [tilespmem:$0x1FF50]  }
0xca: {  	v63 =	vld [tilespmem:$0x1FF90]  }
0xcb: {  	v50 =	vld [tilespmem:s29+$0x100];
	v10 =	vadd.f32 v10, v42;
	v11 =	vadd.f32 v11, v31  }
0xcc: {  	v51 =	vmul.f32 v53, v34;
	v53 =	vmul.f32 v58, v55;
	v55 =	vld [tilespmem:s29+$0x110]  }
0xcd: {  	v12 =	vmul.f32 v12, v36;
	v13 =	vmul.f32 v13, v59;
	v10 =	vadd.f32 v11, v10;
	v11 =	vld [tilespmem:$0x1FF70]  }
0xce: {  	v35 =	vmul.f32 v35, v57;
	v9 =	vmul.f32 v62, v9;
	v62 =	vld [tilespmem:$0x1FF80]  }
0xcf: {  	v56 =	vadd.f32 v44, v39;
	v17 =	vmul.f32 v17, v24;
	v44 =	vmul.f32 v28, v26;
	v42 =	vld [tilespmem:s29+$0xE0]  }
0xd0: {  	v54 =	vmul.f32 v61, v60;
	v48 =	vld [tilespmem:s29+$0xF0];
	v12 =	vadd.f32 v12, v35;
	v9 =	vadd.f32 v13, v9  }
0xd1: {  	v46 =	vmul.f32 v40, v38;
	v19 =	vmul.f32 v22, v19;
	v13 =	vld [tilespmem:s8+$0xE0]  }
0xd2: {  	v24 =	vadd.f32 v54, v53;
	v9 =	vadd.f32 v9, v12;
	v12 =	vmul.f32 v21, v18;
	v18 =	vld [tilespmem:s8+$0xF0]  }
0xd3: {  	v58 =	vld [tilespmem:s29+$0x140];
	v15 =	vmul.f32 v15, v63;
	v8 =	vadd.f32 v8, v56;
	v11 =	vmul.f32 v62, v11  }
0xd4: {  	v57 =	vld [tilespmem:$0x1FFB0];
	v21 =	vadd.f32 v46, v44;
	v9 =	vadd.f32 v9, v10;
	v10 =	vmul.f32 v27, v25  }
0xd5: {  	v61 =	vld [tilespmem:s8+$0x150];
	v11 =	vadd.f32 v15, v11;
	v15 =	vmul.f32 v20, v41;
	v20 =	vmul.f32 v43, v45  }
0xd6: {  	v12 =	vadd.f32 v17, v12;
	v17 =	vmul.f32 v37, v47;
	v10 =	vadd.f32 v19, v10;
	v19 =	vld [tilespmem:s8+$0x120]  }
0xd7: {  	v13 =	vmul.f32 v42, v13;
	v18 =	vmul.f32 v48, v18;
	v15 =	vadd.f32 v20, v15;
	v20 =	vld [tilespmem:s29+$0x120]  }
0xd8: {  	v56 =	vld [tilespmem:$0x1FFA0];
	v60 =	vperm.xlane v9, v0;
	v11 =	vadd.f32 v12, v11;
	v10 =	vadd.f32 v10, v21  }
0xd9: {  	s31 =	simm.s32 $0x14040;
	v17 =	vadd.f32 v51, v17;
	v12 =	vld [tilespmem:s29+$0x130];
	v13 =	vadd.f32 v18, v13  }
0xda: {  	[tilespmem:s31+$0x30] =	vst v14;
	v9 =	vadd.f32 v9, v60;
	v18 =	vld [tilespmem:s8+$0x130];
	v10 =	vadd.f32 v10, v11;
	v11 =	vperm.xlane v8, v0  }
0xdb: {  	[tilespmem:s31+$0xFFFFFFD0] =	vst v16;
	v15 =	vadd.f32 v17, v15;
	v17 =	vld [tilespmem:s8+$0x140];
	v13 =	vadd.f32 v13, v24  }
0xdc: {  	v8 =	vadd.f32 v8, v11;
	v14 =	vmul.f32 v20, v19;
	v20 =	vld [tilespmem:$0x1FFD0]  }
0xdd: {  	v15 =	vadd.f32 v13, v15;
	v13 =	vld [tilespmem:$0x1FFC0];
	[tilespmem:s31+$0xFFFFFFF0] =	vst v9  }
0xde: {  	v19 =	vld [tilespmem:s29+$0x150];
	[tilespmem:s31+$0xFFFFFFE0] =	vst v8  }
0xdf: {  	v22 =	vmul.f32 v50, v49;
	v8 =	vld [tilespmem:$0x1FFE0]  }
0xe0: {  	v59 =	vmul.f32 v55, v52;
	v11 =	vperm.xlane v10, v0;
	v9 =	vld [tilespmem:$0x1FFF0]  }
0xe1: {  	v18 =	vmul.f32 v12, v18;
	v12 =	vld [tilespmem:s8+$0x160];
	v16 =	vperm.xlane v15, v0  }
0xe2: {  	v22 =	vadd.f32 v59, v22;
	v11 =	vadd.f32 v10, v11;
	v20 =	vmul.f32 v20, v13;
	v13 =	vld [tilespmem:s29+$0x160]  }
0xe3: {  	v21 =	vmul.f32 v57, v56;
	v63 =	vadd.f32 v18, v14;
	v14 =	vld [tilespmem:s8+$0x170];
	v62 =	vadd.f32 v15, v16  }
0xe4: {  	v10 =	vadd.f32 v29, v23;
	[tilespmem:s31+$0x0] =	vst v11;
	v15 =	vld [tilespmem:s29+$0x170];
	v16 =	vmul.f32 v58, v17;
	v18 =	vmul.f32 v19, v61  }
0xe5: {  	s30 =	simm.s32 $0x14080;
	s2 =	simm.s32 $0x0;
	v17 =	vld [tilespmem:s8+$0xFFFFFE00];
	s8 =	simm.s32 $0x600;
	v11 =	vadd.f32 v63, v22;
	[tilespmem:s31+$0x10] =	vst v62;
	v8 =	vmul.f32 v9, v8;
	v9 =	vadd.f32 v20, v21  }
.LBB2_3:
0xe6: {  	v19 =	vld [tilespmem:s8+$0x180];
	s29 =	sadd.s32 $0x400, s29  }
0xe7: {  	v20 =	vld [tilespmem:s29+$0x180];
	v12 =	vmul.f32 v13, v12;
	v13 =	vadd.f32 v18, v16  }
0xe8: {  	v16 =	vld [tilespmem:s8+$0x190]  }
0xe9: {  	v18 =	vld [tilespmem:s29+$0x190];
	v14 =	vmul.f32 v15, v14  }
0xea: {  	v15 =	vld [tilespmem:s8+$0x1A0];
	v7 =	vmul.f32 v7, v17  }
0xeb: {  	v17 =	vld [tilespmem:s29+$0x1A0];
	v12 =	vadd.f32 v14, v12  }
0xec: {  	v14 =	vld [tilespmem:s8+$0x1B0];
	v7 =	vadd.f32 v8, v7  }
0xed: {  	v8 =	vld [tilespmem:s29+$0x1B0];
	v12 =	vadd.f32 v12, v13  }
0xee: {  	v13 =	vld [tilespmem:s8+$0x1C0];
	v7 =	vadd.f32 v9, v7  }
0xef: {  	v9 =	vld [tilespmem:s29+$0x1C0];
	v11 =	vadd.f32 v12, v11  }
0xf0: {  	v12 =	vld [tilespmem:s8+$0x1D0];
	v7 =	vadd.f32 v10, v7  }
0xf1: {  	v10 =	vld [tilespmem:s29+$0x1D0];
	v21 =	vperm.xlane v11, v0  }
0xf2: {  	v22 =	vld [tilespmem:s8+$0x1E0];
	v23 =	vperm.xlane v7, v0  }
0xf3: {  	v24 =	vld [tilespmem:s29+$0x1E0];
	v11 =	vadd.f32 v11, v21  }
0xf4: {  	v21 =	vld [tilespmem:s8+$0x1F0];
	v23 =	vadd.f32 v7, v23  }
0xf5: {  	s2 =	sadd.s32 $0x8, s2;
	v25 =	vld [tilespmem:s29+$0x1F0];
	[tilespmem:s31+$0x20] =	vst v11  }
0xf6: {  	p0 =	slt.u32 s2, $0x98;
	v7 =	vld [tilespmem:s29+$0xFFFFFE00];
	[tilespmem:s31+$0xFFFFFFC0] =	vst v23  }
0xf7: {  	v19 =	vmul.f32 v20, v19;
	v16 =	vmul.f32 v18, v16;
	v11 =	vld [tilespmem:s8+$0xFFFFFE10]  }
0xf8: {  	v15 =	vmul.f32 v17, v15;
	v8 =	vmul.f32 v8, v14;
	v18 =	vld [tilespmem:s29+$0xFFFFFE10]  }
0xf9: {  	v9 =	vmul.f32 v9, v13;
	v10 =	vmul.f32 v10, v12;
	v14 =	vld [tilespmem:s8+$0xFFFFFE20]  }
0xfa: {  	v13 =	vmul.f32 v24, v22;
	v12 =	vld [tilespmem:s29+$0xFFFFFE20];
	v17 =	vmul.f32 v25, v21  }
0xfb: {  	v16 =	vadd.f32 v16, v19;
	v15 =	vadd.f32 v8, v15;
	v20 =	vld [tilespmem:s8+$0xFFFFFE30]  }
0xfc: {  	v9 =	vadd.f32 v10, v9;
	v19 =	vld [tilespmem:s29+$0xFFFFFE30];
	v10 =	vadd.f32 v17, v13  }
0xfd: {  	v8 =	vmul.f32 v18, v11;
	v11 =	vld [tilespmem:s8+$0xFFFFFE40]  }
0xfe: {  	v15 =	vadd.f32 v15, v16;
	v13 =	vld [tilespmem:s29+$0xFFFFFE40];
	v9 =	vadd.f32 v10, v9  }
0xff: {  	v10 =	vmul.f32 v12, v14;
	v12 =	vld [tilespmem:s8+$0xFFFFFE50]  }
0x100: {  	v14 =	vld [tilespmem:s29+$0xFFFFFE50];
	v15 =	vadd.f32 v9, v15  }
0x101: {  	v9 =	vmul.f32 v19, v20;
	v16 =	vld [tilespmem:s8+$0xFFFFFE60]  }
0x102: {  	v17 =	vld [tilespmem:s29+$0xFFFFFE60];
	v18 =	vperm.xlane v15, v0  }
0x103: {  	v11 =	vmul.f32 v13, v11;
	v13 =	vld [tilespmem:s8+$0xFFFFFE70];
	v9 =	vadd.f32 v9, v10  }
0x104: {  	v10 =	vld [tilespmem:s29+$0xFFFFFE70];
	v15 =	vadd.f32 v15, v18  }
0x105: {  	s31 =	sadd.s32 $0x80, s31;
	v12 =	vmul.f32 v14, v12;
	v14 =	vld [tilespmem:s8+$0xFFFFFE80]  }
0x106: {  	v18 =	vld [tilespmem:s29+$0xFFFFFE80];
	[tilespmem:s31+$0x30] =	vst v15  }
0x107: {  	v15 =	vmul.f32 v17, v16;
	v11 =	vadd.f32 v12, v11;
	v12 =	vld [tilespmem:s8+$0xFFFFFE90]  }
0x108: {  	v16 =	vld [tilespmem:s29+$0xFFFFFE90]  }
0x109: {  	v10 =	vmul.f32 v10, v13;
	v13 =	vld [tilespmem:s8+$0xFFFFFEA0]  }
0x10a: {  	v17 =	vld [tilespmem:s29+$0xFFFFFEA0]  }
0x10b: {  	v10 =	vadd.f32 v10, v15;
	v14 =	vmul.f32 v18, v14;
	v15 =	vld [tilespmem:s8+$0xFFFFFEB0]  }
0x10c: {  	v18 =	vld [tilespmem:s29+$0xFFFFFEB0]  }
0x10d: {  	v10 =	vadd.f32 v10, v11;
	v11 =	vmul.f32 v16, v12;
	v12 =	vld [tilespmem:s8+$0xFFFFFEC0]  }
0x10e: {  	v16 =	vld [tilespmem:s29+$0xFFFFFEC0]  }
0x10f: {  	v13 =	vmul.f32 v17, v13;
	v17 =	vld [tilespmem:s8+$0xFFFFFED0];
	v11 =	vadd.f32 v11, v14  }
0x110: {  	v14 =	vld [tilespmem:s29+$0xFFFFFED0]  }
0x111: {  	v15 =	vmul.f32 v18, v15;
	v18 =	vld [tilespmem:s8+$0xFFFFFEE0]  }
0x112: {  	v19 =	vld [tilespmem:s29+$0xFFFFFEE0]  }
0x113: {  	v12 =	vmul.f32 v16, v12;
	v16 =	vld [tilespmem:s8+$0xFFFFFEF0];
	v13 =	vadd.f32 v15, v13  }
0x114: {  	v15 =	vld [tilespmem:s29+$0xFFFFFEF0]  }
0x115: {  	v14 =	vmul.f32 v14, v17;
	v11 =	vadd.f32 v13, v11;
	v13 =	vld [tilespmem:s8+$0xFFFFFF00]  }
0x116: {  	v17 =	vld [tilespmem:s29+$0xFFFFFF00]  }
0x117: {  	v18 =	vmul.f32 v19, v18;
	v12 =	vadd.f32 v14, v12;
	v14 =	vld [tilespmem:s8+$0xFFFFFF10]  }
0x118: {  	v19 =	vld [tilespmem:s29+$0xFFFFFF10]  }
0x119: {  	v15 =	vmul.f32 v15, v16;
	v16 =	vld [tilespmem:s8+$0xFFFFFF20]  }
0x11a: {  	v20 =	vld [tilespmem:s29+$0xFFFFFF20]  }
0x11b: {  	v15 =	vadd.f32 v15, v18;
	v13 =	vmul.f32 v17, v13;
	v17 =	vld [tilespmem:s8+$0xFFFFFF30]  }
0x11c: {  	v18 =	vld [tilespmem:s29+$0xFFFFFF30]  }
0x11d: {  	v12 =	vadd.f32 v15, v12;
	v14 =	vmul.f32 v19, v14;
	v15 =	vld [tilespmem:s8+$0xFFFFFF40]  }
0x11e: {  	v19 =	vld [tilespmem:s29+$0xFFFFFF40]  }
0x11f: {  	v11 =	vadd.f32 v12, v11;
	v12 =	vmul.f32 v20, v16;
	v16 =	vld [tilespmem:s8+$0xFFFFFF50];
	v13 =	vadd.f32 v14, v13  }
0x120: {  	v14 =	vld [tilespmem:s29+$0xFFFFFF50]  }
0x121: {  	v20 =	vperm.xlane v11, v0;
	v17 =	vmul.f32 v18, v17;
	v18 =	vld [tilespmem:s8+$0xFFFFFF60]  }
0x122: {  	v21 =	vld [tilespmem:s29+$0xFFFFFF60]  }
0x123: {  	v11 =	vadd.f32 v11, v20;
	v15 =	vmul.f32 v19, v15;
	v19 =	vld [tilespmem:s8+$0xFFFFFF70];
	v12 =	vadd.f32 v17, v12  }
0x124: {  	v17 =	vld [tilespmem:s29+$0xFFFFFF70]  }
0x125: {  	[tilespmem:s31+$0xFFFFFFD0] =	vst v11;
	v11 =	vmul.f32 v14, v16;
	v12 =	vadd.f32 v12, v13;
	v13 =	vld [tilespmem:s8+$0xFFFFFF80]  }
0x126: {  	v14 =	vld [tilespmem:s29+$0xFFFFFF80]  }
0x127: {  	v16 =	vmul.f32 v21, v18;
	v11 =	vadd.f32 v11, v15;
	v15 =	vld [tilespmem:s8+$0xFFFFFF90]  }
0x128: {  	v18 =	vld [tilespmem:s29+$0xFFFFFF90]  }
0x129: {  	v17 =	vmul.f32 v17, v19;
	v19 =	vld [tilespmem:s8+$0xFFFFFFA0]  }
0x12a: {  	v20 =	vld [tilespmem:s29+$0xFFFFFFA0]  }
0x12b: {  	v16 =	vadd.f32 v17, v16;
	v13 =	vmul.f32 v14, v13;
	v14 =	vld [tilespmem:s8+$0xFFFFFFB0]  }
0x12c: {  	v17 =	vld [tilespmem:s29+$0xFFFFFFB0]  }
0x12d: {  	v11 =	vadd.f32 v16, v11;
	v15 =	vmul.f32 v18, v15;
	v16 =	vld [tilespmem:s8+$0xFFFFFFC0]  }
0x12e: {  	v18 =	vld [tilespmem:s29+$0xFFFFFFC0]  }
0x12f: {  	v11 =	vadd.f32 v11, v12;
	v12 =	vmul.f32 v20, v19;
	v19 =	vld [tilespmem:s8+$0xFFFFFFD0];
	v13 =	vadd.f32 v15, v13  }
0x130: {  	v15 =	vld [tilespmem:s29+$0xFFFFFFD0]  }
0x131: {  	v20 =	vperm.xlane v11, v0;
	v14 =	vmul.f32 v17, v14;
	v17 =	vld [tilespmem:s8+$0xFFFFFFE0]  }
0x132: {  	v21 =	vld [tilespmem:s29+$0xFFFFFFE0]  }
0x133: {  	v11 =	vadd.f32 v11, v20;
	v16 =	vmul.f32 v18, v16;
	v18 =	vld [tilespmem:s8+$0xFFFFFFF0];
	v12 =	vadd.f32 v14, v12  }
0x134: {  	v14 =	vld [tilespmem:s29+$0xFFFFFFF0]  }
0x135: {  	[tilespmem:s31+$0xFFFFFFE0] =	vst v11;
	v11 =	vmul.f32 v15, v19;
	v12 =	vadd.f32 v12, v13;
	v13 =	vld [tilespmem:s8+$0x0]  }
0x136: {  	v15 =	vld [tilespmem:s29+$0x0]  }
0x137: {  	v17 =	vmul.f32 v21, v17;
	v11 =	vadd.f32 v11, v16;
	v16 =	vld [tilespmem:s8+$0x10]  }
0x138: {  	v19 =	vld [tilespmem:s29+$0x10]  }
0x139: {  	v14 =	vmul.f32 v14, v18;
	v18 =	vld [tilespmem:s8+$0x20]  }
0x13a: {  	v20 =	vld [tilespmem:s29+$0x20]  }
0x13b: {  	v14 =	vadd.f32 v14, v17;
	v13 =	vmul.f32 v15, v13;
	v15 =	vld [tilespmem:s8+$0x30]  }
0x13c: {  	v17 =	vld [tilespmem:s29+$0x30]  }
0x13d: {  	v11 =	vadd.f32 v14, v11;
	v14 =	vmul.f32 v19, v16;
	v16 =	vld [tilespmem:s8+$0x40]  }
0x13e: {  	v19 =	vld [tilespmem:s29+$0x40]  }
0x13f: {  	v11 =	vadd.f32 v11, v12;
	v12 =	vmul.f32 v20, v18;
	v18 =	vld [tilespmem:s8+$0x50];
	v13 =	vadd.f32 v14, v13  }
0x140: {  	v14 =	vld [tilespmem:s29+$0x50]  }
0x141: {  	v20 =	vperm.xlane v11, v0;
	v15 =	vmul.f32 v17, v15;
	v17 =	vld [tilespmem:s8+$0x60]  }
0x142: {  	v21 =	vld [tilespmem:s29+$0x60]  }
0x143: {  	v11 =	vadd.f32 v11, v20;
	v16 =	vmul.f32 v19, v16;
	v19 =	vld [tilespmem:s8+$0x70];
	v12 =	vadd.f32 v15, v12  }
0x144: {  	v15 =	vld [tilespmem:s29+$0x70]  }
0x145: {  	[tilespmem:s31+$0xFFFFFFF0] =	vst v11;
	v11 =	vmul.f32 v14, v18;
	v12 =	vadd.f32 v12, v13;
	v13 =	vld [tilespmem:s8+$0x80]  }
0x146: {  	v14 =	vld [tilespmem:s29+$0x80]  }
0x147: {  	v17 =	vmul.f32 v21, v17;
	v11 =	vadd.f32 v11, v16;
	v16 =	vld [tilespmem:s8+$0x90]  }
0x148: {  	v18 =	vld [tilespmem:s29+$0x90]  }
0x149: {  	v15 =	vmul.f32 v15, v19;
	v19 =	vld [tilespmem:s8+$0xA0]  }
0x14a: {  	v20 =	vld [tilespmem:s29+$0xA0]  }
0x14b: {  	v15 =	vadd.f32 v15, v17;
	v13 =	vmul.f32 v14, v13;
	v14 =	vld [tilespmem:s8+$0xB0]  }
0x14c: {  	v17 =	vld [tilespmem:s29+$0xB0]  }
0x14d: {  	v11 =	vadd.f32 v15, v11;
	v15 =	vmul.f32 v18, v16;
	v16 =	vld [tilespmem:s8+$0xC0]  }
0x14e: {  	v18 =	vld [tilespmem:s29+$0xC0]  }
0x14f: {  	v11 =	vadd.f32 v11, v12;
	v12 =	vmul.f32 v20, v19;
	v19 =	vld [tilespmem:s8+$0xD0];
	v13 =	vadd.f32 v15, v13  }
0x150: {  	v15 =	vld [tilespmem:s29+$0xD0]  }
0x151: {  	v20 =	vperm.xlane v11, v0;
	v14 =	vmul.f32 v17, v14;
	v17 =	vld [tilespmem:s8+$0xE0]  }
0x152: {  	v21 =	vld [tilespmem:s29+$0xE0]  }
0x153: {  	v11 =	vadd.f32 v11, v20;
	v16 =	vmul.f32 v18, v16;
	v18 =	vld [tilespmem:s8+$0xF0];
	v12 =	vadd.f32 v14, v12  }
0x154: {  	v14 =	vld [tilespmem:s29+$0xF0]  }
0x155: {  	[tilespmem:s31+$0x0] =	vst v11;
	v11 =	vmul.f32 v15, v19;
	v12 =	vadd.f32 v12, v13;
	v13 =	vld [tilespmem:s8+$0x100]  }
0x156: {  	v15 =	vld [tilespmem:s29+$0x100]  }
0x157: {  	v17 =	vmul.f32 v21, v17;
	v11 =	vadd.f32 v11, v16;
	v16 =	vld [tilespmem:s8+$0x110]  }
0x158: {  	v19 =	vld [tilespmem:s29+$0x110]  }
0x159: {  	v14 =	vmul.f32 v14, v18;
	v18 =	vld [tilespmem:s8+$0x120]  }
0x15a: {  	v20 =	vld [tilespmem:s29+$0x120]  }
0x15b: {  	v14 =	vadd.f32 v14, v17;
	v13 =	vmul.f32 v15, v13;
	v15 =	vld [tilespmem:s8+$0x130]  }
0x15c: {  	v17 =	vld [tilespmem:s29+$0x130]  }
0x15d: {  	v11 =	vadd.f32 v14, v11;
	v14 =	vmul.f32 v19, v16;
	v16 =	vld [tilespmem:s8+$0x140]  }
0x15e: {  	v19 =	vld [tilespmem:s29+$0x140]  }
0x15f: {  	v11 =	vadd.f32 v11, v12;
	v18 =	vmul.f32 v20, v18;
	v20 =	vld [tilespmem:s8+$0x150];
	v21 =	vadd.f32 v14, v13  }
0x160: {  	v22 =	vld [tilespmem:s29+$0x150]  }
.Ltmp0:
0x161: {  	v14 =	vperm.xlane v11, v0;
	v15 =	vmul.f32 v17, v15;
	v12 =	vld [tilespmem:s8+$0x160];
	(pc) =	sbr.rel @p0 .LBB2_3-.Ltmp0, $4  }
0x162: {  	v13 =	vld [tilespmem:s29+$0x160]  }
0x163: {  	v11 =	vadd.f32 v11, v14;
	v16 =	vmul.f32 v19, v16;
	v14 =	vld [tilespmem:s8+$0x170];
	v19 =	vadd.f32 v15, v18  }
0x164: {  	v15 =	vld [tilespmem:s29+$0x170]  }
0x165: {  	v17 =	vld [tilespmem:s8+$0xFFFFFE00];
	[tilespmem:s31+$0x10] =	vst v11;
	v18 =	vmul.f32 v22, v20;
	v11 =	vadd.f32 v19, v21;
	s8 =	sadd.s32 $0x400, s8  }
0x166: {  	_ =	sdelay $0x2  }
0x167: {  	v12 =	vmul.f32 v13, v12;
	v44 =	vmul.f32 v15, v14  }
0x168: {  	v7 =	vmul.f32 v7, v17  }
0x169: {  	v45 =	vadd.f32 v18, v16;
	v12 =	vadd.f32 v44, v12  }
0x16a: {  	v7 =	vadd.f32 v8, v7  }
0x16b: {  	v8 =	vadd.f32 v12, v45  }
0x16c: {  	v7 =	vadd.f32 v9, v7  }
0x16d: {  	v8 =	vadd.f32 v8, v11  }
0x16e: {  	v7 =	vadd.f32 v10, v7  }
0x16f: {  	v9 =	vperm.xlane v8, v0  }
0x170: {  	v10 =	vperm.xlane v7, v0  }
0x171: {  	v8 =	vadd.f32 v8, v9  }
0x172: {  	v7 =	vadd.f32 v7, v10  }
0x173: {  	[tilespmem:s31+$0x20] =	vst v8  }
0x174: {  	[tilespmem:s31+$0xFFFFFFC0] =	vst v7  }
0x175: {  	v7 =	vld [tilespmem:s30+$0x20]  }
0x176: {  	v8 =	vld [tilespmem:s30+$0xFFFFFFA0]  }
0x177: {  	v9 =	vld [tilespmem:s30+$0x30]  }
0x178: {  	v10 =	vld [tilespmem:s30+$0x10]  }
0x179: {  	v11 =	vld [tilespmem:s30+$0xFFFFFF90]  }
0x17a: {  	v46 =	vld [tilespmem:s30+$0xFFFFFFB0]  }
0x17b: {  	v47 =	vld [tilespmem:s30+$0x50]  }
0x17c: {  	v48 =	vld [tilespmem:s30+$0xFFFFFFD0]  }
0x17d: {  	v49 =	vld [tilespmem:s30+$0x70]  }
0x17e: {  	v50 =	vld [tilespmem:s30+$0xFFFFFFF0]  }
0x17f: {  	v51 =	vld [tilespmem:s30+$0x60]  }
0x180: {  	v52 =	vld [tilespmem:s30+$0xFFFFFFE0]  }
0x181: {  	v53 =	vld [tilespmem:s30+$0xFFFFFF80]  }
0x182: {  	v55 =	vld [tilespmem:s30+$0x0];
	_ =	sdelay $0x1  }
0x183: {  	v19 =	vld [tilespmem:s30+$0x40];
	v7 =	vsel vm2, v8, v7  }
0x184: {  	v8 =	vld [tilespmem:s30+$0xFFFFFFC0];
	v10 =	vsel vm2, v11, v10;
	v9 =	vsel vm2, v46, v9;
	v11 =	vsel vm2, v48, v47  }
0x185: {  	v15 =	vsel vm2, v50, v49;
	v17 =	vsel vm2, v52, v51;
	v14 =	vperm.xlane v11, v2  }
0x186: {  	v12 =	vsel vm2, v53, v55;
	v54 =	vperm.xlane v10, v2;
	v56 =	vperm.xlane v15, v2  }
0x187: {  	v20 =	vperm.xlane v9, v2;
	v57 =	vperm.xlane v17, v2;
	v11 =	vadd.f32 v14, v11  }
0x188: {  	v59 =	vperm.xlane v7, v2;
	v10 =	vadd.f32 v54, v10;
	v58 =	vadd.f32 v56, v15  }
0x189: {  	v13 =	vadd.f32 v57, v17;
	v11 =	vperm.xlane v11, v3;
	v8 =	vsel vm2, v8, v19  }
0x18a: {  	v9 =	vadd.f32 v20, v9;
	v14 =	vperm.xlane v58, v3;
	v60 =	vperm.xlane v8, v2  }
0x18b: {  	v7 =	vadd.f32 v59, v7;
	v13 =	vperm.xlane v13, v3;
	v10 =	vsel vm0, v10, v11  }
0x18c: {  	v11 =	vperm.xlane v12, v2;
	v9 =	vsel vm0, v9, v14;
	v8 =	vadd.f32 v60, v8  }
0x18d: {  	v7 =	vsel vm0, v7, v13;
	v62 =	vperm.xlane v9, v4  }
0x18e: {  	v61 =	vperm.xlane v10, v4;
	v11 =	vadd.f32 v11, v12;
	v8 =	vperm.xlane v8, v3  }
0x18f: {  	v63 =	vperm.xlane v7, v4;
	v9 =	vadd.f32 v62, v9  }
0x190: {  	v10 =	vadd.f32 v61, v10;
	v8 =	vsel vm0, v11, v8  }
0x191: {  	v7 =	vadd.f32 v63, v7;
	v9 =	vperm.xlane v9, v5;
	v11 =	vperm.xlane v8, v4;
	_ =	sdelay $0x1  }
0x192: {  	v7 =	vperm.xlane v7, v5;
	v9 =	vsel vm1, v10, v9;
	v8 =	vadd.f32 v11, v8  }
0x193: {  	v10 =	vperm.xlane v9, v6  }
0x194: {  	v8 =	vsel vm1, v8, v7  }
0x195: {  	v7 =	vadd.f32 v10, v9;
	v9 =	vperm.xlane v8, v6;
	_ =	sdelay $0x1  }
0x196: {  	s2 =	simm.s32 $0x40;
	s29 =	sadd.s32 $0x0, s25;
	v7 =	vperm.xlane v7, v1;
	v8 =	vadd.f32 v9, v8  }
.LBB2_5:
0x197: {  	p0 =	sne.s32 s2, $0x240  }
0x198: {  	v7 =	vsel vm3, v8, v7;
	s30 =	sadd.s32 $0x100, s30;
	s8 =	smov.u32 s2;
	s2 =	sadd.s32 $0x40, s2  }
0x199: {  	[tilespmem:s29+$0x0] =	vst v7  }
0x19a: {  	v7 =	vld [tilespmem:s30+$0x20]  }
0x19b: {  	v8 =	vld [tilespmem:s30+$0xFFFFFFA0]  }
0x19c: {  	v9 =	vld [tilespmem:s30+$0x30]  }
0x19d: {  	v10 =	vld [tilespmem:s30+$0x10]  }
0x19e: {  	v11 =	vld [tilespmem:s30+$0xFFFFFF90]  }
0x19f: {  	v12 =	vld [tilespmem:s30+$0xFFFFFFB0]  }
0x1a0: {  	v13 =	vld [tilespmem:s30+$0x50];
	v7 =	vsel vm2, v8, v7  }
0x1a1: {  	v8 =	vld [tilespmem:s30+$0xFFFFFFD0];
	v14 =	vperm.xlane v7, v2  }
0x1a2: {  	v15 =	vld [tilespmem:s30+$0x70]  }
0x1a3: {  	v16 =	vld [tilespmem:s30+$0xFFFFFFF0];
	v10 =	vsel vm2, v11, v10;
	v7 =	vadd.f32 v14, v7  }
0x1a4: {  	v11 =	vld [tilespmem:s30+$0x60];
	v9 =	vsel vm2, v12, v9;
	v12 =	vperm.xlane v10, v2  }
0x1a5: {  	v14 =	vld [tilespmem:s30+$0xFFFFFFE0];
	v17 =	vperm.xlane v9, v2  }
0x1a6: {  	v18 =	vld [tilespmem:s30+$0x40];
	v8 =	vsel vm2, v8, v13;
	v10 =	vadd.f32 v12, v10  }
0x1a7: {  	v12 =	vld [tilespmem:s30+$0xFFFFFFC0];
	v13 =	vperm.xlane v8, v2;
	v9 =	vadd.f32 v17, v9  }
0x1a8: {  	v17 =	vld [tilespmem:s30+$0xFFFFFF80];
	v15 =	vsel vm2, v16, v15  }
0x1a9: {  	v16 =	vld [tilespmem:s30+$0x0];
	v8 =	vadd.f32 v13, v8;
	v13 =	vperm.xlane v15, v2  }
0x1aa: {  	v11 =	vsel vm2, v14, v11  }
0x1ab: {  	v14 =	vperm.xlane v11, v2;
	v13 =	vadd.f32 v13, v15;
	v8 =	vperm.xlane v8, v3  }
0x1ac: {  	v12 =	vsel vm2, v12, v18  }
0x1ad: {  	v11 =	vadd.f32 v14, v11;
	v8 =	vsel vm0, v10, v8;
	v10 =	vperm.xlane v13, v3  }
0x1ae: {  	v14 =	vperm.xlane v12, v2;
	v13 =	vsel vm2, v17, v16;
	v15 =	vperm.xlane v8, v4  }
0x1af: {  	v16 =	vperm.xlane v13, v2;
	v11 =	vperm.xlane v11, v3;
	v9 =	vsel vm0, v9, v10  }
0x1b0: {  	v10 =	vadd.f32 v14, v12;
	v8 =	vadd.f32 v15, v8;
	v12 =	vperm.xlane v9, v4  }
0x1b1: {  	v13 =	vadd.f32 v16, v13;
	v7 =	vsel vm0, v7, v11  }
0x1b2: {  	v10 =	vperm.xlane v10, v3;
	v11 =	vperm.xlane v7, v4;
	v9 =	vadd.f32 v12, v9;
	_ =	sdelay $0x1  }
0x1b3: {  	v10 =	vsel vm0, v13, v10;
	v7 =	vadd.f32 v11, v7;
	v9 =	vperm.xlane v9, v5  }
0x1b4: {  	v11 =	vperm.xlane v10, v4  }
0x1b5: {  	v7 =	vperm.xlane v7, v5;
	v8 =	vsel vm1, v8, v9  }
0x1b6: {  	v9 =	vadd.f32 v11, v10;
	v10 =	vperm.xlane v8, v6;
	_ =	sdelay $0x1  }
.Ltmp1:
0x1b7: {  	v9 =	vsel vm1, v9, v7;
	v7 =	vadd.f32 v10, v8;
	(pc) =	sbr.rel @p0 .LBB2_5-.Ltmp1, $4  }
0x1b8: {  	v8 =	vperm.xlane v9, v6  }
0x1b9: {  	v7 =	vperm.xlane v7, v1  }
0x1ba: {  	s8 =	sshra.s32 s8, $0x2;
	v8 =	vadd.f32 v8, v9  }
0x1bb: {  	s29 =	sadd.s32 s8, s25  }
0x1bc: {  	v7 =	vsel vm3, v8, v7  }
0x1bd: {  	s2 =	sadd.s32 $0x172C0, s28;
	[tilespmem:s29+$0x0] =	vst v7  }
0x1be: {  	[tilespmem:s3], [sflag:$0x1] =	stream.indirect.gather [hbm4b:s1+s11], $0x80, s2, s11, $0xb8;
	[tilespmem:$0x1C080] =	vst v63  }
0x1bf: {  	s29 =	sadd.s32 $0x19A40, s28  }
0x1c0: {  	[tilespmem:s12], [sflag:$0x2] =	stream.indirect.gather [hbm4b:s1+s11], $0x80, s29, s11, $0xb8;
	[tilespmem:$0x1C080] =	vst v63  }
0x1c1: {  	s8 =	sadd.s32 $0x17310, s28  }
0x1c2: {  	[tilespmem:s14], [sflag:$0x1] =	stream.indirect.gather [hbm4b:s1+s11], $0x80, s8, s11, $0xb8;
	[tilespmem:$0x1C080] =	vst v63  }
0x1c3: {  	s29 =	sadd.s32 $0x19A90, s28  }
0x1c4: {  	[tilespmem:s16], [sflag:$0x2] =	stream.indirect.gather [hbm4b:s1+s11], $0x80, s29, s11, $0xb8;
	[tilespmem:$0x1C080] =	vst v63  }
0x1c5: {  	_ =	swait.ge [sflag:s23], $0x5000  }
0x1c6: {  	[sflag:s23] =	ssyncset.done $0x0  }
0x1c7: {  	[sflag:s23] =	ssyncadd.s32 $0xFFFFB000  }
0x1c8: {  	_ =	swait.ge [sflag:s24], $0x5000  }
0x1c9: {  	[sflag:s24] =	ssyncset.done $0x0  }
0x1ca: {  	s8 =	simm.s32 $0xA200;
	[sflag:s24] =	ssyncadd.s32 $0xFFFFB000  }
0x1cb: {  	s28 =	simm.s32 $0xF200;
	v14 =	vld [tilespmem:s8+$0x180]  }
0x1cc: {  	v15 =	vld [tilespmem:s28+$0x180]  }
0x1cd: {  	v16 =	vld [tilespmem:s8+$0x190]  }
0x1ce: {  	v17 =	vld [tilespmem:s28+$0x190]  }
0x1cf: {  	v18 =	vld [tilespmem:s8+$0x1A0]  }
0x1d0: {  	v19 =	vld [tilespmem:s28+$0x1A0]  }
0x1d1: {  	v20 =	vld [tilespmem:s8+$0x1B0]  }
0x1d2: {  	v21 =	vld [tilespmem:s28+$0x1B0]  }
0x1d3: {  	v22 =	vld [tilespmem:s8+$0x1C0]  }
0x1d4: {  	v23 =	vld [tilespmem:s28+$0x1C0]  }
0x1d5: {  	v24 =	vld [tilespmem:s8+$0x1D0]  }
0x1d6: {  	v25 =	vld [tilespmem:s28+$0x1D0]  }
0x1d7: {  	v8 =	vld [tilespmem:s8+$0xFFFFFE10]  }
0x1d8: {  	v26 =	vld [tilespmem:s8+$0x1E0]  }
0x1d9: {  	v27 =	vld [tilespmem:s28+$0x1E0]  }
0x1da: {  	v28 =	vld [tilespmem:s8+$0x1F0]  }
0x1db: {  	v29 =	vld [tilespmem:s28+$0x1F0]  }
0x1dc: {  	v7 =	vld [tilespmem:s28+$0xFFFFFE00];
	[tilespmem:$0x1FE40] =	vst v8  }
0x1dd: {  	v8 =	vld [tilespmem:s28+$0xFFFFFE10];
	_ =	sdelay $0x4  }
0x1de: {  	[tilespmem:$0x1FE50] =	vst v8  }
0x1df: {  	v8 =	vld [tilespmem:s8+$0xFFFFFE20];
	_ =	sdelay $0x4  }
0x1e0: {  	[tilespmem:$0x1FE00] =	vst v8  }
0x1e1: {  	v8 =	vld [tilespmem:s28+$0xFFFFFE20];
	_ =	sdelay $0x4  }
0x1e2: {  	[tilespmem:$0x1FE10] =	vst v8  }
0x1e3: {  	v8 =	vld [tilespmem:s8+$0xFFFFFE30];
	_ =	sdelay $0x4  }
0x1e4: {  	[tilespmem:$0x1FE20] =	vst v8  }
0x1e5: {  	v8 =	vld [tilespmem:s28+$0xFFFFFE30];
	_ =	sdelay $0x4  }
0x1e6: {  	[tilespmem:$0x1FE30] =	vst v8  }
0x1e7: {  	v8 =	vld [tilespmem:s8+$0xFFFFFE40];
	_ =	sdelay $0x4  }
0x1e8: {  	[tilespmem:$0x1FCC0] =	vst v8  }
0x1e9: {  	v8 =	vld [tilespmem:s28+$0xFFFFFE40];
	_ =	sdelay $0x4  }
0x1ea: {  	[tilespmem:$0x1FCD0] =	vst v8  }
0x1eb: {  	v8 =	vld [tilespmem:s8+$0xFFFFFE50];
	_ =	sdelay $0x4  }
0x1ec: {  	[tilespmem:$0x1FCE0] =	vst v8  }
0x1ed: {  	v8 =	vld [tilespmem:s28+$0xFFFFFE50];
	_ =	sdelay $0x4  }
0x1ee: {  	[tilespmem:$0x1FCF0] =	vst v8  }
0x1ef: {  	v8 =	vld [tilespmem:s8+$0xFFFFFE60];
	_ =	sdelay $0x4  }
0x1f0: {  	[tilespmem:$0x1FD00] =	vst v8  }
0x1f1: {  	v8 =	vld [tilespmem:s28+$0xFFFFFE60];
	_ =	sdelay $0x4  }
0x1f2: {  	[tilespmem:$0x1FD10] =	vst v8  }
0x1f3: {  	v8 =	vld [tilespmem:s8+$0xFFFFFE70];
	_ =	sdelay $0x4  }
0x1f4: {  	[tilespmem:$0x1FD20] =	vst v8  }
0x1f5: {  	v8 =	vld [tilespmem:s28+$0xFFFFFE70];
	_ =	sdelay $0x4  }
0x1f6: {  	[tilespmem:$0x1FD30] =	vst v8  }
0x1f7: {  	v38 =	vld [tilespmem:s8+$0xFFFFFE80]  }
0x1f8: {  	v39 =	vld [tilespmem:s28+$0xFFFFFE80]  }
0x1f9: {  	v40 =	vld [tilespmem:s8+$0xFFFFFE90]  }
0x1fa: {  	v41 =	vld [tilespmem:s28+$0xFFFFFE90]  }
0x1fb: {  	v42 =	vld [tilespmem:s8+$0xFFFFFEA0]  }
0x1fc: {  	v43 =	vld [tilespmem:s28+$0xFFFFFEA0]  }
0x1fd: {  	v44 =	vld [tilespmem:s8+$0xFFFFFEB0]  }
0x1fe: {  	v45 =	vld [tilespmem:s28+$0xFFFFFEB0]  }
0x1ff: {  	v46 =	vld [tilespmem:s8+$0xFFFFFEC0]  }
0x200: {  	v47 =	vld [tilespmem:s28+$0xFFFFFEC0]  }
0x201: {  	v48 =	vld [tilespmem:s8+$0xFFFFFED0]  }
0x202: {  	v49 =	vld [tilespmem:s28+$0xFFFFFED0]  }
0x203: {  	v50 =	vld [tilespmem:s8+$0xFFFFFEE0]  }
0x204: {  	v51 =	vld [tilespmem:s28+$0xFFFFFEE0]  }
0x205: {  	v52 =	vld [tilespmem:s8+$0xFFFFFEF0]  }
0x206: {  	v53 =	vld [tilespmem:s28+$0xFFFFFEF0]  }
0x207: {  	v54 =	vld [tilespmem:s8+$0xFFFFFF00]  }
0x208: {  	v55 =	vld [tilespmem:s28+$0xFFFFFF00]  }
0x209: {  	v56 =	vld [tilespmem:s8+$0xFFFFFF10]  }
0x20a: {  	v8 =	vld [tilespmem:s8+$0xFFFFFF40]  }
0x20b: {  	v57 =	vld [tilespmem:s28+$0xFFFFFF10]  }
0x20c: {  	v58 =	vld [tilespmem:s8+$0xFFFFFF20]  }
0x20d: {  	v59 =	vld [tilespmem:s28+$0xFFFFFF20]  }
0x20e: {  	v60 =	vld [tilespmem:s8+$0xFFFFFF30]  }
0x20f: {  	v61 =	vld [tilespmem:s28+$0xFFFFFF30];
	[tilespmem:$0x1FD40] =	vst v8  }
0x210: {  	v9 =	vld [tilespmem:s8+$0xFFFFFF60];
	_ =	sdelay $0x2  }
0x211: {  	v63 =	vld [tilespmem:s28+$0xFFFFFF40]  }
0x212: {  	v37 =	vld [tilespmem:s8+$0xFFFFFF50]  }
0x213: {  	v8 =	vld [tilespmem:s28+$0xFFFFFF50];
	[tilespmem:$0x1FD50] =	vst v9  }
0x214: {  	v10 =	vld [tilespmem:s8+$0xFFFFFF80];
	_ =	sdelay $0x2  }
0x215: {  	v31 =	vld [tilespmem:s28+$0xFFFFFF60]  }
0x216: {  	v34 =	vld [tilespmem:s8+$0xFFFFFF70]  }
0x217: {  	v9 =	vld [tilespmem:s28+$0xFFFFFF70];
	[tilespmem:$0x1FD60] =	vst v10  }
0x218: {  	v10 =	vld [tilespmem:s28+$0xFFFFFF80];
	_ =	sdelay $0x4  }
0x219: {  	[tilespmem:$0x1FD70] =	vst v10  }
0x21a: {  	v10 =	vld [tilespmem:s8+$0xFFFFFF90];
	_ =	sdelay $0x4  }
0x21b: {  	[tilespmem:$0x1FD80] =	vst v10  }
0x21c: {  	v11 =	vld [tilespmem:s8+$0xFFFFFFA0];
	_ =	sdelay $0x4  }
0x21d: {  	v10 =	vld [tilespmem:s28+$0xFFFFFF90];
	[tilespmem:$0x1FD90] =	vst v11  }
0x21e: {  	v12 =	vld [tilespmem:s8+$0xFFFFFFC0];
	_ =	sdelay $0x2  }
0x21f: {  	v32 =	vld [tilespmem:s28+$0xFFFFFFA0]  }
0x220: {  	v33 =	vld [tilespmem:s8+$0xFFFFFFB0]  }
0x221: {  	v11 =	vld [tilespmem:s28+$0xFFFFFFB0];
	[tilespmem:$0x1FDA0] =	vst v12  }
0x222: {  	v13 =	vld [tilespmem:s8+$0xFFFFFFE0];
	_ =	sdelay $0x2  }
0x223: {  	v35 =	vld [tilespmem:s28+$0xFFFFFFC0]  }
0x224: {  	v36 =	vld [tilespmem:s8+$0xFFFFFFD0]  }
0x225: {  	v12 =	vld [tilespmem:s28+$0xFFFFFFD0];
	[tilespmem:$0x1FDB0] =	vst v13  }
0x226: {  	v13 =	vld [tilespmem:s8+$0xFFFFFFF0];
	_ =	sdelay $0x4  }
0x227: {  	v62 =	vld [tilespmem:s28+$0xFFFFFFE0];
	[tilespmem:$0x1FDC0] =	vst v13  }
0x228: {  	v30 =	vld [tilespmem:s8+$0x0];
	_ =	sdelay $0x4  }
0x229: {  	v14 =	vmul.f32 v15, v14;
	v16 =	vmul.f32 v17, v16;
	v13 =	vld [tilespmem:s28+$0xFFFFFFF0];
	[tilespmem:$0x1FDD0] =	vst v30  }
0x22a: {  	v17 =	vmul.f32 v19, v18;
	v19 =	vmul.f32 v21, v20;
	v30 =	vld [tilespmem:s28+$0x0];
	_ =	sdelay $0x1  }
0x22b: {  	v14 =	vadd.f32 v16, v14;
	v16 =	vadd.f32 v19, v17  }
0x22c: {  	v20 =	vmul.f32 v23, v22;
	v22 =	vmul.f32 v25, v24  }
0x22d: {  	v14 =	vadd.f32 v16, v14;
	v16 =	vmul.f32 v47, v46;
	v46 =	vld [tilespmem:$0x1FCD0]  }
0x22e: {  	v19 =	vadd.f32 v22, v20;
	v20 =	vmul.f32 v39, v38;
	v47 =	vld [tilespmem:$0x1FCE0];
	[tilespmem:$0x1FDE0] =	vst v30  }
0x22f: {  	v22 =	vmul.f32 v41, v40;
	v25 =	vmul.f32 v43, v42;
	v30 =	vld [tilespmem:s8+$0x10]  }
0x230: {  	v45 =	vmul.f32 v45, v44;
	v49 =	vmul.f32 v49, v48;
	v48 =	vld [tilespmem:$0x1FCF0]  }
0x231: {  	v51 =	vmul.f32 v51, v50;
	v50 =	vld [tilespmem:$0x1FD00];
	v59 =	vmul.f32 v59, v58  }
0x232: {  	v61 =	vmul.f32 v61, v60;
	v20 =	vadd.f32 v22, v20;
	v44 =	vadd.f32 v45, v25;
	v45 =	vld [tilespmem:$0x1FCC0]  }
0x233: {  	v55 =	vmul.f32 v55, v54;
	v54 =	vld [tilespmem:$0x1FD90]  }
0x234: {  	v20 =	vadd.f32 v44, v20;
	v44 =	vadd.f32 v61, v59;
	v59 =	vld [tilespmem:$0x1FDC0];
	[tilespmem:$0x1FDF0] =	vst v30  }
0x235: {  	v15 =	vld [tilespmem:s28+$0x10]  }
0x236: {  	v18 =	vld [tilespmem:s8+$0x20]  }
0x237: {  	v21 =	vld [tilespmem:s28+$0x20]  }
0x238: {  	v24 =	vld [tilespmem:s8+$0x30]  }
0x239: {  	v17 =	vld [tilespmem:s28+$0x30]  }
0x23a: {  	v23 =	vmul.f32 v27, v26;
	v26 =	vld [tilespmem:s8+$0x40]  }
0x23b: {  	v30 =	vmul.f32 v29, v28;
	v28 =	vld [tilespmem:s28+$0x40]  }
0x23c: {  	v38 =	vld [tilespmem:s8+$0x50]  }
0x23d: {  	v40 =	vld [tilespmem:s28+$0x50]  }
0x23e: {  	v25 =	vld [tilespmem:s8+$0x60]  }
0x23f: {  	v27 =	vld [tilespmem:s28+$0x60]  }
0x240: {  	v22 =	vld [tilespmem:s28+$0x70]  }
0x241: {  	v41 =	vld [tilespmem:s8+$0x80]  }
0x242: {  	v29 =	vmul.f32 v46, v45;
	v45 =	vld [tilespmem:s8+$0x90]  }
0x243: {  	v56 =	vmul.f32 v57, v56;
	v8 =	vmul.f32 v8, v37;
	v37 =	vld [tilespmem:s28+$0xA0]  }
0x244: {  	v9 =	vmul.f32 v9, v34;
	v34 =	vld [tilespmem:s8+$0xB0]  }
0x245: {  	v39 =	vadd.f32 v56, v55;
	v55 =	vld [tilespmem:s8+$0xC0]  }
0x246: {  	v58 =	vld [tilespmem:s28+$0xC0]  }
0x247: {  	v23 =	vadd.f32 v30, v23;
	v30 =	vmul.f32 v53, v52;
	v52 =	vld [tilespmem:$0x1FD20]  }
0x248: {  	v53 =	vld [tilespmem:$0x1FD30]  }
0x249: {  	v19 =	vadd.f32 v23, v19;
	v23 =	vadd.f32 v30, v51;
	v51 =	vld [tilespmem:$0x1FD10]  }
0x24a: {  	v60 =	vld [tilespmem:s8+$0xD0]  }
0x24b: {  	v16 =	vadd.f32 v49, v16;
	v61 =	vld [tilespmem:s28+$0xD0];
	v14 =	vadd.f32 v19, v14  }
0x24c: {  	v19 =	vld [tilespmem:s8+$0x70]  }
0x24d: {  	v16 =	vadd.f32 v23, v16;
	v23 =	vmul.f32 v48, v47;
	v47 =	vld [tilespmem:s8+$0xA0];
	v49 =	vperm.xlane v14, v0  }
0x24e: {  	v43 =	vmul.f32 v53, v52;
	v52 =	vld [tilespmem:$0x1FD80];
	v42 =	vmul.f32 v51, v50  }
0x24f: {  	v14 =	vadd.f32 v14, v49;
	v49 =	vld [tilespmem:$0x1FD50]  }
0x250: {  	v23 =	vadd.f32 v23, v29;
	v29 =	vadd.f32 v43, v42;
	v42 =	vld [tilespmem:$0x1FD40]  }
0x251: {  	v53 =	vld [tilespmem:s28+$0xB0]  }
0x252: {  	v16 =	vadd.f32 v16, v20;
	v20 =	vld [tilespmem:s28+$0x80]  }
0x253: {  	v50 =	vld [tilespmem:$0x1FD60]  }
0x254: {  	v51 =	vld [tilespmem:$0x1FD70];
	v57 =	vperm.xlane v16, v0  }
0x255: {  	v43 =	vld [tilespmem:s28+$0x90];
	v31 =	vmul.f32 v31, v49;
	v48 =	vmul.f32 v63, v42  }
0x256: {  	v16 =	vadd.f32 v16, v57;
	v57 =	vld [tilespmem:$0x1FDA0]  }
0x257: {  	v10 =	vmul.f32 v10, v52;
	v52 =	vld [tilespmem:s8+$0x110];
	v9 =	vadd.f32 v9, v31;
	v8 =	vadd.f32 v8, v48  }
0x258: {  	v11 =	vmul.f32 v11, v33;
	v49 =	vld [tilespmem:s8+$0x100]  }
0x259: {  	v42 =	vmul.f32 v51, v50;
	v31 =	vmul.f32 v32, v54;
	v8 =	vadd.f32 v9, v8;
	v9 =	vld [tilespmem:$0x1FDB0]  }
0x25a: {  	v63 =	vld [tilespmem:$0x1FDF0]  }
0x25b: {  	v50 =	vld [tilespmem:s28+$0x100];
	v10 =	vadd.f32 v10, v42;
	v11 =	vadd.f32 v11, v31  }
0x25c: {  	v51 =	vmul.f32 v53, v34;
	v53 =	vmul.f32 v58, v55;
	v55 =	vld [tilespmem:s28+$0x110]  }
0x25d: {  	v12 =	vmul.f32 v12, v36;
	v13 =	vmul.f32 v13, v59;
	v10 =	vadd.f32 v11, v10;
	v11 =	vld [tilespmem:$0x1FDD0]  }
0x25e: {  	v35 =	vmul.f32 v35, v57;
	v9 =	vmul.f32 v62, v9;
	v62 =	vld [tilespmem:$0x1FDE0]  }
0x25f: {  	v56 =	vadd.f32 v44, v39;
	v17 =	vmul.f32 v17, v24;
	v44 =	vmul.f32 v28, v26;
	v42 =	vld [tilespmem:s28+$0xE0]  }
0x260: {  	v54 =	vmul.f32 v61, v60;
	v48 =	vld [tilespmem:s28+$0xF0];
	v12 =	vadd.f32 v12, v35;
	v9 =	vadd.f32 v13, v9  }
0x261: {  	v46 =	vmul.f32 v40, v38;
	v19 =	vmul.f32 v22, v19;
	v13 =	vld [tilespmem:s8+$0xE0]  }
0x262: {  	v24 =	vadd.f32 v54, v53;
	v9 =	vadd.f32 v9, v12;
	v12 =	vmul.f32 v21, v18;
	v18 =	vld [tilespmem:s8+$0xF0]  }
0x263: {  	v58 =	vld [tilespmem:s28+$0x140];
	v15 =	vmul.f32 v15, v63;
	v8 =	vadd.f32 v8, v56;
	v11 =	vmul.f32 v62, v11  }
0x264: {  	v57 =	vld [tilespmem:$0x1FE10];
	v21 =	vadd.f32 v46, v44;
	v9 =	vadd.f32 v9, v10;
	v10 =	vmul.f32 v27, v25  }
0x265: {  	v61 =	vld [tilespmem:s8+$0x150];
	v11 =	vadd.f32 v15, v11;
	v15 =	vmul.f32 v20, v41;
	v20 =	vmul.f32 v43, v45  }
0x266: {  	v12 =	vadd.f32 v17, v12;
	v17 =	vmul.f32 v37, v47;
	v10 =	vadd.f32 v19, v10;
	v19 =	vld [tilespmem:s8+$0x120]  }
0x267: {  	v13 =	vmul.f32 v42, v13;
	v18 =	vmul.f32 v48, v18;
	v15 =	vadd.f32 v20, v15;
	v20 =	vld [tilespmem:s28+$0x120]  }
0x268: {  	v56 =	vld [tilespmem:$0x1FE00];
	v60 =	vperm.xlane v9, v0;
	v11 =	vadd.f32 v12, v11;
	v10 =	vadd.f32 v10, v21  }
0x269: {  	s30 =	simm.s32 $0x14040;
	v17 =	vadd.f32 v51, v17;
	v12 =	vld [tilespmem:s28+$0x130];
	v13 =	vadd.f32 v18, v13  }
0x26a: {  	[tilespmem:s30+$0x30] =	vst v14;
	v9 =	vadd.f32 v9, v60;
	v18 =	vld [tilespmem:s8+$0x130];
	v10 =	vadd.f32 v10, v11;
	v11 =	vperm.xlane v8, v0  }
0x26b: {  	[tilespmem:s30+$0xFFFFFFD0] =	vst v16;
	v15 =	vadd.f32 v17, v15;
	v17 =	vld [tilespmem:s8+$0x140];
	v13 =	vadd.f32 v13, v24  }
0x26c: {  	v8 =	vadd.f32 v8, v11;
	v14 =	vmul.f32 v20, v19;
	v20 =	vld [tilespmem:$0x1FE30]  }
0x26d: {  	v15 =	vadd.f32 v13, v15;
	v13 =	vld [tilespmem:$0x1FE20];
	[tilespmem:s30+$0xFFFFFFF0] =	vst v9  }
0x26e: {  	v19 =	vld [tilespmem:s28+$0x150];
	[tilespmem:s30+$0xFFFFFFE0] =	vst v8  }
0x26f: {  	v22 =	vmul.f32 v50, v49;
	v8 =	vld [tilespmem:$0x1FE40]  }
0x270: {  	v59 =	vmul.f32 v55, v52;
	v11 =	vperm.xlane v10, v0;
	v9 =	vld [tilespmem:$0x1FE50]  }
0x271: {  	v18 =	vmul.f32 v12, v18;
	v12 =	vld [tilespmem:s8+$0x160];
	v16 =	vperm.xlane v15, v0  }
0x272: {  	v22 =	vadd.f32 v59, v22;
	v11 =	vadd.f32 v10, v11;
	v20 =	vmul.f32 v20, v13;
	v13 =	vld [tilespmem:s28+$0x160]  }
0x273: {  	v21 =	vmul.f32 v57, v56;
	v63 =	vadd.f32 v18, v14;
	v14 =	vld [tilespmem:s8+$0x170];
	v62 =	vadd.f32 v15, v16  }
0x274: {  	v10 =	vadd.f32 v29, v23;
	[tilespmem:s30+$0x0] =	vst v11;
	v15 =	vld [tilespmem:s28+$0x170];
	v16 =	vmul.f32 v58, v17;
	v18 =	vmul.f32 v19, v61  }
0x275: {  	s31 =	simm.s32 $0xA600;
	s2 =	simm.s32 $0x0;
	v17 =	vld [tilespmem:s8+$0xFFFFFE00];
	v11 =	vadd.f32 v63, v22;
	[tilespmem:s30+$0x10] =	vst v62;
	v8 =	vmul.f32 v9, v8;
	v9 =	vadd.f32 v20, v21  }
.LBB2_7:
0x276: {  	v19 =	vld [tilespmem:s31+$0x180];
	s28 =	sadd.s32 $0x400, s28  }
0x277: {  	v20 =	vld [tilespmem:s28+$0x180];
	v12 =	vmul.f32 v13, v12;
	v13 =	vadd.f32 v18, v16  }
0x278: {  	v16 =	vld [tilespmem:s31+$0x190]  }
0x279: {  	v18 =	vld [tilespmem:s28+$0x190];
	v14 =	vmul.f32 v15, v14  }
0x27a: {  	v15 =	vld [tilespmem:s31+$0x1A0];
	v7 =	vmul.f32 v7, v17  }
0x27b: {  	v17 =	vld [tilespmem:s28+$0x1A0];
	v12 =	vadd.f32 v14, v12  }
0x27c: {  	v14 =	vld [tilespmem:s31+$0x1B0];
	v7 =	vadd.f32 v8, v7  }
0x27d: {  	v8 =	vld [tilespmem:s28+$0x1B0];
	v12 =	vadd.f32 v12, v13  }
0x27e: {  	v13 =	vld [tilespmem:s31+$0x1C0];
	v7 =	vadd.f32 v9, v7  }
0x27f: {  	v9 =	vld [tilespmem:s28+$0x1C0];
	v11 =	vadd.f32 v12, v11  }
0x280: {  	v12 =	vld [tilespmem:s31+$0x1D0];
	v7 =	vadd.f32 v10, v7  }
0x281: {  	v10 =	vld [tilespmem:s28+$0x1D0];
	v21 =	vperm.xlane v11, v0  }
0x282: {  	v22 =	vld [tilespmem:s31+$0x1E0];
	v23 =	vperm.xlane v7, v0  }
0x283: {  	v24 =	vld [tilespmem:s28+$0x1E0];
	v11 =	vadd.f32 v11, v21  }
0x284: {  	v21 =	vld [tilespmem:s31+$0x1F0];
	v23 =	vadd.f32 v7, v23  }
0x285: {  	s2 =	sadd.s32 $0x8, s2;
	v25 =	vld [tilespmem:s28+$0x1F0];
	[tilespmem:s30+$0x20] =	vst v11  }
0x286: {  	p0 =	slt.u32 s2, $0x98;
	v7 =	vld [tilespmem:s28+$0xFFFFFE00];
	[tilespmem:s30+$0xFFFFFFC0] =	vst v23  }
0x287: {  	v19 =	vmul.f32 v20, v19;
	v16 =	vmul.f32 v18, v16;
	v11 =	vld [tilespmem:s31+$0xFFFFFE10]  }
0x288: {  	v15 =	vmul.f32 v17, v15;
	v8 =	vmul.f32 v8, v14;
	v18 =	vld [tilespmem:s28+$0xFFFFFE10]  }
0x289: {  	v9 =	vmul.f32 v9, v13;
	v10 =	vmul.f32 v10, v12;
	v14 =	vld [tilespmem:s31+$0xFFFFFE20]  }
0x28a: {  	v13 =	vmul.f32 v24, v22;
	v12 =	vld [tilespmem:s28+$0xFFFFFE20];
	v17 =	vmul.f32 v25, v21  }
0x28b: {  	v16 =	vadd.f32 v16, v19;
	v15 =	vadd.f32 v8, v15;
	v20 =	vld [tilespmem:s31+$0xFFFFFE30]  }
0x28c: {  	v9 =	vadd.f32 v10, v9;
	v19 =	vld [tilespmem:s28+$0xFFFFFE30];
	v10 =	vadd.f32 v17, v13  }
0x28d: {  	v8 =	vmul.f32 v18, v11;
	v11 =	vld [tilespmem:s31+$0xFFFFFE40]  }
0x28e: {  	v15 =	vadd.f32 v15, v16;
	v13 =	vld [tilespmem:s28+$0xFFFFFE40];
	v9 =	vadd.f32 v10, v9  }
0x28f: {  	v10 =	vmul.f32 v12, v14;
	v12 =	vld [tilespmem:s31+$0xFFFFFE50]  }
0x290: {  	v14 =	vld [tilespmem:s28+$0xFFFFFE50];
	v15 =	vadd.f32 v9, v15  }
0x291: {  	v9 =	vmul.f32 v19, v20;
	v16 =	vld [tilespmem:s31+$0xFFFFFE60]  }
0x292: {  	v17 =	vld [tilespmem:s28+$0xFFFFFE60];
	v18 =	vperm.xlane v15, v0  }
0x293: {  	v11 =	vmul.f32 v13, v11;
	v13 =	vld [tilespmem:s31+$0xFFFFFE70];
	v9 =	vadd.f32 v9, v10  }
0x294: {  	v10 =	vld [tilespmem:s28+$0xFFFFFE70];
	v15 =	vadd.f32 v15, v18  }
0x295: {  	s30 =	sadd.s32 $0x80, s30;
	v12 =	vmul.f32 v14, v12;
	v14 =	vld [tilespmem:s31+$0xFFFFFE80]  }
0x296: {  	s29 =	simm.s32 $0x14080;
	v18 =	vld [tilespmem:s28+$0xFFFFFE80];
	[tilespmem:s30+$0x30] =	vst v15  }
0x297: {  	v15 =	vmul.f32 v17, v16;
	v11 =	vadd.f32 v12, v11;
	v12 =	vld [tilespmem:s31+$0xFFFFFE90]  }
0x298: {  	v16 =	vld [tilespmem:s28+$0xFFFFFE90]  }
0x299: {  	v10 =	vmul.f32 v10, v13;
	v13 =	vld [tilespmem:s31+$0xFFFFFEA0]  }
0x29a: {  	v17 =	vld [tilespmem:s28+$0xFFFFFEA0]  }
0x29b: {  	v10 =	vadd.f32 v10, v15;
	v14 =	vmul.f32 v18, v14;
	v15 =	vld [tilespmem:s31+$0xFFFFFEB0]  }
0x29c: {  	v18 =	vld [tilespmem:s28+$0xFFFFFEB0]  }
0x29d: {  	v10 =	vadd.f32 v10, v11;
	v11 =	vmul.f32 v16, v12;
	v12 =	vld [tilespmem:s31+$0xFFFFFEC0]  }
0x29e: {  	v16 =	vld [tilespmem:s28+$0xFFFFFEC0]  }
0x29f: {  	v13 =	vmul.f32 v17, v13;
	v17 =	vld [tilespmem:s31+$0xFFFFFED0];
	v11 =	vadd.f32 v11, v14  }
0x2a0: {  	v14 =	vld [tilespmem:s28+$0xFFFFFED0]  }
0x2a1: {  	v15 =	vmul.f32 v18, v15;
	v18 =	vld [tilespmem:s31+$0xFFFFFEE0]  }
0x2a2: {  	v19 =	vld [tilespmem:s28+$0xFFFFFEE0]  }
0x2a3: {  	v12 =	vmul.f32 v16, v12;
	v16 =	vld [tilespmem:s31+$0xFFFFFEF0];
	v13 =	vadd.f32 v15, v13  }
0x2a4: {  	v15 =	vld [tilespmem:s28+$0xFFFFFEF0]  }
0x2a5: {  	v14 =	vmul.f32 v14, v17;
	v11 =	vadd.f32 v13, v11;
	v13 =	vld [tilespmem:s31+$0xFFFFFF00]  }
0x2a6: {  	v17 =	vld [tilespmem:s28+$0xFFFFFF00]  }
0x2a7: {  	v18 =	vmul.f32 v19, v18;
	v12 =	vadd.f32 v14, v12;
	v14 =	vld [tilespmem:s31+$0xFFFFFF10]  }
0x2a8: {  	v19 =	vld [tilespmem:s28+$0xFFFFFF10]  }
0x2a9: {  	v15 =	vmul.f32 v15, v16;
	v16 =	vld [tilespmem:s31+$0xFFFFFF20]  }
0x2aa: {  	v20 =	vld [tilespmem:s28+$0xFFFFFF20]  }
0x2ab: {  	v15 =	vadd.f32 v15, v18;
	v13 =	vmul.f32 v17, v13;
	v17 =	vld [tilespmem:s31+$0xFFFFFF30]  }
0x2ac: {  	v18 =	vld [tilespmem:s28+$0xFFFFFF30]  }
0x2ad: {  	v12 =	vadd.f32 v15, v12;
	v14 =	vmul.f32 v19, v14;
	v15 =	vld [tilespmem:s31+$0xFFFFFF40]  }
0x2ae: {  	v19 =	vld [tilespmem:s28+$0xFFFFFF40]  }
0x2af: {  	v11 =	vadd.f32 v12, v11;
	v12 =	vmul.f32 v20, v16;
	v16 =	vld [tilespmem:s31+$0xFFFFFF50];
	v13 =	vadd.f32 v14, v13  }
0x2b0: {  	v14 =	vld [tilespmem:s28+$0xFFFFFF50]  }
0x2b1: {  	v20 =	vperm.xlane v11, v0;
	v17 =	vmul.f32 v18, v17;
	v18 =	vld [tilespmem:s31+$0xFFFFFF60]  }
0x2b2: {  	v21 =	vld [tilespmem:s28+$0xFFFFFF60]  }
0x2b3: {  	v11 =	vadd.f32 v11, v20;
	v15 =	vmul.f32 v19, v15;
	v19 =	vld [tilespmem:s31+$0xFFFFFF70];
	v12 =	vadd.f32 v17, v12  }
0x2b4: {  	v17 =	vld [tilespmem:s28+$0xFFFFFF70]  }
0x2b5: {  	[tilespmem:s30+$0xFFFFFFD0] =	vst v11;
	v11 =	vmul.f32 v14, v16;
	v12 =	vadd.f32 v12, v13;
	v13 =	vld [tilespmem:s31+$0xFFFFFF80]  }
0x2b6: {  	v14 =	vld [tilespmem:s28+$0xFFFFFF80]  }
0x2b7: {  	v16 =	vmul.f32 v21, v18;
	v11 =	vadd.f32 v11, v15;
	v15 =	vld [tilespmem:s31+$0xFFFFFF90]  }
0x2b8: {  	v18 =	vld [tilespmem:s28+$0xFFFFFF90]  }
0x2b9: {  	v17 =	vmul.f32 v17, v19;
	v19 =	vld [tilespmem:s31+$0xFFFFFFA0]  }
0x2ba: {  	v20 =	vld [tilespmem:s28+$0xFFFFFFA0]  }
0x2bb: {  	v16 =	vadd.f32 v17, v16;
	v13 =	vmul.f32 v14, v13;
	v14 =	vld [tilespmem:s31+$0xFFFFFFB0]  }
0x2bc: {  	v17 =	vld [tilespmem:s28+$0xFFFFFFB0]  }
0x2bd: {  	v11 =	vadd.f32 v16, v11;
	v15 =	vmul.f32 v18, v15;
	v16 =	vld [tilespmem:s31+$0xFFFFFFC0]  }
0x2be: {  	v18 =	vld [tilespmem:s28+$0xFFFFFFC0]  }
0x2bf: {  	v11 =	vadd.f32 v11, v12;
	v12 =	vmul.f32 v20, v19;
	v19 =	vld [tilespmem:s31+$0xFFFFFFD0];
	v13 =	vadd.f32 v15, v13  }
0x2c0: {  	v15 =	vld [tilespmem:s28+$0xFFFFFFD0]  }
0x2c1: {  	v20 =	vperm.xlane v11, v0;
	v14 =	vmul.f32 v17, v14;
	v17 =	vld [tilespmem:s31+$0xFFFFFFE0]  }
0x2c2: {  	v21 =	vld [tilespmem:s28+$0xFFFFFFE0]  }
0x2c3: {  	v11 =	vadd.f32 v11, v20;
	v16 =	vmul.f32 v18, v16;
	v18 =	vld [tilespmem:s31+$0xFFFFFFF0];
	v12 =	vadd.f32 v14, v12  }
0x2c4: {  	v14 =	vld [tilespmem:s28+$0xFFFFFFF0]  }
0x2c5: {  	[tilespmem:s30+$0xFFFFFFE0] =	vst v11;
	v11 =	vmul.f32 v15, v19;
	v12 =	vadd.f32 v12, v13;
	v13 =	vld [tilespmem:s31+$0x0]  }
0x2c6: {  	v15 =	vld [tilespmem:s28+$0x0]  }
0x2c7: {  	v17 =	vmul.f32 v21, v17;
	v11 =	vadd.f32 v11, v16;
	v16 =	vld [tilespmem:s31+$0x10]  }
0x2c8: {  	v19 =	vld [tilespmem:s28+$0x10]  }
0x2c9: {  	v14 =	vmul.f32 v14, v18;
	v18 =	vld [tilespmem:s31+$0x20]  }
0x2ca: {  	v20 =	vld [tilespmem:s28+$0x20]  }
0x2cb: {  	v14 =	vadd.f32 v14, v17;
	v13 =	vmul.f32 v15, v13;
	v15 =	vld [tilespmem:s31+$0x30]  }
0x2cc: {  	v17 =	vld [tilespmem:s28+$0x30]  }
0x2cd: {  	v11 =	vadd.f32 v14, v11;
	v14 =	vmul.f32 v19, v16;
	v16 =	vld [tilespmem:s31+$0x40]  }
0x2ce: {  	v19 =	vld [tilespmem:s28+$0x40]  }
0x2cf: {  	v11 =	vadd.f32 v11, v12;
	v12 =	vmul.f32 v20, v18;
	v18 =	vld [tilespmem:s31+$0x50];
	v13 =	vadd.f32 v14, v13  }
0x2d0: {  	v14 =	vld [tilespmem:s28+$0x50]  }
0x2d1: {  	v20 =	vperm.xlane v11, v0;
	v15 =	vmul.f32 v17, v15;
	v17 =	vld [tilespmem:s31+$0x60]  }
0x2d2: {  	v21 =	vld [tilespmem:s28+$0x60]  }
0x2d3: {  	v11 =	vadd.f32 v11, v20;
	v16 =	vmul.f32 v19, v16;
	v19 =	vld [tilespmem:s31+$0x70];
	v12 =	vadd.f32 v15, v12  }
0x2d4: {  	v15 =	vld [tilespmem:s28+$0x70]  }
0x2d5: {  	[tilespmem:s30+$0xFFFFFFF0] =	vst v11;
	v11 =	vmul.f32 v14, v18;
	v12 =	vadd.f32 v12, v13;
	v13 =	vld [tilespmem:s31+$0x80]  }
0x2d6: {  	v14 =	vld [tilespmem:s28+$0x80]  }
0x2d7: {  	v17 =	vmul.f32 v21, v17;
	v11 =	vadd.f32 v11, v16;
	v16 =	vld [tilespmem:s31+$0x90]  }
0x2d8: {  	v18 =	vld [tilespmem:s28+$0x90]  }
0x2d9: {  	v15 =	vmul.f32 v15, v19;
	v19 =	vld [tilespmem:s31+$0xA0]  }
0x2da: {  	v20 =	vld [tilespmem:s28+$0xA0]  }
0x2db: {  	v15 =	vadd.f32 v15, v17;
	v13 =	vmul.f32 v14, v13;
	v14 =	vld [tilespmem:s31+$0xB0]  }
0x2dc: {  	v17 =	vld [tilespmem:s28+$0xB0]  }
0x2dd: {  	v11 =	vadd.f32 v15, v11;
	v15 =	vmul.f32 v18, v16;
	v16 =	vld [tilespmem:s31+$0xC0]  }
0x2de: {  	v18 =	vld [tilespmem:s28+$0xC0]  }
0x2df: {  	v11 =	vadd.f32 v11, v12;
	v12 =	vmul.f32 v20, v19;
	v19 =	vld [tilespmem:s31+$0xD0];
	v13 =	vadd.f32 v15, v13  }
0x2e0: {  	v15 =	vld [tilespmem:s28+$0xD0]  }
0x2e1: {  	v20 =	vperm.xlane v11, v0;
	v14 =	vmul.f32 v17, v14;
	v17 =	vld [tilespmem:s31+$0xE0]  }
0x2e2: {  	v21 =	vld [tilespmem:s28+$0xE0]  }
0x2e3: {  	v11 =	vadd.f32 v11, v20;
	v16 =	vmul.f32 v18, v16;
	v18 =	vld [tilespmem:s31+$0xF0];
	v12 =	vadd.f32 v14, v12  }
0x2e4: {  	v14 =	vld [tilespmem:s28+$0xF0]  }
0x2e5: {  	[tilespmem:s30+$0x0] =	vst v11;
	v11 =	vmul.f32 v15, v19;
	v12 =	vadd.f32 v12, v13;
	v13 =	vld [tilespmem:s31+$0x100]  }
0x2e6: {  	v15 =	vld [tilespmem:s28+$0x100]  }
0x2e7: {  	v17 =	vmul.f32 v21, v17;
	v11 =	vadd.f32 v11, v16;
	v16 =	vld [tilespmem:s31+$0x110]  }
0x2e8: {  	v19 =	vld [tilespmem:s28+$0x110]  }
0x2e9: {  	v14 =	vmul.f32 v14, v18;
	v18 =	vld [tilespmem:s31+$0x120]  }
0x2ea: {  	v20 =	vld [tilespmem:s28+$0x120]  }
0x2eb: {  	v14 =	vadd.f32 v14, v17;
	v13 =	vmul.f32 v15, v13;
	v15 =	vld [tilespmem:s31+$0x130]  }
0x2ec: {  	v17 =	vld [tilespmem:s28+$0x130]  }
0x2ed: {  	v11 =	vadd.f32 v14, v11;
	v14 =	vmul.f32 v19, v16;
	v16 =	vld [tilespmem:s31+$0x140]  }
0x2ee: {  	v19 =	vld [tilespmem:s28+$0x140]  }
0x2ef: {  	v11 =	vadd.f32 v11, v12;
	v18 =	vmul.f32 v20, v18;
	v20 =	vld [tilespmem:s31+$0x150];
	v21 =	vadd.f32 v14, v13  }
0x2f0: {  	v22 =	vld [tilespmem:s28+$0x150]  }
.Ltmp2:
0x2f1: {  	v14 =	vperm.xlane v11, v0;
	v15 =	vmul.f32 v17, v15;
	v12 =	vld [tilespmem:s31+$0x160];
	(pc) =	sbr.rel @p0 .LBB2_7-.Ltmp2, $4  }
0x2f2: {  	v13 =	vld [tilespmem:s28+$0x160]  }
0x2f3: {  	v11 =	vadd.f32 v11, v14;
	v16 =	vmul.f32 v19, v16;
	v14 =	vld [tilespmem:s31+$0x170];
	v19 =	vadd.f32 v15, v18  }
0x2f4: {  	v15 =	vld [tilespmem:s28+$0x170]  }
0x2f5: {  	v17 =	vld [tilespmem:s31+$0xFFFFFE00];
	[tilespmem:s30+$0x10] =	vst v11;
	v18 =	vmul.f32 v22, v20;
	v11 =	vadd.f32 v19, v21;
	s31 =	sadd.s32 $0x400, s31  }
0x2f6: {  	_ =	sdelay $0x2  }
0x2f7: {  	v12 =	vmul.f32 v13, v12;
	v44 =	vmul.f32 v15, v14  }
0x2f8: {  	v7 =	vmul.f32 v7, v17  }
0x2f9: {  	v45 =	vadd.f32 v18, v16;
	v12 =	vadd.f32 v44, v12  }
0x2fa: {  	v7 =	vadd.f32 v8, v7  }
0x2fb: {  	v8 =	vadd.f32 v12, v45  }
0x2fc: {  	v7 =	vadd.f32 v9, v7  }
0x2fd: {  	v8 =	vadd.f32 v8, v11  }
0x2fe: {  	v7 =	vadd.f32 v10, v7  }
0x2ff: {  	v9 =	vperm.xlane v8, v0  }
0x300: {  	v10 =	vperm.xlane v7, v0  }
0x301: {  	v8 =	vadd.f32 v8, v9  }
0x302: {  	v7 =	vadd.f32 v7, v10  }
0x303: {  	[tilespmem:s30+$0x20] =	vst v8  }
0x304: {  	[tilespmem:s30+$0xFFFFFFC0] =	vst v7  }
0x305: {  	v7 =	vld [tilespmem:s29+$0x20]  }
0x306: {  	v8 =	vld [tilespmem:s29+$0xFFFFFFA0]  }
0x307: {  	v9 =	vld [tilespmem:s29+$0x30]  }
0x308: {  	v10 =	vld [tilespmem:s29+$0x10]  }
0x309: {  	v11 =	vld [tilespmem:s29+$0xFFFFFF90]  }
0x30a: {  	v46 =	vld [tilespmem:s29+$0xFFFFFFB0]  }
0x30b: {  	v47 =	vld [tilespmem:s29+$0x50]  }
0x30c: {  	v48 =	vld [tilespmem:s29+$0xFFFFFFD0]  }
0x30d: {  	v49 =	vld [tilespmem:s29+$0x70]  }
0x30e: {  	v50 =	vld [tilespmem:s29+$0xFFFFFFF0]  }
0x30f: {  	v51 =	vld [tilespmem:s29+$0x60]  }
0x310: {  	v52 =	vld [tilespmem:s29+$0xFFFFFFE0]  }
0x311: {  	v53 =	vld [tilespmem:s29+$0xFFFFFF80]  }
0x312: {  	v55 =	vld [tilespmem:s29+$0x0];
	_ =	sdelay $0x1  }
0x313: {  	v19 =	vld [tilespmem:s29+$0x40];
	v7 =	vsel vm2, v8, v7  }
0x314: {  	v8 =	vld [tilespmem:s29+$0xFFFFFFC0];
	v10 =	vsel vm2, v11, v10;
	v9 =	vsel vm2, v46, v9;
	v11 =	vsel vm2, v48, v47  }
0x315: {  	v15 =	vsel vm2, v50, v49;
	v17 =	vsel vm2, v52, v51;
	v14 =	vperm.xlane v11, v2  }
0x316: {  	v12 =	vsel vm2, v53, v55;
	v54 =	vperm.xlane v10, v2;
	v56 =	vperm.xlane v15, v2  }
0x317: {  	v20 =	vperm.xlane v9, v2;
	v57 =	vperm.xlane v17, v2;
	v11 =	vadd.f32 v14, v11  }
0x318: {  	v59 =	vperm.xlane v7, v2;
	v10 =	vadd.f32 v54, v10;
	v58 =	vadd.f32 v56, v15  }
0x319: {  	v13 =	vadd.f32 v57, v17;
	v11 =	vperm.xlane v11, v3;
	v8 =	vsel vm2, v8, v19  }
0x31a: {  	v9 =	vadd.f32 v20, v9;
	v14 =	vperm.xlane v58, v3;
	v60 =	vperm.xlane v8, v2  }
0x31b: {  	v7 =	vadd.f32 v59, v7;
	v13 =	vperm.xlane v13, v3;
	v10 =	vsel vm0, v10, v11  }
0x31c: {  	v11 =	vperm.xlane v12, v2;
	v9 =	vsel vm0, v9, v14;
	v8 =	vadd.f32 v60, v8  }
0x31d: {  	v7 =	vsel vm0, v7, v13;
	v62 =	vperm.xlane v9, v4  }
0x31e: {  	v61 =	vperm.xlane v10, v4;
	v11 =	vadd.f32 v11, v12;
	v8 =	vperm.xlane v8, v3  }
0x31f: {  	v63 =	vperm.xlane v7, v4;
	v9 =	vadd.f32 v62, v9  }
0x320: {  	v10 =	vadd.f32 v61, v10;
	v8 =	vsel vm0, v11, v8  }
0x321: {  	v7 =	vadd.f32 v63, v7;
	v9 =	vperm.xlane v9, v5;
	v11 =	vperm.xlane v8, v4;
	_ =	sdelay $0x1  }
0x322: {  	v7 =	vperm.xlane v7, v5;
	v9 =	vsel vm1, v10, v9;
	v8 =	vadd.f32 v11, v8  }
0x323: {  	v10 =	vperm.xlane v9, v6  }
0x324: {  	v8 =	vsel vm1, v8, v7  }
0x325: {  	v7 =	vadd.f32 v10, v9;
	v9 =	vperm.xlane v8, v6;
	_ =	sdelay $0x1  }
0x326: {  	s2 =	simm.s32 $0x40;
	s28 =	sadd.s32 $0x0, s15;
	v7 =	vperm.xlane v7, v1;
	v8 =	vadd.f32 v9, v8  }
.LBB2_9:
0x327: {  	p0 =	sne.s32 s2, $0x240  }
0x328: {  	v7 =	vsel vm3, v8, v7;
	s29 =	sadd.s32 $0x100, s29;
	s8 =	smov.u32 s2;
	s2 =	sadd.s32 $0x40, s2  }
0x329: {  	[tilespmem:s28+$0x0] =	vst v7  }
0x32a: {  	v7 =	vld [tilespmem:s29+$0x20]  }
0x32b: {  	v8 =	vld [tilespmem:s29+$0xFFFFFFA0]  }
0x32c: {  	v9 =	vld [tilespmem:s29+$0x30]  }
0x32d: {  	v10 =	vld [tilespmem:s29+$0x10]  }
0x32e: {  	v11 =	vld [tilespmem:s29+$0xFFFFFF90]  }
0x32f: {  	v12 =	vld [tilespmem:s29+$0xFFFFFFB0]  }
0x330: {  	v13 =	vld [tilespmem:s29+$0x50];
	v7 =	vsel vm2, v8, v7  }
0x331: {  	v8 =	vld [tilespmem:s29+$0xFFFFFFD0];
	v14 =	vperm.xlane v7, v2  }
0x332: {  	v15 =	vld [tilespmem:s29+$0x70]  }
0x333: {  	v16 =	vld [tilespmem:s29+$0xFFFFFFF0];
	v10 =	vsel vm2, v11, v10;
	v7 =	vadd.f32 v14, v7  }
0x334: {  	v11 =	vld [tilespmem:s29+$0x60];
	v9 =	vsel vm2, v12, v9;
	v12 =	vperm.xlane v10, v2  }
0x335: {  	v14 =	vld [tilespmem:s29+$0xFFFFFFE0];
	v17 =	vperm.xlane v9, v2  }
0x336: {  	v18 =	vld [tilespmem:s29+$0x40];
	v8 =	vsel vm2, v8, v13;
	v10 =	vadd.f32 v12, v10  }
0x337: {  	v12 =	vld [tilespmem:s29+$0xFFFFFFC0];
	v13 =	vperm.xlane v8, v2;
	v9 =	vadd.f32 v17, v9  }
0x338: {  	v17 =	vld [tilespmem:s29+$0xFFFFFF80];
	v15 =	vsel vm2, v16, v15  }
0x339: {  	v16 =	vld [tilespmem:s29+$0x0];
	v8 =	vadd.f32 v13, v8;
	v13 =	vperm.xlane v15, v2  }
0x33a: {  	v11 =	vsel vm2, v14, v11  }
0x33b: {  	v14 =	vperm.xlane v11, v2;
	v13 =	vadd.f32 v13, v15;
	v8 =	vperm.xlane v8, v3  }
0x33c: {  	v12 =	vsel vm2, v12, v18  }
0x33d: {  	v11 =	vadd.f32 v14, v11;
	v8 =	vsel vm0, v10, v8;
	v10 =	vperm.xlane v13, v3  }
0x33e: {  	v14 =	vperm.xlane v12, v2;
	v13 =	vsel vm2, v17, v16;
	v15 =	vperm.xlane v8, v4  }
0x33f: {  	v16 =	vperm.xlane v13, v2;
	v11 =	vperm.xlane v11, v3;
	v9 =	vsel vm0, v9, v10  }
0x340: {  	v10 =	vadd.f32 v14, v12;
	v8 =	vadd.f32 v15, v8;
	v12 =	vperm.xlane v9, v4  }
0x341: {  	v13 =	vadd.f32 v16, v13;
	v7 =	vsel vm0, v7, v11  }
0x342: {  	v10 =	vperm.xlane v10, v3;
	v11 =	vperm.xlane v7, v4;
	v9 =	vadd.f32 v12, v9;
	_ =	sdelay $0x1  }
0x343: {  	v10 =	vsel vm0, v13, v10;
	v7 =	vadd.f32 v11, v7;
	v9 =	vperm.xlane v9, v5  }
0x344: {  	v11 =	vperm.xlane v10, v4  }
0x345: {  	v7 =	vperm.xlane v7, v5;
	v8 =	vsel vm1, v8, v9  }
0x346: {  	v9 =	vadd.f32 v11, v10;
	v10 =	vperm.xlane v8, v6;
	_ =	sdelay $0x1  }
.Ltmp3:
0x347: {  	v9 =	vsel vm1, v9, v7;
	v7 =	vadd.f32 v10, v8;
	(pc) =	sbr.rel @p0 .LBB2_9-.Ltmp3, $4  }
0x348: {  	v8 =	vperm.xlane v9, v6  }
0x349: {  	v7 =	vperm.xlane v7, v1  }
0x34a: {  	s8 =	sshra.s32 s8, $0x2;
	v8 =	vadd.f32 v8, v9  }
0x34b: {  	s28 =	sadd.s32 s8, s15  }
0x34c: {  	s26 =	sadd.s32 $0x1, s26  }
0x34d: {  	p0 =	sne.s32 s26, $0x1E  }
.Ltmp4:
0x34e: {  	_ = 	snop;
	(pc) =	sbr.rel @p0 .LBB2_2-.Ltmp4, $3  }
0x34f: {  	_ =	sdelay $0x1  }
0x350: {  	v7 =	vsel vm3, v8, v7  }
0x351: {  	s25 =	sadd.s32 $0x140, s25;
	s15 =	sadd.s32 $0x140, s15;
	[tilespmem:s28+$0x0] =	vst v7  }
0x352: {  	s2 =	simm.s32 $0x197A0  }
0x353: {  	[tilespmem:s17], [sflag:$0x3] =	stream.indirect.gather [hbm4b:s1+s11], $0x80, s2, s11, $0xb8;
	[tilespmem:$0x1C080] =	vst v63  }
0x354: {  	s26 =	simm.s32 $0x1BF20  }
0x355: {  	[tilespmem:s18], [sflag:$0x4] =	stream.indirect.gather [hbm4b:s1+s11], $0x80, s26, s11, $0xb8;
	[tilespmem:$0x1C080] =	vst v63  }
0x356: {  	s29 =	simm.s32 $0x197F0  }
0x357: {  	[tilespmem:s19], [sflag:$0x3] =	stream.indirect.gather [hbm4b:s1+s11], $0x80, s29, s11, $0xb8;
	[tilespmem:$0x1C080] =	vst v63  }
0x358: {  	s30 =	simm.s32 $0x1BF70  }
0x359: {  	[tilespmem:s20], [sflag:$0x4] =	stream.indirect.gather [hbm4b:s1+s11], $0x80, s30, s11, $0xb8;
	[tilespmem:$0x1C080] =	vst v63  }
0x35a: {  	_ =	swait.ge [sflag:s21], $0x5000  }
0x35b: {  	[sflag:s21] =	ssyncset.done $0x0  }
0x35c: {  	[sflag:s21] =	ssyncadd.s32 $0xFFFFB000  }
0x35d: {  	_ =	swait.ge [sflag:s22], $0x5000  }
0x35e: {  	[sflag:s22] =	ssyncset.done $0x0  }
0x35f: {  	s31 =	simm.s32 $0x200;
	[sflag:s22] =	ssyncadd.s32 $0xFFFFB000  }
0x360: {  	s15 =	simm.s32 $0x5200;
	v14 =	vld [tilespmem:s31+$0x180]  }
0x361: {  	v15 =	vld [tilespmem:s15+$0x180]  }
0x362: {  	v16 =	vld [tilespmem:s31+$0x190]  }
0x363: {  	v17 =	vld [tilespmem:s15+$0x190]  }
0x364: {  	v18 =	vld [tilespmem:s31+$0x1A0]  }
0x365: {  	v19 =	vld [tilespmem:s15+$0x1A0]  }
0x366: {  	v20 =	vld [tilespmem:s31+$0x1B0]  }
0x367: {  	v21 =	vld [tilespmem:s15+$0x1B0]  }
0x368: {  	v22 =	vld [tilespmem:s31+$0x1C0]  }
0x369: {  	v23 =	vld [tilespmem:s15+$0x1C0]  }
0x36a: {  	v24 =	vld [tilespmem:s31+$0x1D0]  }
0x36b: {  	v25 =	vld [tilespmem:s15+$0x1D0]  }
0x36c: {  	v8 =	vld [tilespmem:s31+$0xFFFFFE10]  }
0x36d: {  	v26 =	vld [tilespmem:s31+$0x1E0]  }
0x36e: {  	v27 =	vld [tilespmem:s15+$0x1E0]  }
0x36f: {  	v28 =	vld [tilespmem:s31+$0x1F0]  }
0x370: {  	v29 =	vld [tilespmem:s15+$0x1F0]  }
0x371: {  	v7 =	vld [tilespmem:s15+$0xFFFFFE00];
	[tilespmem:$0x1FCA0] =	vst v8  }
0x372: {  	v8 =	vld [tilespmem:s15+$0xFFFFFE10];
	_ =	sdelay $0x4  }
0x373: {  	[tilespmem:$0x1FCB0] =	vst v8  }
0x374: {  	v8 =	vld [tilespmem:s31+$0xFFFFFE20];
	_ =	sdelay $0x4  }
0x375: {  	[tilespmem:$0x1FC60] =	vst v8  }
0x376: {  	v8 =	vld [tilespmem:s15+$0xFFFFFE20];
	_ =	sdelay $0x4  }
0x377: {  	[tilespmem:$0x1FC70] =	vst v8  }
0x378: {  	v8 =	vld [tilespmem:s31+$0xFFFFFE30];
	_ =	sdelay $0x4  }
0x379: {  	[tilespmem:$0x1FC80] =	vst v8  }
0x37a: {  	v8 =	vld [tilespmem:s15+$0xFFFFFE30];
	_ =	sdelay $0x4  }
0x37b: {  	[tilespmem:$0x1FC90] =	vst v8  }
0x37c: {  	v8 =	vld [tilespmem:s31+$0xFFFFFE40];
	_ =	sdelay $0x4  }
0x37d: {  	[tilespmem:$0x1FB20] =	vst v8  }
0x37e: {  	v8 =	vld [tilespmem:s15+$0xFFFFFE40];
	_ =	sdelay $0x4  }
0x37f: {  	[tilespmem:$0x1FB30] =	vst v8  }
0x380: {  	v8 =	vld [tilespmem:s31+$0xFFFFFE50];
	_ =	sdelay $0x4  }
0x381: {  	[tilespmem:$0x1FB40] =	vst v8  }
0x382: {  	v8 =	vld [tilespmem:s15+$0xFFFFFE50];
	_ =	sdelay $0x4  }
0x383: {  	[tilespmem:$0x1FB50] =	vst v8  }
0x384: {  	v8 =	vld [tilespmem:s31+$0xFFFFFE60];
	_ =	sdelay $0x4  }
0x385: {  	[tilespmem:$0x1FB60] =	vst v8  }
0x386: {  	v8 =	vld [tilespmem:s15+$0xFFFFFE60];
	_ =	sdelay $0x4  }
0x387: {  	[tilespmem:$0x1FB70] =	vst v8  }
0x388: {  	v8 =	vld [tilespmem:s31+$0xFFFFFE70];
	_ =	sdelay $0x4  }
0x389: {  	[tilespmem:$0x1FB80] =	vst v8  }
0x38a: {  	v8 =	vld [tilespmem:s15+$0xFFFFFE70];
	_ =	sdelay $0x4  }
0x38b: {  	[tilespmem:$0x1FB90] =	vst v8  }
0x38c: {  	v38 =	vld [tilespmem:s31+$0xFFFFFE80]  }
0x38d: {  	v39 =	vld [tilespmem:s15+$0xFFFFFE80]  }
0x38e: {  	v40 =	vld [tilespmem:s31+$0xFFFFFE90]  }
0x38f: {  	v41 =	vld [tilespmem:s15+$0xFFFFFE90]  }
0x390: {  	v42 =	vld [tilespmem:s31+$0xFFFFFEA0]  }
0x391: {  	v43 =	vld [tilespmem:s15+$0xFFFFFEA0]  }
0x392: {  	v44 =	vld [tilespmem:s31+$0xFFFFFEB0]  }
0x393: {  	v45 =	vld [tilespmem:s15+$0xFFFFFEB0]  }
0x394: {  	v46 =	vld [tilespmem:s31+$0xFFFFFEC0]  }
0x395: {  	v47 =	vld [tilespmem:s15+$0xFFFFFEC0]  }
0x396: {  	v48 =	vld [tilespmem:s31+$0xFFFFFED0]  }
0x397: {  	v49 =	vld [tilespmem:s15+$0xFFFFFED0]  }
0x398: {  	v50 =	vld [tilespmem:s31+$0xFFFFFEE0]  }
0x399: {  	v51 =	vld [tilespmem:s15+$0xFFFFFEE0]  }
0x39a: {  	v52 =	vld [tilespmem:s31+$0xFFFFFEF0]  }
0x39b: {  	v53 =	vld [tilespmem:s15+$0xFFFFFEF0]  }
0x39c: {  	v54 =	vld [tilespmem:s31+$0xFFFFFF00]  }
0x39d: {  	v55 =	vld [tilespmem:s15+$0xFFFFFF00]  }
0x39e: {  	v56 =	vld [tilespmem:s31+$0xFFFFFF10]  }
0x39f: {  	v8 =	vld [tilespmem:s31+$0xFFFFFF40]  }
0x3a0: {  	v57 =	vld [tilespmem:s15+$0xFFFFFF10]  }
0x3a1: {  	v58 =	vld [tilespmem:s31+$0xFFFFFF20]  }
0x3a2: {  	v59 =	vld [tilespmem:s15+$0xFFFFFF20]  }
0x3a3: {  	v60 =	vld [tilespmem:s31+$0xFFFFFF30]  }
0x3a4: {  	v61 =	vld [tilespmem:s15+$0xFFFFFF30];
	[tilespmem:$0x1FBA0] =	vst v8  }
0x3a5: {  	v9 =	vld [tilespmem:s31+$0xFFFFFF60];
	_ =	sdelay $0x2  }
0x3a6: {  	v63 =	vld [tilespmem:s15+$0xFFFFFF40]  }
0x3a7: {  	v37 =	vld [tilespmem:s31+$0xFFFFFF50]  }
0x3a8: {  	v8 =	vld [tilespmem:s15+$0xFFFFFF50];
	[tilespmem:$0x1FBB0] =	vst v9  }
0x3a9: {  	v10 =	vld [tilespmem:s31+$0xFFFFFF80];
	_ =	sdelay $0x2  }
0x3aa: {  	v31 =	vld [tilespmem:s15+$0xFFFFFF60]  }
0x3ab: {  	v34 =	vld [tilespmem:s31+$0xFFFFFF70]  }
0x3ac: {  	v9 =	vld [tilespmem:s15+$0xFFFFFF70];
	[tilespmem:$0x1FBC0] =	vst v10  }
0x3ad: {  	v10 =	vld [tilespmem:s15+$0xFFFFFF80];
	_ =	sdelay $0x4  }
0x3ae: {  	[tilespmem:$0x1FBD0] =	vst v10  }
0x3af: {  	v10 =	vld [tilespmem:s31+$0xFFFFFF90];
	_ =	sdelay $0x4  }
0x3b0: {  	[tilespmem:$0x1FBE0] =	vst v10  }
0x3b1: {  	v11 =	vld [tilespmem:s31+$0xFFFFFFA0];
	_ =	sdelay $0x4  }
0x3b2: {  	v10 =	vld [tilespmem:s15+$0xFFFFFF90];
	[tilespmem:$0x1FBF0] =	vst v11  }
0x3b3: {  	v12 =	vld [tilespmem:s31+$0xFFFFFFC0];
	_ =	sdelay $0x2  }
0x3b4: {  	v32 =	vld [tilespmem:s15+$0xFFFFFFA0]  }
0x3b5: {  	v33 =	vld [tilespmem:s31+$0xFFFFFFB0]  }
0x3b6: {  	v11 =	vld [tilespmem:s15+$0xFFFFFFB0];
	[tilespmem:$0x1FC00] =	vst v12  }
0x3b7: {  	v13 =	vld [tilespmem:s31+$0xFFFFFFE0];
	_ =	sdelay $0x2  }
0x3b8: {  	v35 =	vld [tilespmem:s15+$0xFFFFFFC0]  }
0x3b9: {  	v36 =	vld [tilespmem:s31+$0xFFFFFFD0]  }
0x3ba: {  	v12 =	vld [tilespmem:s15+$0xFFFFFFD0];
	[tilespmem:$0x1FC10] =	vst v13  }
0x3bb: {  	v13 =	vld [tilespmem:s31+$0xFFFFFFF0];
	_ =	sdelay $0x4  }
0x3bc: {  	v62 =	vld [tilespmem:s15+$0xFFFFFFE0];
	[tilespmem:$0x1FC20] =	vst v13  }
0x3bd: {  	v30 =	vld [tilespmem:s31+$0x0];
	_ =	sdelay $0x4  }
0x3be: {  	v14 =	vmul.f32 v15, v14;
	v16 =	vmul.f32 v17, v16;
	v13 =	vld [tilespmem:s15+$0xFFFFFFF0];
	[tilespmem:$0x1FC30] =	vst v30  }
0x3bf: {  	v17 =	vmul.f32 v19, v18;
	v19 =	vmul.f32 v21, v20;
	v30 =	vld [tilespmem:s15+$0x0];
	_ =	sdelay $0x1  }
0x3c0: {  	v14 =	vadd.f32 v16, v14;
	v16 =	vadd.f32 v19, v17  }
0x3c1: {  	v20 =	vmul.f32 v23, v22;
	v22 =	vmul.f32 v25, v24  }
0x3c2: {  	v14 =	vadd.f32 v16, v14;
	v16 =	vmul.f32 v47, v46;
	v46 =	vld [tilespmem:$0x1FB30]  }
0x3c3: {  	v19 =	vadd.f32 v22, v20;
	v20 =	vmul.f32 v39, v38;
	v47 =	vld [tilespmem:$0x1FB40];
	[tilespmem:$0x1FC40] =	vst v30  }
0x3c4: {  	v22 =	vmul.f32 v41, v40;
	v25 =	vmul.f32 v43, v42;
	v30 =	vld [tilespmem:s31+$0x10]  }
0x3c5: {  	v45 =	vmul.f32 v45, v44;
	v49 =	vmul.f32 v49, v48;
	v48 =	vld [tilespmem:$0x1FB50]  }
0x3c6: {  	v51 =	vmul.f32 v51, v50;
	v50 =	vld [tilespmem:$0x1FB60];
	v59 =	vmul.f32 v59, v58  }
0x3c7: {  	v61 =	vmul.f32 v61, v60;
	v20 =	vadd.f32 v22, v20;
	v44 =	vadd.f32 v45, v25;
	v45 =	vld [tilespmem:$0x1FB20]  }
0x3c8: {  	v55 =	vmul.f32 v55, v54;
	v54 =	vld [tilespmem:$0x1FBF0]  }
0x3c9: {  	v20 =	vadd.f32 v44, v20;
	v44 =	vadd.f32 v61, v59;
	v59 =	vld [tilespmem:$0x1FC20];
	[tilespmem:$0x1FC50] =	vst v30  }
0x3ca: {  	v15 =	vld [tilespmem:s15+$0x10]  }
0x3cb: {  	v18 =	vld [tilespmem:s31+$0x20]  }
0x3cc: {  	v21 =	vld [tilespmem:s15+$0x20]  }
0x3cd: {  	v24 =	vld [tilespmem:s31+$0x30]  }
0x3ce: {  	v17 =	vld [tilespmem:s15+$0x30]  }
0x3cf: {  	v23 =	vmul.f32 v27, v26;
	v26 =	vld [tilespmem:s31+$0x40]  }
0x3d0: {  	v30 =	vmul.f32 v29, v28;
	v28 =	vld [tilespmem:s15+$0x40]  }
0x3d1: {  	v38 =	vld [tilespmem:s31+$0x50]  }
0x3d2: {  	v40 =	vld [tilespmem:s15+$0x50]  }
0x3d3: {  	v25 =	vld [tilespmem:s31+$0x60]  }
0x3d4: {  	v27 =	vld [tilespmem:s15+$0x60]  }
0x3d5: {  	v22 =	vld [tilespmem:s15+$0x70]  }
0x3d6: {  	v41 =	vld [tilespmem:s31+$0x80]  }
0x3d7: {  	v29 =	vmul.f32 v46, v45;
	v45 =	vld [tilespmem:s31+$0x90]  }
0x3d8: {  	v56 =	vmul.f32 v57, v56;
	v8 =	vmul.f32 v8, v37;
	v37 =	vld [tilespmem:s15+$0xA0]  }
0x3d9: {  	v9 =	vmul.f32 v9, v34;
	v34 =	vld [tilespmem:s31+$0xB0]  }
0x3da: {  	v39 =	vadd.f32 v56, v55;
	v55 =	vld [tilespmem:s31+$0xC0]  }
0x3db: {  	v58 =	vld [tilespmem:s15+$0xC0]  }
0x3dc: {  	v23 =	vadd.f32 v30, v23;
	v30 =	vmul.f32 v53, v52;
	v52 =	vld [tilespmem:$0x1FB80]  }
0x3dd: {  	v53 =	vld [tilespmem:$0x1FB90]  }
0x3de: {  	v19 =	vadd.f32 v23, v19;
	v23 =	vadd.f32 v30, v51;
	v51 =	vld [tilespmem:$0x1FB70]  }
0x3df: {  	v60 =	vld [tilespmem:s31+$0xD0]  }
0x3e0: {  	v16 =	vadd.f32 v49, v16;
	v61 =	vld [tilespmem:s15+$0xD0];
	v14 =	vadd.f32 v19, v14  }
0x3e1: {  	v19 =	vld [tilespmem:s31+$0x70]  }
0x3e2: {  	v16 =	vadd.f32 v23, v16;
	v23 =	vmul.f32 v48, v47;
	v47 =	vld [tilespmem:s31+$0xA0];
	v49 =	vperm.xlane v14, v0  }
0x3e3: {  	v43 =	vmul.f32 v53, v52;
	v52 =	vld [tilespmem:$0x1FBE0];
	v42 =	vmul.f32 v51, v50  }
0x3e4: {  	v14 =	vadd.f32 v14, v49;
	v49 =	vld [tilespmem:$0x1FBB0]  }
0x3e5: {  	v23 =	vadd.f32 v23, v29;
	v29 =	vadd.f32 v43, v42;
	v42 =	vld [tilespmem:$0x1FBA0]  }
0x3e6: {  	v53 =	vld [tilespmem:s15+$0xB0]  }
0x3e7: {  	v16 =	vadd.f32 v16, v20;
	v20 =	vld [tilespmem:s15+$0x80]  }
0x3e8: {  	v50 =	vld [tilespmem:$0x1FBC0]  }
0x3e9: {  	v51 =	vld [tilespmem:$0x1FBD0];
	v57 =	vperm.xlane v16, v0  }
0x3ea: {  	v43 =	vld [tilespmem:s15+$0x90];
	v31 =	vmul.f32 v31, v49;
	v48 =	vmul.f32 v63, v42  }
0x3eb: {  	v16 =	vadd.f32 v16, v57;
	v57 =	vld [tilespmem:$0x1FC00]  }
0x3ec: {  	v10 =	vmul.f32 v10, v52;
	v52 =	vld [tilespmem:s31+$0x110];
	v9 =	vadd.f32 v9, v31;
	v8 =	vadd.f32 v8, v48  }
0x3ed: {  	v11 =	vmul.f32 v11, v33;
	v49 =	vld [tilespmem:s31+$0x100]  }
0x3ee: {  	v42 =	vmul.f32 v51, v50;
	v31 =	vmul.f32 v32, v54;
	v8 =	vadd.f32 v9, v8;
	v9 =	vld [tilespmem:$0x1FC10]  }
0x3ef: {  	v63 =	vld [tilespmem:$0x1FC50]  }
0x3f0: {  	v50 =	vld [tilespmem:s15+$0x100];
	v10 =	vadd.f32 v10, v42;
	v11 =	vadd.f32 v11, v31  }
0x3f1: {  	v51 =	vmul.f32 v53, v34;
	v53 =	vmul.f32 v58, v55;
	v55 =	vld [tilespmem:s15+$0x110]  }
0x3f2: {  	v12 =	vmul.f32 v12, v36;
	v13 =	vmul.f32 v13, v59;
	v10 =	vadd.f32 v11, v10;
	v11 =	vld [tilespmem:$0x1FC30]  }
0x3f3: {  	v35 =	vmul.f32 v35, v57;
	v9 =	vmul.f32 v62, v9;
	v62 =	vld [tilespmem:$0x1FC40]  }
0x3f4: {  	v56 =	vadd.f32 v44, v39;
	v17 =	vmul.f32 v17, v24;
	v44 =	vmul.f32 v28, v26;
	v42 =	vld [tilespmem:s15+$0xE0]  }
0x3f5: {  	v54 =	vmul.f32 v61, v60;
	v48 =	vld [tilespmem:s15+$0xF0];
	v12 =	vadd.f32 v12, v35;
	v9 =	vadd.f32 v13, v9  }
0x3f6: {  	v46 =	vmul.f32 v40, v38;
	v19 =	vmul.f32 v22, v19;
	v13 =	vld [tilespmem:s31+$0xE0]  }
0x3f7: {  	v24 =	vadd.f32 v54, v53;
	v9 =	vadd.f32 v9, v12;
	v12 =	vmul.f32 v21, v18;
	v18 =	vld [tilespmem:s31+$0xF0]  }
0x3f8: {  	v58 =	vld [tilespmem:s15+$0x140];
	v15 =	vmul.f32 v15, v63;
	v8 =	vadd.f32 v8, v56;
	v11 =	vmul.f32 v62, v11  }
0x3f9: {  	v57 =	vld [tilespmem:$0x1FC70];
	v21 =	vadd.f32 v46, v44;
	v9 =	vadd.f32 v9, v10;
	v10 =	vmul.f32 v27, v25  }
0x3fa: {  	v61 =	vld [tilespmem:s31+$0x150];
	v11 =	vadd.f32 v15, v11;
	v15 =	vmul.f32 v20, v41;
	v20 =	vmul.f32 v43, v45  }
0x3fb: {  	v12 =	vadd.f32 v17, v12;
	v17 =	vmul.f32 v37, v47;
	v10 =	vadd.f32 v19, v10;
	v19 =	vld [tilespmem:s31+$0x120]  }
0x3fc: {  	v13 =	vmul.f32 v42, v13;
	v18 =	vmul.f32 v48, v18;
	v15 =	vadd.f32 v20, v15;
	v20 =	vld [tilespmem:s15+$0x120]  }
0x3fd: {  	v56 =	vld [tilespmem:$0x1FC60];
	v60 =	vperm.xlane v9, v0;
	v11 =	vadd.f32 v12, v11;
	v10 =	vadd.f32 v10, v21  }
0x3fe: {  	s26 =	simm.s32 $0x14040;
	v17 =	vadd.f32 v51, v17;
	v12 =	vld [tilespmem:s15+$0x130];
	v13 =	vadd.f32 v18, v13  }
0x3ff: {  	[tilespmem:s26+$0x30] =	vst v14;
	v9 =	vadd.f32 v9, v60;
	v18 =	vld [tilespmem:s31+$0x130];
	v10 =	vadd.f32 v10, v11;
	v11 =	vperm.xlane v8, v0  }
0x400: {  	[tilespmem:s26+$0xFFFFFFD0] =	vst v16;
	v15 =	vadd.f32 v17, v15;
	v17 =	vld [tilespmem:s31+$0x140];
	v13 =	vadd.f32 v13, v24  }
0x401: {  	v8 =	vadd.f32 v8, v11;
	v14 =	vmul.f32 v20, v19;
	v20 =	vld [tilespmem:$0x1FC90]  }
0x402: {  	v15 =	vadd.f32 v13, v15;
	v13 =	vld [tilespmem:$0x1FC80];
	[tilespmem:s26+$0xFFFFFFF0] =	vst v9  }
0x403: {  	v19 =	vld [tilespmem:s15+$0x150];
	[tilespmem:s26+$0xFFFFFFE0] =	vst v8  }
0x404: {  	v22 =	vmul.f32 v50, v49;
	v8 =	vld [tilespmem:$0x1FCA0]  }
0x405: {  	v59 =	vmul.f32 v55, v52;
	v11 =	vperm.xlane v10, v0;
	v9 =	vld [tilespmem:$0x1FCB0]  }
0x406: {  	v18 =	vmul.f32 v12, v18;
	v12 =	vld [tilespmem:s31+$0x160];
	v16 =	vperm.xlane v15, v0  }
0x407: {  	v22 =	vadd.f32 v59, v22;
	v11 =	vadd.f32 v10, v11;
	v20 =	vmul.f32 v20, v13;
	v13 =	vld [tilespmem:s15+$0x160]  }
0x408: {  	v21 =	vmul.f32 v57, v56;
	v63 =	vadd.f32 v18, v14;
	v14 =	vld [tilespmem:s31+$0x170];
	v62 =	vadd.f32 v15, v16  }
0x409: {  	v10 =	vadd.f32 v29, v23;
	[tilespmem:s26+$0x0] =	vst v11;
	v15 =	vld [tilespmem:s15+$0x170];
	v16 =	vmul.f32 v58, v17;
	v18 =	vmul.f32 v19, v61  }
0x40a: {  	s28 =	simm.s32 $0x0;
	s2 =	simm.s32 $0x600;
	v17 =	vld [tilespmem:s31+$0xFFFFFE00];
	v11 =	vadd.f32 v63, v22;
	[tilespmem:s26+$0x10] =	vst v62;
	v8 =	vmul.f32 v9, v8;
	v9 =	vadd.f32 v20, v21  }
.LBB2_12:
0x40b: {  	v19 =	vld [tilespmem:s2+$0x180];
	s15 =	sadd.s32 $0x400, s15  }
0x40c: {  	v20 =	vld [tilespmem:s15+$0x180];
	v12 =	vmul.f32 v13, v12;
	v13 =	vadd.f32 v18, v16  }
0x40d: {  	v16 =	vld [tilespmem:s2+$0x190]  }
0x40e: {  	v18 =	vld [tilespmem:s15+$0x190];
	v14 =	vmul.f32 v15, v14  }
0x40f: {  	v15 =	vld [tilespmem:s2+$0x1A0];
	v7 =	vmul.f32 v7, v17  }
0x410: {  	v17 =	vld [tilespmem:s15+$0x1A0];
	v12 =	vadd.f32 v14, v12  }
0x411: {  	v14 =	vld [tilespmem:s2+$0x1B0];
	v7 =	vadd.f32 v8, v7  }
0x412: {  	v8 =	vld [tilespmem:s15+$0x1B0];
	v12 =	vadd.f32 v12, v13  }
0x413: {  	v13 =	vld [tilespmem:s2+$0x1C0];
	v7 =	vadd.f32 v9, v7  }
0x414: {  	v9 =	vld [tilespmem:s15+$0x1C0];
	v11 =	vadd.f32 v12, v11  }
0x415: {  	v12 =	vld [tilespmem:s2+$0x1D0];
	v7 =	vadd.f32 v10, v7  }
0x416: {  	v10 =	vld [tilespmem:s15+$0x1D0];
	v21 =	vperm.xlane v11, v0  }
0x417: {  	v22 =	vld [tilespmem:s2+$0x1E0];
	v23 =	vperm.xlane v7, v0  }
0x418: {  	v24 =	vld [tilespmem:s15+$0x1E0];
	v11 =	vadd.f32 v11, v21  }
0x419: {  	v21 =	vld [tilespmem:s2+$0x1F0];
	v23 =	vadd.f32 v7, v23  }
0x41a: {  	s28 =	sadd.s32 $0x8, s28;
	v25 =	vld [tilespmem:s15+$0x1F0];
	[tilespmem:s26+$0x20] =	vst v11  }
0x41b: {  	p0 =	slt.u32 s28, $0x98;
	v7 =	vld [tilespmem:s15+$0xFFFFFE00];
	[tilespmem:s26+$0xFFFFFFC0] =	vst v23  }
0x41c: {  	v19 =	vmul.f32 v20, v19;
	v16 =	vmul.f32 v18, v16;
	v11 =	vld [tilespmem:s2+$0xFFFFFE10]  }
0x41d: {  	v15 =	vmul.f32 v17, v15;
	v8 =	vmul.f32 v8, v14;
	v18 =	vld [tilespmem:s15+$0xFFFFFE10]  }
0x41e: {  	v9 =	vmul.f32 v9, v13;
	v10 =	vmul.f32 v10, v12;
	v14 =	vld [tilespmem:s2+$0xFFFFFE20]  }
0x41f: {  	v13 =	vmul.f32 v24, v22;
	v12 =	vld [tilespmem:s15+$0xFFFFFE20];
	v17 =	vmul.f32 v25, v21  }
0x420: {  	v16 =	vadd.f32 v16, v19;
	v15 =	vadd.f32 v8, v15;
	v20 =	vld [tilespmem:s2+$0xFFFFFE30]  }
0x421: {  	v9 =	vadd.f32 v10, v9;
	v19 =	vld [tilespmem:s15+$0xFFFFFE30];
	v10 =	vadd.f32 v17, v13  }
0x422: {  	v8 =	vmul.f32 v18, v11;
	v11 =	vld [tilespmem:s2+$0xFFFFFE40]  }
0x423: {  	v15 =	vadd.f32 v15, v16;
	v13 =	vld [tilespmem:s15+$0xFFFFFE40];
	v9 =	vadd.f32 v10, v9  }
0x424: {  	v10 =	vmul.f32 v12, v14;
	v12 =	vld [tilespmem:s2+$0xFFFFFE50]  }
0x425: {  	v14 =	vld [tilespmem:s15+$0xFFFFFE50];
	v15 =	vadd.f32 v9, v15  }
0x426: {  	v9 =	vmul.f32 v19, v20;
	v16 =	vld [tilespmem:s2+$0xFFFFFE60]  }
0x427: {  	v17 =	vld [tilespmem:s15+$0xFFFFFE60];
	v18 =	vperm.xlane v15, v0  }
0x428: {  	v11 =	vmul.f32 v13, v11;
	v13 =	vld [tilespmem:s2+$0xFFFFFE70];
	v9 =	vadd.f32 v9, v10  }
0x429: {  	v10 =	vld [tilespmem:s15+$0xFFFFFE70];
	v15 =	vadd.f32 v15, v18  }
0x42a: {  	s26 =	sadd.s32 $0x80, s26;
	v12 =	vmul.f32 v14, v12;
	v14 =	vld [tilespmem:s2+$0xFFFFFE80]  }
0x42b: {  	s8 =	simm.s32 $0x0;
	s25 =	simm.s32 $0x14080;
	v18 =	vld [tilespmem:s15+$0xFFFFFE80];
	[tilespmem:s26+$0x30] =	vst v15  }
0x42c: {  	v15 =	vmul.f32 v17, v16;
	v11 =	vadd.f32 v12, v11;
	v12 =	vld [tilespmem:s2+$0xFFFFFE90]  }
0x42d: {  	v16 =	vld [tilespmem:s15+$0xFFFFFE90]  }
0x42e: {  	v10 =	vmul.f32 v10, v13;
	v13 =	vld [tilespmem:s2+$0xFFFFFEA0]  }
0x42f: {  	v17 =	vld [tilespmem:s15+$0xFFFFFEA0]  }
0x430: {  	v10 =	vadd.f32 v10, v15;
	v14 =	vmul.f32 v18, v14;
	v15 =	vld [tilespmem:s2+$0xFFFFFEB0]  }
0x431: {  	v18 =	vld [tilespmem:s15+$0xFFFFFEB0]  }
0x432: {  	v10 =	vadd.f32 v10, v11;
	v11 =	vmul.f32 v16, v12;
	v12 =	vld [tilespmem:s2+$0xFFFFFEC0]  }
0x433: {  	v16 =	vld [tilespmem:s15+$0xFFFFFEC0]  }
0x434: {  	v13 =	vmul.f32 v17, v13;
	v17 =	vld [tilespmem:s2+$0xFFFFFED0];
	v11 =	vadd.f32 v11, v14  }
0x435: {  	v14 =	vld [tilespmem:s15+$0xFFFFFED0]  }
0x436: {  	v15 =	vmul.f32 v18, v15;
	v18 =	vld [tilespmem:s2+$0xFFFFFEE0]  }
0x437: {  	v19 =	vld [tilespmem:s15+$0xFFFFFEE0]  }
0x438: {  	v12 =	vmul.f32 v16, v12;
	v16 =	vld [tilespmem:s2+$0xFFFFFEF0];
	v13 =	vadd.f32 v15, v13  }
0x439: {  	v15 =	vld [tilespmem:s15+$0xFFFFFEF0]  }
0x43a: {  	v14 =	vmul.f32 v14, v17;
	v11 =	vadd.f32 v13, v11;
	v13 =	vld [tilespmem:s2+$0xFFFFFF00]  }
0x43b: {  	v17 =	vld [tilespmem:s15+$0xFFFFFF00]  }
0x43c: {  	v18 =	vmul.f32 v19, v18;
	v12 =	vadd.f32 v14, v12;
	v14 =	vld [tilespmem:s2+$0xFFFFFF10]  }
0x43d: {  	v19 =	vld [tilespmem:s15+$0xFFFFFF10]  }
0x43e: {  	v15 =	vmul.f32 v15, v16;
	v16 =	vld [tilespmem:s2+$0xFFFFFF20]  }
0x43f: {  	v20 =	vld [tilespmem:s15+$0xFFFFFF20]  }
0x440: {  	v15 =	vadd.f32 v15, v18;
	v13 =	vmul.f32 v17, v13;
	v17 =	vld [tilespmem:s2+$0xFFFFFF30]  }
0x441: {  	v18 =	vld [tilespmem:s15+$0xFFFFFF30]  }
0x442: {  	v12 =	vadd.f32 v15, v12;
	v14 =	vmul.f32 v19, v14;
	v15 =	vld [tilespmem:s2+$0xFFFFFF40]  }
0x443: {  	v19 =	vld [tilespmem:s15+$0xFFFFFF40]  }
0x444: {  	v11 =	vadd.f32 v12, v11;
	v12 =	vmul.f32 v20, v16;
	v16 =	vld [tilespmem:s2+$0xFFFFFF50];
	v13 =	vadd.f32 v14, v13  }
0x445: {  	v14 =	vld [tilespmem:s15+$0xFFFFFF50]  }
0x446: {  	v20 =	vperm.xlane v11, v0;
	v17 =	vmul.f32 v18, v17;
	v18 =	vld [tilespmem:s2+$0xFFFFFF60]  }
0x447: {  	v21 =	vld [tilespmem:s15+$0xFFFFFF60]  }
0x448: {  	v11 =	vadd.f32 v11, v20;
	v15 =	vmul.f32 v19, v15;
	v19 =	vld [tilespmem:s2+$0xFFFFFF70];
	v12 =	vadd.f32 v17, v12  }
0x449: {  	v17 =	vld [tilespmem:s15+$0xFFFFFF70]  }
0x44a: {  	[tilespmem:s26+$0xFFFFFFD0] =	vst v11;
	v11 =	vmul.f32 v14, v16;
	v12 =	vadd.f32 v12, v13;
	v13 =	vld [tilespmem:s2+$0xFFFFFF80]  }
0x44b: {  	v14 =	vld [tilespmem:s15+$0xFFFFFF80]  }
0x44c: {  	v16 =	vmul.f32 v21, v18;
	v11 =	vadd.f32 v11, v15;
	v15 =	vld [tilespmem:s2+$0xFFFFFF90]  }
0x44d: {  	v18 =	vld [tilespmem:s15+$0xFFFFFF90]  }
0x44e: {  	v17 =	vmul.f32 v17, v19;
	v19 =	vld [tilespmem:s2+$0xFFFFFFA0]  }
0x44f: {  	v20 =	vld [tilespmem:s15+$0xFFFFFFA0]  }
0x450: {  	v16 =	vadd.f32 v17, v16;
	v13 =	vmul.f32 v14, v13;
	v14 =	vld [tilespmem:s2+$0xFFFFFFB0]  }
0x451: {  	v17 =	vld [tilespmem:s15+$0xFFFFFFB0]  }
0x452: {  	v11 =	vadd.f32 v16, v11;
	v15 =	vmul.f32 v18, v15;
	v16 =	vld [tilespmem:s2+$0xFFFFFFC0]  }
0x453: {  	v18 =	vld [tilespmem:s15+$0xFFFFFFC0]  }
0x454: {  	v11 =	vadd.f32 v11, v12;
	v12 =	vmul.f32 v20, v19;
	v19 =	vld [tilespmem:s2+$0xFFFFFFD0];
	v13 =	vadd.f32 v15, v13  }
0x455: {  	v15 =	vld [tilespmem:s15+$0xFFFFFFD0]  }
0x456: {  	v20 =	vperm.xlane v11, v0;
	v14 =	vmul.f32 v17, v14;
	v17 =	vld [tilespmem:s2+$0xFFFFFFE0]  }
0x457: {  	v21 =	vld [tilespmem:s15+$0xFFFFFFE0]  }
0x458: {  	v11 =	vadd.f32 v11, v20;
	v16 =	vmul.f32 v18, v16;
	v18 =	vld [tilespmem:s2+$0xFFFFFFF0];
	v12 =	vadd.f32 v14, v12  }
0x459: {  	v14 =	vld [tilespmem:s15+$0xFFFFFFF0]  }
0x45a: {  	[tilespmem:s26+$0xFFFFFFE0] =	vst v11;
	v11 =	vmul.f32 v15, v19;
	v12 =	vadd.f32 v12, v13;
	v13 =	vld [tilespmem:s2+$0x0]  }
0x45b: {  	v15 =	vld [tilespmem:s15+$0x0]  }
0x45c: {  	v17 =	vmul.f32 v21, v17;
	v11 =	vadd.f32 v11, v16;
	v16 =	vld [tilespmem:s2+$0x10]  }
0x45d: {  	v19 =	vld [tilespmem:s15+$0x10]  }
0x45e: {  	v14 =	vmul.f32 v14, v18;
	v18 =	vld [tilespmem:s2+$0x20]  }
0x45f: {  	v20 =	vld [tilespmem:s15+$0x20]  }
0x460: {  	v14 =	vadd.f32 v14, v17;
	v13 =	vmul.f32 v15, v13;
	v15 =	vld [tilespmem:s2+$0x30]  }
0x461: {  	v17 =	vld [tilespmem:s15+$0x30]  }
0x462: {  	v11 =	vadd.f32 v14, v11;
	v14 =	vmul.f32 v19, v16;
	v16 =	vld [tilespmem:s2+$0x40]  }
0x463: {  	v19 =	vld [tilespmem:s15+$0x40]  }
0x464: {  	v11 =	vadd.f32 v11, v12;
	v12 =	vmul.f32 v20, v18;
	v18 =	vld [tilespmem:s2+$0x50];
	v13 =	vadd.f32 v14, v13  }
0x465: {  	v14 =	vld [tilespmem:s15+$0x50]  }
0x466: {  	v20 =	vperm.xlane v11, v0;
	v15 =	vmul.f32 v17, v15;
	v17 =	vld [tilespmem:s2+$0x60]  }
0x467: {  	v21 =	vld [tilespmem:s15+$0x60]  }
0x468: {  	v11 =	vadd.f32 v11, v20;
	v16 =	vmul.f32 v19, v16;
	v19 =	vld [tilespmem:s2+$0x70];
	v12 =	vadd.f32 v15, v12  }
0x469: {  	v15 =	vld [tilespmem:s15+$0x70]  }
0x46a: {  	[tilespmem:s26+$0xFFFFFFF0] =	vst v11;
	v11 =	vmul.f32 v14, v18;
	v12 =	vadd.f32 v12, v13;
	v13 =	vld [tilespmem:s2+$0x80]  }
0x46b: {  	v14 =	vld [tilespmem:s15+$0x80]  }
0x46c: {  	v17 =	vmul.f32 v21, v17;
	v11 =	vadd.f32 v11, v16;
	v16 =	vld [tilespmem:s2+$0x90]  }
0x46d: {  	v18 =	vld [tilespmem:s15+$0x90]  }
0x46e: {  	v15 =	vmul.f32 v15, v19;
	v19 =	vld [tilespmem:s2+$0xA0]  }
0x46f: {  	v20 =	vld [tilespmem:s15+$0xA0]  }
0x470: {  	v15 =	vadd.f32 v15, v17;
	v13 =	vmul.f32 v14, v13;
	v14 =	vld [tilespmem:s2+$0xB0]  }
0x471: {  	v17 =	vld [tilespmem:s15+$0xB0]  }
0x472: {  	v11 =	vadd.f32 v15, v11;
	v15 =	vmul.f32 v18, v16;
	v16 =	vld [tilespmem:s2+$0xC0]  }
0x473: {  	v18 =	vld [tilespmem:s15+$0xC0]  }
0x474: {  	v11 =	vadd.f32 v11, v12;
	v12 =	vmul.f32 v20, v19;
	v19 =	vld [tilespmem:s2+$0xD0];
	v13 =	vadd.f32 v15, v13  }
0x475: {  	v15 =	vld [tilespmem:s15+$0xD0]  }
0x476: {  	v20 =	vperm.xlane v11, v0;
	v14 =	vmul.f32 v17, v14;
	v17 =	vld [tilespmem:s2+$0xE0]  }
0x477: {  	v21 =	vld [tilespmem:s15+$0xE0]  }
0x478: {  	v11 =	vadd.f32 v11, v20;
	v16 =	vmul.f32 v18, v16;
	v18 =	vld [tilespmem:s2+$0xF0];
	v12 =	vadd.f32 v14, v12  }
0x479: {  	v14 =	vld [tilespmem:s15+$0xF0]  }
0x47a: {  	[tilespmem:s26+$0x0] =	vst v11;
	v11 =	vmul.f32 v15, v19;
	v12 =	vadd.f32 v12, v13;
	v13 =	vld [tilespmem:s2+$0x100]  }
0x47b: {  	v15 =	vld [tilespmem:s15+$0x100]  }
0x47c: {  	v17 =	vmul.f32 v21, v17;
	v11 =	vadd.f32 v11, v16;
	v16 =	vld [tilespmem:s2+$0x110]  }
0x47d: {  	v19 =	vld [tilespmem:s15+$0x110]  }
0x47e: {  	v14 =	vmul.f32 v14, v18;
	v18 =	vld [tilespmem:s2+$0x120]  }
0x47f: {  	v20 =	vld [tilespmem:s15+$0x120]  }
0x480: {  	v14 =	vadd.f32 v14, v17;
	v13 =	vmul.f32 v15, v13;
	v15 =	vld [tilespmem:s2+$0x130]  }
0x481: {  	v17 =	vld [tilespmem:s15+$0x130]  }
0x482: {  	v11 =	vadd.f32 v14, v11;
	v14 =	vmul.f32 v19, v16;
	v16 =	vld [tilespmem:s2+$0x140]  }
0x483: {  	v19 =	vld [tilespmem:s15+$0x140]  }
0x484: {  	v11 =	vadd.f32 v11, v12;
	v18 =	vmul.f32 v20, v18;
	v20 =	vld [tilespmem:s2+$0x150];
	v21 =	vadd.f32 v14, v13  }
0x485: {  	v22 =	vld [tilespmem:s15+$0x150]  }
.Ltmp5:
0x486: {  	v14 =	vperm.xlane v11, v0;
	v15 =	vmul.f32 v17, v15;
	v12 =	vld [tilespmem:s2+$0x160];
	(pc) =	sbr.rel @p0 .LBB2_12-.Ltmp5, $4  }
0x487: {  	v13 =	vld [tilespmem:s15+$0x160]  }
0x488: {  	v11 =	vadd.f32 v11, v14;
	v16 =	vmul.f32 v19, v16;
	v14 =	vld [tilespmem:s2+$0x170];
	v19 =	vadd.f32 v15, v18  }
0x489: {  	v15 =	vld [tilespmem:s15+$0x170]  }
0x48a: {  	v17 =	vld [tilespmem:s2+$0xFFFFFE00];
	[tilespmem:s26+$0x10] =	vst v11;
	v18 =	vmul.f32 v22, v20;
	v11 =	vadd.f32 v19, v21;
	s2 =	sadd.s32 $0x400, s2  }
0x48b: {  	_ =	sdelay $0x2  }
0x48c: {  	v12 =	vmul.f32 v13, v12;
	v46 =	vmul.f32 v15, v14  }
0x48d: {  	v7 =	vmul.f32 v7, v17  }
0x48e: {  	v47 =	vadd.f32 v18, v16;
	v12 =	vadd.f32 v46, v12  }
0x48f: {  	v7 =	vadd.f32 v8, v7  }
0x490: {  	v8 =	vadd.f32 v12, v47  }
0x491: {  	v7 =	vadd.f32 v9, v7  }
0x492: {  	v8 =	vadd.f32 v8, v11  }
0x493: {  	v7 =	vadd.f32 v10, v7  }
0x494: {  	v9 =	vperm.xlane v8, v0  }
0x495: {  	v10 =	vperm.xlane v7, v0  }
0x496: {  	v8 =	vadd.f32 v8, v9  }
0x497: {  	v7 =	vadd.f32 v7, v10  }
0x498: {  	[tilespmem:s26+$0x20] =	vst v8  }
0x499: {  	[tilespmem:s26+$0xFFFFFFC0] =	vst v7  }
0x49a: {  	v7 =	vld [tilespmem:s25+$0x20]  }
0x49b: {  	v8 =	vld [tilespmem:s25+$0xFFFFFFA0]  }
0x49c: {  	v9 =	vld [tilespmem:s25+$0x10]  }
0x49d: {  	v10 =	vld [tilespmem:s25+$0xFFFFFF90]  }
0x49e: {  	v11 =	vld [tilespmem:s25+$0x30]  }
0x49f: {  	v48 =	vld [tilespmem:s25+$0xFFFFFFB0]  }
0x4a0: {  	v49 =	vld [tilespmem:s25+$0x50]  }
0x4a1: {  	v50 =	vld [tilespmem:s25+$0xFFFFFFD0]  }
0x4a2: {  	v51 =	vld [tilespmem:s25+$0x70]  }
0x4a3: {  	v52 =	vld [tilespmem:s25+$0xFFFFFFF0]  }
0x4a4: {  	v53 =	vld [tilespmem:s25+$0x60]  }
0x4a5: {  	v54 =	vld [tilespmem:s25+$0xFFFFFFE0]  }
0x4a6: {  	v55 =	vld [tilespmem:s25+$0xFFFFFF80]  }
0x4a7: {  	v57 =	vld [tilespmem:s25+$0x0];
	_ =	sdelay $0x1  }
0x4a8: {  	v19 =	vld [tilespmem:s25+$0x40];
	v7 =	vsel vm2, v8, v7  }
0x4a9: {  	v8 =	vld [tilespmem:s25+$0xFFFFFFC0];
	v9 =	vsel vm2, v10, v9;
	v10 =	vsel vm2, v48, v11;
	v11 =	vsel vm2, v50, v49  }
0x4aa: {  	v15 =	vsel vm2, v52, v51;
	v17 =	vsel vm2, v54, v53;
	v14 =	vperm.xlane v11, v2  }
0x4ab: {  	v12 =	vsel vm2, v55, v57;
	v20 =	vperm.xlane v9, v2;
	v58 =	vperm.xlane v15, v2  }
0x4ac: {  	v56 =	vperm.xlane v10, v2;
	v59 =	vperm.xlane v17, v2;
	v11 =	vadd.f32 v14, v11  }
0x4ad: {  	v60 =	vperm.xlane v7, v2;
	v9 =	vadd.f32 v20, v9;
	v15 =	vadd.f32 v58, v15  }
0x4ae: {  	v13 =	vadd.f32 v59, v17;
	v11 =	vperm.xlane v11, v3;
	v8 =	vsel vm2, v8, v19  }
0x4af: {  	v10 =	vadd.f32 v56, v10;
	v15 =	vperm.xlane v15, v3;
	v61 =	vperm.xlane v8, v2  }
0x4b0: {  	v7 =	vadd.f32 v60, v7;
	v13 =	vperm.xlane v13, v3;
	v9 =	vsel vm0, v9, v11  }
0x4b1: {  	v11 =	vperm.xlane v12, v2;
	v10 =	vsel vm0, v10, v15;
	v8 =	vadd.f32 v61, v8  }
0x4b2: {  	v7 =	vsel vm0, v7, v13;
	v15 =	vperm.xlane v10, v4  }
0x4b3: {  	v62 =	vperm.xlane v9, v4;
	v11 =	vadd.f32 v11, v12;
	v8 =	vperm.xlane v8, v3  }
0x4b4: {  	v63 =	vperm.xlane v7, v4;
	v10 =	vadd.f32 v15, v10  }
0x4b5: {  	v9 =	vadd.f32 v62, v9;
	v8 =	vsel vm0, v11, v8  }
0x4b6: {  	v7 =	vadd.f32 v63, v7;
	v10 =	vperm.xlane v10, v5;
	v11 =	vperm.xlane v8, v4;
	_ =	sdelay $0x1  }
0x4b7: {  	v7 =	vperm.xlane v7, v5;
	v9 =	vsel vm1, v9, v10;
	v8 =	vadd.f32 v11, v8  }
0x4b8: {  	v10 =	vperm.xlane v9, v6  }
0x4b9: {  	v8 =	vsel vm1, v8, v7  }
0x4ba: {  	v7 =	vadd.f32 v10, v9;
	v9 =	vperm.xlane v8, v6;
	_ =	sdelay $0x1  }
0x4bb: {  	s2 =	simm.s32 $0x10;
	s15 =	sand.u32 $0xF0, s8;
	v7 =	vperm.xlane v7, v1;
	v8 =	vadd.f32 v9, v8  }
.LBB2_14:
0x4bc: {  	p0 =	sne.s32 s2, $0x90  }
0x4bd: {  	v7 =	vsel vm3, v8, v7;
	s25 =	sadd.s32 $0x100, s25;
	s8 =	smov.u32 s2;
	s2 =	sadd.s32 $0x10, s2  }
0x4be: {  	[tilespmem:s15+$0x16F80] =	vst v7  }
0x4bf: {  	v7 =	vld [tilespmem:s25+$0x20]  }
0x4c0: {  	v8 =	vld [tilespmem:s25+$0xFFFFFFA0]  }
0x4c1: {  	v9 =	vld [tilespmem:s25+$0x10]  }
0x4c2: {  	v10 =	vld [tilespmem:s25+$0xFFFFFF90]  }
0x4c3: {  	v11 =	vld [tilespmem:s25+$0x30]  }
0x4c4: {  	v12 =	vld [tilespmem:s25+$0xFFFFFFB0]  }
0x4c5: {  	v13 =	vld [tilespmem:s25+$0x50];
	v7 =	vsel vm2, v8, v7  }
0x4c6: {  	v8 =	vld [tilespmem:s25+$0xFFFFFFD0];
	v14 =	vperm.xlane v7, v2  }
0x4c7: {  	v15 =	vld [tilespmem:s25+$0x70];
	v9 =	vsel vm2, v10, v9  }
0x4c8: {  	v10 =	vld [tilespmem:s25+$0xFFFFFFF0];
	v7 =	vadd.f32 v14, v7;
	v14 =	vperm.xlane v9, v2  }
0x4c9: {  	v16 =	vld [tilespmem:s25+$0x60];
	v11 =	vsel vm2, v12, v11  }
0x4ca: {  	v12 =	vld [tilespmem:s25+$0xFFFFFFE0];
	v17 =	vperm.xlane v11, v2  }
0x4cb: {  	v18 =	vld [tilespmem:s25+$0x40];
	v8 =	vsel vm2, v8, v13  }
0x4cc: {  	v13 =	vld [tilespmem:s25+$0xFFFFFFC0];
	v19 =	vperm.xlane v8, v2;
	v11 =	vadd.f32 v17, v11  }
0x4cd: {  	v17 =	vld [tilespmem:s25+$0xFFFFFF80];
	v10 =	vsel vm2, v10, v15  }
0x4ce: {  	v15 =	vld [tilespmem:s25+$0x0];
	v8 =	vadd.f32 v19, v8;
	v19 =	vperm.xlane v10, v2  }
0x4cf: {  	v9 =	vadd.f32 v14, v9;
	v12 =	vsel vm2, v12, v16  }
0x4d0: {  	v14 =	vperm.xlane v12, v2;
	v10 =	vadd.f32 v19, v10;
	v8 =	vperm.xlane v8, v3  }
0x4d1: {  	v13 =	vsel vm2, v13, v18  }
0x4d2: {  	v12 =	vadd.f32 v14, v12;
	v8 =	vsel vm0, v9, v8;
	v9 =	vperm.xlane v10, v3  }
0x4d3: {  	v14 =	vperm.xlane v13, v2;
	v10 =	vsel vm2, v17, v15;
	v15 =	vperm.xlane v8, v4  }
0x4d4: {  	v16 =	vperm.xlane v10, v2;
	v12 =	vperm.xlane v12, v3;
	v9 =	vsel vm0, v11, v9  }
0x4d5: {  	v11 =	vadd.f32 v14, v13;
	v8 =	vadd.f32 v15, v8;
	v13 =	vperm.xlane v9, v4  }
0x4d6: {  	v10 =	vadd.f32 v16, v10;
	v7 =	vsel vm0, v7, v12  }
0x4d7: {  	v11 =	vperm.xlane v11, v3;
	v12 =	vperm.xlane v7, v4;
	v9 =	vadd.f32 v13, v9;
	_ =	sdelay $0x1  }
0x4d8: {  	v10 =	vsel vm0, v10, v11;
	v7 =	vadd.f32 v12, v7;
	v9 =	vperm.xlane v9, v5  }
0x4d9: {  	v11 =	vperm.xlane v10, v4  }
0x4da: {  	v7 =	vperm.xlane v7, v5;
	v8 =	vsel vm1, v8, v9  }
0x4db: {  	v9 =	vadd.f32 v11, v10;
	v10 =	vperm.xlane v8, v6;
	_ =	sdelay $0x1  }
.Ltmp6:
0x4dc: {  	v9 =	vsel vm1, v9, v7;
	v7 =	vadd.f32 v10, v8;
	(pc) =	sbr.rel @p0 .LBB2_14-.Ltmp6, $4  }
0x4dd: {  	v8 =	vperm.xlane v9, v6  }
0x4de: {  	v7 =	vperm.xlane v7, v1  }
0x4df: {  	v8 =	vadd.f32 v8, v9  }
0x4e0: {  	s15 =	sand.u32 $0xF0, s8  }
0x4e1: {  	v7 =	vsel vm3, v8, v7  }
0x4e2: {  	s2 =	simm.s32 $0x19840;
	[tilespmem:s15+$0x16F80] =	vst v7  }
0x4e3: {  	[tilespmem:s3], [sflag:$0x1] =	stream.indirect.gather [hbm4b:s1+s11], $0x80, s2, s11, $0xb8;
	[tilespmem:$0x1C080] =	vst v63  }
0x4e4: {  	s31 =	simm.s32 $0x1BFC0  }
0x4e5: {  	[tilespmem:s12], [sflag:$0x2] =	stream.indirect.gather [hbm4b:s1+s11], $0x80, s31, s11, $0xb8;
	[tilespmem:$0x1C080] =	vst v63  }
0x4e6: {  	_ =	swait.ge [sflag:s23], $0x5000  }
0x4e7: {  	[sflag:s23] =	ssyncset.done $0x0  }
0x4e8: {  	[sflag:s23] =	ssyncadd.s32 $0xFFFFB000  }
0x4e9: {  	_ =	swait.ge [sflag:s24], $0x5000  }
0x4ea: {  	[sflag:s24] =	ssyncset.done $0x0  }
0x4eb: {  	s8 =	simm.s32 $0xA200;
	[sflag:s24] =	ssyncadd.s32 $0xFFFFB000  }
0x4ec: {  	s15 =	simm.s32 $0xF200;
	v14 =	vld [tilespmem:s8+$0x180]  }
0x4ed: {  	v15 =	vld [tilespmem:s15+$0x180]  }
0x4ee: {  	v16 =	vld [tilespmem:s8+$0x190]  }
0x4ef: {  	v17 =	vld [tilespmem:s15+$0x190]  }
0x4f0: {  	v18 =	vld [tilespmem:s8+$0x1A0]  }
0x4f1: {  	v19 =	vld [tilespmem:s15+$0x1A0]  }
0x4f2: {  	v20 =	vld [tilespmem:s8+$0x1B0]  }
0x4f3: {  	v21 =	vld [tilespmem:s15+$0x1B0]  }
0x4f4: {  	v22 =	vld [tilespmem:s8+$0x1C0]  }
0x4f5: {  	v23 =	vld [tilespmem:s15+$0x1C0]  }
0x4f6: {  	v24 =	vld [tilespmem:s8+$0x1D0]  }
0x4f7: {  	v25 =	vld [tilespmem:s15+$0x1D0]  }
0x4f8: {  	v8 =	vld [tilespmem:s8+$0xFFFFFE10]  }
0x4f9: {  	v26 =	vld [tilespmem:s8+$0x1E0]  }
0x4fa: {  	v27 =	vld [tilespmem:s15+$0x1E0]  }
0x4fb: {  	v28 =	vld [tilespmem:s8+$0x1F0]  }
0x4fc: {  	v29 =	vld [tilespmem:s15+$0x1F0]  }
0x4fd: {  	v7 =	vld [tilespmem:s15+$0xFFFFFE00];
	[tilespmem:$0x1FB00] =	vst v8  }
0x4fe: {  	v8 =	vld [tilespmem:s15+$0xFFFFFE10];
	_ =	sdelay $0x4  }
0x4ff: {  	[tilespmem:$0x1FB10] =	vst v8  }
0x500: {  	v8 =	vld [tilespmem:s8+$0xFFFFFE20];
	_ =	sdelay $0x4  }
0x501: {  	[tilespmem:$0x1FAC0] =	vst v8  }
0x502: {  	v8 =	vld [tilespmem:s15+$0xFFFFFE20];
	_ =	sdelay $0x4  }
0x503: {  	[tilespmem:$0x1FAD0] =	vst v8  }
0x504: {  	v8 =	vld [tilespmem:s8+$0xFFFFFE30];
	_ =	sdelay $0x4  }
0x505: {  	[tilespmem:$0x1FAE0] =	vst v8  }
0x506: {  	v8 =	vld [tilespmem:s15+$0xFFFFFE30];
	_ =	sdelay $0x4  }
0x507: {  	[tilespmem:$0x1FAF0] =	vst v8  }
0x508: {  	v8 =	vld [tilespmem:s8+$0xFFFFFE40];
	_ =	sdelay $0x4  }
0x509: {  	[tilespmem:$0x1F980] =	vst v8  }
0x50a: {  	v8 =	vld [tilespmem:s15+$0xFFFFFE40];
	_ =	sdelay $0x4  }
0x50b: {  	[tilespmem:$0x1F990] =	vst v8  }
0x50c: {  	v8 =	vld [tilespmem:s8+$0xFFFFFE50];
	_ =	sdelay $0x4  }
0x50d: {  	[tilespmem:$0x1F9A0] =	vst v8  }
0x50e: {  	v8 =	vld [tilespmem:s15+$0xFFFFFE50];
	_ =	sdelay $0x4  }
0x50f: {  	[tilespmem:$0x1F9B0] =	vst v8  }
0x510: {  	v8 =	vld [tilespmem:s8+$0xFFFFFE60];
	_ =	sdelay $0x4  }
0x511: {  	[tilespmem:$0x1F9C0] =	vst v8  }
0x512: {  	v8 =	vld [tilespmem:s15+$0xFFFFFE60];
	_ =	sdelay $0x4  }
0x513: {  	[tilespmem:$0x1F9D0] =	vst v8  }
0x514: {  	v8 =	vld [tilespmem:s8+$0xFFFFFE70];
	_ =	sdelay $0x4  }
0x515: {  	[tilespmem:$0x1F9E0] =	vst v8  }
0x516: {  	v8 =	vld [tilespmem:s15+$0xFFFFFE70];
	_ =	sdelay $0x4  }
0x517: {  	[tilespmem:$0x1F9F0] =	vst v8  }
0x518: {  	v38 =	vld [tilespmem:s8+$0xFFFFFE80]  }
0x519: {  	v39 =	vld [tilespmem:s15+$0xFFFFFE80]  }
0x51a: {  	v40 =	vld [tilespmem:s8+$0xFFFFFE90]  }
0x51b: {  	v41 =	vld [tilespmem:s15+$0xFFFFFE90]  }
0x51c: {  	v42 =	vld [tilespmem:s8+$0xFFFFFEA0]  }
0x51d: {  	v43 =	vld [tilespmem:s15+$0xFFFFFEA0]  }
0x51e: {  	v44 =	vld [tilespmem:s8+$0xFFFFFEB0]  }
0x51f: {  	v45 =	vld [tilespmem:s15+$0xFFFFFEB0]  }
0x520: {  	v46 =	vld [tilespmem:s8+$0xFFFFFEC0]  }
0x521: {  	v47 =	vld [tilespmem:s15+$0xFFFFFEC0]  }
0x522: {  	v48 =	vld [tilespmem:s8+$0xFFFFFED0]  }
0x523: {  	v49 =	vld [tilespmem:s15+$0xFFFFFED0]  }
0x524: {  	v50 =	vld [tilespmem:s8+$0xFFFFFEE0]  }
0x525: {  	v51 =	vld [tilespmem:s15+$0xFFFFFEE0]  }
0x526: {  	v52 =	vld [tilespmem:s8+$0xFFFFFEF0]  }
0x527: {  	v53 =	vld [tilespmem:s15+$0xFFFFFEF0]  }
0x528: {  	v54 =	vld [tilespmem:s8+$0xFFFFFF00]  }
0x529: {  	v55 =	vld [tilespmem:s15+$0xFFFFFF00]  }
0x52a: {  	v56 =	vld [tilespmem:s8+$0xFFFFFF10]  }
0x52b: {  	v8 =	vld [tilespmem:s8+$0xFFFFFF40]  }
0x52c: {  	v57 =	vld [tilespmem:s15+$0xFFFFFF10]  }
0x52d: {  	v58 =	vld [tilespmem:s8+$0xFFFFFF20]  }
0x52e: {  	v59 =	vld [tilespmem:s15+$0xFFFFFF20]  }
0x52f: {  	v60 =	vld [tilespmem:s8+$0xFFFFFF30]  }
0x530: {  	v61 =	vld [tilespmem:s15+$0xFFFFFF30];
	[tilespmem:$0x1FA00] =	vst v8  }
0x531: {  	v9 =	vld [tilespmem:s8+$0xFFFFFF60];
	_ =	sdelay $0x2  }
0x532: {  	v63 =	vld [tilespmem:s15+$0xFFFFFF40]  }
0x533: {  	v37 =	vld [tilespmem:s8+$0xFFFFFF50]  }
0x534: {  	v8 =	vld [tilespmem:s15+$0xFFFFFF50];
	[tilespmem:$0x1FA10] =	vst v9  }
0x535: {  	v10 =	vld [tilespmem:s8+$0xFFFFFF80];
	_ =	sdelay $0x2  }
0x536: {  	v31 =	vld [tilespmem:s15+$0xFFFFFF60]  }
0x537: {  	v34 =	vld [tilespmem:s8+$0xFFFFFF70]  }
0x538: {  	v9 =	vld [tilespmem:s15+$0xFFFFFF70];
	[tilespmem:$0x1FA20] =	vst v10  }
0x539: {  	v10 =	vld [tilespmem:s15+$0xFFFFFF80];
	_ =	sdelay $0x4  }
0x53a: {  	[tilespmem:$0x1FA30] =	vst v10  }
0x53b: {  	v10 =	vld [tilespmem:s8+$0xFFFFFF90];
	_ =	sdelay $0x4  }
0x53c: {  	[tilespmem:$0x1FA40] =	vst v10  }
0x53d: {  	v11 =	vld [tilespmem:s8+$0xFFFFFFA0];
	_ =	sdelay $0x4  }
0x53e: {  	v10 =	vld [tilespmem:s15+$0xFFFFFF90];
	[tilespmem:$0x1FA50] =	vst v11  }
0x53f: {  	v12 =	vld [tilespmem:s8+$0xFFFFFFC0];
	_ =	sdelay $0x2  }
0x540: {  	v32 =	vld [tilespmem:s15+$0xFFFFFFA0]  }
0x541: {  	v33 =	vld [tilespmem:s8+$0xFFFFFFB0]  }
0x542: {  	v11 =	vld [tilespmem:s15+$0xFFFFFFB0];
	[tilespmem:$0x1FA60] =	vst v12  }
0x543: {  	v13 =	vld [tilespmem:s8+$0xFFFFFFE0];
	_ =	sdelay $0x2  }
0x544: {  	v35 =	vld [tilespmem:s15+$0xFFFFFFC0]  }
0x545: {  	v36 =	vld [tilespmem:s8+$0xFFFFFFD0]  }
0x546: {  	v12 =	vld [tilespmem:s15+$0xFFFFFFD0];
	[tilespmem:$0x1FA70] =	vst v13  }
0x547: {  	v13 =	vld [tilespmem:s8+$0xFFFFFFF0];
	_ =	sdelay $0x4  }
0x548: {  	v62 =	vld [tilespmem:s15+$0xFFFFFFE0];
	[tilespmem:$0x1FA80] =	vst v13  }
0x549: {  	v30 =	vld [tilespmem:s8+$0x0];
	_ =	sdelay $0x4  }
0x54a: {  	v14 =	vmul.f32 v15, v14;
	v16 =	vmul.f32 v17, v16;
	v13 =	vld [tilespmem:s15+$0xFFFFFFF0];
	[tilespmem:$0x1FA90] =	vst v30  }
0x54b: {  	v17 =	vmul.f32 v19, v18;
	v19 =	vmul.f32 v21, v20;
	v30 =	vld [tilespmem:s15+$0x0];
	_ =	sdelay $0x1  }
0x54c: {  	v14 =	vadd.f32 v16, v14;
	v16 =	vadd.f32 v19, v17  }
0x54d: {  	v20 =	vmul.f32 v23, v22;
	v22 =	vmul.f32 v25, v24  }
0x54e: {  	v14 =	vadd.f32 v16, v14;
	v16 =	vmul.f32 v47, v46;
	v46 =	vld [tilespmem:$0x1F990]  }
0x54f: {  	v19 =	vadd.f32 v22, v20;
	v20 =	vmul.f32 v39, v38;
	v47 =	vld [tilespmem:$0x1F9A0];
	[tilespmem:$0x1FAA0] =	vst v30  }
0x550: {  	v22 =	vmul.f32 v41, v40;
	v25 =	vmul.f32 v43, v42;
	v30 =	vld [tilespmem:s8+$0x10]  }
0x551: {  	v45 =	vmul.f32 v45, v44;
	v49 =	vmul.f32 v49, v48;
	v48 =	vld [tilespmem:$0x1F9B0]  }
0x552: {  	v51 =	vmul.f32 v51, v50;
	v50 =	vld [tilespmem:$0x1F9C0];
	v59 =	vmul.f32 v59, v58  }
0x553: {  	v61 =	vmul.f32 v61, v60;
	v20 =	vadd.f32 v22, v20;
	v44 =	vadd.f32 v45, v25;
	v45 =	vld [tilespmem:$0x1F980]  }
0x554: {  	v55 =	vmul.f32 v55, v54;
	v54 =	vld [tilespmem:$0x1FA50]  }
0x555: {  	v20 =	vadd.f32 v44, v20;
	v44 =	vadd.f32 v61, v59;
	v59 =	vld [tilespmem:$0x1FA80];
	[tilespmem:$0x1FAB0] =	vst v30  }
0x556: {  	v15 =	vld [tilespmem:s15+$0x10]  }
0x557: {  	v18 =	vld [tilespmem:s8+$0x20]  }
0x558: {  	v21 =	vld [tilespmem:s15+$0x20]  }
0x559: {  	v24 =	vld [tilespmem:s8+$0x30]  }
0x55a: {  	v17 =	vld [tilespmem:s15+$0x30]  }
0x55b: {  	v23 =	vmul.f32 v27, v26;
	v26 =	vld [tilespmem:s8+$0x40]  }
0x55c: {  	v30 =	vmul.f32 v29, v28;
	v28 =	vld [tilespmem:s15+$0x40]  }
0x55d: {  	v38 =	vld [tilespmem:s8+$0x50]  }
0x55e: {  	v40 =	vld [tilespmem:s15+$0x50]  }
0x55f: {  	v25 =	vld [tilespmem:s8+$0x60]  }
0x560: {  	v27 =	vld [tilespmem:s15+$0x60]  }
0x561: {  	v22 =	vld [tilespmem:s15+$0x70]  }
0x562: {  	v41 =	vld [tilespmem:s8+$0x80]  }
0x563: {  	v29 =	vmul.f32 v46, v45;
	v45 =	vld [tilespmem:s8+$0x90]  }
0x564: {  	v56 =	vmul.f32 v57, v56;
	v8 =	vmul.f32 v8, v37;
	v37 =	vld [tilespmem:s15+$0xA0]  }
0x565: {  	v9 =	vmul.f32 v9, v34;
	v34 =	vld [tilespmem:s8+$0xB0]  }
0x566: {  	v39 =	vadd.f32 v56, v55;
	v55 =	vld [tilespmem:s8+$0xC0]  }
0x567: {  	v58 =	vld [tilespmem:s15+$0xC0]  }
0x568: {  	v23 =	vadd.f32 v30, v23;
	v30 =	vmul.f32 v53, v52;
	v52 =	vld [tilespmem:$0x1F9E0]  }
0x569: {  	v53 =	vld [tilespmem:$0x1F9F0]  }
0x56a: {  	v19 =	vadd.f32 v23, v19;
	v23 =	vadd.f32 v30, v51;
	v51 =	vld [tilespmem:$0x1F9D0]  }
0x56b: {  	v60 =	vld [tilespmem:s8+$0xD0]  }
0x56c: {  	v16 =	vadd.f32 v49, v16;
	v61 =	vld [tilespmem:s15+$0xD0];
	v14 =	vadd.f32 v19, v14  }
0x56d: {  	v19 =	vld [tilespmem:s8+$0x70]  }
0x56e: {  	v16 =	vadd.f32 v23, v16;
	v23 =	vmul.f32 v48, v47;
	v47 =	vld [tilespmem:s8+$0xA0];
	v49 =	vperm.xlane v14, v0  }
0x56f: {  	v43 =	vmul.f32 v53, v52;
	v52 =	vld [tilespmem:$0x1FA40];
	v42 =	vmul.f32 v51, v50  }
0x570: {  	v14 =	vadd.f32 v14, v49;
	v49 =	vld [tilespmem:$0x1FA10]  }
0x571: {  	v23 =	vadd.f32 v23, v29;
	v29 =	vadd.f32 v43, v42;
	v42 =	vld [tilespmem:$0x1FA00]  }
0x572: {  	v53 =	vld [tilespmem:s15+$0xB0]  }
0x573: {  	v16 =	vadd.f32 v16, v20;
	v20 =	vld [tilespmem:s15+$0x80]  }
0x574: {  	v50 =	vld [tilespmem:$0x1FA20]  }
0x575: {  	v51 =	vld [tilespmem:$0x1FA30];
	v57 =	vperm.xlane v16, v0  }
0x576: {  	v43 =	vld [tilespmem:s15+$0x90];
	v31 =	vmul.f32 v31, v49;
	v48 =	vmul.f32 v63, v42  }
0x577: {  	v16 =	vadd.f32 v16, v57;
	v57 =	vld [tilespmem:$0x1FA60]  }
0x578: {  	v10 =	vmul.f32 v10, v52;
	v52 =	vld [tilespmem:s8+$0x110];
	v9 =	vadd.f32 v9, v31;
	v8 =	vadd.f32 v8, v48  }
0x579: {  	v11 =	vmul.f32 v11, v33;
	v49 =	vld [tilespmem:s8+$0x100]  }
0x57a: {  	v42 =	vmul.f32 v51, v50;
	v31 =	vmul.f32 v32, v54;
	v8 =	vadd.f32 v9, v8;
	v9 =	vld [tilespmem:$0x1FA70]  }
0x57b: {  	v63 =	vld [tilespmem:$0x1FAB0]  }
0x57c: {  	v50 =	vld [tilespmem:s15+$0x100];
	v10 =	vadd.f32 v10, v42;
	v11 =	vadd.f32 v11, v31  }
0x57d: {  	v51 =	vmul.f32 v53, v34;
	v53 =	vmul.f32 v58, v55;
	v55 =	vld [tilespmem:s15+$0x110]  }
0x57e: {  	v12 =	vmul.f32 v12, v36;
	v13 =	vmul.f32 v13, v59;
	v10 =	vadd.f32 v11, v10;
	v11 =	vld [tilespmem:$0x1FA90]  }
0x57f: {  	v35 =	vmul.f32 v35, v57;
	v9 =	vmul.f32 v62, v9;
	v62 =	vld [tilespmem:$0x1FAA0]  }
0x580: {  	v56 =	vadd.f32 v44, v39;
	v17 =	vmul.f32 v17, v24;
	v44 =	vmul.f32 v28, v26;
	v42 =	vld [tilespmem:s15+$0xE0]  }
0x581: {  	v54 =	vmul.f32 v61, v60;
	v48 =	vld [tilespmem:s15+$0xF0];
	v12 =	vadd.f32 v12, v35;
	v9 =	vadd.f32 v13, v9  }
0x582: {  	v46 =	vmul.f32 v40, v38;
	v19 =	vmul.f32 v22, v19;
	v13 =	vld [tilespmem:s8+$0xE0]  }
0x583: {  	v24 =	vadd.f32 v54, v53;
	v9 =	vadd.f32 v9, v12;
	v12 =	vmul.f32 v21, v18;
	v18 =	vld [tilespmem:s8+$0xF0]  }
0x584: {  	v58 =	vld [tilespmem:s15+$0x140];
	v15 =	vmul.f32 v15, v63;
	v8 =	vadd.f32 v8, v56;
	v11 =	vmul.f32 v62, v11  }
0x585: {  	v57 =	vld [tilespmem:$0x1FAD0];
	v21 =	vadd.f32 v46, v44;
	v9 =	vadd.f32 v9, v10;
	v10 =	vmul.f32 v27, v25  }
0x586: {  	v61 =	vld [tilespmem:s8+$0x150];
	v11 =	vadd.f32 v15, v11;
	v15 =	vmul.f32 v20, v41;
	v20 =	vmul.f32 v43, v45  }
0x587: {  	v12 =	vadd.f32 v17, v12;
	v17 =	vmul.f32 v37, v47;
	v10 =	vadd.f32 v19, v10;
	v19 =	vld [tilespmem:s8+$0x120]  }
0x588: {  	v13 =	vmul.f32 v42, v13;
	v18 =	vmul.f32 v48, v18;
	v15 =	vadd.f32 v20, v15;
	v20 =	vld [tilespmem:s15+$0x120]  }
0x589: {  	v56 =	vld [tilespmem:$0x1FAC0];
	v60 =	vperm.xlane v9, v0;
	v11 =	vadd.f32 v12, v11;
	v10 =	vadd.f32 v10, v21  }
0x58a: {  	s26 =	simm.s32 $0x14040;
	v17 =	vadd.f32 v51, v17;
	v12 =	vld [tilespmem:s15+$0x130];
	v13 =	vadd.f32 v18, v13  }
0x58b: {  	[tilespmem:s26+$0x30] =	vst v14;
	v9 =	vadd.f32 v9, v60;
	v18 =	vld [tilespmem:s8+$0x130];
	v10 =	vadd.f32 v10, v11;
	v11 =	vperm.xlane v8, v0  }
0x58c: {  	[tilespmem:s26+$0xFFFFFFD0] =	vst v16;
	v15 =	vadd.f32 v17, v15;
	v17 =	vld [tilespmem:s8+$0x140];
	v13 =	vadd.f32 v13, v24  }
0x58d: {  	v8 =	vadd.f32 v8, v11;
	v14 =	vmul.f32 v20, v19;
	v20 =	vld [tilespmem:$0x1FAF0]  }
0x58e: {  	v15 =	vadd.f32 v13, v15;
	v13 =	vld [tilespmem:$0x1FAE0];
	[tilespmem:s26+$0xFFFFFFF0] =	vst v9  }
0x58f: {  	v19 =	vld [tilespmem:s15+$0x150];
	[tilespmem:s26+$0xFFFFFFE0] =	vst v8  }
0x590: {  	v22 =	vmul.f32 v50, v49;
	v8 =	vld [tilespmem:$0x1FB00]  }
0x591: {  	v59 =	vmul.f32 v55, v52;
	v11 =	vperm.xlane v10, v0;
	v9 =	vld [tilespmem:$0x1FB10]  }
0x592: {  	v18 =	vmul.f32 v12, v18;
	v12 =	vld [tilespmem:s8+$0x160];
	v16 =	vperm.xlane v15, v0  }
0x593: {  	v22 =	vadd.f32 v59, v22;
	v11 =	vadd.f32 v10, v11;
	v20 =	vmul.f32 v20, v13;
	v13 =	vld [tilespmem:s15+$0x160]  }
0x594: {  	v21 =	vmul.f32 v57, v56;
	v63 =	vadd.f32 v18, v14;
	v14 =	vld [tilespmem:s8+$0x170];
	v62 =	vadd.f32 v15, v16  }
0x595: {  	v10 =	vadd.f32 v29, v23;
	[tilespmem:s26+$0x0] =	vst v11;
	v15 =	vld [tilespmem:s15+$0x170];
	v16 =	vmul.f32 v58, v17;
	v18 =	vmul.f32 v19, v61  }
0x596: {  	s28 =	simm.s32 $0xA600;
	s2 =	simm.s32 $0x0;
	v17 =	vld [tilespmem:s8+$0xFFFFFE00];
	v11 =	vadd.f32 v63, v22;
	[tilespmem:s26+$0x10] =	vst v62;
	v8 =	vmul.f32 v9, v8;
	v9 =	vadd.f32 v20, v21  }
.LBB2_16:
0x597: {  	v19 =	vld [tilespmem:s28+$0x180];
	s15 =	sadd.s32 $0x400, s15  }
0x598: {  	v20 =	vld [tilespmem:s15+$0x180];
	v12 =	vmul.f32 v13, v12;
	v13 =	vadd.f32 v18, v16  }
0x599: {  	v16 =	vld [tilespmem:s28+$0x190]  }
0x59a: {  	v18 =	vld [tilespmem:s15+$0x190];
	v14 =	vmul.f32 v15, v14  }
0x59b: {  	v15 =	vld [tilespmem:s28+$0x1A0];
	v7 =	vmul.f32 v7, v17  }
0x59c: {  	v17 =	vld [tilespmem:s15+$0x1A0];
	v12 =	vadd.f32 v14, v12  }
0x59d: {  	v14 =	vld [tilespmem:s28+$0x1B0];
	v7 =	vadd.f32 v8, v7  }
0x59e: {  	v8 =	vld [tilespmem:s15+$0x1B0];
	v12 =	vadd.f32 v12, v13  }
0x59f: {  	v13 =	vld [tilespmem:s28+$0x1C0];
	v7 =	vadd.f32 v9, v7  }
0x5a0: {  	v9 =	vld [tilespmem:s15+$0x1C0];
	v11 =	vadd.f32 v12, v11  }
0x5a1: {  	v12 =	vld [tilespmem:s28+$0x1D0];
	v7 =	vadd.f32 v10, v7  }
0x5a2: {  	v10 =	vld [tilespmem:s15+$0x1D0];
	v21 =	vperm.xlane v11, v0  }
0x5a3: {  	v22 =	vld [tilespmem:s28+$0x1E0];
	v23 =	vperm.xlane v7, v0  }
0x5a4: {  	v24 =	vld [tilespmem:s15+$0x1E0];
	v11 =	vadd.f32 v11, v21  }
0x5a5: {  	v21 =	vld [tilespmem:s28+$0x1F0];
	v23 =	vadd.f32 v7, v23  }
0x5a6: {  	s2 =	sadd.s32 $0x8, s2;
	v25 =	vld [tilespmem:s15+$0x1F0];
	[tilespmem:s26+$0x20] =	vst v11  }
0x5a7: {  	p0 =	slt.u32 s2, $0x98;
	v7 =	vld [tilespmem:s15+$0xFFFFFE00];
	[tilespmem:s26+$0xFFFFFFC0] =	vst v23  }
0x5a8: {  	v19 =	vmul.f32 v20, v19;
	v16 =	vmul.f32 v18, v16;
	v11 =	vld [tilespmem:s28+$0xFFFFFE10]  }
0x5a9: {  	v15 =	vmul.f32 v17, v15;
	v8 =	vmul.f32 v8, v14;
	v18 =	vld [tilespmem:s15+$0xFFFFFE10]  }
0x5aa: {  	v9 =	vmul.f32 v9, v13;
	v10 =	vmul.f32 v10, v12;
	v14 =	vld [tilespmem:s28+$0xFFFFFE20]  }
0x5ab: {  	v13 =	vmul.f32 v24, v22;
	v12 =	vld [tilespmem:s15+$0xFFFFFE20];
	v17 =	vmul.f32 v25, v21  }
0x5ac: {  	v16 =	vadd.f32 v16, v19;
	v15 =	vadd.f32 v8, v15;
	v20 =	vld [tilespmem:s28+$0xFFFFFE30]  }
0x5ad: {  	v9 =	vadd.f32 v10, v9;
	v19 =	vld [tilespmem:s15+$0xFFFFFE30];
	v10 =	vadd.f32 v17, v13  }
0x5ae: {  	v8 =	vmul.f32 v18, v11;
	v11 =	vld [tilespmem:s28+$0xFFFFFE40]  }
0x5af: {  	v15 =	vadd.f32 v15, v16;
	v13 =	vld [tilespmem:s15+$0xFFFFFE40];
	v9 =	vadd.f32 v10, v9  }
0x5b0: {  	v10 =	vmul.f32 v12, v14;
	v12 =	vld [tilespmem:s28+$0xFFFFFE50]  }
0x5b1: {  	v14 =	vld [tilespmem:s15+$0xFFFFFE50];
	v15 =	vadd.f32 v9, v15  }
0x5b2: {  	v9 =	vmul.f32 v19, v20;
	v16 =	vld [tilespmem:s28+$0xFFFFFE60]  }
0x5b3: {  	v17 =	vld [tilespmem:s15+$0xFFFFFE60];
	v18 =	vperm.xlane v15, v0  }
0x5b4: {  	v11 =	vmul.f32 v13, v11;
	v13 =	vld [tilespmem:s28+$0xFFFFFE70];
	v9 =	vadd.f32 v9, v10  }
0x5b5: {  	v10 =	vld [tilespmem:s15+$0xFFFFFE70];
	v15 =	vadd.f32 v15, v18  }
0x5b6: {  	s26 =	sadd.s32 $0x80, s26;
	v12 =	vmul.f32 v14, v12;
	v14 =	vld [tilespmem:s28+$0xFFFFFE80]  }
0x5b7: {  	s25 =	simm.s32 $0x14080;
	v18 =	vld [tilespmem:s15+$0xFFFFFE80];
	[tilespmem:s26+$0x30] =	vst v15  }
0x5b8: {  	v15 =	vmul.f32 v17, v16;
	v11 =	vadd.f32 v12, v11;
	v12 =	vld [tilespmem:s28+$0xFFFFFE90]  }
0x5b9: {  	v16 =	vld [tilespmem:s15+$0xFFFFFE90]  }
0x5ba: {  	v10 =	vmul.f32 v10, v13;
	v13 =	vld [tilespmem:s28+$0xFFFFFEA0]  }
0x5bb: {  	v17 =	vld [tilespmem:s15+$0xFFFFFEA0]  }
0x5bc: {  	v10 =	vadd.f32 v10, v15;
	v14 =	vmul.f32 v18, v14;
	v15 =	vld [tilespmem:s28+$0xFFFFFEB0]  }
0x5bd: {  	v18 =	vld [tilespmem:s15+$0xFFFFFEB0]  }
0x5be: {  	v10 =	vadd.f32 v10, v11;
	v11 =	vmul.f32 v16, v12;
	v12 =	vld [tilespmem:s28+$0xFFFFFEC0]  }
0x5bf: {  	v16 =	vld [tilespmem:s15+$0xFFFFFEC0]  }
0x5c0: {  	v13 =	vmul.f32 v17, v13;
	v17 =	vld [tilespmem:s28+$0xFFFFFED0];
	v11 =	vadd.f32 v11, v14  }
0x5c1: {  	v14 =	vld [tilespmem:s15+$0xFFFFFED0]  }
0x5c2: {  	v15 =	vmul.f32 v18, v15;
	v18 =	vld [tilespmem:s28+$0xFFFFFEE0]  }
0x5c3: {  	v19 =	vld [tilespmem:s15+$0xFFFFFEE0]  }
0x5c4: {  	v12 =	vmul.f32 v16, v12;
	v16 =	vld [tilespmem:s28+$0xFFFFFEF0];
	v13 =	vadd.f32 v15, v13  }
0x5c5: {  	v15 =	vld [tilespmem:s15+$0xFFFFFEF0]  }
0x5c6: {  	v14 =	vmul.f32 v14, v17;
	v11 =	vadd.f32 v13, v11;
	v13 =	vld [tilespmem:s28+$0xFFFFFF00]  }
0x5c7: {  	v17 =	vld [tilespmem:s15+$0xFFFFFF00]  }
0x5c8: {  	v18 =	vmul.f32 v19, v18;
	v12 =	vadd.f32 v14, v12;
	v14 =	vld [tilespmem:s28+$0xFFFFFF10]  }
0x5c9: {  	v19 =	vld [tilespmem:s15+$0xFFFFFF10]  }
0x5ca: {  	v15 =	vmul.f32 v15, v16;
	v16 =	vld [tilespmem:s28+$0xFFFFFF20]  }
0x5cb: {  	v20 =	vld [tilespmem:s15+$0xFFFFFF20]  }
0x5cc: {  	v15 =	vadd.f32 v15, v18;
	v13 =	vmul.f32 v17, v13;
	v17 =	vld [tilespmem:s28+$0xFFFFFF30]  }
0x5cd: {  	v18 =	vld [tilespmem:s15+$0xFFFFFF30]  }
0x5ce: {  	v12 =	vadd.f32 v15, v12;
	v14 =	vmul.f32 v19, v14;
	v15 =	vld [tilespmem:s28+$0xFFFFFF40]  }
0x5cf: {  	v19 =	vld [tilespmem:s15+$0xFFFFFF40]  }
0x5d0: {  	v11 =	vadd.f32 v12, v11;
	v12 =	vmul.f32 v20, v16;
	v16 =	vld [tilespmem:s28+$0xFFFFFF50];
	v13 =	vadd.f32 v14, v13  }
0x5d1: {  	v14 =	vld [tilespmem:s15+$0xFFFFFF50]  }
0x5d2: {  	v20 =	vperm.xlane v11, v0;
	v17 =	vmul.f32 v18, v17;
	v18 =	vld [tilespmem:s28+$0xFFFFFF60]  }
0x5d3: {  	v21 =	vld [tilespmem:s15+$0xFFFFFF60]  }
0x5d4: {  	v11 =	vadd.f32 v11, v20;
	v15 =	vmul.f32 v19, v15;
	v19 =	vld [tilespmem:s28+$0xFFFFFF70];
	v12 =	vadd.f32 v17, v12  }
0x5d5: {  	v17 =	vld [tilespmem:s15+$0xFFFFFF70]  }
0x5d6: {  	[tilespmem:s26+$0xFFFFFFD0] =	vst v11;
	v11 =	vmul.f32 v14, v16;
	v12 =	vadd.f32 v12, v13;
	v13 =	vld [tilespmem:s28+$0xFFFFFF80]  }
0x5d7: {  	v14 =	vld [tilespmem:s15+$0xFFFFFF80]  }
0x5d8: {  	v16 =	vmul.f32 v21, v18;
	v11 =	vadd.f32 v11, v15;
	v15 =	vld [tilespmem:s28+$0xFFFFFF90]  }
0x5d9: {  	v18 =	vld [tilespmem:s15+$0xFFFFFF90]  }
0x5da: {  	v17 =	vmul.f32 v17, v19;
	v19 =	vld [tilespmem:s28+$0xFFFFFFA0]  }
0x5db: {  	v20 =	vld [tilespmem:s15+$0xFFFFFFA0]  }
0x5dc: {  	v16 =	vadd.f32 v17, v16;
	v13 =	vmul.f32 v14, v13;
	v14 =	vld [tilespmem:s28+$0xFFFFFFB0]  }
0x5dd: {  	v17 =	vld [tilespmem:s15+$0xFFFFFFB0]  }
0x5de: {  	v11 =	vadd.f32 v16, v11;
	v15 =	vmul.f32 v18, v15;
	v16 =	vld [tilespmem:s28+$0xFFFFFFC0]  }
0x5df: {  	v18 =	vld [tilespmem:s15+$0xFFFFFFC0]  }
0x5e0: {  	v11 =	vadd.f32 v11, v12;
	v12 =	vmul.f32 v20, v19;
	v19 =	vld [tilespmem:s28+$0xFFFFFFD0];
	v13 =	vadd.f32 v15, v13  }
0x5e1: {  	v15 =	vld [tilespmem:s15+$0xFFFFFFD0]  }
0x5e2: {  	v20 =	vperm.xlane v11, v0;
	v14 =	vmul.f32 v17, v14;
	v17 =	vld [tilespmem:s28+$0xFFFFFFE0]  }
0x5e3: {  	v21 =	vld [tilespmem:s15+$0xFFFFFFE0]  }
0x5e4: {  	v11 =	vadd.f32 v11, v20;
	v16 =	vmul.f32 v18, v16;
	v18 =	vld [tilespmem:s28+$0xFFFFFFF0];
	v12 =	vadd.f32 v14, v12  }
0x5e5: {  	v14 =	vld [tilespmem:s15+$0xFFFFFFF0]  }
0x5e6: {  	[tilespmem:s26+$0xFFFFFFE0] =	vst v11;
	v11 =	vmul.f32 v15, v19;
	v12 =	vadd.f32 v12, v13;
	v13 =	vld [tilespmem:s28+$0x0]  }
0x5e7: {  	v15 =	vld [tilespmem:s15+$0x0]  }
0x5e8: {  	v17 =	vmul.f32 v21, v17;
	v11 =	vadd.f32 v11, v16;
	v16 =	vld [tilespmem:s28+$0x10]  }
0x5e9: {  	v19 =	vld [tilespmem:s15+$0x10]  }
0x5ea: {  	v14 =	vmul.f32 v14, v18;
	v18 =	vld [tilespmem:s28+$0x20]  }
0x5eb: {  	v20 =	vld [tilespmem:s15+$0x20]  }
0x5ec: {  	v14 =	vadd.f32 v14, v17;
	v13 =	vmul.f32 v15, v13;
	v15 =	vld [tilespmem:s28+$0x30]  }
0x5ed: {  	v17 =	vld [tilespmem:s15+$0x30]  }
0x5ee: {  	v11 =	vadd.f32 v14, v11;
	v14 =	vmul.f32 v19, v16;
	v16 =	vld [tilespmem:s28+$0x40]  }
0x5ef: {  	v19 =	vld [tilespmem:s15+$0x40]  }
0x5f0: {  	v11 =	vadd.f32 v11, v12;
	v12 =	vmul.f32 v20, v18;
	v18 =	vld [tilespmem:s28+$0x50];
	v13 =	vadd.f32 v14, v13  }
0x5f1: {  	v14 =	vld [tilespmem:s15+$0x50]  }
0x5f2: {  	v20 =	vperm.xlane v11, v0;
	v15 =	vmul.f32 v17, v15;
	v17 =	vld [tilespmem:s28+$0x60]  }
0x5f3: {  	v21 =	vld [tilespmem:s15+$0x60]  }
0x5f4: {  	v11 =	vadd.f32 v11, v20;
	v16 =	vmul.f32 v19, v16;
	v19 =	vld [tilespmem:s28+$0x70];
	v12 =	vadd.f32 v15, v12  }
0x5f5: {  	v15 =	vld [tilespmem:s15+$0x70]  }
0x5f6: {  	[tilespmem:s26+$0xFFFFFFF0] =	vst v11;
	v11 =	vmul.f32 v14, v18;
	v12 =	vadd.f32 v12, v13;
	v13 =	vld [tilespmem:s28+$0x80]  }
0x5f7: {  	v14 =	vld [tilespmem:s15+$0x80]  }
0x5f8: {  	v17 =	vmul.f32 v21, v17;
	v11 =	vadd.f32 v11, v16;
	v16 =	vld [tilespmem:s28+$0x90]  }
0x5f9: {  	v18 =	vld [tilespmem:s15+$0x90]  }
0x5fa: {  	v15 =	vmul.f32 v15, v19;
	v19 =	vld [tilespmem:s28+$0xA0]  }
0x5fb: {  	v20 =	vld [tilespmem:s15+$0xA0]  }
0x5fc: {  	v15 =	vadd.f32 v15, v17;
	v13 =	vmul.f32 v14, v13;
	v14 =	vld [tilespmem:s28+$0xB0]  }
0x5fd: {  	v17 =	vld [tilespmem:s15+$0xB0]  }
0x5fe: {  	v11 =	vadd.f32 v15, v11;
	v15 =	vmul.f32 v18, v16;
	v16 =	vld [tilespmem:s28+$0xC0]  }
0x5ff: {  	v18 =	vld [tilespmem:s15+$0xC0]  }
0x600: {  	v11 =	vadd.f32 v11, v12;
	v12 =	vmul.f32 v20, v19;
	v19 =	vld [tilespmem:s28+$0xD0];
	v13 =	vadd.f32 v15, v13  }
0x601: {  	v15 =	vld [tilespmem:s15+$0xD0]  }
0x602: {  	v20 =	vperm.xlane v11, v0;
	v14 =	vmul.f32 v17, v14;
	v17 =	vld [tilespmem:s28+$0xE0]  }
0x603: {  	v21 =	vld [tilespmem:s15+$0xE0]  }
0x604: {  	v11 =	vadd.f32 v11, v20;
	v16 =	vmul.f32 v18, v16;
	v18 =	vld [tilespmem:s28+$0xF0];
	v12 =	vadd.f32 v14, v12  }
0x605: {  	v14 =	vld [tilespmem:s15+$0xF0]  }
0x606: {  	[tilespmem:s26+$0x0] =	vst v11;
	v11 =	vmul.f32 v15, v19;
	v12 =	vadd.f32 v12, v13;
	v13 =	vld [tilespmem:s28+$0x100]  }
0x607: {  	v15 =	vld [tilespmem:s15+$0x100]  }
0x608: {  	v17 =	vmul.f32 v21, v17;
	v11 =	vadd.f32 v11, v16;
	v16 =	vld [tilespmem:s28+$0x110]  }
0x609: {  	v19 =	vld [tilespmem:s15+$0x110]  }
0x60a: {  	v14 =	vmul.f32 v14, v18;
	v18 =	vld [tilespmem:s28+$0x120]  }
0x60b: {  	v20 =	vld [tilespmem:s15+$0x120]  }
0x60c: {  	v14 =	vadd.f32 v14, v17;
	v13 =	vmul.f32 v15, v13;
	v15 =	vld [tilespmem:s28+$0x130]  }
0x60d: {  	v17 =	vld [tilespmem:s15+$0x130]  }
0x60e: {  	v11 =	vadd.f32 v14, v11;
	v14 =	vmul.f32 v19, v16;
	v16 =	vld [tilespmem:s28+$0x140]  }
0x60f: {  	v19 =	vld [tilespmem:s15+$0x140]  }
0x610: {  	v11 =	vadd.f32 v11, v12;
	v18 =	vmul.f32 v20, v18;
	v20 =	vld [tilespmem:s28+$0x150];
	v21 =	vadd.f32 v14, v13  }
0x611: {  	v22 =	vld [tilespmem:s15+$0x150]  }
.Ltmp7:
0x612: {  	v14 =	vperm.xlane v11, v0;
	v15 =	vmul.f32 v17, v15;
	v12 =	vld [tilespmem:s28+$0x160];
	(pc) =	sbr.rel @p0 .LBB2_16-.Ltmp7, $4  }
0x613: {  	v13 =	vld [tilespmem:s15+$0x160]  }
0x614: {  	v11 =	vadd.f32 v11, v14;
	v16 =	vmul.f32 v19, v16;
	v14 =	vld [tilespmem:s28+$0x170];
	v19 =	vadd.f32 v15, v18  }
0x615: {  	v15 =	vld [tilespmem:s15+$0x170]  }
0x616: {  	v17 =	vld [tilespmem:s28+$0xFFFFFE00];
	[tilespmem:s26+$0x10] =	vst v11;
	v18 =	vmul.f32 v22, v20;
	v11 =	vadd.f32 v19, v21;
	s28 =	sadd.s32 $0x400, s28  }
0x617: {  	_ =	sdelay $0x2  }
0x618: {  	v12 =	vmul.f32 v13, v12;
	v46 =	vmul.f32 v15, v14  }
0x619: {  	v7 =	vmul.f32 v7, v17  }
0x61a: {  	v47 =	vadd.f32 v18, v16;
	v12 =	vadd.f32 v46, v12  }
0x61b: {  	v7 =	vadd.f32 v8, v7  }
0x61c: {  	v8 =	vadd.f32 v12, v47  }
0x61d: {  	v7 =	vadd.f32 v9, v7  }
0x61e: {  	v8 =	vadd.f32 v8, v11  }
0x61f: {  	v7 =	vadd.f32 v10, v7  }
0x620: {  	v9 =	vperm.xlane v8, v0  }
0x621: {  	v10 =	vperm.xlane v7, v0  }
0x622: {  	v8 =	vadd.f32 v8, v9  }
0x623: {  	v7 =	vadd.f32 v7, v10  }
0x624: {  	[tilespmem:s26+$0x20] =	vst v8  }
0x625: {  	[tilespmem:s26+$0xFFFFFFC0] =	vst v7  }
0x626: {  	v7 =	vld [tilespmem:s25+$0x20]  }
0x627: {  	v8 =	vld [tilespmem:s25+$0xFFFFFFA0]  }
0x628: {  	v9 =	vld [tilespmem:s25+$0x10]  }
0x629: {  	v10 =	vld [tilespmem:s25+$0xFFFFFF90]  }
0x62a: {  	v11 =	vld [tilespmem:s25+$0x30]  }
0x62b: {  	v48 =	vld [tilespmem:s25+$0xFFFFFFB0]  }
0x62c: {  	v49 =	vld [tilespmem:s25+$0x50]  }
0x62d: {  	v50 =	vld [tilespmem:s25+$0xFFFFFFD0]  }
0x62e: {  	v51 =	vld [tilespmem:s25+$0x70]  }
0x62f: {  	v52 =	vld [tilespmem:s25+$0xFFFFFFF0]  }
0x630: {  	v53 =	vld [tilespmem:s25+$0x60]  }
0x631: {  	v54 =	vld [tilespmem:s25+$0xFFFFFFE0]  }
0x632: {  	v55 =	vld [tilespmem:s25+$0xFFFFFF80]  }
0x633: {  	v57 =	vld [tilespmem:s25+$0x0];
	_ =	sdelay $0x1  }
0x634: {  	v19 =	vld [tilespmem:s25+$0x40];
	v7 =	vsel vm2, v8, v7  }
0x635: {  	v8 =	vld [tilespmem:s25+$0xFFFFFFC0];
	v9 =	vsel vm2, v10, v9;
	v10 =	vsel vm2, v48, v11;
	v11 =	vsel vm2, v50, v49  }
0x636: {  	v15 =	vsel vm2, v52, v51;
	v17 =	vsel vm2, v54, v53;
	v14 =	vperm.xlane v11, v2  }
0x637: {  	v12 =	vsel vm2, v55, v57;
	v20 =	vperm.xlane v9, v2;
	v58 =	vperm.xlane v15, v2  }
0x638: {  	v56 =	vperm.xlane v10, v2;
	v59 =	vperm.xlane v17, v2;
	v11 =	vadd.f32 v14, v11  }
0x639: {  	v60 =	vperm.xlane v7, v2;
	v9 =	vadd.f32 v20, v9;
	v15 =	vadd.f32 v58, v15  }
0x63a: {  	v13 =	vadd.f32 v59, v17;
	v11 =	vperm.xlane v11, v3;
	v8 =	vsel vm2, v8, v19  }
0x63b: {  	v10 =	vadd.f32 v56, v10;
	v15 =	vperm.xlane v15, v3;
	v61 =	vperm.xlane v8, v2  }
0x63c: {  	v7 =	vadd.f32 v60, v7;
	v13 =	vperm.xlane v13, v3;
	v9 =	vsel vm0, v9, v11  }
0x63d: {  	v11 =	vperm.xlane v12, v2;
	v10 =	vsel vm0, v10, v15;
	v8 =	vadd.f32 v61, v8  }
0x63e: {  	v7 =	vsel vm0, v7, v13;
	v15 =	vperm.xlane v10, v4  }
0x63f: {  	v62 =	vperm.xlane v9, v4;
	v11 =	vadd.f32 v11, v12;
	v8 =	vperm.xlane v8, v3  }
0x640: {  	v63 =	vperm.xlane v7, v4;
	v10 =	vadd.f32 v15, v10  }
0x641: {  	v9 =	vadd.f32 v62, v9;
	v8 =	vsel vm0, v11, v8  }
0x642: {  	v7 =	vadd.f32 v63, v7;
	v10 =	vperm.xlane v10, v5;
	v11 =	vperm.xlane v8, v4;
	_ =	sdelay $0x1  }
0x643: {  	v7 =	vperm.xlane v7, v5;
	v9 =	vsel vm1, v9, v10;
	v8 =	vadd.f32 v11, v8  }
0x644: {  	v10 =	vperm.xlane v9, v6  }
0x645: {  	v8 =	vsel vm1, v8, v7  }
0x646: {  	v7 =	vadd.f32 v10, v9;
	v9 =	vperm.xlane v8, v6;
	_ =	sdelay $0x1  }
0x647: {  	s2 =	simm.s32 $0x40;
	s15 =	simm.s32 $0x0;
	v7 =	vperm.xlane v7, v1;
	v8 =	vadd.f32 v9, v8  }
.LBB2_18:
0x648: {  	p0 =	sne.s32 s2, $0x240  }
0x649: {  	v7 =	vsel vm3, v8, v7;
	s25 =	sadd.s32 $0x100, s25;
	s8 =	smov.u32 s2;
	s2 =	sadd.s32 $0x40, s2  }
0x64a: {  	[tilespmem:s15+$0x17020] =	vst v7  }
0x64b: {  	v7 =	vld [tilespmem:s25+$0x20]  }
0x64c: {  	v8 =	vld [tilespmem:s25+$0xFFFFFFA0]  }
0x64d: {  	v9 =	vld [tilespmem:s25+$0x10]  }
0x64e: {  	v10 =	vld [tilespmem:s25+$0xFFFFFF90]  }
0x64f: {  	v11 =	vld [tilespmem:s25+$0x30]  }
0x650: {  	v12 =	vld [tilespmem:s25+$0xFFFFFFB0]  }
0x651: {  	v13 =	vld [tilespmem:s25+$0x50];
	v7 =	vsel vm2, v8, v7  }
0x652: {  	v8 =	vld [tilespmem:s25+$0xFFFFFFD0];
	v14 =	vperm.xlane v7, v2  }
0x653: {  	v15 =	vld [tilespmem:s25+$0x70];
	v9 =	vsel vm2, v10, v9  }
0x654: {  	v10 =	vld [tilespmem:s25+$0xFFFFFFF0];
	v7 =	vadd.f32 v14, v7;
	v14 =	vperm.xlane v9, v2  }
0x655: {  	v16 =	vld [tilespmem:s25+$0x60];
	v11 =	vsel vm2, v12, v11  }
0x656: {  	v12 =	vld [tilespmem:s25+$0xFFFFFFE0];
	v17 =	vperm.xlane v11, v2  }
0x657: {  	v18 =	vld [tilespmem:s25+$0x40];
	v8 =	vsel vm2, v8, v13  }
0x658: {  	v13 =	vld [tilespmem:s25+$0xFFFFFFC0];
	v19 =	vperm.xlane v8, v2;
	v11 =	vadd.f32 v17, v11  }
0x659: {  	v17 =	vld [tilespmem:s25+$0xFFFFFF80];
	v10 =	vsel vm2, v10, v15  }
0x65a: {  	v15 =	vld [tilespmem:s25+$0x0];
	v8 =	vadd.f32 v19, v8;
	v19 =	vperm.xlane v10, v2  }
0x65b: {  	v9 =	vadd.f32 v14, v9;
	v12 =	vsel vm2, v12, v16  }
0x65c: {  	v14 =	vperm.xlane v12, v2;
	v10 =	vadd.f32 v19, v10;
	v8 =	vperm.xlane v8, v3  }
0x65d: {  	v13 =	vsel vm2, v13, v18  }
0x65e: {  	v12 =	vadd.f32 v14, v12;
	v8 =	vsel vm0, v9, v8;
	v9 =	vperm.xlane v10, v3  }
0x65f: {  	v14 =	vperm.xlane v13, v2;
	v10 =	vsel vm2, v17, v15;
	v15 =	vperm.xlane v8, v4  }
0x660: {  	v16 =	vperm.xlane v10, v2;
	v12 =	vperm.xlane v12, v3;
	v9 =	vsel vm0, v11, v9  }
0x661: {  	v11 =	vadd.f32 v14, v13;
	v8 =	vadd.f32 v15, v8;
	v13 =	vperm.xlane v9, v4  }
0x662: {  	v10 =	vadd.f32 v16, v10;
	v7 =	vsel vm0, v7, v12  }
0x663: {  	v11 =	vperm.xlane v11, v3;
	v12 =	vperm.xlane v7, v4;
	v9 =	vadd.f32 v13, v9;
	_ =	sdelay $0x1  }
0x664: {  	v10 =	vsel vm0, v10, v11;
	v7 =	vadd.f32 v12, v7;
	v9 =	vperm.xlane v9, v5  }
0x665: {  	v11 =	vperm.xlane v10, v4  }
0x666: {  	v7 =	vperm.xlane v7, v5;
	v8 =	vsel vm1, v8, v9  }
0x667: {  	v9 =	vadd.f32 v11, v10;
	v10 =	vperm.xlane v8, v6;
	_ =	sdelay $0x1  }
.Ltmp8:
0x668: {  	v9 =	vsel vm1, v9, v7;
	v7 =	vadd.f32 v10, v8;
	(pc) =	sbr.rel @p0 .LBB2_18-.Ltmp8, $4  }
0x669: {  	v8 =	vperm.xlane v9, v6  }
0x66a: {  	v7 =	vperm.xlane v7, v1  }
0x66b: {  	v8 =	vadd.f32 v8, v9  }
0x66c: {  	s15 =	sshra.s32 s8, $0x2  }
0x66d: {  	v7 =	vsel vm3, v8, v7  }
0x66e: {  	[tilespmem:s15+$0x17020] =	vst v7  }
0x66f: {  	_ =	swait.ge [sflag:s21], $0x2800  }
0x670: {  	[sflag:s21] =	ssyncset.done $0x0  }
0x671: {  	[sflag:s21] =	ssyncadd.s32 $0xFFFFD800  }
0x672: {  	_ =	swait.ge [sflag:s22], $0x2800  }
0x673: {  	[sflag:s22] =	ssyncset.done $0x0  }
0x674: {  	s8 =	simm.s32 $0x200;
	[sflag:s22] =	ssyncadd.s32 $0xFFFFD800  }
0x675: {  	s15 =	simm.s32 $0x5200;
	v14 =	vld [tilespmem:s8+$0x180]  }
0x676: {  	v15 =	vld [tilespmem:s15+$0x180]  }
0x677: {  	v16 =	vld [tilespmem:s8+$0x190]  }
0x678: {  	v17 =	vld [tilespmem:s15+$0x190]  }
0x679: {  	v18 =	vld [tilespmem:s8+$0x1A0]  }
0x67a: {  	v19 =	vld [tilespmem:s15+$0x1A0]  }
0x67b: {  	v20 =	vld [tilespmem:s8+$0x1B0]  }
0x67c: {  	v21 =	vld [tilespmem:s15+$0x1B0]  }
0x67d: {  	v22 =	vld [tilespmem:s8+$0x1C0]  }
0x67e: {  	v23 =	vld [tilespmem:s15+$0x1C0]  }
0x67f: {  	v24 =	vld [tilespmem:s8+$0x1D0]  }
0x680: {  	v25 =	vld [tilespmem:s15+$0x1D0]  }
0x681: {  	v8 =	vld [tilespmem:s8+$0xFFFFFE10]  }
0x682: {  	v26 =	vld [tilespmem:s8+$0x1E0]  }
0x683: {  	v27 =	vld [tilespmem:s15+$0x1E0]  }
0x684: {  	v28 =	vld [tilespmem:s8+$0x1F0]  }
0x685: {  	v29 =	vld [tilespmem:s15+$0x1F0]  }
0x686: {  	v7 =	vld [tilespmem:s15+$0xFFFFFE00];
	[tilespmem:$0x1F960] =	vst v8  }
0x687: {  	v8 =	vld [tilespmem:s15+$0xFFFFFE10];
	_ =	sdelay $0x4  }
0x688: {  	[tilespmem:$0x1F970] =	vst v8  }
0x689: {  	v8 =	vld [tilespmem:s8+$0xFFFFFE20];
	_ =	sdelay $0x4  }
0x68a: {  	[tilespmem:$0x1F920] =	vst v8  }
0x68b: {  	v8 =	vld [tilespmem:s15+$0xFFFFFE20];
	_ =	sdelay $0x4  }
0x68c: {  	[tilespmem:$0x1F930] =	vst v8  }
0x68d: {  	v8 =	vld [tilespmem:s8+$0xFFFFFE30];
	_ =	sdelay $0x4  }
0x68e: {  	[tilespmem:$0x1F940] =	vst v8  }
0x68f: {  	v8 =	vld [tilespmem:s15+$0xFFFFFE30];
	_ =	sdelay $0x4  }
0x690: {  	[tilespmem:$0x1F950] =	vst v8  }
0x691: {  	v8 =	vld [tilespmem:s8+$0xFFFFFE40];
	_ =	sdelay $0x4  }
0x692: {  	[tilespmem:$0x1F7E0] =	vst v8  }
0x693: {  	v8 =	vld [tilespmem:s15+$0xFFFFFE40];
	_ =	sdelay $0x4  }
0x694: {  	[tilespmem:$0x1F7F0] =	vst v8  }
0x695: {  	v8 =	vld [tilespmem:s8+$0xFFFFFE50];
	_ =	sdelay $0x4  }
0x696: {  	[tilespmem:$0x1F800] =	vst v8  }
0x697: {  	v8 =	vld [tilespmem:s15+$0xFFFFFE50];
	_ =	sdelay $0x4  }
0x698: {  	[tilespmem:$0x1F810] =	vst v8  }
0x699: {  	v8 =	vld [tilespmem:s8+$0xFFFFFE60];
	_ =	sdelay $0x4  }
0x69a: {  	[tilespmem:$0x1F820] =	vst v8  }
0x69b: {  	v8 =	vld [tilespmem:s15+$0xFFFFFE60];
	_ =	sdelay $0x4  }
0x69c: {  	[tilespmem:$0x1F830] =	vst v8  }
0x69d: {  	v8 =	vld [tilespmem:s8+$0xFFFFFE70];
	_ =	sdelay $0x4  }
0x69e: {  	[tilespmem:$0x1F840] =	vst v8  }
0x69f: {  	v8 =	vld [tilespmem:s15+$0xFFFFFE70];
	_ =	sdelay $0x4  }
0x6a0: {  	[tilespmem:$0x1F850] =	vst v8  }
0x6a1: {  	v38 =	vld [tilespmem:s8+$0xFFFFFE80]  }
0x6a2: {  	v39 =	vld [tilespmem:s15+$0xFFFFFE80]  }
0x6a3: {  	v40 =	vld [tilespmem:s8+$0xFFFFFE90]  }
0x6a4: {  	v41 =	vld [tilespmem:s15+$0xFFFFFE90]  }
0x6a5: {  	v42 =	vld [tilespmem:s8+$0xFFFFFEA0]  }
0x6a6: {  	v43 =	vld [tilespmem:s15+$0xFFFFFEA0]  }
0x6a7: {  	v44 =	vld [tilespmem:s8+$0xFFFFFEB0]  }
0x6a8: {  	v45 =	vld [tilespmem:s15+$0xFFFFFEB0]  }
0x6a9: {  	v46 =	vld [tilespmem:s8+$0xFFFFFEC0]  }
0x6aa: {  	v47 =	vld [tilespmem:s15+$0xFFFFFEC0]  }
0x6ab: {  	v48 =	vld [tilespmem:s8+$0xFFFFFED0]  }
0x6ac: {  	v49 =	vld [tilespmem:s15+$0xFFFFFED0]  }
0x6ad: {  	v50 =	vld [tilespmem:s8+$0xFFFFFEE0]  }
0x6ae: {  	v51 =	vld [tilespmem:s15+$0xFFFFFEE0]  }
0x6af: {  	v52 =	vld [tilespmem:s8+$0xFFFFFEF0]  }
0x6b0: {  	v53 =	vld [tilespmem:s15+$0xFFFFFEF0]  }
0x6b1: {  	v54 =	vld [tilespmem:s8+$0xFFFFFF00]  }
0x6b2: {  	v55 =	vld [tilespmem:s15+$0xFFFFFF00]  }
0x6b3: {  	v56 =	vld [tilespmem:s8+$0xFFFFFF10]  }
0x6b4: {  	v8 =	vld [tilespmem:s8+$0xFFFFFF40]  }
0x6b5: {  	v57 =	vld [tilespmem:s15+$0xFFFFFF10]  }
0x6b6: {  	v58 =	vld [tilespmem:s8+$0xFFFFFF20]  }
0x6b7: {  	v59 =	vld [tilespmem:s15+$0xFFFFFF20]  }
0x6b8: {  	v60 =	vld [tilespmem:s8+$0xFFFFFF30]  }
0x6b9: {  	v61 =	vld [tilespmem:s15+$0xFFFFFF30];
	[tilespmem:$0x1F860] =	vst v8  }
0x6ba: {  	v9 =	vld [tilespmem:s8+$0xFFFFFF60];
	_ =	sdelay $0x2  }
0x6bb: {  	v63 =	vld [tilespmem:s15+$0xFFFFFF40]  }
0x6bc: {  	v37 =	vld [tilespmem:s8+$0xFFFFFF50]  }
0x6bd: {  	v8 =	vld [tilespmem:s15+$0xFFFFFF50];
	[tilespmem:$0x1F870] =	vst v9  }
0x6be: {  	v10 =	vld [tilespmem:s8+$0xFFFFFF80];
	_ =	sdelay $0x2  }
0x6bf: {  	v31 =	vld [tilespmem:s15+$0xFFFFFF60]  }
0x6c0: {  	v34 =	vld [tilespmem:s8+$0xFFFFFF70]  }
0x6c1: {  	v9 =	vld [tilespmem:s15+$0xFFFFFF70];
	[tilespmem:$0x1F880] =	vst v10  }
0x6c2: {  	v10 =	vld [tilespmem:s15+$0xFFFFFF80];
	_ =	sdelay $0x4  }
0x6c3: {  	[tilespmem:$0x1F890] =	vst v10  }
0x6c4: {  	v10 =	vld [tilespmem:s8+$0xFFFFFF90];
	_ =	sdelay $0x4  }
0x6c5: {  	[tilespmem:$0x1F8A0] =	vst v10  }
0x6c6: {  	v11 =	vld [tilespmem:s8+$0xFFFFFFA0];
	_ =	sdelay $0x4  }
0x6c7: {  	v10 =	vld [tilespmem:s15+$0xFFFFFF90];
	[tilespmem:$0x1F8B0] =	vst v11  }
0x6c8: {  	v12 =	vld [tilespmem:s8+$0xFFFFFFC0];
	_ =	sdelay $0x2  }
0x6c9: {  	v32 =	vld [tilespmem:s15+$0xFFFFFFA0]  }
0x6ca: {  	v33 =	vld [tilespmem:s8+$0xFFFFFFB0]  }
0x6cb: {  	v11 =	vld [tilespmem:s15+$0xFFFFFFB0];
	[tilespmem:$0x1F8C0] =	vst v12  }
0x6cc: {  	v13 =	vld [tilespmem:s8+$0xFFFFFFE0];
	_ =	sdelay $0x2  }
0x6cd: {  	v35 =	vld [tilespmem:s15+$0xFFFFFFC0]  }
0x6ce: {  	v36 =	vld [tilespmem:s8+$0xFFFFFFD0]  }
0x6cf: {  	v12 =	vld [tilespmem:s15+$0xFFFFFFD0];
	[tilespmem:$0x1F8D0] =	vst v13  }
0x6d0: {  	v13 =	vld [tilespmem:s8+$0xFFFFFFF0];
	_ =	sdelay $0x4  }
0x6d1: {  	v62 =	vld [tilespmem:s15+$0xFFFFFFE0];
	[tilespmem:$0x1F8E0] =	vst v13  }
0x6d2: {  	v30 =	vld [tilespmem:s8+$0x0];
	_ =	sdelay $0x4  }
0x6d3: {  	v14 =	vmul.f32 v15, v14;
	v16 =	vmul.f32 v17, v16;
	v13 =	vld [tilespmem:s15+$0xFFFFFFF0];
	[tilespmem:$0x1F8F0] =	vst v30  }
0x6d4: {  	v17 =	vmul.f32 v19, v18;
	v19 =	vmul.f32 v21, v20;
	v30 =	vld [tilespmem:s15+$0x0];
	_ =	sdelay $0x1  }
0x6d5: {  	v14 =	vadd.f32 v16, v14;
	v16 =	vadd.f32 v19, v17  }
0x6d6: {  	v20 =	vmul.f32 v23, v22;
	v22 =	vmul.f32 v25, v24  }
0x6d7: {  	v14 =	vadd.f32 v16, v14;
	v16 =	vmul.f32 v47, v46;
	v46 =	vld [tilespmem:$0x1F7F0]  }
0x6d8: {  	v19 =	vadd.f32 v22, v20;
	v20 =	vmul.f32 v39, v38;
	v47 =	vld [tilespmem:$0x1F800];
	[tilespmem:$0x1F900] =	vst v30  }
0x6d9: {  	v22 =	vmul.f32 v41, v40;
	v25 =	vmul.f32 v43, v42;
	v30 =	vld [tilespmem:s8+$0x10]  }
0x6da: {  	v45 =	vmul.f32 v45, v44;
	v49 =	vmul.f32 v49, v48;
	v48 =	vld [tilespmem:$0x1F810]  }
0x6db: {  	v51 =	vmul.f32 v51, v50;
	v50 =	vld [tilespmem:$0x1F820];
	v59 =	vmul.f32 v59, v58  }
0x6dc: {  	v61 =	vmul.f32 v61, v60;
	v20 =	vadd.f32 v22, v20;
	v44 =	vadd.f32 v45, v25;
	v45 =	vld [tilespmem:$0x1F7E0]  }
0x6dd: {  	v55 =	vmul.f32 v55, v54;
	v54 =	vld [tilespmem:$0x1F8B0]  }
0x6de: {  	v20 =	vadd.f32 v44, v20;
	v44 =	vadd.f32 v61, v59;
	v59 =	vld [tilespmem:$0x1F8E0];
	[tilespmem:$0x1F910] =	vst v30  }
0x6df: {  	v15 =	vld [tilespmem:s15+$0x10]  }
0x6e0: {  	v18 =	vld [tilespmem:s8+$0x20]  }
0x6e1: {  	v21 =	vld [tilespmem:s15+$0x20]  }
0x6e2: {  	v24 =	vld [tilespmem:s8+$0x30]  }
0x6e3: {  	v17 =	vld [tilespmem:s15+$0x30]  }
0x6e4: {  	v23 =	vmul.f32 v27, v26;
	v26 =	vld [tilespmem:s8+$0x40]  }
0x6e5: {  	v30 =	vmul.f32 v29, v28;
	v28 =	vld [tilespmem:s15+$0x40]  }
0x6e6: {  	v38 =	vld [tilespmem:s8+$0x50]  }
0x6e7: {  	v40 =	vld [tilespmem:s15+$0x50]  }
0x6e8: {  	v25 =	vld [tilespmem:s8+$0x60]  }
0x6e9: {  	v27 =	vld [tilespmem:s15+$0x60]  }
0x6ea: {  	v22 =	vld [tilespmem:s15+$0x70]  }
0x6eb: {  	v41 =	vld [tilespmem:s8+$0x80]  }
0x6ec: {  	v29 =	vmul.f32 v46, v45;
	v45 =	vld [tilespmem:s8+$0x90]  }
0x6ed: {  	v56 =	vmul.f32 v57, v56;
	v8 =	vmul.f32 v8, v37;
	v37 =	vld [tilespmem:s15+$0xA0]  }
0x6ee: {  	v9 =	vmul.f32 v9, v34;
	v34 =	vld [tilespmem:s8+$0xB0]  }
0x6ef: {  	v39 =	vadd.f32 v56, v55;
	v55 =	vld [tilespmem:s8+$0xC0]  }
0x6f0: {  	v58 =	vld [tilespmem:s15+$0xC0]  }
0x6f1: {  	v23 =	vadd.f32 v30, v23;
	v30 =	vmul.f32 v53, v52;
	v52 =	vld [tilespmem:$0x1F840]  }
0x6f2: {  	v53 =	vld [tilespmem:$0x1F850]  }
0x6f3: {  	v19 =	vadd.f32 v23, v19;
	v23 =	vadd.f32 v30, v51;
	v51 =	vld [tilespmem:$0x1F830]  }
0x6f4: {  	v60 =	vld [tilespmem:s8+$0xD0]  }
0x6f5: {  	v16 =	vadd.f32 v49, v16;
	v61 =	vld [tilespmem:s15+$0xD0];
	v14 =	vadd.f32 v19, v14  }
0x6f6: {  	v19 =	vld [tilespmem:s8+$0x70]  }
0x6f7: {  	v16 =	vadd.f32 v23, v16;
	v23 =	vmul.f32 v48, v47;
	v47 =	vld [tilespmem:s8+$0xA0];
	v49 =	vperm.xlane v14, v0  }
0x6f8: {  	v43 =	vmul.f32 v53, v52;
	v52 =	vld [tilespmem:$0x1F8A0];
	v42 =	vmul.f32 v51, v50  }
0x6f9: {  	v14 =	vadd.f32 v14, v49;
	v49 =	vld [tilespmem:$0x1F870]  }
0x6fa: {  	v23 =	vadd.f32 v23, v29;
	v29 =	vadd.f32 v43, v42;
	v42 =	vld [tilespmem:$0x1F860]  }
0x6fb: {  	v53 =	vld [tilespmem:s15+$0xB0]  }
0x6fc: {  	v16 =	vadd.f32 v16, v20;
	v20 =	vld [tilespmem:s15+$0x80]  }
0x6fd: {  	v50 =	vld [tilespmem:$0x1F880]  }
0x6fe: {  	v51 =	vld [tilespmem:$0x1F890];
	v57 =	vperm.xlane v16, v0  }
0x6ff: {  	v43 =	vld [tilespmem:s15+$0x90];
	v31 =	vmul.f32 v31, v49;
	v48 =	vmul.f32 v63, v42  }
0x700: {  	v16 =	vadd.f32 v16, v57;
	v57 =	vld [tilespmem:$0x1F8C0]  }
0x701: {  	v10 =	vmul.f32 v10, v52;
	v52 =	vld [tilespmem:s8+$0x110];
	v9 =	vadd.f32 v9, v31;
	v8 =	vadd.f32 v8, v48  }
0x702: {  	v11 =	vmul.f32 v11, v33;
	v49 =	vld [tilespmem:s8+$0x100]  }
0x703: {  	v42 =	vmul.f32 v51, v50;
	v31 =	vmul.f32 v32, v54;
	v8 =	vadd.f32 v9, v8;
	v9 =	vld [tilespmem:$0x1F8D0]  }
0x704: {  	v63 =	vld [tilespmem:$0x1F910]  }
0x705: {  	v50 =	vld [tilespmem:s15+$0x100];
	v10 =	vadd.f32 v10, v42;
	v11 =	vadd.f32 v11, v31  }
0x706: {  	v51 =	vmul.f32 v53, v34;
	v53 =	vmul.f32 v58, v55;
	v55 =	vld [tilespmem:s15+$0x110]  }
0x707: {  	v12 =	vmul.f32 v12, v36;
	v13 =	vmul.f32 v13, v59;
	v10 =	vadd.f32 v11, v10;
	v11 =	vld [tilespmem:$0x1F8F0]  }
0x708: {  	v35 =	vmul.f32 v35, v57;
	v9 =	vmul.f32 v62, v9;
	v62 =	vld [tilespmem:$0x1F900]  }
0x709: {  	v56 =	vadd.f32 v44, v39;
	v17 =	vmul.f32 v17, v24;
	v44 =	vmul.f32 v28, v26;
	v42 =	vld [tilespmem:s15+$0xE0]  }
0x70a: {  	v54 =	vmul.f32 v61, v60;
	v48 =	vld [tilespmem:s15+$0xF0];
	v12 =	vadd.f32 v12, v35;
	v9 =	vadd.f32 v13, v9  }
0x70b: {  	v46 =	vmul.f32 v40, v38;
	v19 =	vmul.f32 v22, v19;
	v13 =	vld [tilespmem:s8+$0xE0]  }
0x70c: {  	v24 =	vadd.f32 v54, v53;
	v9 =	vadd.f32 v9, v12;
	v12 =	vmul.f32 v21, v18;
	v18 =	vld [tilespmem:s8+$0xF0]  }
0x70d: {  	v58 =	vld [tilespmem:s15+$0x140];
	v15 =	vmul.f32 v15, v63;
	v8 =	vadd.f32 v8, v56;
	v11 =	vmul.f32 v62, v11  }
0x70e: {  	v57 =	vld [tilespmem:$0x1F930];
	v21 =	vadd.f32 v46, v44;
	v9 =	vadd.f32 v9, v10;
	v10 =	vmul.f32 v27, v25  }
0x70f: {  	v61 =	vld [tilespmem:s8+$0x150];
	v11 =	vadd.f32 v15, v11;
	v15 =	vmul.f32 v20, v41;
	v20 =	vmul.f32 v43, v45  }
0x710: {  	v12 =	vadd.f32 v17, v12;
	v17 =	vmul.f32 v37, v47;
	v10 =	vadd.f32 v19, v10;
	v19 =	vld [tilespmem:s8+$0x120]  }
0x711: {  	v13 =	vmul.f32 v42, v13;
	v18 =	vmul.f32 v48, v18;
	v15 =	vadd.f32 v20, v15;
	v20 =	vld [tilespmem:s15+$0x120]  }
0x712: {  	v56 =	vld [tilespmem:$0x1F920];
	v60 =	vperm.xlane v9, v0;
	v11 =	vadd.f32 v12, v11;
	v10 =	vadd.f32 v10, v21  }
0x713: {  	s26 =	simm.s32 $0x14040;
	v17 =	vadd.f32 v51, v17;
	v12 =	vld [tilespmem:s15+$0x130];
	v13 =	vadd.f32 v18, v13  }
0x714: {  	[tilespmem:s26+$0x30] =	vst v14;
	v9 =	vadd.f32 v9, v60;
	v18 =	vld [tilespmem:s8+$0x130];
	v10 =	vadd.f32 v10, v11;
	v11 =	vperm.xlane v8, v0  }
0x715: {  	[tilespmem:s26+$0xFFFFFFD0] =	vst v16;
	v15 =	vadd.f32 v17, v15;
	v17 =	vld [tilespmem:s8+$0x140];
	v13 =	vadd.f32 v13, v24  }
0x716: {  	v8 =	vadd.f32 v8, v11;
	v14 =	vmul.f32 v20, v19;
	v20 =	vld [tilespmem:$0x1F950]  }
0x717: {  	v15 =	vadd.f32 v13, v15;
	v13 =	vld [tilespmem:$0x1F940];
	[tilespmem:s26+$0xFFFFFFF0] =	vst v9  }
0x718: {  	v19 =	vld [tilespmem:s15+$0x150];
	[tilespmem:s26+$0xFFFFFFE0] =	vst v8  }
0x719: {  	v22 =	vmul.f32 v50, v49;
	v8 =	vld [tilespmem:$0x1F960]  }
0x71a: {  	v59 =	vmul.f32 v55, v52;
	v11 =	vperm.xlane v10, v0;
	v9 =	vld [tilespmem:$0x1F970]  }
0x71b: {  	v18 =	vmul.f32 v12, v18;
	v12 =	vld [tilespmem:s8+$0x160];
	v16 =	vperm.xlane v15, v0  }
0x71c: {  	v22 =	vadd.f32 v59, v22;
	v11 =	vadd.f32 v10, v11;
	v20 =	vmul.f32 v20, v13;
	v13 =	vld [tilespmem:s15+$0x160]  }
0x71d: {  	v21 =	vmul.f32 v57, v56;
	v63 =	vadd.f32 v18, v14;
	v14 =	vld [tilespmem:s8+$0x170];
	v62 =	vadd.f32 v15, v16  }
0x71e: {  	v10 =	vadd.f32 v29, v23;
	[tilespmem:s26+$0x0] =	vst v11;
	v15 =	vld [tilespmem:s15+$0x170];
	v16 =	vmul.f32 v58, v17;
	v18 =	vmul.f32 v19, v61  }
0x71f: {  	s2 =	simm.s32 $0x0;
	s28 =	simm.s32 $0x600;
	v17 =	vld [tilespmem:s8+$0xFFFFFE00];
	v11 =	vadd.f32 v63, v22;
	[tilespmem:s26+$0x10] =	vst v62;
	v8 =	vmul.f32 v9, v8;
	v9 =	vadd.f32 v20, v21  }
.LBB2_20:
0x720: {  	v19 =	vld [tilespmem:s28+$0x180];
	s15 =	sadd.s32 $0x400, s15  }
0x721: {  	v20 =	vld [tilespmem:s15+$0x180];
	v12 =	vmul.f32 v13, v12;
	v13 =	vadd.f32 v18, v16  }
0x722: {  	v16 =	vld [tilespmem:s28+$0x190]  }
0x723: {  	v18 =	vld [tilespmem:s15+$0x190];
	v14 =	vmul.f32 v15, v14  }
0x724: {  	v15 =	vld [tilespmem:s28+$0x1A0];
	v7 =	vmul.f32 v7, v17  }
0x725: {  	v17 =	vld [tilespmem:s15+$0x1A0];
	v12 =	vadd.f32 v14, v12  }
0x726: {  	v14 =	vld [tilespmem:s28+$0x1B0];
	v7 =	vadd.f32 v8, v7  }
0x727: {  	v8 =	vld [tilespmem:s15+$0x1B0];
	v12 =	vadd.f32 v12, v13  }
0x728: {  	v13 =	vld [tilespmem:s28+$0x1C0];
	v7 =	vadd.f32 v9, v7  }
0x729: {  	v9 =	vld [tilespmem:s15+$0x1C0];
	v11 =	vadd.f32 v12, v11  }
0x72a: {  	v12 =	vld [tilespmem:s28+$0x1D0];
	v7 =	vadd.f32 v10, v7  }
0x72b: {  	v10 =	vld [tilespmem:s15+$0x1D0];
	v21 =	vperm.xlane v11, v0  }
0x72c: {  	v22 =	vld [tilespmem:s28+$0x1E0];
	v23 =	vperm.xlane v7, v0  }
0x72d: {  	v24 =	vld [tilespmem:s15+$0x1E0];
	v11 =	vadd.f32 v11, v21  }
0x72e: {  	v21 =	vld [tilespmem:s28+$0x1F0];
	v23 =	vadd.f32 v7, v23  }
0x72f: {  	s2 =	sadd.s32 $0x8, s2;
	v25 =	vld [tilespmem:s15+$0x1F0];
	[tilespmem:s26+$0x20] =	vst v11  }
0x730: {  	p0 =	slt.u32 s2, $0x48;
	v7 =	vld [tilespmem:s15+$0xFFFFFE00];
	[tilespmem:s26+$0xFFFFFFC0] =	vst v23  }
0x731: {  	v19 =	vmul.f32 v20, v19;
	v16 =	vmul.f32 v18, v16;
	v11 =	vld [tilespmem:s28+$0xFFFFFE10]  }
0x732: {  	v15 =	vmul.f32 v17, v15;
	v8 =	vmul.f32 v8, v14;
	v18 =	vld [tilespmem:s15+$0xFFFFFE10]  }
0x733: {  	v9 =	vmul.f32 v9, v13;
	v10 =	vmul.f32 v10, v12;
	v14 =	vld [tilespmem:s28+$0xFFFFFE20]  }
0x734: {  	v13 =	vmul.f32 v24, v22;
	v12 =	vld [tilespmem:s15+$0xFFFFFE20];
	v17 =	vmul.f32 v25, v21  }
0x735: {  	v16 =	vadd.f32 v16, v19;
	v15 =	vadd.f32 v8, v15;
	v20 =	vld [tilespmem:s28+$0xFFFFFE30]  }
0x736: {  	v9 =	vadd.f32 v10, v9;
	v19 =	vld [tilespmem:s15+$0xFFFFFE30];
	v10 =	vadd.f32 v17, v13  }
0x737: {  	v8 =	vmul.f32 v18, v11;
	v11 =	vld [tilespmem:s28+$0xFFFFFE40]  }
0x738: {  	v15 =	vadd.f32 v15, v16;
	v13 =	vld [tilespmem:s15+$0xFFFFFE40];
	v9 =	vadd.f32 v10, v9  }
0x739: {  	v10 =	vmul.f32 v12, v14;
	v12 =	vld [tilespmem:s28+$0xFFFFFE50]  }
0x73a: {  	v14 =	vld [tilespmem:s15+$0xFFFFFE50];
	v15 =	vadd.f32 v9, v15  }
0x73b: {  	v9 =	vmul.f32 v19, v20;
	v16 =	vld [tilespmem:s28+$0xFFFFFE60]  }
0x73c: {  	v17 =	vld [tilespmem:s15+$0xFFFFFE60];
	v18 =	vperm.xlane v15, v0  }
0x73d: {  	v11 =	vmul.f32 v13, v11;
	v13 =	vld [tilespmem:s28+$0xFFFFFE70];
	v9 =	vadd.f32 v9, v10  }
0x73e: {  	v10 =	vld [tilespmem:s15+$0xFFFFFE70];
	v15 =	vadd.f32 v15, v18  }
0x73f: {  	s26 =	sadd.s32 $0x80, s26;
	v12 =	vmul.f32 v14, v12;
	v14 =	vld [tilespmem:s28+$0xFFFFFE80]  }
0x740: {  	s25 =	simm.s32 $0x14080;
	v18 =	vld [tilespmem:s15+$0xFFFFFE80];
	[tilespmem:s26+$0x30] =	vst v15  }
0x741: {  	v15 =	vmul.f32 v17, v16;
	v11 =	vadd.f32 v12, v11;
	v12 =	vld [tilespmem:s28+$0xFFFFFE90]  }
0x742: {  	v16 =	vld [tilespmem:s15+$0xFFFFFE90]  }
0x743: {  	v10 =	vmul.f32 v10, v13;
	v13 =	vld [tilespmem:s28+$0xFFFFFEA0]  }
0x744: {  	v17 =	vld [tilespmem:s15+$0xFFFFFEA0]  }
0x745: {  	v10 =	vadd.f32 v10, v15;
	v14 =	vmul.f32 v18, v14;
	v15 =	vld [tilespmem:s28+$0xFFFFFEB0]  }
0x746: {  	v18 =	vld [tilespmem:s15+$0xFFFFFEB0]  }
0x747: {  	v10 =	vadd.f32 v10, v11;
	v11 =	vmul.f32 v16, v12;
	v12 =	vld [tilespmem:s28+$0xFFFFFEC0]  }
0x748: {  	v16 =	vld [tilespmem:s15+$0xFFFFFEC0]  }
0x749: {  	v13 =	vmul.f32 v17, v13;
	v17 =	vld [tilespmem:s28+$0xFFFFFED0];
	v11 =	vadd.f32 v11, v14  }
0x74a: {  	v14 =	vld [tilespmem:s15+$0xFFFFFED0]  }
0x74b: {  	v15 =	vmul.f32 v18, v15;
	v18 =	vld [tilespmem:s28+$0xFFFFFEE0]  }
0x74c: {  	v19 =	vld [tilespmem:s15+$0xFFFFFEE0]  }
0x74d: {  	v12 =	vmul.f32 v16, v12;
	v16 =	vld [tilespmem:s28+$0xFFFFFEF0];
	v13 =	vadd.f32 v15, v13  }
0x74e: {  	v15 =	vld [tilespmem:s15+$0xFFFFFEF0]  }
0x74f: {  	v14 =	vmul.f32 v14, v17;
	v11 =	vadd.f32 v13, v11;
	v13 =	vld [tilespmem:s28+$0xFFFFFF00]  }
0x750: {  	v17 =	vld [tilespmem:s15+$0xFFFFFF00]  }
0x751: {  	v18 =	vmul.f32 v19, v18;
	v12 =	vadd.f32 v14, v12;
	v14 =	vld [tilespmem:s28+$0xFFFFFF10]  }
0x752: {  	v19 =	vld [tilespmem:s15+$0xFFFFFF10]  }
0x753: {  	v15 =	vmul.f32 v15, v16;
	v16 =	vld [tilespmem:s28+$0xFFFFFF20]  }
0x754: {  	v20 =	vld [tilespmem:s15+$0xFFFFFF20]  }
0x755: {  	v15 =	vadd.f32 v15, v18;
	v13 =	vmul.f32 v17, v13;
	v17 =	vld [tilespmem:s28+$0xFFFFFF30]  }
0x756: {  	v18 =	vld [tilespmem:s15+$0xFFFFFF30]  }
0x757: {  	v12 =	vadd.f32 v15, v12;
	v14 =	vmul.f32 v19, v14;
	v15 =	vld [tilespmem:s28+$0xFFFFFF40]  }
0x758: {  	v19 =	vld [tilespmem:s15+$0xFFFFFF40]  }
0x759: {  	v11 =	vadd.f32 v12, v11;
	v12 =	vmul.f32 v20, v16;
	v16 =	vld [tilespmem:s28+$0xFFFFFF50];
	v13 =	vadd.f32 v14, v13  }
0x75a: {  	v14 =	vld [tilespmem:s15+$0xFFFFFF50]  }
0x75b: {  	v20 =	vperm.xlane v11, v0;
	v17 =	vmul.f32 v18, v17;
	v18 =	vld [tilespmem:s28+$0xFFFFFF60]  }
0x75c: {  	v21 =	vld [tilespmem:s15+$0xFFFFFF60]  }
0x75d: {  	v11 =	vadd.f32 v11, v20;
	v15 =	vmul.f32 v19, v15;
	v19 =	vld [tilespmem:s28+$0xFFFFFF70];
	v12 =	vadd.f32 v17, v12  }
0x75e: {  	v17 =	vld [tilespmem:s15+$0xFFFFFF70]  }
0x75f: {  	[tilespmem:s26+$0xFFFFFFD0] =	vst v11;
	v11 =	vmul.f32 v14, v16;
	v12 =	vadd.f32 v12, v13;
	v13 =	vld [tilespmem:s28+$0xFFFFFF80]  }
0x760: {  	v14 =	vld [tilespmem:s15+$0xFFFFFF80]  }
0x761: {  	v16 =	vmul.f32 v21, v18;
	v11 =	vadd.f32 v11, v15;
	v15 =	vld [tilespmem:s28+$0xFFFFFF90]  }
0x762: {  	v18 =	vld [tilespmem:s15+$0xFFFFFF90]  }
0x763: {  	v17 =	vmul.f32 v17, v19;
	v19 =	vld [tilespmem:s28+$0xFFFFFFA0]  }
0x764: {  	v20 =	vld [tilespmem:s15+$0xFFFFFFA0]  }
0x765: {  	v16 =	vadd.f32 v17, v16;
	v13 =	vmul.f32 v14, v13;
	v14 =	vld [tilespmem:s28+$0xFFFFFFB0]  }
0x766: {  	v17 =	vld [tilespmem:s15+$0xFFFFFFB0]  }
0x767: {  	v11 =	vadd.f32 v16, v11;
	v15 =	vmul.f32 v18, v15;
	v16 =	vld [tilespmem:s28+$0xFFFFFFC0]  }
0x768: {  	v18 =	vld [tilespmem:s15+$0xFFFFFFC0]  }
0x769: {  	v11 =	vadd.f32 v11, v12;
	v12 =	vmul.f32 v20, v19;
	v19 =	vld [tilespmem:s28+$0xFFFFFFD0];
	v13 =	vadd.f32 v15, v13  }
0x76a: {  	v15 =	vld [tilespmem:s15+$0xFFFFFFD0]  }
0x76b: {  	v20 =	vperm.xlane v11, v0;
	v14 =	vmul.f32 v17, v14;
	v17 =	vld [tilespmem:s28+$0xFFFFFFE0]  }
0x76c: {  	v21 =	vld [tilespmem:s15+$0xFFFFFFE0]  }
0x76d: {  	v11 =	vadd.f32 v11, v20;
	v16 =	vmul.f32 v18, v16;
	v18 =	vld [tilespmem:s28+$0xFFFFFFF0];
	v12 =	vadd.f32 v14, v12  }
0x76e: {  	v14 =	vld [tilespmem:s15+$0xFFFFFFF0]  }
0x76f: {  	[tilespmem:s26+$0xFFFFFFE0] =	vst v11;
	v11 =	vmul.f32 v15, v19;
	v12 =	vadd.f32 v12, v13;
	v13 =	vld [tilespmem:s28+$0x0]  }
0x770: {  	v15 =	vld [tilespmem:s15+$0x0]  }
0x771: {  	v17 =	vmul.f32 v21, v17;
	v11 =	vadd.f32 v11, v16;
	v16 =	vld [tilespmem:s28+$0x10]  }
0x772: {  	v19 =	vld [tilespmem:s15+$0x10]  }
0x773: {  	v14 =	vmul.f32 v14, v18;
	v18 =	vld [tilespmem:s28+$0x20]  }
0x774: {  	v20 =	vld [tilespmem:s15+$0x20]  }
0x775: {  	v14 =	vadd.f32 v14, v17;
	v13 =	vmul.f32 v15, v13;
	v15 =	vld [tilespmem:s28+$0x30]  }
0x776: {  	v17 =	vld [tilespmem:s15+$0x30]  }
0x777: {  	v11 =	vadd.f32 v14, v11;
	v14 =	vmul.f32 v19, v16;
	v16 =	vld [tilespmem:s28+$0x40]  }
0x778: {  	v19 =	vld [tilespmem:s15+$0x40]  }
0x779: {  	v11 =	vadd.f32 v11, v12;
	v12 =	vmul.f32 v20, v18;
	v18 =	vld [tilespmem:s28+$0x50];
	v13 =	vadd.f32 v14, v13  }
0x77a: {  	v14 =	vld [tilespmem:s15+$0x50]  }
0x77b: {  	v20 =	vperm.xlane v11, v0;
	v15 =	vmul.f32 v17, v15;
	v17 =	vld [tilespmem:s28+$0x60]  }
0x77c: {  	v21 =	vld [tilespmem:s15+$0x60]  }
0x77d: {  	v11 =	vadd.f32 v11, v20;
	v16 =	vmul.f32 v19, v16;
	v19 =	vld [tilespmem:s28+$0x70];
	v12 =	vadd.f32 v15, v12  }
0x77e: {  	v15 =	vld [tilespmem:s15+$0x70]  }
0x77f: {  	[tilespmem:s26+$0xFFFFFFF0] =	vst v11;
	v11 =	vmul.f32 v14, v18;
	v12 =	vadd.f32 v12, v13;
	v13 =	vld [tilespmem:s28+$0x80]  }
0x780: {  	v14 =	vld [tilespmem:s15+$0x80]  }
0x781: {  	v17 =	vmul.f32 v21, v17;
	v11 =	vadd.f32 v11, v16;
	v16 =	vld [tilespmem:s28+$0x90]  }
0x782: {  	v18 =	vld [tilespmem:s15+$0x90]  }
0x783: {  	v15 =	vmul.f32 v15, v19;
	v19 =	vld [tilespmem:s28+$0xA0]  }
0x784: {  	v20 =	vld [tilespmem:s15+$0xA0]  }
0x785: {  	v15 =	vadd.f32 v15, v17;
	v13 =	vmul.f32 v14, v13;
	v14 =	vld [tilespmem:s28+$0xB0]  }
0x786: {  	v17 =	vld [tilespmem:s15+$0xB0]  }
0x787: {  	v11 =	vadd.f32 v15, v11;
	v15 =	vmul.f32 v18, v16;
	v16 =	vld [tilespmem:s28+$0xC0]  }
0x788: {  	v18 =	vld [tilespmem:s15+$0xC0]  }
0x789: {  	v11 =	vadd.f32 v11, v12;
	v12 =	vmul.f32 v20, v19;
	v19 =	vld [tilespmem:s28+$0xD0];
	v13 =	vadd.f32 v15, v13  }
0x78a: {  	v15 =	vld [tilespmem:s15+$0xD0]  }
0x78b: {  	v20 =	vperm.xlane v11, v0;
	v14 =	vmul.f32 v17, v14;
	v17 =	vld [tilespmem:s28+$0xE0]  }
0x78c: {  	v21 =	vld [tilespmem:s15+$0xE0]  }
0x78d: {  	v11 =	vadd.f32 v11, v20;
	v16 =	vmul.f32 v18, v16;
	v18 =	vld [tilespmem:s28+$0xF0];
	v12 =	vadd.f32 v14, v12  }
0x78e: {  	v14 =	vld [tilespmem:s15+$0xF0]  }
0x78f: {  	[tilespmem:s26+$0x0] =	vst v11;
	v11 =	vmul.f32 v15, v19;
	v12 =	vadd.f32 v12, v13;
	v13 =	vld [tilespmem:s28+$0x100]  }
0x790: {  	v15 =	vld [tilespmem:s15+$0x100]  }
0x791: {  	v17 =	vmul.f32 v21, v17;
	v11 =	vadd.f32 v11, v16;
	v16 =	vld [tilespmem:s28+$0x110]  }
0x792: {  	v19 =	vld [tilespmem:s15+$0x110]  }
0x793: {  	v14 =	vmul.f32 v14, v18;
	v18 =	vld [tilespmem:s28+$0x120]  }
0x794: {  	v20 =	vld [tilespmem:s15+$0x120]  }
0x795: {  	v14 =	vadd.f32 v14, v17;
	v13 =	vmul.f32 v15, v13;
	v15 =	vld [tilespmem:s28+$0x130]  }
0x796: {  	v17 =	vld [tilespmem:s15+$0x130]  }
0x797: {  	v11 =	vadd.f32 v14, v11;
	v14 =	vmul.f32 v19, v16;
	v16 =	vld [tilespmem:s28+$0x140]  }
0x798: {  	v19 =	vld [tilespmem:s15+$0x140]  }
0x799: {  	v11 =	vadd.f32 v11, v12;
	v18 =	vmul.f32 v20, v18;
	v20 =	vld [tilespmem:s28+$0x150];
	v21 =	vadd.f32 v14, v13  }
0x79a: {  	v22 =	vld [tilespmem:s15+$0x150]  }
.Ltmp9:
0x79b: {  	v14 =	vperm.xlane v11, v0;
	v15 =	vmul.f32 v17, v15;
	v12 =	vld [tilespmem:s28+$0x160];
	(pc) =	sbr.rel @p0 .LBB2_20-.Ltmp9, $4  }
0x79c: {  	v13 =	vld [tilespmem:s15+$0x160]  }
0x79d: {  	v11 =	vadd.f32 v11, v14;
	v16 =	vmul.f32 v19, v16;
	v14 =	vld [tilespmem:s28+$0x170];
	v19 =	vadd.f32 v15, v18  }
0x79e: {  	v15 =	vld [tilespmem:s15+$0x170]  }
0x79f: {  	v17 =	vld [tilespmem:s28+$0xFFFFFE00];
	[tilespmem:s26+$0x10] =	vst v11;
	v18 =	vmul.f32 v22, v20;
	v11 =	vadd.f32 v19, v21;
	s28 =	sadd.s32 $0x400, s28  }
0x7a0: {  	_ =	sdelay $0x2  }
0x7a1: {  	v12 =	vmul.f32 v13, v12;
	v46 =	vmul.f32 v15, v14  }
0x7a2: {  	v7 =	vmul.f32 v7, v17  }
0x7a3: {  	v47 =	vadd.f32 v18, v16;
	v12 =	vadd.f32 v46, v12  }
0x7a4: {  	v7 =	vadd.f32 v8, v7  }
0x7a5: {  	v8 =	vadd.f32 v12, v47  }
0x7a6: {  	v7 =	vadd.f32 v9, v7  }
0x7a7: {  	v8 =	vadd.f32 v8, v11  }
0x7a8: {  	v7 =	vadd.f32 v10, v7  }
0x7a9: {  	v9 =	vperm.xlane v8, v0  }
0x7aa: {  	v10 =	vperm.xlane v7, v0  }
0x7ab: {  	v8 =	vadd.f32 v8, v9  }
0x7ac: {  	v7 =	vadd.f32 v7, v10  }
0x7ad: {  	[tilespmem:s26+$0x20] =	vst v8  }
0x7ae: {  	[tilespmem:s26+$0xFFFFFFC0] =	vst v7  }
0x7af: {  	v7 =	vld [tilespmem:s25+$0x20]  }
0x7b0: {  	v8 =	vld [tilespmem:s25+$0xFFFFFFA0]  }
0x7b1: {  	v9 =	vld [tilespmem:s25+$0x10]  }
0x7b2: {  	v10 =	vld [tilespmem:s25+$0xFFFFFF90]  }
0x7b3: {  	v11 =	vld [tilespmem:s25+$0x30]  }
0x7b4: {  	v48 =	vld [tilespmem:s25+$0xFFFFFFB0]  }
0x7b5: {  	v49 =	vld [tilespmem:s25+$0x50]  }
0x7b6: {  	v50 =	vld [tilespmem:s25+$0xFFFFFFD0]  }
0x7b7: {  	v51 =	vld [tilespmem:s25+$0x70]  }
0x7b8: {  	v52 =	vld [tilespmem:s25+$0xFFFFFFF0]  }
0x7b9: {  	v53 =	vld [tilespmem:s25+$0x60]  }
0x7ba: {  	v54 =	vld [tilespmem:s25+$0xFFFFFFE0]  }
0x7bb: {  	v55 =	vld [tilespmem:s25+$0xFFFFFF80]  }
0x7bc: {  	v57 =	vld [tilespmem:s25+$0x0];
	_ =	sdelay $0x1  }
0x7bd: {  	v19 =	vld [tilespmem:s25+$0x40];
	v7 =	vsel vm2, v8, v7  }
0x7be: {  	v8 =	vld [tilespmem:s25+$0xFFFFFFC0];
	v9 =	vsel vm2, v10, v9;
	v10 =	vsel vm2, v48, v11;
	v11 =	vsel vm2, v50, v49  }
0x7bf: {  	v15 =	vsel vm2, v52, v51;
	v17 =	vsel vm2, v54, v53;
	v14 =	vperm.xlane v11, v2  }
0x7c0: {  	v12 =	vsel vm2, v55, v57;
	v20 =	vperm.xlane v9, v2;
	v58 =	vperm.xlane v15, v2  }
0x7c1: {  	v56 =	vperm.xlane v10, v2;
	v59 =	vperm.xlane v17, v2;
	v11 =	vadd.f32 v14, v11  }
0x7c2: {  	v60 =	vperm.xlane v7, v2;
	v9 =	vadd.f32 v20, v9;
	v15 =	vadd.f32 v58, v15  }
0x7c3: {  	v13 =	vadd.f32 v59, v17;
	v11 =	vperm.xlane v11, v3;
	v8 =	vsel vm2, v8, v19  }
0x7c4: {  	v10 =	vadd.f32 v56, v10;
	v15 =	vperm.xlane v15, v3;
	v61 =	vperm.xlane v8, v2  }
0x7c5: {  	v7 =	vadd.f32 v60, v7;
	v13 =	vperm.xlane v13, v3;
	v9 =	vsel vm0, v9, v11  }
0x7c6: {  	v11 =	vperm.xlane v12, v2;
	v10 =	vsel vm0, v10, v15;
	v8 =	vadd.f32 v61, v8  }
0x7c7: {  	v7 =	vsel vm0, v7, v13;
	v15 =	vperm.xlane v10, v4  }
0x7c8: {  	v62 =	vperm.xlane v9, v4;
	v11 =	vadd.f32 v11, v12;
	v8 =	vperm.xlane v8, v3  }
0x7c9: {  	v63 =	vperm.xlane v7, v4;
	v10 =	vadd.f32 v15, v10  }
0x7ca: {  	v9 =	vadd.f32 v62, v9;
	v8 =	vsel vm0, v11, v8  }
0x7cb: {  	v7 =	vadd.f32 v63, v7;
	v10 =	vperm.xlane v10, v5;
	v11 =	vperm.xlane v8, v4;
	_ =	sdelay $0x1  }
0x7cc: {  	v7 =	vperm.xlane v7, v5;
	v9 =	vsel vm1, v9, v10;
	v8 =	vadd.f32 v11, v8  }
0x7cd: {  	v10 =	vperm.xlane v9, v6  }
0x7ce: {  	v8 =	vsel vm1, v8, v7  }
0x7cf: {  	v7 =	vadd.f32 v10, v9;
	v9 =	vperm.xlane v8, v6;
	_ =	sdelay $0x1  }
0x7d0: {  	s2 =	simm.s32 $0x40;
	s15 =	simm.s32 $0x0;
	v7 =	vperm.xlane v7, v1;
	v8 =	vadd.f32 v9, v8  }
.LBB2_22:
0x7d1: {  	p0 =	sne.s32 s2, $0x100  }
0x7d2: {  	v7 =	vsel vm3, v8, v7;
	s25 =	sadd.s32 $0x100, s25;
	s8 =	smov.u32 s2;
	s2 =	sadd.s32 $0x40, s2  }
0x7d3: {  	[tilespmem:s15+$0x170C0] =	vst v7  }
0x7d4: {  	v7 =	vld [tilespmem:s25+$0x20]  }
0x7d5: {  	v8 =	vld [tilespmem:s25+$0xFFFFFFA0]  }
0x7d6: {  	v9 =	vld [tilespmem:s25+$0x10]  }
0x7d7: {  	v10 =	vld [tilespmem:s25+$0xFFFFFF90]  }
0x7d8: {  	v11 =	vld [tilespmem:s25+$0x30]  }
0x7d9: {  	v12 =	vld [tilespmem:s25+$0xFFFFFFB0]  }
0x7da: {  	v13 =	vld [tilespmem:s25+$0x50];
	v7 =	vsel vm2, v8, v7  }
0x7db: {  	v8 =	vld [tilespmem:s25+$0xFFFFFFD0];
	v14 =	vperm.xlane v7, v2  }
0x7dc: {  	v15 =	vld [tilespmem:s25+$0x70];
	v9 =	vsel vm2, v10, v9  }
0x7dd: {  	v10 =	vld [tilespmem:s25+$0xFFFFFFF0];
	v7 =	vadd.f32 v14, v7;
	v14 =	vperm.xlane v9, v2  }
0x7de: {  	v16 =	vld [tilespmem:s25+$0x60];
	v11 =	vsel vm2, v12, v11  }
0x7df: {  	v12 =	vld [tilespmem:s25+$0xFFFFFFE0];
	v17 =	vperm.xlane v11, v2  }
0x7e0: {  	v18 =	vld [tilespmem:s25+$0x40];
	v8 =	vsel vm2, v8, v13  }
0x7e1: {  	v13 =	vld [tilespmem:s25+$0xFFFFFFC0];
	v19 =	vperm.xlane v8, v2;
	v11 =	vadd.f32 v17, v11  }
0x7e2: {  	v17 =	vld [tilespmem:s25+$0xFFFFFF80];
	v10 =	vsel vm2, v10, v15  }
0x7e3: {  	v15 =	vld [tilespmem:s25+$0x0];
	v8 =	vadd.f32 v19, v8;
	v19 =	vperm.xlane v10, v2  }
0x7e4: {  	v9 =	vadd.f32 v14, v9;
	v12 =	vsel vm2, v12, v16  }
0x7e5: {  	v14 =	vperm.xlane v12, v2;
	v10 =	vadd.f32 v19, v10;
	v8 =	vperm.xlane v8, v3  }
0x7e6: {  	v13 =	vsel vm2, v13, v18  }
0x7e7: {  	v12 =	vadd.f32 v14, v12;
	v8 =	vsel vm0, v9, v8;
	v9 =	vperm.xlane v10, v3  }
0x7e8: {  	v14 =	vperm.xlane v13, v2;
	v10 =	vsel vm2, v17, v15;
	v15 =	vperm.xlane v8, v4  }
0x7e9: {  	v16 =	vperm.xlane v10, v2;
	v12 =	vperm.xlane v12, v3;
	v9 =	vsel vm0, v11, v9  }
0x7ea: {  	v11 =	vadd.f32 v14, v13;
	v8 =	vadd.f32 v15, v8;
	v13 =	vperm.xlane v9, v4  }
0x7eb: {  	v10 =	vadd.f32 v16, v10;
	v7 =	vsel vm0, v7, v12  }
0x7ec: {  	v11 =	vperm.xlane v11, v3;
	v12 =	vperm.xlane v7, v4;
	v9 =	vadd.f32 v13, v9;
	_ =	sdelay $0x1  }
0x7ed: {  	v10 =	vsel vm0, v10, v11;
	v7 =	vadd.f32 v12, v7;
	v9 =	vperm.xlane v9, v5  }
0x7ee: {  	v11 =	vperm.xlane v10, v4  }
0x7ef: {  	v7 =	vperm.xlane v7, v5;
	v8 =	vsel vm1, v8, v9  }
0x7f0: {  	v9 =	vadd.f32 v11, v10;
	v10 =	vperm.xlane v8, v6;
	_ =	sdelay $0x1  }
.Ltmp10:
0x7f1: {  	v9 =	vsel vm1, v9, v7;
	v7 =	vadd.f32 v10, v8;
	(pc) =	sbr.rel @p0 .LBB2_22-.Ltmp10, $4  }
0x7f2: {  	v8 =	vperm.xlane v9, v6  }
0x7f3: {  	v7 =	vperm.xlane v7, v1  }
0x7f4: {  	v8 =	vadd.f32 v8, v9  }
0x7f5: {  	s15 =	sshra.s32 s8, $0x2  }
0x7f6: {  	s13 =	sadd.s32 $0x1, s13  }
0x7f7: {  	v7 =	vsel vm3, v8, v7;
	p0 =	sne.s32 s13, s7  }
.Ltmp11:
0x7f8: {  	s2 =	simm.s32 $0x14A00;
	[tilespmem:s15+$0x170C0] =	vst v7;
	(pc) =	sbr.rel @p0 .LBB2_1-.Ltmp11, $4  }
0x7f9: {  	[hbm4b:s6+s3] =	stream.linear.scatter [tilespmem:s2], [sflag:$0x5], $0x2710, $0x38;
	[tilespmem:$0x1C080] =	vst v63  }
0x7fa: {  	_ =	swait.ge [sflag:s0], $0x2710  }
0x7fb: {  	[sflag:s0] =	ssyncset.done $0x0  }
0x7fc: {  	[sflag:s0] =	ssyncadd.s32 $0xFFFFD8F0  }
0x7fd: {  	_ =	sfence.sel $0x180000  }
0x7fe: {  	[bflag:$0x0] =	sbarrier.arrive $0xFFFF  }
0x7ff: {  	_ =	strace $0x90000047  }
0x800: {  	s0 =	stileid.u32;
	[bflag:$0x2] =	sbarrier.arrive $0xFFFF  }
0x801: {  	p0 =	sne.s32 s0, $0x0;
	s0 =	rddreg [dreg:$0x3]  }
0x802: {  	s0 =	sadd.s32 @!p0 $0x100000, s0  }
0x803: {  	[sflag:s0] =	ssyncadd.tile.s32 @!p0 $0x1;
	_ =	shalt  }
.Lfunc_end2:
_tile_overlayer_lowered:
.L_overlay_start_2:
0x804: {  	(tag) =	ssettag $0x2  }
0x805: {  	s0 =	rddreg [dreg:$0x0];
	s2 =	stileid.u32  }
0x806: {  	s1 =	rddreg [dreg:$0x1];
	p0 =	sne.s32 s2, $0x0  }
0x807: {  	s3 =	rddreg [dreg:$0x2];
	[bflag:$0x3] =	sbarrier.arrive $0xFFFF;
	s2 =	simm.s32 @!p0 $0x1C06  }
0x808: {  	[timem:s3], [sflag:s2] =	dma.local @!p0 [hbm:s0], s1  }
0x809: {  	s0 =	simm.s32 @!p0 $0x6  }
0x80a: {  	_ =	swait.ge @!p0 [sflag:s0], s1  }
0x80b: {  	s1 =	ssub.s32 @!p0 $0x0, s1;
	[sflag:s0] =	ssyncset.done @!p0 $0x0  }
0x80c: {  	[sflag:s0] =	ssyncadd.s32 @!p0 s1  }
0x80d: {  	[bflag:$0x3] =	sbarrier.arrive $0xFFFF  }
0x80e: {  	_ =	shalt  }

</sc_bundles>
